<compile_context>
chip_gen: v7x
topology: tpu7x:2x2x1
jax: 0.10.2.dev20260603
libtpu: 0.0.44.dev20260713+nightly
codegen_flags: <defaults>
</compile_context>

<pallas_src>
import functools

import jax
import jax.numpy as jnp
from jax import lax
from jax.experimental import pallas as pl
from jax.experimental.pallas import tpu as pltpu
from jax.experimental.pallas import tpu_sc as plsc

NC, NS = 2, 16
NW = NC * NS
CH = 80
HQ = 8
CS = 125
WIN = 16
B = 1024


def _hist_call(NP, E):
    EPW = E // NW
    NCH = EPW // CH
    mesh = plsc.VectorSubcoreMesh(core_axis_name="c", subcore_axis_name="s")

    ZB = NP // NS

    @functools.partial(
        pl.kernel,
        out_type=jax.ShapeDtypeStruct((NC, NP), jnp.float32),
        mesh=mesh,
        scratch_types=[
            pltpu.VMEM((NCH, CH), jnp.int32),
            pltpu.VMEM((CH,), jnp.float32),
            pltpu.VMEM((ZB,), jnp.float32),
            pltpu.VMEM_SHARED((NP,), jnp.float32),
            pltpu.SemaphoreType.DMA,
        ],
    )
    def hist(dst3, out, idx_v, ones_v, zb, hist_sh, sem):
        cid = lax.axis_index("c")
        sid = lax.axis_index("s")
        wid = sid * NC + cid
        pltpu.sync_copy(dst3.at[wid], idx_v)
        for k in range(CH // 16):
            ones_v[pl.ds(k * 16, 16)] = jnp.ones((16,), jnp.float32)
        for k in range(ZB // 16):
            zb[pl.ds(k * 16, 16)] = jnp.zeros((16,), jnp.float32)
        pltpu.sync_copy(zb, hist_sh.at[pl.ds(sid * ZB, ZB)])
        plsc.subcore_barrier()

        def fire(j):
            pltpu.async_copy(ones_v, hist_sh.at[idx_v.at[j]], sem, add=True)

        def drain():
            pltpu.make_async_copy(ones_v, hist_sh.at[idx_v.at[0]], sem).wait()

        for j in range(HQ):
            fire(j)

        def body(j, carry):
            drain()
            fire(j + HQ)
            return carry

        lax.fori_loop(0, NCH - HQ, body, 0)
        for _ in range(HQ):
            drain()
        plsc.subcore_barrier()

        @pl.when(sid == 0)
        def _():
            pltpu.sync_copy(hist_sh, out.at[cid])

    return hist


def _scatter_call(N, E, D):
    EPW = E // NW
    NCH = EPW // CS
    NWIN = NCH // WIN
    RPT = 632
    RLAST = N - (NS - 1) * RPT
    mesh = plsc.VectorSubcoreMesh(core_axis_name="c", subcore_axis_name="s")

    @functools.partial(
        pl.kernel,
        out_type=[
            jax.ShapeDtypeStruct((N, D), jnp.float32),
            jax.ShapeDtypeStruct((N, D), jnp.float32),
        ],
        mesh=mesh,
        scratch_types=[
            pltpu.VMEM((WIN, CS), jnp.int32),
            pltpu.VMEM((WIN, CS), jnp.int32),
            pltpu.VMEM((WIN, CS), jnp.int32),
            pltpu.VMEM((WIN, CS), jnp.int32),
            pltpu.VMEM((2, CS, D), jnp.float32),
            pltpu.VMEM_SHARED((N, D), jnp.float32),
            pltpu.SemaphoreType.DMA,
            pltpu.SemaphoreType.DMA,
            pltpu.SemaphoreType.DMA,
            pltpu.SemaphoreType.DMA,
        ],
    )
    def scat(y, src4, dst4, out0, out1,
             iws0, iws1, iwd0, iwd1, rows, acc, g0, g1, i0, i1):
        cid = lax.axis_index("c")
        sid = lax.axis_index("s")
        wid = sid * NC + cid
        wbase = wid * NWIN
        r0 = pl.multiple_of(sid * RPT, 8)

        wbuf = ((iws0, iwd0), (iws1, iwd1))
        isem = (i0, i1)
        gsem = (g0, g1)

        def start_window(w, p):
            pltpu.async_copy(src4.at[wbase + w], wbuf[p][0], isem[p])
            pltpu.async_copy(dst4.at[wbase + w], wbuf[p][1], isem[p])

        def wait_window(p):
            pltpu.make_async_copy(src4.at[0], wbuf[p][0], isem[p]).wait()
            pltpu.make_async_copy(src4.at[0], wbuf[p][1], isem[p]).wait()

        def start_gather(idx_row, buf):
            pltpu.async_copy(y.at[idx_row], rows.at[buf], gsem[buf])

        def wait_gather(buf):
            pltpu.make_async_copy(y.at[iws0.at[0]], rows.at[buf], gsem[buf]).wait()

        def scatter(idx_row, buf):
            pltpu.sync_copy(rows.at[buf], acc.at[idx_row], add=True)

        start_window(0, 0)
        start_window(1, 1)
        wait_window(0)
        start_gather(iws0.at[0], 0)
        start_gather(iws0.at[1], 1)

        @pl.when(sid < NS - 1)
        def _():
            pltpu.sync_copy(y.at[pl.ds(r0, RPT)], acc.at[pl.ds(r0, RPT)])

        @pl.when(sid == NS - 1)
        def _():
            pltpu.sync_copy(y.at[pl.ds(r0, RLAST)], acc.at[pl.ds(r0, RLAST)])

        plsc.subcore_barrier()

        for w in range(NWIN):
            p = w % 2
            iws, iwd = wbuf[p]

            def pair(k2, carry, iws=iws, iwd=iwd):
                k = 2 * k2
                wait_gather(0)
                scatter(iwd.at[k], 0)
                start_gather(iws.at[k + 2], 0)
                wait_gather(1)
                scatter(iwd.at[k + 1], 1)
                start_gather(iws.at[k + 3], 1)
                return carry

            lax.fori_loop(0, (WIN - 2) // 2, pair, 0)
            wait_gather(0)
            scatter(iwd.at[WIN - 2], 0)
            if w + 1 < NWIN:
                wait_window(1 - p)
                start_gather(wbuf[1 - p][0].at[0], 0)
            wait_gather(1)
            scatter(iwd.at[WIN - 1], 1)
            if w + 1 < NWIN:
                start_gather(wbuf[1 - p][0].at[1], 1)
                if w + 2 < NWIN:
                    start_window(w + 2, p)

        plsc.subcore_barrier()

        def copy_out(dst_ref):
            @pl.when(sid < NS - 1)
            def _():
                pltpu.sync_copy(acc.at[pl.ds(r0, RPT)], dst_ref.at[pl.ds(r0, RPT)])

            @pl.when(sid == NS - 1)
            def _():
                pltpu.sync_copy(acc.at[pl.ds(r0, RLAST)], dst_ref.at[pl.ds(r0, RLAST)])

        @pl.when(cid == 0)
        def _():
            copy_out(out0)

        @pl.when(cid == 1)
        def _():
            copy_out(out1)

    return scat


def _prep_call(N, NP, D):
    def body(hist_ref, x_ref, w_ref, y_ref):
        i = pl.program_id(0)
        off = pl.multiple_of(i * B, 128)
        h = hist_ref[0, pl.ds(off, B)] + hist_ref[1, pl.ds(off, B)]
        dis = lax.rsqrt(1.0 + h)
        xw = jnp.dot(x_ref[...], w_ref[...], preferred_element_type=jnp.float32)
        y_ref[...] = xw * dis[:, None]

    return pl.pallas_call(
        body,
        grid=(pl.cdiv(N, B),),
        in_specs=[
            pl.BlockSpec((NC, NP), lambda i: (0, 0)),
            pl.BlockSpec((B, D), lambda i: (i, 0)),
            pl.BlockSpec((D, D), lambda i: (0, 0)),
        ],
        out_specs=pl.BlockSpec((B, D), lambda i: (i, 0)),
        out_shape=jax.ShapeDtypeStruct((N, D), jnp.float32),
    )


def _final_call(N, NP, D):
    def body(hist_ref, a0_ref, a1_ref, y_ref, b_ref, o_ref):
        i = pl.program_id(0)
        off = pl.multiple_of(i * B, 128)
        h = hist_ref[0, pl.ds(off, B)] + hist_ref[1, pl.ds(off, B)]
        dis = lax.rsqrt(1.0 + h)
        s = a0_ref[...] + a1_ref[...] - y_ref[...]
        o_ref[...] = jnp.maximum(s * dis[:, None] + b_ref[...], 0.0)

    return pl.pallas_call(
        body,
        grid=(pl.cdiv(N, B),),
        in_specs=[
            pl.BlockSpec((NC, NP), lambda i: (0, 0)),
            pl.BlockSpec((B, D), lambda i: (i, 0)),
            pl.BlockSpec((B, D), lambda i: (i, 0)),
            pl.BlockSpec((B, D), lambda i: (i, 0)),
            pl.BlockSpec((1, D), lambda i: (0, 0)),
        ],
        out_specs=pl.BlockSpec((B, D), lambda i: (i, 0)),
        out_shape=jax.ShapeDtypeStruct((N, D), jnp.float32),
    )


def kernel(x, edge_index, W, b):
    N, D = x.shape
    E = edge_index.shape[1]
    NP = 10240
    ei = edge_index.astype(jnp.int32)
    src3 = ei[0].reshape(-1, WIN, CS)
    dst3s = ei[1].reshape(-1, WIN, CS)
    dst3h = ei[1].reshape(NW, -1, CH)

    hist = _hist_call(NP, E)(dst3h)
    y = _prep_call(N, NP, D)(hist, x, W)
    acc0, acc1 = _scatter_call(N, E, D)(y, src3, dst3s)
    out = _final_call(N, NP, D)(hist, acc0, acc1, y, b.reshape(1, D))
    return out

# --- scband reference (transcript-rebuilt; emitter-appended) ---
"""Pipeline reference for scband-py-gconv-82867099009233 (READ-ONLY COPY).

The authoritative reference and input builder live on the scoring server;
editing this copy changes nothing except your own understanding.
"""

import jax, jax.numpy as jnp
import numpy as np

N_NODES = 10000
N_EDGES = 320000
D_IN = 128
D_OUT = 128


def setup_inputs(seed: int = 0) -> dict:
    key = jax.random.key(seed)
    k1, k2, k3, k4 = jax.random.split(key, 4)
    x = jax.random.normal(k1, (N_NODES, D_IN), dtype=jnp.float32)
    edge_index = jax.random.randint(k2, (2, N_EDGES), 0, N_NODES, dtype=jnp.int64)
    # GCNConv linear weight (glorot) and bias (zeros), stored as [in, out]
    limit = float(np.sqrt(6.0 / (D_IN + D_OUT)))
    W = jax.random.uniform(k3, (D_IN, D_OUT), dtype=jnp.float32, minval=-limit, maxval=limit)
    b = jnp.zeros((D_OUT,), dtype=jnp.float32)
    return {"x": x, "edge_index": edge_index, "W": W, "b": b}


def reference(x, edge_index, W, b):
    # pyGConv with conv=GCNConv, act=relu, dropout=Identity (p=0)
    N = x.shape[0]
    src = edge_index[0]
    dst = edge_index[1]
    # add self loops (PyG GCNConv default add_self_loops=True)
    loop = jnp.arange(N, dtype=edge_index.dtype)
    src = jnp.concatenate([src, loop])
    dst = jnp.concatenate([dst, loop])
    # linear transform
    xw = x @ W
    # symmetric gcn normalization: deg computed at target (col)
    ones = jnp.ones(dst.shape[0], dtype=x.dtype)
    deg = jax.ops.segment_sum(ones, dst, num_segments=N)
    deg_inv_sqrt = jnp.where(deg > 0, deg ** -0.5, 0.0)
    norm = deg_inv_sqrt[src] * deg_inv_sqrt[dst]
    # message passing: gather from src, scale, scatter-add at dst
    msgs = xw[src] * norm[:, None]
    out = jax.ops.segment_sum(msgs, dst, num_segments=N)
    out = out + b
    return jax.nn.relu(out)

if __name__ == "__main__":
    import jax
    _d = setup_inputs()
    print(jax.jit(kernel)(*tuple(_d.values())))

</pallas_src>

<mosaic_0001>
#map = affine_map<(d0, d1) -> (0, 0, 0)>
#map1 = affine_map<(d0, d1) -> (0, 0)>
module attributes {stable_mosaic.version = 14 : i64} {
  func.func @hist(%arg0: i32, %arg1: i32, %arg2: memref<32x125x80xi32, #tpu.memory_space<hbm>>, %arg3: memref<2x10240xf32, #tpu.memory_space<hbm>>, %arg4: memref<125x80xi32, #tpu.memory_space<vmem>>, %arg5: memref<80xf32, #tpu.memory_space<vmem>>, %arg6: memref<640xf32, #tpu.memory_space<vmem>>, %arg7: memref<10240xf32, #tpu.memory_space<vmem_shared>>, %arg8: memref<!tpu.dma_semaphore, #tpu.memory_space<semaphore_mem>>) attributes {dimension_semantics = [#tpu.dimension_semantics<core_parallel>, #tpu.dimension_semantics<subcore_parallel>], iteration_bounds = array<i64: 2, 16>, scalar_prefetch = 0 : i64, scratch_operands = 5 : i64, tpu.core_type = #tpu.core_type<sc_vector_subcore>, window_params = [{transform_indices = #map}, {transform_indices = #map1}]} {
    %mul3A = arith.constant 2 : i32
    %mul3A_0 = arith.muli %arg1, %mul3A : i32
    %add3A = arith.addi %mul3A_0, %arg0 : i32
    "tpu.region"() ({
      %run_scoped3A = tpu.sem_alloc : memref<!tpu.dma_semaphore, #tpu.memory_space<semaphore_mem>>
      %dma_start3A_373 = arith.constant 0 : i32
      %dma_start3A_374 = arith.constant 0 : i32
      %dma_start3A_375 = tpu.memref_slice %arg2[%add3A, %dma_start3A_373, %dma_start3A_374] : memref<32x125x80xi32, #tpu.memory_space<hbm>> -> memref<1x125x80xi32, #tpu.memory_space<hbm>>
      %dma_start3A_376 = tpu.memref_squeeze %dma_start3A_375 : memref<1x125x80xi32, #tpu.memory_space<hbm>> -> memref<125x80xi32, #tpu.memory_space<hbm>>
      %dma_start3A_377 = arith.constant 0 : i32
      %dma_start3A_378 = arith.constant 0 : i32
      %dma_start3A_379 = tpu.memref_slice %arg2[%add3A, %dma_start3A_377, %dma_start3A_378] : memref<32x125x80xi32, #tpu.memory_space<hbm>> -> memref<1x125x80xi32, #tpu.memory_space<hbm>>
      %dma_start3A_380 = tpu.memref_squeeze %dma_start3A_379 : memref<1x125x80xi32, #tpu.memory_space<hbm>> -> memref<125x80xi32, #tpu.memory_space<hbm>>
      tpu.enqueue_dma source(%dma_start3A_380 : memref<125x80xi32, #tpu.memory_space<hbm>>) target(%arg4 : memref<125x80xi32, #tpu.memory_space<vmem>>) target_semaphore(%run_scoped3A : memref<!tpu.dma_semaphore, #tpu.memory_space<semaphore_mem>>)
      %dma_wait3A_381 = arith.constant 0 : i32
      %dma_wait3A_382 = arith.constant 0 : i32
      %dma_wait3A_383 = tpu.memref_slice %arg2[%add3A, %dma_wait3A_381, %dma_wait3A_382] : memref<32x125x80xi32, #tpu.memory_space<hbm>> -> memref<1x125x80xi32, #tpu.memory_space<hbm>>
      %dma_wait3A_384 = tpu.memref_squeeze %dma_wait3A_383 : memref<1x125x80xi32, #tpu.memory_space<hbm>> -> memref<125x80xi32, #tpu.memory_space<hbm>>
      %dma_wait3A_385 = arith.constant 0 : i32
      %dma_wait3A_386 = arith.constant 0 : i32
      %dma_wait3A_387 = tpu.memref_slice %arg2[%add3A, %dma_wait3A_385, %dma_wait3A_386] : memref<32x125x80xi32, #tpu.memory_space<hbm>> -> memref<1x125x80xi32, #tpu.memory_space<hbm>>
      %dma_wait3A_388 = tpu.memref_squeeze %dma_wait3A_387 : memref<1x125x80xi32, #tpu.memory_space<hbm>> -> memref<125x80xi32, #tpu.memory_space<hbm>>
      tpu.wait_dma2 semaphore(%run_scoped3A : memref<!tpu.dma_semaphore, #tpu.memory_space<semaphore_mem>>) src(%dma_wait3A_388 : memref<125x80xi32, #tpu.memory_space<hbm>>) dst(%arg4 : memref<125x80xi32, #tpu.memory_space<vmem>>)
      tpu.yield
    }) : () -> ()
    %broadcast_in_dim3A = arith.constant 1.000000e+00 : f32
    %broadcast_in_dim3A_1 = vector.broadcast %broadcast_in_dim3A : f32 to vector<16xf32>
    %swap3A = arith.constant 0 : index
    %swap3A_2 = tpu.vector_load %arg5[%swap3A] {strides = array<i32>} : memref<80xf32, #tpu.memory_space<vmem>>, vector<16xf32>,
    %swap3A_3 = vector.shape_cast %swap3A_2 : vector<16xf32> to vector<16xf32>
    %swap3A_4 = vector.shape_cast %broadcast_in_dim3A_1 : vector<16xf32> to vector<16xf32>
    tpu.vector_store %arg5[%swap3A], %swap3A_4 {strides = array<i32>} : memref<80xf32, #tpu.memory_space<vmem>>, vector<16xf32>,
    %broadcast_in_dim3A_5 = arith.constant 1.000000e+00 : f32
    %broadcast_in_dim3A_6 = vector.broadcast %broadcast_in_dim3A_5 : f32 to vector<16xf32>
    %swap3A_7 = arith.constant 16 : index
    %swap3A_8 = tpu.vector_load %arg5[%swap3A_7] {strides = array<i32>} : memref<80xf32, #tpu.memory_space<vmem>>, vector<16xf32>,
    %swap3A_9 = vector.shape_cast %swap3A_8 : vector<16xf32> to vector<16xf32>
    %swap3A_10 = vector.shape_cast %broadcast_in_dim3A_6 : vector<16xf32> to vector<16xf32>
    tpu.vector_store %arg5[%swap3A_7], %swap3A_10 {strides = array<i32>} : memref<80xf32, #tpu.memory_space<vmem>>, vector<16xf32>,
    %broadcast_in_dim3A_11 = arith.constant 1.000000e+00 : f32
    %broadcast_in_dim3A_12 = vector.broadcast %broadcast_in_dim3A_11 : f32 to vector<16xf32>
    %swap3A_13 = arith.constant 32 : index
    %swap3A_14 = tpu.vector_load %arg5[%swap3A_13] {strides = array<i32>} : memref<80xf32, #tpu.memory_space<vmem>>, vector<16xf32>,
    %swap3A_15 = vector.shape_cast %swap3A_14 : vector<16xf32> to vector<16xf32>
    %swap3A_16 = vector.shape_cast %broadcast_in_dim3A_12 : vector<16xf32> to vector<16xf32>
    tpu.vector_store %arg5[%swap3A_13], %swap3A_16 {strides = array<i32>} : memref<80xf32, #tpu.memory_space<vmem>>, vector<16xf32>,
    %broadcast_in_dim3A_17 = arith.constant 1.000000e+00 : f32
    %broadcast_in_dim3A_18 = vector.broadcast %broadcast_in_dim3A_17 : f32 to vector<16xf32>
    %swap3A_19 = arith.constant 48 : index
    %swap3A_20 = tpu.vector_load %arg5[%swap3A_19] {strides = array<i32>} : memref<80xf32, #tpu.memory_space<vmem>>, vector<16xf32>,
    %swap3A_21 = vector.shape_cast %swap3A_20 : vector<16xf32> to vector<16xf32>
    %swap3A_22 = vector.shape_cast %broadcast_in_dim3A_18 : vector<16xf32> to vector<16xf32>
    tpu.vector_store %arg5[%swap3A_19], %swap3A_22 {strides = array<i32>} : memref<80xf32, #tpu.memory_space<vmem>>, vector<16xf32>,
    %broadcast_in_dim3A_23 = arith.constant 1.000000e+00 : f32
    %broadcast_in_dim3A_24 = vector.broadcast %broadcast_in_dim3A_23 : f32 to vector<16xf32>
    %swap3A_25 = arith.constant 64 : index
    %swap3A_26 = tpu.vector_load %arg5[%swap3A_25] {strides = array<i32>} : memref<80xf32, #tpu.memory_space<vmem>>, vector<16xf32>,
    %swap3A_27 = vector.shape_cast %swap3A_26 : vector<16xf32> to vector<16xf32>
    %swap3A_28 = vector.shape_cast %broadcast_in_dim3A_24 : vector<16xf32> to vector<16xf32>
    tpu.vector_store %arg5[%swap3A_25], %swap3A_28 {strides = array<i32>} : memref<80xf32, #tpu.memory_space<vmem>>, vector<16xf32>,
    %broadcast_in_dim3A_29 = arith.constant 0.000000e+00 : f32
    %broadcast_in_dim3A_30 = vector.broadcast %broadcast_in_dim3A_29 : f32 to vector<16xf32>
    %swap3A_31 = arith.constant 0 : index
    %swap3A_32 = tpu.vector_load %arg6[%swap3A_31] {strides = array<i32>} : memref<640xf32, #tpu.memory_space<vmem>>, vector<16xf32>,
    %swap3A_33 = vector.shape_cast %swap3A_32 : vector<16xf32> to vector<16xf32>
    %swap3A_34 = vector.shape_cast %broadcast_in_dim3A_30 : vector<16xf32> to vector<16xf32>
    tpu.vector_store %arg6[%swap3A_31], %swap3A_34 {strides = array<i32>} : memref<640xf32, #tpu.memory_space<vmem>>, vector<16xf32>,
    %broadcast_in_dim3A_35 = arith.constant 0.000000e+00 : f32
    %broadcast_in_dim3A_36 = vector.broadcast %broadcast_in_dim3A_35 : f32 to vector<16xf32>
    %swap3A_37 = arith.constant 16 : index
    %swap3A_38 = tpu.vector_load %arg6[%swap3A_37] {strides = array<i32>} : memref<640xf32, #tpu.memory_space<vmem>>, vector<16xf32>,
    %swap3A_39 = vector.shape_cast %swap3A_38 : vector<16xf32> to vector<16xf32>
    %swap3A_40 = vector.shape_cast %broadcast_in_dim3A_36 : vector<16xf32> to vector<16xf32>
    tpu.vector_store %arg6[%swap3A_37], %swap3A_40 {strides = array<i32>} : memref<640xf32, #tpu.memory_space<vmem>>, vector<16xf32>,
    %broadcast_in_dim3A_41 = arith.constant 0.000000e+00 : f32
    %broadcast_in_dim3A_42 = vector.broadcast %broadcast_in_dim3A_41 : f32 to vector<16xf32>
    %swap3A_43 = arith.constant 32 : index
    %swap3A_44 = tpu.vector_load %arg6[%swap3A_43] {strides = array<i32>} : memref<640xf32, #tpu.memory_space<vmem>>, vector<16xf32>,
    %swap3A_45 = vector.shape_cast %swap3A_44 : vector<16xf32> to vector<16xf32>
    %swap3A_46 = vector.shape_cast %broadcast_in_dim3A_42 : vector<16xf32> to vector<16xf32>
    tpu.vector_store %arg6[%swap3A_43], %swap3A_46 {strides = array<i32>} : memref<640xf32, #tpu.memory_space<vmem>>, vector<16xf32>,
    %broadcast_in_dim3A_47 = arith.constant 0.000000e+00 : f32
    %broadcast_in_dim3A_48 = vector.broadcast %broadcast_in_dim3A_47 : f32 to vector<16xf32>
    %swap3A_49 = arith.constant 48 : index
    %swap3A_50 = tpu.vector_load %arg6[%swap3A_49] {strides = array<i32>} : memref<640xf32, #tpu.memory_space<vmem>>, vector<16xf32>,
    %swap3A_51 = vector.shape_cast %swap3A_50 : vector<16xf32> to vector<16xf32>
    %swap3A_52 = vector.shape_cast %broadcast_in_dim3A_48 : vector<16xf32> to vector<16xf32>
    tpu.vector_store %arg6[%swap3A_49], %swap3A_52 {strides = array<i32>} : memref<640xf32, #tpu.memory_space<vmem>>, vector<16xf32>,
    %broadcast_in_dim3A_53 = arith.constant 0.000000e+00 : f32
    %broadcast_in_dim3A_54 = vector.broadcast %broadcast_in_dim3A_53 : f32 to vector<16xf32>
    %swap3A_55 = arith.constant 64 : index
    %swap3A_56 = tpu.vector_load %arg6[%swap3A_55] {strides = array<i32>} : memref<640xf32, #tpu.memory_space<vmem>>, vector<16xf32>,
    %swap3A_57 = vector.shape_cast %swap3A_56 : vector<16xf32> to vector<16xf32>
    %swap3A_58 = vector.shape_cast %broadcast_in_dim3A_54 : vector<16xf32> to vector<16xf32>
    tpu.vector_store %arg6[%swap3A_55], %swap3A_58 {strides = array<i32>} : memref<640xf32, #tpu.memory_space<vmem>>, vector<16xf32>,
    %broadcast_in_dim3A_59 = arith.constant 0.000000e+00 : f32
    %broadcast_in_dim3A_60 = vector.broadcast %broadcast_in_dim3A_59 : f32 to vector<16xf32>
    %swap3A_61 = arith.constant 80 : index
    %swap3A_62 = tpu.vector_load %arg6[%swap3A_61] {strides = array<i32>} : memref<640xf32, #tpu.memory_space<vmem>>, vector<16xf32>,
    %swap3A_63 = vector.shape_cast %swap3A_62 : vector<16xf32> to vector<16xf32>
    %swap3A_64 = vector.shape_cast %broadcast_in_dim3A_60 : vector<16xf32> to vector<16xf32>
    tpu.vector_store %arg6[%swap3A_61], %swap3A_64 {strides = array<i32>} : memref<640xf32, #tpu.memory_space<vmem>>, vector<16xf32>,
    %broadcast_in_dim3A_65 = arith.constant 0.000000e+00 : f32
    %broadcast_in_dim3A_66 = vector.broadcast %broadcast_in_dim3A_65 : f32 to vector<16xf32>
    %swap3A_67 = arith.constant 96 : index
    %swap3A_68 = tpu.vector_load %arg6[%swap3A_67] {strides = array<i32>} : memref<640xf32, #tpu.memory_space<vmem>>, vector<16xf32>,
    %swap3A_69 = vector.shape_cast %swap3A_68 : vector<16xf32> to vector<16xf32>
    %swap3A_70 = vector.shape_cast %broadcast_in_dim3A_66 : vector<16xf32> to vector<16xf32>
    tpu.vector_store %arg6[%swap3A_67], %swap3A_70 {strides = array<i32>} : memref<640xf32, #tpu.memory_space<vmem>>, vector<16xf32>,
    %broadcast_in_dim3A_71 = arith.constant 0.000000e+00 : f32
    %broadcast_in_dim3A_72 = vector.broadcast %broadcast_in_dim3A_71 : f32 to vector<16xf32>
    %swap3A_73 = arith.constant 112 : index
    %swap3A_74 = tpu.vector_load %arg6[%swap3A_73] {strides = array<i32>} : memref<640xf32, #tpu.memory_space<vmem>>, vector<16xf32>,
    %swap3A_75 = vector.shape_cast %swap3A_74 : vector<16xf32> to vector<16xf32>
    %swap3A_76 = vector.shape_cast %broadcast_in_dim3A_72 : vector<16xf32> to vector<16xf32>
    tpu.vector_store %arg6[%swap3A_73], %swap3A_76 {strides = array<i32>} : memref<640xf32, #tpu.memory_space<vmem>>, vector<16xf32>,
    %broadcast_in_dim3A_77 = arith.constant 0.000000e+00 : f32
    %broadcast_in_dim3A_78 = vector.broadcast %broadcast_in_dim3A_77 : f32 to vector<16xf32>
    %swap3A_79 = arith.constant 128 : index
    %swap3A_80 = tpu.vector_load %arg6[%swap3A_79] {strides = array<i32>} : memref<640xf32, #tpu.memory_space<vmem>>, vector<16xf32>,
    %swap3A_81 = vector.shape_cast %swap3A_80 : vector<16xf32> to vector<16xf32>
    %swap3A_82 = vector.shape_cast %broadcast_in_dim3A_78 : vector<16xf32> to vector<16xf32>
    tpu.vector_store %arg6[%swap3A_79], %swap3A_82 {strides = array<i32>} : memref<640xf32, #tpu.memory_space<vmem>>, vector<16xf32>,
    %broadcast_in_dim3A_83 = arith.constant 0.000000e+00 : f32
    %broadcast_in_dim3A_84 = vector.broadcast %broadcast_in_dim3A_83 : f32 to vector<16xf32>
    %swap3A_85 = arith.constant 144 : index
    %swap3A_86 = tpu.vector_load %arg6[%swap3A_85] {strides = array<i32>} : memref<640xf32, #tpu.memory_space<vmem>>, vector<16xf32>,
    %swap3A_87 = vector.shape_cast %swap3A_86 : vector<16xf32> to vector<16xf32>
    %swap3A_88 = vector.shape_cast %broadcast_in_dim3A_84 : vector<16xf32> to vector<16xf32>
    tpu.vector_store %arg6[%swap3A_85], %swap3A_88 {strides = array<i32>} : memref<640xf32, #tpu.memory_space<vmem>>, vector<16xf32>,
    %broadcast_in_dim3A_89 = arith.constant 0.000000e+00 : f32
    %broadcast_in_dim3A_90 = vector.broadcast %broadcast_in_dim3A_89 : f32 to vector<16xf32>
    %swap3A_91 = arith.constant 160 : index
    %swap3A_92 = tpu.vector_load %arg6[%swap3A_91] {strides = array<i32>} : memref<640xf32, #tpu.memory_space<vmem>>, vector<16xf32>,
    %swap3A_93 = vector.shape_cast %swap3A_92 : vector<16xf32> to vector<16xf32>
    %swap3A_94 = vector.shape_cast %broadcast_in_dim3A_90 : vector<16xf32> to vector<16xf32>
    tpu.vector_store %arg6[%swap3A_91], %swap3A_94 {strides = array<i32>} : memref<640xf32, #tpu.memory_space<vmem>>, vector<16xf32>,
    %broadcast_in_dim3A_95 = arith.constant 0.000000e+00 : f32
    %broadcast_in_dim3A_96 = vector.broadcast %broadcast_in_dim3A_95 : f32 to vector<16xf32>
    %swap3A_97 = arith.constant 176 : index
    %swap3A_98 = tpu.vector_load %arg6[%swap3A_97] {strides = array<i32>} : memref<640xf32, #tpu.memory_space<vmem>>, vector<16xf32>,
    %swap3A_99 = vector.shape_cast %swap3A_98 : vector<16xf32> to vector<16xf32>
    %swap3A_100 = vector.shape_cast %broadcast_in_dim3A_96 : vector<16xf32> to vector<16xf32>
    tpu.vector_store %arg6[%swap3A_97], %swap3A_100 {strides = array<i32>} : memref<640xf32, #tpu.memory_space<vmem>>, vector<16xf32>,
    %broadcast_in_dim3A_101 = arith.constant 0.000000e+00 : f32
    %broadcast_in_dim3A_102 = vector.broadcast %broadcast_in_dim3A_101 : f32 to vector<16xf32>
    %swap3A_103 = arith.constant 192 : index
    %swap3A_104 = tpu.vector_load %arg6[%swap3A_103] {strides = array<i32>} : memref<640xf32, #tpu.memory_space<vmem>>, vector<16xf32>,
    %swap3A_105 = vector.shape_cast %swap3A_104 : vector<16xf32> to vector<16xf32>
    %swap3A_106 = vector.shape_cast %broadcast_in_dim3A_102 : vector<16xf32> to vector<16xf32>
    tpu.vector_store %arg6[%swap3A_103], %swap3A_106 {strides = array<i32>} : memref<640xf32, #tpu.memory_space<vmem>>, vector<16xf32>,
    %broadcast_in_dim3A_107 = arith.constant 0.000000e+00 : f32
    %broadcast_in_dim3A_108 = vector.broadcast %broadcast_in_dim3A_107 : f32 to vector<16xf32>
    %swap3A_109 = arith.constant 208 : index
    %swap3A_110 = tpu.vector_load %arg6[%swap3A_109] {strides = array<i32>} : memref<640xf32, #tpu.memory_space<vmem>>, vector<16xf32>,
    %swap3A_111 = vector.shape_cast %swap3A_110 : vector<16xf32> to vector<16xf32>
    %swap3A_112 = vector.shape_cast %broadcast_in_dim3A_108 : vector<16xf32> to vector<16xf32>
    tpu.vector_store %arg6[%swap3A_109], %swap3A_112 {strides = array<i32>} : memref<640xf32, #tpu.memory_space<vmem>>, vector<16xf32>,
    %broadcast_in_dim3A_113 = arith.constant 0.000000e+00 : f32
    %broadcast_in_dim3A_114 = vector.broadcast %broadcast_in_dim3A_113 : f32 to vector<16xf32>
    %swap3A_115 = arith.constant 224 : index
    %swap3A_116 = tpu.vector_load %arg6[%swap3A_115] {strides = array<i32>} : memref<640xf32, #tpu.memory_space<vmem>>, vector<16xf32>,
    %swap3A_117 = vector.shape_cast %swap3A_116 : vector<16xf32> to vector<16xf32>
    %swap3A_118 = vector.shape_cast %broadcast_in_dim3A_114 : vector<16xf32> to vector<16xf32>
    tpu.vector_store %arg6[%swap3A_115], %swap3A_118 {strides = array<i32>} : memref<640xf32, #tpu.memory_space<vmem>>, vector<16xf32>,
    %broadcast_in_dim3A_119 = arith.constant 0.000000e+00 : f32
    %broadcast_in_dim3A_120 = vector.broadcast %broadcast_in_dim3A_119 : f32 to vector<16xf32>
    %swap3A_121 = arith.constant 240 : index
    %swap3A_122 = tpu.vector_load %arg6[%swap3A_121] {strides = array<i32>} : memref<640xf32, #tpu.memory_space<vmem>>, vector<16xf32>,
    %swap3A_123 = vector.shape_cast %swap3A_122 : vector<16xf32> to vector<16xf32>
    %swap3A_124 = vector.shape_cast %broadcast_in_dim3A_120 : vector<16xf32> to vector<16xf32>
    tpu.vector_store %arg6[%swap3A_121], %swap3A_124 {strides = array<i32>} : memref<640xf32, #tpu.memory_space<vmem>>, vector<16xf32>,
    %broadcast_in_dim3A_125 = arith.constant 0.000000e+00 : f32
    %broadcast_in_dim3A_126 = vector.broadcast %broadcast_in_dim3A_125 : f32 to vector<16xf32>
    %swap3A_127 = arith.constant 256 : index
    %swap3A_128 = tpu.vector_load %arg6[%swap3A_127] {strides = array<i32>} : memref<640xf32, #tpu.memory_space<vmem>>, vector<16xf32>,
    %swap3A_129 = vector.shape_cast %swap3A_128 : vector<16xf32> to vector<16xf32>
    %swap3A_130 = vector.shape_cast %broadcast_in_dim3A_126 : vector<16xf32> to vector<16xf32>
    tpu.vector_store %arg6[%swap3A_127], %swap3A_130 {strides = array<i32>} : memref<640xf32, #tpu.memory_space<vmem>>, vector<16xf32>,
    %broadcast_in_dim3A_131 = arith.constant 0.000000e+00 : f32
    %broadcast_in_dim3A_132 = vector.broadcast %broadcast_in_dim3A_131 : f32 to vector<16xf32>
    %swap3A_133 = arith.constant 272 : index
    %swap3A_134 = tpu.vector_load %arg6[%swap3A_133] {strides = array<i32>} : memref<640xf32, #tpu.memory_space<vmem>>, vector<16xf32>,
    %swap3A_135 = vector.shape_cast %swap3A_134 : vector<16xf32> to vector<16xf32>
    %swap3A_136 = vector.shape_cast %broadcast_in_dim3A_132 : vector<16xf32> to vector<16xf32>
    tpu.vector_store %arg6[%swap3A_133], %swap3A_136 {strides = array<i32>} : memref<640xf32, #tpu.memory_space<vmem>>, vector<16xf32>,
    %broadcast_in_dim3A_137 = arith.constant 0.000000e+00 : f32
    %broadcast_in_dim3A_138 = vector.broadcast %broadcast_in_dim3A_137 : f32 to vector<16xf32>
    %swap3A_139 = arith.constant 288 : index
    %swap3A_140 = tpu.vector_load %arg6[%swap3A_139] {strides = array<i32>} : memref<640xf32, #tpu.memory_space<vmem>>, vector<16xf32>,
    %swap3A_141 = vector.shape_cast %swap3A_140 : vector<16xf32> to vector<16xf32>
    %swap3A_142 = vector.shape_cast %broadcast_in_dim3A_138 : vector<16xf32> to vector<16xf32>
    tpu.vector_store %arg6[%swap3A_139], %swap3A_142 {strides = array<i32>} : memref<640xf32, #tpu.memory_space<vmem>>, vector<16xf32>,
    %broadcast_in_dim3A_143 = arith.constant 0.000000e+00 : f32
    %broadcast_in_dim3A_144 = vector.broadcast %broadcast_in_dim3A_143 : f32 to vector<16xf32>
    %swap3A_145 = arith.constant 304 : index
    %swap3A_146 = tpu.vector_load %arg6[%swap3A_145] {strides = array<i32>} : memref<640xf32, #tpu.memory_space<vmem>>, vector<16xf32>,
    %swap3A_147 = vector.shape_cast %swap3A_146 : vector<16xf32> to vector<16xf32>
    %swap3A_148 = vector.shape_cast %broadcast_in_dim3A_144 : vector<16xf32> to vector<16xf32>
    tpu.vector_store %arg6[%swap3A_145], %swap3A_148 {strides = array<i32>} : memref<640xf32, #tpu.memory_space<vmem>>, vector<16xf32>,
    %broadcast_in_dim3A_149 = arith.constant 0.000000e+00 : f32
    %broadcast_in_dim3A_150 = vector.broadcast %broadcast_in_dim3A_149 : f32 to vector<16xf32>
    %swap3A_151 = arith.constant 320 : index
    %swap3A_152 = tpu.vector_load %arg6[%swap3A_151] {strides = array<i32>} : memref<640xf32, #tpu.memory_space<vmem>>, vector<16xf32>,
    %swap3A_153 = vector.shape_cast %swap3A_152 : vector<16xf32> to vector<16xf32>
    %swap3A_154 = vector.shape_cast %broadcast_in_dim3A_150 : vector<16xf32> to vector<16xf32>
    tpu.vector_store %arg6[%swap3A_151], %swap3A_154 {strides = array<i32>} : memref<640xf32, #tpu.memory_space<vmem>>, vector<16xf32>,
    %broadcast_in_dim3A_155 = arith.constant 0.000000e+00 : f32
    %broadcast_in_dim3A_156 = vector.broadcast %broadcast_in_dim3A_155 : f32 to vector<16xf32>
    %swap3A_157 = arith.constant 336 : index
    %swap3A_158 = tpu.vector_load %arg6[%swap3A_157] {strides = array<i32>} : memref<640xf32, #tpu.memory_space<vmem>>, vector<16xf32>,
    %swap3A_159 = vector.shape_cast %swap3A_158 : vector<16xf32> to vector<16xf32>
    %swap3A_160 = vector.shape_cast %broadcast_in_dim3A_156 : vector<16xf32> to vector<16xf32>
    tpu.vector_store %arg6[%swap3A_157], %swap3A_160 {strides = array<i32>} : memref<640xf32, #tpu.memory_space<vmem>>, vector<16xf32>,
    %broadcast_in_dim3A_161 = arith.constant 0.000000e+00 : f32
    %broadcast_in_dim3A_162 = vector.broadcast %broadcast_in_dim3A_161 : f32 to vector<16xf32>
    %swap3A_163 = arith.constant 352 : index
    %swap3A_164 = tpu.vector_load %arg6[%swap3A_163] {strides = array<i32>} : memref<640xf32, #tpu.memory_space<vmem>>, vector<16xf32>,
    %swap3A_165 = vector.shape_cast %swap3A_164 : vector<16xf32> to vector<16xf32>
    %swap3A_166 = vector.shape_cast %broadcast_in_dim3A_162 : vector<16xf32> to vector<16xf32>
    tpu.vector_store %arg6[%swap3A_163], %swap3A_166 {strides = array<i32>} : memref<640xf32, #tpu.memory_space<vmem>>, vector<16xf32>,
    %broadcast_in_dim3A_167 = arith.constant 0.000000e+00 : f32
    %broadcast_in_dim3A_168 = vector.broadcast %broadcast_in_dim3A_167 : f32 to vector<16xf32>
    %swap3A_169 = arith.constant 368 : index
    %swap3A_170 = tpu.vector_load %arg6[%swap3A_169] {strides = array<i32>} : memref<640xf32, #tpu.memory_space<vmem>>, vector<16xf32>,
    %swap3A_171 = vector.shape_cast %swap3A_170 : vector<16xf32> to vector<16xf32>
    %swap3A_172 = vector.shape_cast %broadcast_in_dim3A_168 : vector<16xf32> to vector<16xf32>
    tpu.vector_store %arg6[%swap3A_169], %swap3A_172 {strides = array<i32>} : memref<640xf32, #tpu.memory_space<vmem>>, vector<16xf32>,
    %broadcast_in_dim3A_173 = arith.constant 0.000000e+00 : f32
    %broadcast_in_dim3A_174 = vector.broadcast %broadcast_in_dim3A_173 : f32 to vector<16xf32>
    %swap3A_175 = arith.constant 384 : index
    %swap3A_176 = tpu.vector_load %arg6[%swap3A_175] {strides = array<i32>} : memref<640xf32, #tpu.memory_space<vmem>>, vector<16xf32>,
    %swap3A_177 = vector.shape_cast %swap3A_176 : vector<16xf32> to vector<16xf32>
    %swap3A_178 = vector.shape_cast %broadcast_in_dim3A_174 : vector<16xf32> to vector<16xf32>
    tpu.vector_store %arg6[%swap3A_175], %swap3A_178 {strides = array<i32>} : memref<640xf32, #tpu.memory_space<vmem>>, vector<16xf32>,
    %broadcast_in_dim3A_179 = arith.constant 0.000000e+00 : f32
    %broadcast_in_dim3A_180 = vector.broadcast %broadcast_in_dim3A_179 : f32 to vector<16xf32>
    %swap3A_181 = arith.constant 400 : index
    %swap3A_182 = tpu.vector_load %arg6[%swap3A_181] {strides = array<i32>} : memref<640xf32, #tpu.memory_space<vmem>>, vector<16xf32>,
    %swap3A_183 = vector.shape_cast %swap3A_182 : vector<16xf32> to vector<16xf32>
    %swap3A_184 = vector.shape_cast %broadcast_in_dim3A_180 : vector<16xf32> to vector<16xf32>
    tpu.vector_store %arg6[%swap3A_181], %swap3A_184 {strides = array<i32>} : memref<640xf32, #tpu.memory_space<vmem>>, vector<16xf32>,
    %broadcast_in_dim3A_185 = arith.constant 0.000000e+00 : f32
    %broadcast_in_dim3A_186 = vector.broadcast %broadcast_in_dim3A_185 : f32 to vector<16xf32>
    %swap3A_187 = arith.constant 416 : index
    %swap3A_188 = tpu.vector_load %arg6[%swap3A_187] {strides = array<i32>} : memref<640xf32, #tpu.memory_space<vmem>>, vector<16xf32>,
    %swap3A_189 = vector.shape_cast %swap3A_188 : vector<16xf32> to vector<16xf32>
    %swap3A_190 = vector.shape_cast %broadcast_in_dim3A_186 : vector<16xf32> to vector<16xf32>
    tpu.vector_store %arg6[%swap3A_187], %swap3A_190 {strides = array<i32>} : memref<640xf32, #tpu.memory_space<vmem>>, vector<16xf32>,
    %broadcast_in_dim3A_191 = arith.constant 0.000000e+00 : f32
    %broadcast_in_dim3A_192 = vector.broadcast %broadcast_in_dim3A_191 : f32 to vector<16xf32>
    %swap3A_193 = arith.constant 432 : index
    %swap3A_194 = tpu.vector_load %arg6[%swap3A_193] {strides = array<i32>} : memref<640xf32, #tpu.memory_space<vmem>>, vector<16xf32>,
    %swap3A_195 = vector.shape_cast %swap3A_194 : vector<16xf32> to vector<16xf32>
    %swap3A_196 = vector.shape_cast %broadcast_in_dim3A_192 : vector<16xf32> to vector<16xf32>
    tpu.vector_store %arg6[%swap3A_193], %swap3A_196 {strides = array<i32>} : memref<640xf32, #tpu.memory_space<vmem>>, vector<16xf32>,
    %broadcast_in_dim3A_197 = arith.constant 0.000000e+00 : f32
    %broadcast_in_dim3A_198 = vector.broadcast %broadcast_in_dim3A_197 : f32 to vector<16xf32>
    %swap3A_199 = arith.constant 448 : index
    %swap3A_200 = tpu.vector_load %arg6[%swap3A_199] {strides = array<i32>} : memref<640xf32, #tpu.memory_space<vmem>>, vector<16xf32>,
    %swap3A_201 = vector.shape_cast %swap3A_200 : vector<16xf32> to vector<16xf32>
    %swap3A_202 = vector.shape_cast %broadcast_in_dim3A_198 : vector<16xf32> to vector<16xf32>
    tpu.vector_store %arg6[%swap3A_199], %swap3A_202 {strides = array<i32>} : memref<640xf32, #tpu.memory_space<vmem>>, vector<16xf32>,
    %broadcast_in_dim3A_203 = arith.constant 0.000000e+00 : f32
    %broadcast_in_dim3A_204 = vector.broadcast %broadcast_in_dim3A_203 : f32 to vector<16xf32>
    %swap3A_205 = arith.constant 464 : index
    %swap3A_206 = tpu.vector_load %arg6[%swap3A_205] {strides = array<i32>} : memref<640xf32, #tpu.memory_space<vmem>>, vector<16xf32>,
    %swap3A_207 = vector.shape_cast %swap3A_206 : vector<16xf32> to vector<16xf32>
    %swap3A_208 = vector.shape_cast %broadcast_in_dim3A_204 : vector<16xf32> to vector<16xf32>
    tpu.vector_store %arg6[%swap3A_205], %swap3A_208 {strides = array<i32>} : memref<640xf32, #tpu.memory_space<vmem>>, vector<16xf32>,
    %broadcast_in_dim3A_209 = arith.constant 0.000000e+00 : f32
    %broadcast_in_dim3A_210 = vector.broadcast %broadcast_in_dim3A_209 : f32 to vector<16xf32>
    %swap3A_211 = arith.constant 480 : index
    %swap3A_212 = tpu.vector_load %arg6[%swap3A_211] {strides = array<i32>} : memref<640xf32, #tpu.memory_space<vmem>>, vector<16xf32>,
    %swap3A_213 = vector.shape_cast %swap3A_212 : vector<16xf32> to vector<16xf32>
    %swap3A_214 = vector.shape_cast %broadcast_in_dim3A_210 : vector<16xf32> to vector<16xf32>
    tpu.vector_store %arg6[%swap3A_211], %swap3A_214 {strides = array<i32>} : memref<640xf32, #tpu.memory_space<vmem>>, vector<16xf32>,
    %broadcast_in_dim3A_215 = arith.constant 0.000000e+00 : f32
    %broadcast_in_dim3A_216 = vector.broadcast %broadcast_in_dim3A_215 : f32 to vector<16xf32>
    %swap3A_217 = arith.constant 496 : index
    %swap3A_218 = tpu.vector_load %arg6[%swap3A_217] {strides = array<i32>} : memref<640xf32, #tpu.memory_space<vmem>>, vector<16xf32>,
    %swap3A_219 = vector.shape_cast %swap3A_218 : vector<16xf32> to vector<16xf32>
    %swap3A_220 = vector.shape_cast %broadcast_in_dim3A_216 : vector<16xf32> to vector<16xf32>
    tpu.vector_store %arg6[%swap3A_217], %swap3A_220 {strides = array<i32>} : memref<640xf32, #tpu.memory_space<vmem>>, vector<16xf32>,
    %broadcast_in_dim3A_221 = arith.constant 0.000000e+00 : f32
    %broadcast_in_dim3A_222 = vector.broadcast %broadcast_in_dim3A_221 : f32 to vector<16xf32>
    %swap3A_223 = arith.constant 512 : index
    %swap3A_224 = tpu.vector_load %arg6[%swap3A_223] {strides = array<i32>} : memref<640xf32, #tpu.memory_space<vmem>>, vector<16xf32>,
    %swap3A_225 = vector.shape_cast %swap3A_224 : vector<16xf32> to vector<16xf32>
    %swap3A_226 = vector.shape_cast %broadcast_in_dim3A_222 : vector<16xf32> to vector<16xf32>
    tpu.vector_store %arg6[%swap3A_223], %swap3A_226 {strides = array<i32>} : memref<640xf32, #tpu.memory_space<vmem>>, vector<16xf32>,
    %broadcast_in_dim3A_227 = arith.constant 0.000000e+00 : f32
    %broadcast_in_dim3A_228 = vector.broadcast %broadcast_in_dim3A_227 : f32 to vector<16xf32>
    %swap3A_229 = arith.constant 528 : index
    %swap3A_230 = tpu.vector_load %arg6[%swap3A_229] {strides = array<i32>} : memref<640xf32, #tpu.memory_space<vmem>>, vector<16xf32>,
    %swap3A_231 = vector.shape_cast %swap3A_230 : vector<16xf32> to vector<16xf32>
    %swap3A_232 = vector.shape_cast %broadcast_in_dim3A_228 : vector<16xf32> to vector<16xf32>
    tpu.vector_store %arg6[%swap3A_229], %swap3A_232 {strides = array<i32>} : memref<640xf32, #tpu.memory_space<vmem>>, vector<16xf32>,
    %broadcast_in_dim3A_233 = arith.constant 0.000000e+00 : f32
    %broadcast_in_dim3A_234 = vector.broadcast %broadcast_in_dim3A_233 : f32 to vector<16xf32>
    %swap3A_235 = arith.constant 544 : index
    %swap3A_236 = tpu.vector_load %arg6[%swap3A_235] {strides = array<i32>} : memref<640xf32, #tpu.memory_space<vmem>>, vector<16xf32>,
    %swap3A_237 = vector.shape_cast %swap3A_236 : vector<16xf32> to vector<16xf32>
    %swap3A_238 = vector.shape_cast %broadcast_in_dim3A_234 : vector<16xf32> to vector<16xf32>
    tpu.vector_store %arg6[%swap3A_235], %swap3A_238 {strides = array<i32>} : memref<640xf32, #tpu.memory_space<vmem>>, vector<16xf32>,
    %broadcast_in_dim3A_239 = arith.constant 0.000000e+00 : f32
    %broadcast_in_dim3A_240 = vector.broadcast %broadcast_in_dim3A_239 : f32 to vector<16xf32>
    %swap3A_241 = arith.constant 560 : index
    %swap3A_242 = tpu.vector_load %arg6[%swap3A_241] {strides = array<i32>} : memref<640xf32, #tpu.memory_space<vmem>>, vector<16xf32>,
    %swap3A_243 = vector.shape_cast %swap3A_242 : vector<16xf32> to vector<16xf32>
    %swap3A_244 = vector.shape_cast %broadcast_in_dim3A_240 : vector<16xf32> to vector<16xf32>
    tpu.vector_store %arg6[%swap3A_241], %swap3A_244 {strides = array<i32>} : memref<640xf32, #tpu.memory_space<vmem>>, vector<16xf32>,
    %broadcast_in_dim3A_245 = arith.constant 0.000000e+00 : f32
    %broadcast_in_dim3A_246 = vector.broadcast %broadcast_in_dim3A_245 : f32 to vector<16xf32>
    %swap3A_247 = arith.constant 576 : index
    %swap3A_248 = tpu.vector_load %arg6[%swap3A_247] {strides = array<i32>} : memref<640xf32, #tpu.memory_space<vmem>>, vector<16xf32>,
    %swap3A_249 = vector.shape_cast %swap3A_248 : vector<16xf32> to vector<16xf32>
    %swap3A_250 = vector.shape_cast %broadcast_in_dim3A_246 : vector<16xf32> to vector<16xf32>
    tpu.vector_store %arg6[%swap3A_247], %swap3A_250 {strides = array<i32>} : memref<640xf32, #tpu.memory_space<vmem>>, vector<16xf32>,
    %broadcast_in_dim3A_251 = arith.constant 0.000000e+00 : f32
    %broadcast_in_dim3A_252 = vector.broadcast %broadcast_in_dim3A_251 : f32 to vector<16xf32>
    %swap3A_253 = arith.constant 592 : index
    %swap3A_254 = tpu.vector_load %arg6[%swap3A_253] {strides = array<i32>} : memref<640xf32, #tpu.memory_space<vmem>>, vector<16xf32>,
    %swap3A_255 = vector.shape_cast %swap3A_254 : vector<16xf32> to vector<16xf32>
    %swap3A_256 = vector.shape_cast %broadcast_in_dim3A_252 : vector<16xf32> to vector<16xf32>
    tpu.vector_store %arg6[%swap3A_253], %swap3A_256 {strides = array<i32>} : memref<640xf32, #tpu.memory_space<vmem>>, vector<16xf32>,
    %broadcast_in_dim3A_257 = arith.constant 0.000000e+00 : f32
    %broadcast_in_dim3A_258 = vector.broadcast %broadcast_in_dim3A_257 : f32 to vector<16xf32>
    %swap3A_259 = arith.constant 608 : index
    %swap3A_260 = tpu.vector_load %arg6[%swap3A_259] {strides = array<i32>} : memref<640xf32, #tpu.memory_space<vmem>>, vector<16xf32>,
    %swap3A_261 = vector.shape_cast %swap3A_260 : vector<16xf32> to vector<16xf32>
    %swap3A_262 = vector.shape_cast %broadcast_in_dim3A_258 : vector<16xf32> to vector<16xf32>
    tpu.vector_store %arg6[%swap3A_259], %swap3A_262 {strides = array<i32>} : memref<640xf32, #tpu.memory_space<vmem>>, vector<16xf32>,
    %broadcast_in_dim3A_263 = arith.constant 0.000000e+00 : f32
    %broadcast_in_dim3A_264 = vector.broadcast %broadcast_in_dim3A_263 : f32 to vector<16xf32>
    %swap3A_265 = arith.constant 624 : index
    %swap3A_266 = tpu.vector_load %arg6[%swap3A_265] {strides = array<i32>} : memref<640xf32, #tpu.memory_space<vmem>>, vector<16xf32>,
    %swap3A_267 = vector.shape_cast %swap3A_266 : vector<16xf32> to vector<16xf32>
    %swap3A_268 = vector.shape_cast %broadcast_in_dim3A_264 : vector<16xf32> to vector<16xf32>
    tpu.vector_store %arg6[%swap3A_265], %swap3A_268 {strides = array<i32>} : memref<640xf32, #tpu.memory_space<vmem>>, vector<16xf32>,
    %mul3A_269 = arith.constant 640 : i32
    %mul3A_270 = arith.muli %arg1, %mul3A_269 : i32
    "tpu.region"() ({
      %run_scoped3A = tpu.sem_alloc : memref<!tpu.dma_semaphore, #tpu.memory_space<semaphore_mem>>
      %dma_start3A_373 = tpu.memref_slice %arg7[%mul3A_270] : memref<10240xf32, #tpu.memory_space<vmem_shared>> -> memref<640xf32, #tpu.memory_space<vmem_shared>>
      %dma_start3A_374 = tpu.memref_slice %arg7[%mul3A_270] : memref<10240xf32, #tpu.memory_space<vmem_shared>> -> memref<640xf32, #tpu.memory_space<vmem_shared>>
      tpu.enqueue_dma source(%arg6 : memref<640xf32, #tpu.memory_space<vmem>>) target(%dma_start3A_374 : memref<640xf32, #tpu.memory_space<vmem_shared>>) target_semaphore(%run_scoped3A : memref<!tpu.dma_semaphore, #tpu.memory_space<semaphore_mem>>)
      %dma_wait3A_375 = tpu.memref_slice %arg7[%mul3A_270] : memref<10240xf32, #tpu.memory_space<vmem_shared>> -> memref<640xf32, #tpu.memory_space<vmem_shared>>
      %dma_wait3A_376 = tpu.memref_slice %arg7[%mul3A_270] : memref<10240xf32, #tpu.memory_space<vmem_shared>> -> memref<640xf32, #tpu.memory_space<vmem_shared>>
      tpu.wait_dma2 semaphore(%run_scoped3A : memref<!tpu.dma_semaphore, #tpu.memory_space<semaphore_mem>>) src(%arg6 : memref<640xf32, #tpu.memory_space<vmem>>) dst(%dma_wait3A_376 : memref<640xf32, #tpu.memory_space<vmem_shared>>)
      tpu.yield
    }) : () -> ()
    %barrier3A = arith.constant 0 : index
    tpu.barrier barrier_id(%barrier3A)
    %dma_start3A = arith.constant 0 : i32
    %dma_start3A_271 = arith.constant 0 : i32
    %dma_start3A_272 = tpu.memref_slice %arg4[%dma_start3A, %dma_start3A_271] : memref<125x80xi32, #tpu.memory_space<vmem>> -> memref<1x80xi32, #tpu.memory_space<vmem>>
    %dma_start3A_273 = tpu.memref_squeeze %dma_start3A_272 : memref<1x80xi32, #tpu.memory_space<vmem>> -> memref<80xi32, #tpu.memory_space<vmem>>
    %dma_start3A_274 = arith.constant 0 : i32
    %dma_start3A_275 = tpu.memref_slice %arg7[%dma_start3A_274] : memref<10240xf32, #tpu.memory_space<vmem_shared>> -> memref<10240xf32, #tpu.memory_space<vmem_shared>>
    tpu.enqueue_indirect_dma source(%arg5 : memref<80xf32, #tpu.memory_space<vmem>>) target(%dma_start3A_275 : memref<10240xf32, #tpu.memory_space<vmem_shared>>) offsets(%dma_start3A_273 : memref<80xi32, #tpu.memory_space<vmem>>) semaphore(%arg8 : memref<!tpu.dma_semaphore, #tpu.memory_space<semaphore_mem>>) {add = true}
    %dma_start3A_276 = arith.constant 1 : i32
    %dma_start3A_277 = arith.constant 0 : i32
    %dma_start3A_278 = tpu.memref_slice %arg4[%dma_start3A_276, %dma_start3A_277] : memref<125x80xi32, #tpu.memory_space<vmem>> -> memref<1x80xi32, #tpu.memory_space<vmem>>
    %dma_start3A_279 = tpu.memref_squeeze %dma_start3A_278 : memref<1x80xi32, #tpu.memory_space<vmem>> -> memref<80xi32, #tpu.memory_space<vmem>>
    %dma_start3A_280 = arith.constant 0 : i32
    %dma_start3A_281 = tpu.memref_slice %arg7[%dma_start3A_280] : memref<10240xf32, #tpu.memory_space<vmem_shared>> -> memref<10240xf32, #tpu.memory_space<vmem_shared>>
    tpu.enqueue_indirect_dma source(%arg5 : memref<80xf32, #tpu.memory_space<vmem>>) target(%dma_start3A_281 : memref<10240xf32, #tpu.memory_space<vmem_shared>>) offsets(%dma_start3A_279 : memref<80xi32, #tpu.memory_space<vmem>>) semaphore(%arg8 : memref<!tpu.dma_semaphore, #tpu.memory_space<semaphore_mem>>) {add = true}
    %dma_start3A_282 = arith.constant 2 : i32
    %dma_start3A_283 = arith.constant 0 : i32
    %dma_start3A_284 = tpu.memref_slice %arg4[%dma_start3A_282, %dma_start3A_283] : memref<125x80xi32, #tpu.memory_space<vmem>> -> memref<1x80xi32, #tpu.memory_space<vmem>>
    %dma_start3A_285 = tpu.memref_squeeze %dma_start3A_284 : memref<1x80xi32, #tpu.memory_space<vmem>> -> memref<80xi32, #tpu.memory_space<vmem>>
    %dma_start3A_286 = arith.constant 0 : i32
    %dma_start3A_287 = tpu.memref_slice %arg7[%dma_start3A_286] : memref<10240xf32, #tpu.memory_space<vmem_shared>> -> memref<10240xf32, #tpu.memory_space<vmem_shared>>
    tpu.enqueue_indirect_dma source(%arg5 : memref<80xf32, #tpu.memory_space<vmem>>) target(%dma_start3A_287 : memref<10240xf32, #tpu.memory_space<vmem_shared>>) offsets(%dma_start3A_285 : memref<80xi32, #tpu.memory_space<vmem>>) semaphore(%arg8 : memref<!tpu.dma_semaphore, #tpu.memory_space<semaphore_mem>>) {add = true}
    %dma_start3A_288 = arith.constant 3 : i32
    %dma_start3A_289 = arith.constant 0 : i32
    %dma_start3A_290 = tpu.memref_slice %arg4[%dma_start3A_288, %dma_start3A_289] : memref<125x80xi32, #tpu.memory_space<vmem>> -> memref<1x80xi32, #tpu.memory_space<vmem>>
    %dma_start3A_291 = tpu.memref_squeeze %dma_start3A_290 : memref<1x80xi32, #tpu.memory_space<vmem>> -> memref<80xi32, #tpu.memory_space<vmem>>
    %dma_start3A_292 = arith.constant 0 : i32
    %dma_start3A_293 = tpu.memref_slice %arg7[%dma_start3A_292] : memref<10240xf32, #tpu.memory_space<vmem_shared>> -> memref<10240xf32, #tpu.memory_space<vmem_shared>>
    tpu.enqueue_indirect_dma source(%arg5 : memref<80xf32, #tpu.memory_space<vmem>>) target(%dma_start3A_293 : memref<10240xf32, #tpu.memory_space<vmem_shared>>) offsets(%dma_start3A_291 : memref<80xi32, #tpu.memory_space<vmem>>) semaphore(%arg8 : memref<!tpu.dma_semaphore, #tpu.memory_space<semaphore_mem>>) {add = true}
    %dma_start3A_294 = arith.constant 4 : i32
    %dma_start3A_295 = arith.constant 0 : i32
    %dma_start3A_296 = tpu.memref_slice %arg4[%dma_start3A_294, %dma_start3A_295] : memref<125x80xi32, #tpu.memory_space<vmem>> -> memref<1x80xi32, #tpu.memory_space<vmem>>
    %dma_start3A_297 = tpu.memref_squeeze %dma_start3A_296 : memref<1x80xi32, #tpu.memory_space<vmem>> -> memref<80xi32, #tpu.memory_space<vmem>>
    %dma_start3A_298 = arith.constant 0 : i32
    %dma_start3A_299 = tpu.memref_slice %arg7[%dma_start3A_298] : memref<10240xf32, #tpu.memory_space<vmem_shared>> -> memref<10240xf32, #tpu.memory_space<vmem_shared>>
    tpu.enqueue_indirect_dma source(%arg5 : memref<80xf32, #tpu.memory_space<vmem>>) target(%dma_start3A_299 : memref<10240xf32, #tpu.memory_space<vmem_shared>>) offsets(%dma_start3A_297 : memref<80xi32, #tpu.memory_space<vmem>>) semaphore(%arg8 : memref<!tpu.dma_semaphore, #tpu.memory_space<semaphore_mem>>) {add = true}
    %dma_start3A_300 = arith.constant 5 : i32
    %dma_start3A_301 = arith.constant 0 : i32
    %dma_start3A_302 = tpu.memref_slice %arg4[%dma_start3A_300, %dma_start3A_301] : memref<125x80xi32, #tpu.memory_space<vmem>> -> memref<1x80xi32, #tpu.memory_space<vmem>>
    %dma_start3A_303 = tpu.memref_squeeze %dma_start3A_302 : memref<1x80xi32, #tpu.memory_space<vmem>> -> memref<80xi32, #tpu.memory_space<vmem>>
    %dma_start3A_304 = arith.constant 0 : i32
    %dma_start3A_305 = tpu.memref_slice %arg7[%dma_start3A_304] : memref<10240xf32, #tpu.memory_space<vmem_shared>> -> memref<10240xf32, #tpu.memory_space<vmem_shared>>
    tpu.enqueue_indirect_dma source(%arg5 : memref<80xf32, #tpu.memory_space<vmem>>) target(%dma_start3A_305 : memref<10240xf32, #tpu.memory_space<vmem_shared>>) offsets(%dma_start3A_303 : memref<80xi32, #tpu.memory_space<vmem>>) semaphore(%arg8 : memref<!tpu.dma_semaphore, #tpu.memory_space<semaphore_mem>>) {add = true}
    %dma_start3A_306 = arith.constant 6 : i32
    %dma_start3A_307 = arith.constant 0 : i32
    %dma_start3A_308 = tpu.memref_slice %arg4[%dma_start3A_306, %dma_start3A_307] : memref<125x80xi32, #tpu.memory_space<vmem>> -> memref<1x80xi32, #tpu.memory_space<vmem>>
    %dma_start3A_309 = tpu.memref_squeeze %dma_start3A_308 : memref<1x80xi32, #tpu.memory_space<vmem>> -> memref<80xi32, #tpu.memory_space<vmem>>
    %dma_start3A_310 = arith.constant 0 : i32
    %dma_start3A_311 = tpu.memref_slice %arg7[%dma_start3A_310] : memref<10240xf32, #tpu.memory_space<vmem_shared>> -> memref<10240xf32, #tpu.memory_space<vmem_shared>>
    tpu.enqueue_indirect_dma source(%arg5 : memref<80xf32, #tpu.memory_space<vmem>>) target(%dma_start3A_311 : memref<10240xf32, #tpu.memory_space<vmem_shared>>) offsets(%dma_start3A_309 : memref<80xi32, #tpu.memory_space<vmem>>) semaphore(%arg8 : memref<!tpu.dma_semaphore, #tpu.memory_space<semaphore_mem>>) {add = true}
    %dma_start3A_312 = arith.constant 7 : i32
    %dma_start3A_313 = arith.constant 0 : i32
    %dma_start3A_314 = tpu.memref_slice %arg4[%dma_start3A_312, %dma_start3A_313] : memref<125x80xi32, #tpu.memory_space<vmem>> -> memref<1x80xi32, #tpu.memory_space<vmem>>
    %dma_start3A_315 = tpu.memref_squeeze %dma_start3A_314 : memref<1x80xi32, #tpu.memory_space<vmem>> -> memref<80xi32, #tpu.memory_space<vmem>>
    %dma_start3A_316 = arith.constant 0 : i32
    %dma_start3A_317 = tpu.memref_slice %arg7[%dma_start3A_316] : memref<10240xf32, #tpu.memory_space<vmem_shared>> -> memref<10240xf32, #tpu.memory_space<vmem_shared>>
    tpu.enqueue_indirect_dma source(%arg5 : memref<80xf32, #tpu.memory_space<vmem>>) target(%dma_start3A_317 : memref<10240xf32, #tpu.memory_space<vmem_shared>>) offsets(%dma_start3A_315 : memref<80xi32, #tpu.memory_space<vmem>>) semaphore(%arg8 : memref<!tpu.dma_semaphore, #tpu.memory_space<semaphore_mem>>) {add = true}
    %scan3A = arith.constant 0 : i32
    %scan3A_318 = arith.constant 0 : i32
    %scan3A_319 = arith.constant 117 : i32
    %scan3A_320 = arith.addi %scan3A_318, %scan3A_319 : i32
    %scan3A_321 = arith.constant 1 : i32
    scf.for %scan3A_373 = %scan3A_318 to %scan3A_320 step %scan3A_321  : i32 {
      %dma_wait3A_374 = arith.constant 0 : i32
      %dma_wait3A_375 = arith.constant 0 : i32
      %dma_wait3A_376 = tpu.memref_slice %arg4[%dma_wait3A_374, %dma_wait3A_375] : memref<125x80xi32, #tpu.memory_space<vmem>> -> memref<1x80xi32, #tpu.memory_space<vmem>>
      %dma_wait3A_377 = tpu.memref_squeeze %dma_wait3A_376 : memref<1x80xi32, #tpu.memory_space<vmem>> -> memref<80xi32, #tpu.memory_space<vmem>>
      %dma_wait3A_378 = arith.constant 0 : i32
      %dma_wait3A_379 = tpu.memref_slice %arg7[%dma_wait3A_378] : memref<10240xf32, #tpu.memory_space<vmem_shared>> -> memref<10240xf32, #tpu.memory_space<vmem_shared>>
      tpu.wait_indirect_dma semaphore(%arg8 : memref<!tpu.dma_semaphore, #tpu.memory_space<semaphore_mem>>) src(%arg5 : memref<80xf32, #tpu.memory_space<vmem>>) dst(%dma_wait3A_379 : memref<10240xf32, #tpu.memory_space<vmem_shared>>)
      %add3A_380 = arith.constant 8 : i32
      %add3A_381 = arith.addi %scan3A_373, %add3A_380 : i32
      %dma_start3A_382 = arith.constant 0 : i32
      %dma_start3A_383 = tpu.memref_slice %arg4[%add3A_381, %dma_start3A_382] : memref<125x80xi32, #tpu.memory_space<vmem>> -> memref<1x80xi32, #tpu.memory_space<vmem>>
      %dma_start3A_384 = tpu.memref_squeeze %dma_start3A_383 : memref<1x80xi32, #tpu.memory_space<vmem>> -> memref<80xi32, #tpu.memory_space<vmem>>
      %dma_start3A_385 = arith.constant 0 : i32
      %dma_start3A_386 = tpu.memref_slice %arg7[%dma_start3A_385] : memref<10240xf32, #tpu.memory_space<vmem_shared>> -> memref<10240xf32, #tpu.memory_space<vmem_shared>>
      tpu.enqueue_indirect_dma source(%arg5 : memref<80xf32, #tpu.memory_space<vmem>>) target(%dma_start3A_386 : memref<10240xf32, #tpu.memory_space<vmem_shared>>) offsets(%dma_start3A_384 : memref<80xi32, #tpu.memory_space<vmem>>) semaphore(%arg8 : memref<!tpu.dma_semaphore, #tpu.memory_space<semaphore_mem>>) {add = true}
    }
    %scan3A_322 = arith.constant 117 : i32
    %dma_wait3A = arith.constant 0 : i32
    %dma_wait3A_323 = arith.constant 0 : i32
    %dma_wait3A_324 = tpu.memref_slice %arg4[%dma_wait3A, %dma_wait3A_323] : memref<125x80xi32, #tpu.memory_space<vmem>> -> memref<1x80xi32, #tpu.memory_space<vmem>>
    %dma_wait3A_325 = tpu.memref_squeeze %dma_wait3A_324 : memref<1x80xi32, #tpu.memory_space<vmem>> -> memref<80xi32, #tpu.memory_space<vmem>>
    %dma_wait3A_326 = arith.constant 0 : i32
    %dma_wait3A_327 = tpu.memref_slice %arg7[%dma_wait3A_326] : memref<10240xf32, #tpu.memory_space<vmem_shared>> -> memref<10240xf32, #tpu.memory_space<vmem_shared>>
    tpu.wait_indirect_dma semaphore(%arg8 : memref<!tpu.dma_semaphore, #tpu.memory_space<semaphore_mem>>) src(%arg5 : memref<80xf32, #tpu.memory_space<vmem>>) dst(%dma_wait3A_327 : memref<10240xf32, #tpu.memory_space<vmem_shared>>)
    %dma_wait3A_328 = arith.constant 0 : i32
    %dma_wait3A_329 = arith.constant 0 : i32
    %dma_wait3A_330 = tpu.memref_slice %arg4[%dma_wait3A_328, %dma_wait3A_329] : memref<125x80xi32, #tpu.memory_space<vmem>> -> memref<1x80xi32, #tpu.memory_space<vmem>>
    %dma_wait3A_331 = tpu.memref_squeeze %dma_wait3A_330 : memref<1x80xi32, #tpu.memory_space<vmem>> -> memref<80xi32, #tpu.memory_space<vmem>>
    %dma_wait3A_332 = arith.constant 0 : i32
    %dma_wait3A_333 = tpu.memref_slice %arg7[%dma_wait3A_332] : memref<10240xf32, #tpu.memory_space<vmem_shared>> -> memref<10240xf32, #tpu.memory_space<vmem_shared>>
    tpu.wait_indirect_dma semaphore(%arg8 : memref<!tpu.dma_semaphore, #tpu.memory_space<semaphore_mem>>) src(%arg5 : memref<80xf32, #tpu.memory_space<vmem>>) dst(%dma_wait3A_333 : memref<10240xf32, #tpu.memory_space<vmem_shared>>)
    %dma_wait3A_334 = arith.constant 0 : i32
    %dma_wait3A_335 = arith.constant 0 : i32
    %dma_wait3A_336 = tpu.memref_slice %arg4[%dma_wait3A_334, %dma_wait3A_335] : memref<125x80xi32, #tpu.memory_space<vmem>> -> memref<1x80xi32, #tpu.memory_space<vmem>>
    %dma_wait3A_337 = tpu.memref_squeeze %dma_wait3A_336 : memref<1x80xi32, #tpu.memory_space<vmem>> -> memref<80xi32, #tpu.memory_space<vmem>>
    %dma_wait3A_338 = arith.constant 0 : i32
    %dma_wait3A_339 = tpu.memref_slice %arg7[%dma_wait3A_338] : memref<10240xf32, #tpu.memory_space<vmem_shared>> -> memref<10240xf32, #tpu.memory_space<vmem_shared>>
    tpu.wait_indirect_dma semaphore(%arg8 : memref<!tpu.dma_semaphore, #tpu.memory_space<semaphore_mem>>) src(%arg5 : memref<80xf32, #tpu.memory_space<vmem>>) dst(%dma_wait3A_339 : memref<10240xf32, #tpu.memory_space<vmem_shared>>)
    %dma_wait3A_340 = arith.constant 0 : i32
    %dma_wait3A_341 = arith.constant 0 : i32
    %dma_wait3A_342 = tpu.memref_slice %arg4[%dma_wait3A_340, %dma_wait3A_341] : memref<125x80xi32, #tpu.memory_space<vmem>> -> memref<1x80xi32, #tpu.memory_space<vmem>>
    %dma_wait3A_343 = tpu.memref_squeeze %dma_wait3A_342 : memref<1x80xi32, #tpu.memory_space<vmem>> -> memref<80xi32, #tpu.memory_space<vmem>>
    %dma_wait3A_344 = arith.constant 0 : i32
    %dma_wait3A_345 = tpu.memref_slice %arg7[%dma_wait3A_344] : memref<10240xf32, #tpu.memory_space<vmem_shared>> -> memref<10240xf32, #tpu.memory_space<vmem_shared>>
    tpu.wait_indirect_dma semaphore(%arg8 : memref<!tpu.dma_semaphore, #tpu.memory_space<semaphore_mem>>) src(%arg5 : memref<80xf32, #tpu.memory_space<vmem>>) dst(%dma_wait3A_345 : memref<10240xf32, #tpu.memory_space<vmem_shared>>)
    %dma_wait3A_346 = arith.constant 0 : i32
    %dma_wait3A_347 = arith.constant 0 : i32
    %dma_wait3A_348 = tpu.memref_slice %arg4[%dma_wait3A_346, %dma_wait3A_347] : memref<125x80xi32, #tpu.memory_space<vmem>> -> memref<1x80xi32, #tpu.memory_space<vmem>>
    %dma_wait3A_349 = tpu.memref_squeeze %dma_wait3A_348 : memref<1x80xi32, #tpu.memory_space<vmem>> -> memref<80xi32, #tpu.memory_space<vmem>>
    %dma_wait3A_350 = arith.constant 0 : i32
    %dma_wait3A_351 = tpu.memref_slice %arg7[%dma_wait3A_350] : memref<10240xf32, #tpu.memory_space<vmem_shared>> -> memref<10240xf32, #tpu.memory_space<vmem_shared>>
    tpu.wait_indirect_dma semaphore(%arg8 : memref<!tpu.dma_semaphore, #tpu.memory_space<semaphore_mem>>) src(%arg5 : memref<80xf32, #tpu.memory_space<vmem>>) dst(%dma_wait3A_351 : memref<10240xf32, #tpu.memory_space<vmem_shared>>)
    %dma_wait3A_352 = arith.constant 0 : i32
    %dma_wait3A_353 = arith.constant 0 : i32
    %dma_wait3A_354 = tpu.memref_slice %arg4[%dma_wait3A_352, %dma_wait3A_353] : memref<125x80xi32, #tpu.memory_space<vmem>> -> memref<1x80xi32, #tpu.memory_space<vmem>>
    %dma_wait3A_355 = tpu.memref_squeeze %dma_wait3A_354 : memref<1x80xi32, #tpu.memory_space<vmem>> -> memref<80xi32, #tpu.memory_space<vmem>>
    %dma_wait3A_356 = arith.constant 0 : i32
    %dma_wait3A_357 = tpu.memref_slice %arg7[%dma_wait3A_356] : memref<10240xf32, #tpu.memory_space<vmem_shared>> -> memref<10240xf32, #tpu.memory_space<vmem_shared>>
    tpu.wait_indirect_dma semaphore(%arg8 : memref<!tpu.dma_semaphore, #tpu.memory_space<semaphore_mem>>) src(%arg5 : memref<80xf32, #tpu.memory_space<vmem>>) dst(%dma_wait3A_357 : memref<10240xf32, #tpu.memory_space<vmem_shared>>)
    %dma_wait3A_358 = arith.constant 0 : i32
    %dma_wait3A_359 = arith.constant 0 : i32
    %dma_wait3A_360 = tpu.memref_slice %arg4[%dma_wait3A_358, %dma_wait3A_359] : memref<125x80xi32, #tpu.memory_space<vmem>> -> memref<1x80xi32, #tpu.memory_space<vmem>>
    %dma_wait3A_361 = tpu.memref_squeeze %dma_wait3A_360 : memref<1x80xi32, #tpu.memory_space<vmem>> -> memref<80xi32, #tpu.memory_space<vmem>>
    %dma_wait3A_362 = arith.constant 0 : i32
    %dma_wait3A_363 = tpu.memref_slice %arg7[%dma_wait3A_362] : memref<10240xf32, #tpu.memory_space<vmem_shared>> -> memref<10240xf32, #tpu.memory_space<vmem_shared>>
    tpu.wait_indirect_dma semaphore(%arg8 : memref<!tpu.dma_semaphore, #tpu.memory_space<semaphore_mem>>) src(%arg5 : memref<80xf32, #tpu.memory_space<vmem>>) dst(%dma_wait3A_363 : memref<10240xf32, #tpu.memory_space<vmem_shared>>)
    %dma_wait3A_364 = arith.constant 0 : i32
    %dma_wait3A_365 = arith.constant 0 : i32
    %dma_wait3A_366 = tpu.memref_slice %arg4[%dma_wait3A_364, %dma_wait3A_365] : memref<125x80xi32, #tpu.memory_space<vmem>> -> memref<1x80xi32, #tpu.memory_space<vmem>>
    %dma_wait3A_367 = tpu.memref_squeeze %dma_wait3A_366 : memref<1x80xi32, #tpu.memory_space<vmem>> -> memref<80xi32, #tpu.memory_space<vmem>>
    %dma_wait3A_368 = arith.constant 0 : i32
    %dma_wait3A_369 = tpu.memref_slice %arg7[%dma_wait3A_368] : memref<10240xf32, #tpu.memory_space<vmem_shared>> -> memref<10240xf32, #tpu.memory_space<vmem_shared>>
    tpu.wait_indirect_dma semaphore(%arg8 : memref<!tpu.dma_semaphore, #tpu.memory_space<semaphore_mem>>) src(%arg5 : memref<80xf32, #tpu.memory_space<vmem>>) dst(%dma_wait3A_369 : memref<10240xf32, #tpu.memory_space<vmem_shared>>)
    %barrier3A_370 = arith.constant 0 : index
    tpu.barrier barrier_id(%barrier3A_370)
    %eq3A = arith.constant 0 : i32
    %eq3A_371 = arith.cmpi eq, %arg1, %eq3A : i32
    %convert_element_type3A = arith.extui %eq3A_371 : i1 to i32
    %cond3A = arith.constant 0 : i32
    %cond3A_372 = arith.cmpi ne, %convert_element_type3A, %cond3A : i32
    scf.if %cond3A_372 {
      "tpu.region"() ({
        %run_scoped3A = tpu.sem_alloc : memref<!tpu.dma_semaphore, #tpu.memory_space<semaphore_mem>>
        %dma_start3A_373 = arith.constant 0 : i32
        %dma_start3A_374 = tpu.memref_slice %arg3[%arg0, %dma_start3A_373] : memref<2x10240xf32, #tpu.memory_space<hbm>> -> memref<1x10240xf32, #tpu.memory_space<hbm>>
        %dma_start3A_375 = tpu.memref_squeeze %dma_start3A_374 : memref<1x10240xf32, #tpu.memory_space<hbm>> -> memref<10240xf32, #tpu.memory_space<hbm>>
        tpu.enqueue_dma source(%arg7 : memref<10240xf32, #tpu.memory_space<vmem_shared>>) target(%dma_start3A_375 : memref<10240xf32, #tpu.memory_space<hbm>>) target_semaphore(%run_scoped3A : memref<!tpu.dma_semaphore, #tpu.memory_space<semaphore_mem>>)
        %dma_wait3A_376 = arith.constant 0 : i32
        %dma_wait3A_377 = tpu.memref_slice %arg3[%arg0, %dma_wait3A_376] : memref<2x10240xf32, #tpu.memory_space<hbm>> -> memref<1x10240xf32, #tpu.memory_space<hbm>>
        %dma_wait3A_378 = tpu.memref_squeeze %dma_wait3A_377 : memref<1x10240xf32, #tpu.memory_space<hbm>> -> memref<10240xf32, #tpu.memory_space<hbm>>
        tpu.wait_dma2 semaphore(%run_scoped3A : memref<!tpu.dma_semaphore, #tpu.memory_space<semaphore_mem>>) src(%arg7 : memref<10240xf32, #tpu.memory_space<vmem_shared>>) dst(%dma_wait3A_378 : memref<10240xf32, #tpu.memory_space<hbm>>)
        tpu.yield
      }) : () -> ()
    } else {
    }
    return
  }
}

#map = affine_map<(d0, d1) -> (0, 0)>
#map1 = affine_map<(d0, d1) -> (0, 0, 0)>
module attributes {stable_mosaic.version = 14 : i64} {
  func.func @scat(%arg0: i32, %arg1: i32, %arg2: memref<10000x128xf32, #tpu.memory_space<hbm>>, %arg3: memref<160x16x125xi32, #tpu.memory_space<hbm>>, %arg4: memref<160x16x125xi32, #tpu.memory_space<hbm>>, %arg5: memref<10000x128xf32, #tpu.memory_space<hbm>>, %arg6: memref<10000x128xf32, #tpu.memory_space<hbm>>, %arg7: memref<16x125xi32, #tpu.memory_space<vmem>>, %arg8: memref<16x125xi32, #tpu.memory_space<vmem>>, %arg9: memref<16x125xi32, #tpu.memory_space<vmem>>, %arg10: memref<16x125xi32, #tpu.memory_space<vmem>>, %arg11: memref<2x125x128xf32, #tpu.memory_space<vmem>>, %arg12: memref<10000x128xf32, #tpu.memory_space<vmem_shared>>, %arg13: memref<!tpu.dma_semaphore, #tpu.memory_space<semaphore_mem>>, %arg14: memref<!tpu.dma_semaphore, #tpu.memory_space<semaphore_mem>>, %arg15: memref<!tpu.dma_semaphore, #tpu.memory_space<semaphore_mem>>, %arg16: memref<!tpu.dma_semaphore, #tpu.memory_space<semaphore_mem>>) attributes {dimension_semantics = [#tpu.dimension_semantics<core_parallel>, #tpu.dimension_semantics<subcore_parallel>], iteration_bounds = array<i64: 2, 16>, scalar_prefetch = 0 : i64, scratch_operands = 10 : i64, tpu.core_type = #tpu.core_type<sc_vector_subcore>, window_params = [{transform_indices = #map}, {transform_indices = #map1}, {transform_indices = #map1}, {transform_indices = #map}, {transform_indices = #map}]} {
    %mul3A = arith.constant 2 : i32
    %mul3A_0 = arith.muli %arg1, %mul3A : i32
    %add3A = arith.addi %mul3A_0, %arg0 : i32
    %mul3A_1 = arith.constant 5 : i32
    %mul3A_2 = arith.muli %add3A, %mul3A_1 : i32
    %mul3A_3 = arith.constant 632 : i32
    %mul3A_4 = arith.muli %arg1, %mul3A_3 : i32
    %multiple_of3A = tpu.assume_multiple %mul3A_4, 8 : i32
    %add3A_5 = arith.constant 0 : i32
    %add3A_6 = arith.addi %mul3A_2, %add3A_5 : i32
    %dma_start3A = arith.constant 0 : i32
    %dma_start3A_7 = arith.constant 0 : i32
    %dma_start3A_8 = tpu.memref_slice %arg3[%add3A_6, %dma_start3A, %dma_start3A_7] : memref<160x16x125xi32, #tpu.memory_space<hbm>> -> memref<1x16x125xi32, #tpu.memory_space<hbm>>
    %dma_start3A_9 = tpu.memref_squeeze %dma_start3A_8 : memref<1x16x125xi32, #tpu.memory_space<hbm>> -> memref<16x125xi32, #tpu.memory_space<hbm>>
    %dma_start3A_10 = arith.constant 0 : i32
    %dma_start3A_11 = arith.constant 0 : i32
    %dma_start3A_12 = tpu.memref_slice %arg3[%add3A_6, %dma_start3A_10, %dma_start3A_11] : memref<160x16x125xi32, #tpu.memory_space<hbm>> -> memref<1x16x125xi32, #tpu.memory_space<hbm>>
    %dma_start3A_13 = tpu.memref_squeeze %dma_start3A_12 : memref<1x16x125xi32, #tpu.memory_space<hbm>> -> memref<16x125xi32, #tpu.memory_space<hbm>>
    tpu.enqueue_dma source(%dma_start3A_13 : memref<16x125xi32, #tpu.memory_space<hbm>>) target(%arg7 : memref<16x125xi32, #tpu.memory_space<vmem>>) target_semaphore(%arg15 : memref<!tpu.dma_semaphore, #tpu.memory_space<semaphore_mem>>)
    %add3A_14 = arith.constant 0 : i32
    %add3A_15 = arith.addi %mul3A_2, %add3A_14 : i32
    %dma_start3A_16 = arith.constant 0 : i32
    %dma_start3A_17 = arith.constant 0 : i32
    %dma_start3A_18 = tpu.memref_slice %arg4[%add3A_15, %dma_start3A_16, %dma_start3A_17] : memref<160x16x125xi32, #tpu.memory_space<hbm>> -> memref<1x16x125xi32, #tpu.memory_space<hbm>>
    %dma_start3A_19 = tpu.memref_squeeze %dma_start3A_18 : memref<1x16x125xi32, #tpu.memory_space<hbm>> -> memref<16x125xi32, #tpu.memory_space<hbm>>
    %dma_start3A_20 = arith.constant 0 : i32
    %dma_start3A_21 = arith.constant 0 : i32
    %dma_start3A_22 = tpu.memref_slice %arg4[%add3A_15, %dma_start3A_20, %dma_start3A_21] : memref<160x16x125xi32, #tpu.memory_space<hbm>> -> memref<1x16x125xi32, #tpu.memory_space<hbm>>
    %dma_start3A_23 = tpu.memref_squeeze %dma_start3A_22 : memref<1x16x125xi32, #tpu.memory_space<hbm>> -> memref<16x125xi32, #tpu.memory_space<hbm>>
    tpu.enqueue_dma source(%dma_start3A_23 : memref<16x125xi32, #tpu.memory_space<hbm>>) target(%arg9 : memref<16x125xi32, #tpu.memory_space<vmem>>) target_semaphore(%arg15 : memref<!tpu.dma_semaphore, #tpu.memory_space<semaphore_mem>>)
    %add3A_24 = arith.constant 1 : i32
    %add3A_25 = arith.addi %mul3A_2, %add3A_24 : i32
    %dma_start3A_26 = arith.constant 0 : i32
    %dma_start3A_27 = arith.constant 0 : i32
    %dma_start3A_28 = tpu.memref_slice %arg3[%add3A_25, %dma_start3A_26, %dma_start3A_27] : memref<160x16x125xi32, #tpu.memory_space<hbm>> -> memref<1x16x125xi32, #tpu.memory_space<hbm>>
    %dma_start3A_29 = tpu.memref_squeeze %dma_start3A_28 : memref<1x16x125xi32, #tpu.memory_space<hbm>> -> memref<16x125xi32, #tpu.memory_space<hbm>>
    %dma_start3A_30 = arith.constant 0 : i32
    %dma_start3A_31 = arith.constant 0 : i32
    %dma_start3A_32 = tpu.memref_slice %arg3[%add3A_25, %dma_start3A_30, %dma_start3A_31] : memref<160x16x125xi32, #tpu.memory_space<hbm>> -> memref<1x16x125xi32, #tpu.memory_space<hbm>>
    %dma_start3A_33 = tpu.memref_squeeze %dma_start3A_32 : memref<1x16x125xi32, #tpu.memory_space<hbm>> -> memref<16x125xi32, #tpu.memory_space<hbm>>
    tpu.enqueue_dma source(%dma_start3A_33 : memref<16x125xi32, #tpu.memory_space<hbm>>) target(%arg8 : memref<16x125xi32, #tpu.memory_space<vmem>>) target_semaphore(%arg16 : memref<!tpu.dma_semaphore, #tpu.memory_space<semaphore_mem>>)
    %add3A_34 = arith.constant 1 : i32
    %add3A_35 = arith.addi %mul3A_2, %add3A_34 : i32
    %dma_start3A_36 = arith.constant 0 : i32
    %dma_start3A_37 = arith.constant 0 : i32
    %dma_start3A_38 = tpu.memref_slice %arg4[%add3A_35, %dma_start3A_36, %dma_start3A_37] : memref<160x16x125xi32, #tpu.memory_space<hbm>> -> memref<1x16x125xi32, #tpu.memory_space<hbm>>
    %dma_start3A_39 = tpu.memref_squeeze %dma_start3A_38 : memref<1x16x125xi32, #tpu.memory_space<hbm>> -> memref<16x125xi32, #tpu.memory_space<hbm>>
    %dma_start3A_40 = arith.constant 0 : i32
    %dma_start3A_41 = arith.constant 0 : i32
    %dma_start3A_42 = tpu.memref_slice %arg4[%add3A_35, %dma_start3A_40, %dma_start3A_41] : memref<160x16x125xi32, #tpu.memory_space<hbm>> -> memref<1x16x125xi32, #tpu.memory_space<hbm>>
    %dma_start3A_43 = tpu.memref_squeeze %dma_start3A_42 : memref<1x16x125xi32, #tpu.memory_space<hbm>> -> memref<16x125xi32, #tpu.memory_space<hbm>>
    tpu.enqueue_dma source(%dma_start3A_43 : memref<16x125xi32, #tpu.memory_space<hbm>>) target(%arg10 : memref<16x125xi32, #tpu.memory_space<vmem>>) target_semaphore(%arg16 : memref<!tpu.dma_semaphore, #tpu.memory_space<semaphore_mem>>)
    %dma_wait3A = arith.constant 0 : i32
    %dma_wait3A_44 = arith.constant 0 : i32
    %dma_wait3A_45 = arith.constant 0 : i32
    %dma_wait3A_46 = tpu.memref_slice %arg3[%dma_wait3A, %dma_wait3A_44, %dma_wait3A_45] : memref<160x16x125xi32, #tpu.memory_space<hbm>> -> memref<1x16x125xi32, #tpu.memory_space<hbm>>
    %dma_wait3A_47 = tpu.memref_squeeze %dma_wait3A_46 : memref<1x16x125xi32, #tpu.memory_space<hbm>> -> memref<16x125xi32, #tpu.memory_space<hbm>>
    %dma_wait3A_48 = arith.constant 0 : i32
    %dma_wait3A_49 = arith.constant 0 : i32
    %dma_wait3A_50 = tpu.memref_slice %arg3[%dma_wait3A, %dma_wait3A_48, %dma_wait3A_49] : memref<160x16x125xi32, #tpu.memory_space<hbm>> -> memref<1x16x125xi32, #tpu.memory_space<hbm>>
    %dma_wait3A_51 = tpu.memref_squeeze %dma_wait3A_50 : memref<1x16x125xi32, #tpu.memory_space<hbm>> -> memref<16x125xi32, #tpu.memory_space<hbm>>
    tpu.wait_dma2 semaphore(%arg15 : memref<!tpu.dma_semaphore, #tpu.memory_space<semaphore_mem>>) src(%dma_wait3A_51 : memref<16x125xi32, #tpu.memory_space<hbm>>) dst(%arg7 : memref<16x125xi32, #tpu.memory_space<vmem>>)
    %dma_wait3A_52 = arith.constant 0 : i32
    %dma_wait3A_53 = arith.constant 0 : i32
    %dma_wait3A_54 = arith.constant 0 : i32
    %dma_wait3A_55 = tpu.memref_slice %arg3[%dma_wait3A_52, %dma_wait3A_53, %dma_wait3A_54] : memref<160x16x125xi32, #tpu.memory_space<hbm>> -> memref<1x16x125xi32, #tpu.memory_space<hbm>>
    %dma_wait3A_56 = tpu.memref_squeeze %dma_wait3A_55 : memref<1x16x125xi32, #tpu.memory_space<hbm>> -> memref<16x125xi32, #tpu.memory_space<hbm>>
    %dma_wait3A_57 = arith.constant 0 : i32
    %dma_wait3A_58 = arith.constant 0 : i32
    %dma_wait3A_59 = tpu.memref_slice %arg3[%dma_wait3A_52, %dma_wait3A_57, %dma_wait3A_58] : memref<160x16x125xi32, #tpu.memory_space<hbm>> -> memref<1x16x125xi32, #tpu.memory_space<hbm>>
    %dma_wait3A_60 = tpu.memref_squeeze %dma_wait3A_59 : memref<1x16x125xi32, #tpu.memory_space<hbm>> -> memref<16x125xi32, #tpu.memory_space<hbm>>
    tpu.wait_dma2 semaphore(%arg15 : memref<!tpu.dma_semaphore, #tpu.memory_space<semaphore_mem>>) src(%dma_wait3A_60 : memref<16x125xi32, #tpu.memory_space<hbm>>) dst(%arg9 : memref<16x125xi32, #tpu.memory_space<vmem>>)
    %dma_start3A_61 = arith.constant 0 : i32
    %dma_start3A_62 = arith.constant 0 : i32
    %dma_start3A_63 = arith.constant 0 : i32
    %dma_start3A_64 = arith.constant 0 : i32
    %dma_start3A_65 = tpu.memref_slice %arg11[%dma_start3A_62, %dma_start3A_63, %dma_start3A_64] : memref<2x125x128xf32, #tpu.memory_space<vmem>> -> memref<1x125x128xf32, #tpu.memory_space<vmem>>
    %dma_start3A_66 = tpu.memref_squeeze %dma_start3A_65 : memref<1x125x128xf32, #tpu.memory_space<vmem>> -> memref<125x128xf32, #tpu.memory_space<vmem>>
    %dma_start3A_67 = arith.constant 0 : i32
    %dma_start3A_68 = tpu.memref_slice %arg7[%dma_start3A_61, %dma_start3A_67] : memref<16x125xi32, #tpu.memory_space<vmem>> -> memref<1x125xi32, #tpu.memory_space<vmem>>
    %dma_start3A_69 = tpu.memref_squeeze %dma_start3A_68 : memref<1x125xi32, #tpu.memory_space<vmem>> -> memref<125xi32, #tpu.memory_space<vmem>>
    %dma_start3A_70 = arith.constant 0 : i32
    %dma_start3A_71 = arith.constant 0 : i32
    %dma_start3A_72 = tpu.memref_slice %arg2[%dma_start3A_70, %dma_start3A_71] : memref<10000x128xf32, #tpu.memory_space<hbm>> -> memref<10000x128xf32, #tpu.memory_space<hbm>>
    tpu.enqueue_indirect_dma source(%dma_start3A_72 : memref<10000x128xf32, #tpu.memory_space<hbm>>) target(%dma_start3A_66 : memref<125x128xf32, #tpu.memory_space<vmem>>) offsets(%dma_start3A_69 : memref<125xi32, #tpu.memory_space<vmem>>) semaphore(%arg13 : memref<!tpu.dma_semaphore, #tpu.memory_space<semaphore_mem>>)
    %dma_start3A_73 = arith.constant 1 : i32
    %dma_start3A_74 = arith.constant 1 : i32
    %dma_start3A_75 = arith.constant 0 : i32
    %dma_start3A_76 = arith.constant 0 : i32
    %dma_start3A_77 = tpu.memref_slice %arg11[%dma_start3A_74, %dma_start3A_75, %dma_start3A_76] : memref<2x125x128xf32, #tpu.memory_space<vmem>> -> memref<1x125x128xf32, #tpu.memory_space<vmem>>
    %dma_start3A_78 = tpu.memref_squeeze %dma_start3A_77 : memref<1x125x128xf32, #tpu.memory_space<vmem>> -> memref<125x128xf32, #tpu.memory_space<vmem>>
    %dma_start3A_79 = arith.constant 0 : i32
    %dma_start3A_80 = tpu.memref_slice %arg7[%dma_start3A_73, %dma_start3A_79] : memref<16x125xi32, #tpu.memory_space<vmem>> -> memref<1x125xi32, #tpu.memory_space<vmem>>
    %dma_start3A_81 = tpu.memref_squeeze %dma_start3A_80 : memref<1x125xi32, #tpu.memory_space<vmem>> -> memref<125xi32, #tpu.memory_space<vmem>>
    %dma_start3A_82 = arith.constant 0 : i32
    %dma_start3A_83 = arith.constant 0 : i32
    %dma_start3A_84 = tpu.memref_slice %arg2[%dma_start3A_82, %dma_start3A_83] : memref<10000x128xf32, #tpu.memory_space<hbm>> -> memref<10000x128xf32, #tpu.memory_space<hbm>>
    tpu.enqueue_indirect_dma source(%dma_start3A_84 : memref<10000x128xf32, #tpu.memory_space<hbm>>) target(%dma_start3A_78 : memref<125x128xf32, #tpu.memory_space<vmem>>) offsets(%dma_start3A_81 : memref<125xi32, #tpu.memory_space<vmem>>) semaphore(%arg14 : memref<!tpu.dma_semaphore, #tpu.memory_space<semaphore_mem>>)
    %lt3A = arith.constant 15 : i32
    %lt3A_85 = arith.cmpi slt, %arg1, %lt3A : i32
    %convert_element_type3A = arith.extui %lt3A_85 : i1 to i32
    %cond3A = arith.constant 0 : i32
    %cond3A_86 = arith.cmpi ne, %convert_element_type3A, %cond3A : i32
    scf.if %cond3A_86 {
      "tpu.region"() ({
        %run_scoped3A_498 = tpu.sem_alloc : memref<!tpu.dma_semaphore, #tpu.memory_space<semaphore_mem>>
        %dma_start3A_499 = arith.constant 0 : i32
        %dma_start3A_500 = tpu.memref_slice %arg12[%multiple_of3A, %dma_start3A_499] : memref<10000x128xf32, #tpu.memory_space<vmem_shared>> -> memref<632x128xf32, #tpu.memory_space<vmem_shared>>
        %dma_start3A_501 = arith.constant 0 : i32
        %dma_start3A_502 = tpu.memref_slice %arg2[%multiple_of3A, %dma_start3A_501] : memref<10000x128xf32, #tpu.memory_space<hbm>> -> memref<632x128xf32, #tpu.memory_space<hbm>>
        tpu.enqueue_dma source(%dma_start3A_502 : memref<632x128xf32, #tpu.memory_space<hbm>>) target(%dma_start3A_500 : memref<632x128xf32, #tpu.memory_space<vmem_shared>>) target_semaphore(%run_scoped3A_498 : memref<!tpu.dma_semaphore, #tpu.memory_space<semaphore_mem>>)
        %dma_wait3A_503 = arith.constant 0 : i32
        %dma_wait3A_504 = tpu.memref_slice %arg12[%multiple_of3A, %dma_wait3A_503] : memref<10000x128xf32, #tpu.memory_space<vmem_shared>> -> memref<632x128xf32, #tpu.memory_space<vmem_shared>>
        %dma_wait3A_505 = arith.constant 0 : i32
        %dma_wait3A_506 = tpu.memref_slice %arg2[%multiple_of3A, %dma_wait3A_505] : memref<10000x128xf32, #tpu.memory_space<hbm>> -> memref<632x128xf32, #tpu.memory_space<hbm>>
        tpu.wait_dma2 semaphore(%run_scoped3A_498 : memref<!tpu.dma_semaphore, #tpu.memory_space<semaphore_mem>>) src(%dma_wait3A_506 : memref<632x128xf32, #tpu.memory_space<hbm>>) dst(%dma_wait3A_504 : memref<632x128xf32, #tpu.memory_space<vmem_shared>>)
        tpu.yield
      }) : () -> ()
    } else {
    }
    %eq3A = arith.constant 15 : i32
    %eq3A_87 = arith.cmpi eq, %arg1, %eq3A : i32
    %convert_element_type3A_88 = arith.extui %eq3A_87 : i1 to i32
    %cond3A_89 = arith.constant 0 : i32
    %cond3A_90 = arith.cmpi ne, %convert_element_type3A_88, %cond3A_89 : i32
    scf.if %cond3A_90 {
      "tpu.region"() ({
        %run_scoped3A_498 = tpu.sem_alloc : memref<!tpu.dma_semaphore, #tpu.memory_space<semaphore_mem>>
        %dma_start3A_499 = arith.constant 0 : i32
        %dma_start3A_500 = tpu.memref_slice %arg12[%multiple_of3A, %dma_start3A_499] : memref<10000x128xf32, #tpu.memory_space<vmem_shared>> -> memref<520x128xf32, #tpu.memory_space<vmem_shared>>
        %dma_start3A_501 = arith.constant 0 : i32
        %dma_start3A_502 = tpu.memref_slice %arg2[%multiple_of3A, %dma_start3A_501] : memref<10000x128xf32, #tpu.memory_space<hbm>> -> memref<520x128xf32, #tpu.memory_space<hbm>>
        tpu.enqueue_dma source(%dma_start3A_502 : memref<520x128xf32, #tpu.memory_space<hbm>>) target(%dma_start3A_500 : memref<520x128xf32, #tpu.memory_space<vmem_shared>>) target_semaphore(%run_scoped3A_498 : memref<!tpu.dma_semaphore, #tpu.memory_space<semaphore_mem>>)
        %dma_wait3A_503 = arith.constant 0 : i32
        %dma_wait3A_504 = tpu.memref_slice %arg12[%multiple_of3A, %dma_wait3A_503] : memref<10000x128xf32, #tpu.memory_space<vmem_shared>> -> memref<520x128xf32, #tpu.memory_space<vmem_shared>>
        %dma_wait3A_505 = arith.constant 0 : i32
        %dma_wait3A_506 = tpu.memref_slice %arg2[%multiple_of3A, %dma_wait3A_505] : memref<10000x128xf32, #tpu.memory_space<hbm>> -> memref<520x128xf32, #tpu.memory_space<hbm>>
        tpu.wait_dma2 semaphore(%run_scoped3A_498 : memref<!tpu.dma_semaphore, #tpu.memory_space<semaphore_mem>>) src(%dma_wait3A_506 : memref<520x128xf32, #tpu.memory_space<hbm>>) dst(%dma_wait3A_504 : memref<520x128xf32, #tpu.memory_space<vmem_shared>>)
        tpu.yield
      }) : () -> ()
    } else {
    }
    %barrier3A = arith.constant 0 : index
    tpu.barrier barrier_id(%barrier3A)
    %scan3A = arith.constant 0 : i32
    %scan3A_91 = arith.constant 0 : i32
    %scan3A_92 = arith.constant 7 : i32
    %scan3A_93 = arith.addi %scan3A_91, %scan3A_92 : i32
    %scan3A_94 = arith.constant 1 : i32
    scf.for %scan3A_498 = %scan3A_91 to %scan3A_93 step %scan3A_94  : i32 {
      %mul3A_499 = arith.constant 2 : i32
      %mul3A_500 = arith.muli %mul3A_499, %scan3A_498 : i32
      %dma_wait3A_501 = arith.constant 0 : i32
      %dma_wait3A_502 = arith.constant 0 : i32
      %dma_wait3A_503 = arith.constant 0 : i32
      %dma_wait3A_504 = arith.constant 0 : i32
      %dma_wait3A_505 = tpu.memref_slice %arg11[%dma_wait3A_502, %dma_wait3A_503, %dma_wait3A_504] : memref<2x125x128xf32, #tpu.memory_space<vmem>> -> memref<1x125x128xf32, #tpu.memory_space<vmem>>
      %dma_wait3A_506 = tpu.memref_squeeze %dma_wait3A_505 : memref<1x125x128xf32, #tpu.memory_space<vmem>> -> memref<125x128xf32, #tpu.memory_space<vmem>>
      %dma_wait3A_507 = arith.constant 0 : i32
      %dma_wait3A_508 = tpu.memref_slice %arg7[%dma_wait3A_501, %dma_wait3A_507] : memref<16x125xi32, #tpu.memory_space<vmem>> -> memref<1x125xi32, #tpu.memory_space<vmem>>
      %dma_wait3A_509 = tpu.memref_squeeze %dma_wait3A_508 : memref<1x125xi32, #tpu.memory_space<vmem>> -> memref<125xi32, #tpu.memory_space<vmem>>
      %dma_wait3A_510 = arith.constant 0 : i32
      %dma_wait3A_511 = arith.constant 0 : i32
      %dma_wait3A_512 = tpu.memref_slice %arg2[%dma_wait3A_510, %dma_wait3A_511] : memref<10000x128xf32, #tpu.memory_space<hbm>> -> memref<10000x128xf32, #tpu.memory_space<hbm>>
      tpu.wait_indirect_dma semaphore(%arg13 : memref<!tpu.dma_semaphore, #tpu.memory_space<semaphore_mem>>) src(%dma_wait3A_512 : memref<10000x128xf32, #tpu.memory_space<hbm>>) dst(%dma_wait3A_506 : memref<125x128xf32, #tpu.memory_space<vmem>>)
      %run_scoped3A_513 = arith.constant 0 : i32
      "tpu.region"() ({
        %run_scoped3A_555 = tpu.sem_alloc : memref<!tpu.dma_semaphore, #tpu.memory_space<semaphore_mem>>
        %dma_start3A_556 = arith.constant 0 : i32
        %dma_start3A_557 = arith.constant 0 : i32
        %dma_start3A_558 = tpu.memref_slice %arg11[%run_scoped3A_513, %dma_start3A_556, %dma_start3A_557] : memref<2x125x128xf32, #tpu.memory_space<vmem>> -> memref<1x125x128xf32, #tpu.memory_space<vmem>>
        %dma_start3A_559 = tpu.memref_squeeze %dma_start3A_558 : memref<1x125x128xf32, #tpu.memory_space<vmem>> -> memref<125x128xf32, #tpu.memory_space<vmem>>
        %dma_start3A_560 = arith.constant 0 : i32
        %dma_start3A_561 = tpu.memref_slice %arg9[%mul3A_500, %dma_start3A_560] : memref<16x125xi32, #tpu.memory_space<vmem>> -> memref<1x125xi32, #tpu.memory_space<vmem>>
        %dma_start3A_562 = tpu.memref_squeeze %dma_start3A_561 : memref<1x125xi32, #tpu.memory_space<vmem>> -> memref<125xi32, #tpu.memory_space<vmem>>
        %dma_start3A_563 = arith.constant 0 : i32
        %dma_start3A_564 = arith.constant 0 : i32
        %dma_start3A_565 = tpu.memref_slice %arg12[%dma_start3A_563, %dma_start3A_564] : memref<10000x128xf32, #tpu.memory_space<vmem_shared>> -> memref<10000x128xf32, #tpu.memory_space<vmem_shared>>
        tpu.enqueue_indirect_dma source(%dma_start3A_559 : memref<125x128xf32, #tpu.memory_space<vmem>>) target(%dma_start3A_565 : memref<10000x128xf32, #tpu.memory_space<vmem_shared>>) offsets(%dma_start3A_562 : memref<125xi32, #tpu.memory_space<vmem>>) semaphore(%run_scoped3A_555 : memref<!tpu.dma_semaphore, #tpu.memory_space<semaphore_mem>>) {add = true}
        %dma_wait3A_566 = arith.constant 0 : i32
        %dma_wait3A_567 = arith.constant 0 : i32
        %dma_wait3A_568 = tpu.memref_slice %arg11[%run_scoped3A_513, %dma_wait3A_566, %dma_wait3A_567] : memref<2x125x128xf32, #tpu.memory_space<vmem>> -> memref<1x125x128xf32, #tpu.memory_space<vmem>>
        %dma_wait3A_569 = tpu.memref_squeeze %dma_wait3A_568 : memref<1x125x128xf32, #tpu.memory_space<vmem>> -> memref<125x128xf32, #tpu.memory_space<vmem>>
        %dma_wait3A_570 = arith.constant 0 : i32
        %dma_wait3A_571 = tpu.memref_slice %arg9[%mul3A_500, %dma_wait3A_570] : memref<16x125xi32, #tpu.memory_space<vmem>> -> memref<1x125xi32, #tpu.memory_space<vmem>>
        %dma_wait3A_572 = tpu.memref_squeeze %dma_wait3A_571 : memref<1x125xi32, #tpu.memory_space<vmem>> -> memref<125xi32, #tpu.memory_space<vmem>>
        %dma_wait3A_573 = arith.constant 0 : i32
        %dma_wait3A_574 = arith.constant 0 : i32
        %dma_wait3A_575 = tpu.memref_slice %arg12[%dma_wait3A_573, %dma_wait3A_574] : memref<10000x128xf32, #tpu.memory_space<vmem_shared>> -> memref<10000x128xf32, #tpu.memory_space<vmem_shared>>
        tpu.wait_indirect_dma semaphore(%run_scoped3A_555 : memref<!tpu.dma_semaphore, #tpu.memory_space<semaphore_mem>>) src(%dma_wait3A_569 : memref<125x128xf32, #tpu.memory_space<vmem>>) dst(%dma_wait3A_575 : memref<10000x128xf32, #tpu.memory_space<vmem_shared>>)
        tpu.yield
      }) : () -> ()
      %add3A_514 = arith.constant 2 : i32
      %add3A_515 = arith.addi %mul3A_500, %add3A_514 : i32
      %dma_start3A_516 = arith.constant 0 : i32
      %dma_start3A_517 = arith.constant 0 : i32
      %dma_start3A_518 = arith.constant 0 : i32
      %dma_start3A_519 = tpu.memref_slice %arg11[%dma_start3A_516, %dma_start3A_517, %dma_start3A_518] : memref<2x125x128xf32, #tpu.memory_space<vmem>> -> memref<1x125x128xf32, #tpu.memory_space<vmem>>
      %dma_start3A_520 = tpu.memref_squeeze %dma_start3A_519 : memref<1x125x128xf32, #tpu.memory_space<vmem>> -> memref<125x128xf32, #tpu.memory_space<vmem>>
      %dma_start3A_521 = arith.constant 0 : i32
      %dma_start3A_522 = tpu.memref_slice %arg7[%add3A_515, %dma_start3A_521] : memref<16x125xi32, #tpu.memory_space<vmem>> -> memref<1x125xi32, #tpu.memory_space<vmem>>
      %dma_start3A_523 = tpu.memref_squeeze %dma_start3A_522 : memref<1x125xi32, #tpu.memory_space<vmem>> -> memref<125xi32, #tpu.memory_space<vmem>>
      %dma_start3A_524 = arith.constant 0 : i32
      %dma_start3A_525 = arith.constant 0 : i32
      %dma_start3A_526 = tpu.memref_slice %arg2[%dma_start3A_524, %dma_start3A_525] : memref<10000x128xf32, #tpu.memory_space<hbm>> -> memref<10000x128xf32, #tpu.memory_space<hbm>>
      tpu.enqueue_indirect_dma source(%dma_start3A_526 : memref<10000x128xf32, #tpu.memory_space<hbm>>) target(%dma_start3A_520 : memref<125x128xf32, #tpu.memory_space<vmem>>) offsets(%dma_start3A_523 : memref<125xi32, #tpu.memory_space<vmem>>) semaphore(%arg13 : memref<!tpu.dma_semaphore, #tpu.memory_space<semaphore_mem>>)
      %dma_wait3A_527 = arith.constant 0 : i32
      %dma_wait3A_528 = arith.constant 1 : i32
      %dma_wait3A_529 = arith.constant 0 : i32
      %dma_wait3A_530 = arith.constant 0 : i32
      %dma_wait3A_531 = tpu.memref_slice %arg11[%dma_wait3A_528, %dma_wait3A_529, %dma_wait3A_530] : memref<2x125x128xf32, #tpu.memory_space<vmem>> -> memref<1x125x128xf32, #tpu.memory_space<vmem>>
      %dma_wait3A_532 = tpu.memref_squeeze %dma_wait3A_531 : memref<1x125x128xf32, #tpu.memory_space<vmem>> -> memref<125x128xf32, #tpu.memory_space<vmem>>
      %dma_wait3A_533 = arith.constant 0 : i32
      %dma_wait3A_534 = tpu.memref_slice %arg7[%dma_wait3A_527, %dma_wait3A_533] : memref<16x125xi32, #tpu.memory_space<vmem>> -> memref<1x125xi32, #tpu.memory_space<vmem>>
      %dma_wait3A_535 = tpu.memref_squeeze %dma_wait3A_534 : memref<1x125xi32, #tpu.memory_space<vmem>> -> memref<125xi32, #tpu.memory_space<vmem>>
      %dma_wait3A_536 = arith.constant 0 : i32
      %dma_wait3A_537 = arith.constant 0 : i32
      %dma_wait3A_538 = tpu.memref_slice %arg2[%dma_wait3A_536, %dma_wait3A_537] : memref<10000x128xf32, #tpu.memory_space<hbm>> -> memref<10000x128xf32, #tpu.memory_space<hbm>>
      tpu.wait_indirect_dma semaphore(%arg14 : memref<!tpu.dma_semaphore, #tpu.memory_space<semaphore_mem>>) src(%dma_wait3A_538 : memref<10000x128xf32, #tpu.memory_space<hbm>>) dst(%dma_wait3A_532 : memref<125x128xf32, #tpu.memory_space<vmem>>)
      %add3A_539 = arith.constant 1 : i32
      %add3A_540 = arith.addi %mul3A_500, %add3A_539 : i32
      %run_scoped3A_541 = arith.constant 1 : i32
      "tpu.region"() ({
        %run_scoped3A_555 = tpu.sem_alloc : memref<!tpu.dma_semaphore, #tpu.memory_space<semaphore_mem>>
        %dma_start3A_556 = arith.constant 0 : i32
        %dma_start3A_557 = arith.constant 0 : i32
        %dma_start3A_558 = tpu.memref_slice %arg11[%run_scoped3A_541, %dma_start3A_556, %dma_start3A_557] : memref<2x125x128xf32, #tpu.memory_space<vmem>> -> memref<1x125x128xf32, #tpu.memory_space<vmem>>
        %dma_start3A_559 = tpu.memref_squeeze %dma_start3A_558 : memref<1x125x128xf32, #tpu.memory_space<vmem>> -> memref<125x128xf32, #tpu.memory_space<vmem>>
        %dma_start3A_560 = arith.constant 0 : i32
        %dma_start3A_561 = tpu.memref_slice %arg9[%add3A_540, %dma_start3A_560] : memref<16x125xi32, #tpu.memory_space<vmem>> -> memref<1x125xi32, #tpu.memory_space<vmem>>
        %dma_start3A_562 = tpu.memref_squeeze %dma_start3A_561 : memref<1x125xi32, #tpu.memory_space<vmem>> -> memref<125xi32, #tpu.memory_space<vmem>>
        %dma_start3A_563 = arith.constant 0 : i32
        %dma_start3A_564 = arith.constant 0 : i32
        %dma_start3A_565 = tpu.memref_slice %arg12[%dma_start3A_563, %dma_start3A_564] : memref<10000x128xf32, #tpu.memory_space<vmem_shared>> -> memref<10000x128xf32, #tpu.memory_space<vmem_shared>>
        tpu.enqueue_indirect_dma source(%dma_start3A_559 : memref<125x128xf32, #tpu.memory_space<vmem>>) target(%dma_start3A_565 : memref<10000x128xf32, #tpu.memory_space<vmem_shared>>) offsets(%dma_start3A_562 : memref<125xi32, #tpu.memory_space<vmem>>) semaphore(%run_scoped3A_555 : memref<!tpu.dma_semaphore, #tpu.memory_space<semaphore_mem>>) {add = true}
        %dma_wait3A_566 = arith.constant 0 : i32
        %dma_wait3A_567 = arith.constant 0 : i32
        %dma_wait3A_568 = tpu.memref_slice %arg11[%run_scoped3A_541, %dma_wait3A_566, %dma_wait3A_567] : memref<2x125x128xf32, #tpu.memory_space<vmem>> -> memref<1x125x128xf32, #tpu.memory_space<vmem>>
        %dma_wait3A_569 = tpu.memref_squeeze %dma_wait3A_568 : memref<1x125x128xf32, #tpu.memory_space<vmem>> -> memref<125x128xf32, #tpu.memory_space<vmem>>
        %dma_wait3A_570 = arith.constant 0 : i32
        %dma_wait3A_571 = tpu.memref_slice %arg9[%add3A_540, %dma_wait3A_570] : memref<16x125xi32, #tpu.memory_space<vmem>> -> memref<1x125xi32, #tpu.memory_space<vmem>>
        %dma_wait3A_572 = tpu.memref_squeeze %dma_wait3A_571 : memref<1x125xi32, #tpu.memory_space<vmem>> -> memref<125xi32, #tpu.memory_space<vmem>>
        %dma_wait3A_573 = arith.constant 0 : i32
        %dma_wait3A_574 = arith.constant 0 : i32
        %dma_wait3A_575 = tpu.memref_slice %arg12[%dma_wait3A_573, %dma_wait3A_574] : memref<10000x128xf32, #tpu.memory_space<vmem_shared>> -> memref<10000x128xf32, #tpu.memory_space<vmem_shared>>
        tpu.wait_indirect_dma semaphore(%run_scoped3A_555 : memref<!tpu.dma_semaphore, #tpu.memory_space<semaphore_mem>>) src(%dma_wait3A_569 : memref<125x128xf32, #tpu.memory_space<vmem>>) dst(%dma_wait3A_575 : memref<10000x128xf32, #tpu.memory_space<vmem_shared>>)
        tpu.yield
      }) : () -> ()
      %add3A_542 = arith.constant 3 : i32
      %add3A_543 = arith.addi %mul3A_500, %add3A_542 : i32
      %dma_start3A_544 = arith.constant 1 : i32
      %dma_start3A_545 = arith.constant 0 : i32
      %dma_start3A_546 = arith.constant 0 : i32
      %dma_start3A_547 = tpu.memref_slice %arg11[%dma_start3A_544, %dma_start3A_545, %dma_start3A_546] : memref<2x125x128xf32, #tpu.memory_space<vmem>> -> memref<1x125x128xf32, #tpu.memory_space<vmem>>
      %dma_start3A_548 = tpu.memref_squeeze %dma_start3A_547 : memref<1x125x128xf32, #tpu.memory_space<vmem>> -> memref<125x128xf32, #tpu.memory_space<vmem>>
      %dma_start3A_549 = arith.constant 0 : i32
      %dma_start3A_550 = tpu.memref_slice %arg7[%add3A_543, %dma_start3A_549] : memref<16x125xi32, #tpu.memory_space<vmem>> -> memref<1x125xi32, #tpu.memory_space<vmem>>
      %dma_start3A_551 = tpu.memref_squeeze %dma_start3A_550 : memref<1x125xi32, #tpu.memory_space<vmem>> -> memref<125xi32, #tpu.memory_space<vmem>>
      %dma_start3A_552 = arith.constant 0 : i32
      %dma_start3A_553 = arith.constant 0 : i32
      %dma_start3A_554 = tpu.memref_slice %arg2[%dma_start3A_552, %dma_start3A_553] : memref<10000x128xf32, #tpu.memory_space<hbm>> -> memref<10000x128xf32, #tpu.memory_space<hbm>>
      tpu.enqueue_indirect_dma source(%dma_start3A_554 : memref<10000x128xf32, #tpu.memory_space<hbm>>) target(%dma_start3A_548 : memref<125x128xf32, #tpu.memory_space<vmem>>) offsets(%dma_start3A_551 : memref<125xi32, #tpu.memory_space<vmem>>) semaphore(%arg14 : memref<!tpu.dma_semaphore, #tpu.memory_space<semaphore_mem>>)
    }
    %scan3A_95 = arith.constant 7 : i32
    %dma_wait3A_96 = arith.constant 0 : i32
    %dma_wait3A_97 = arith.constant 0 : i32
    %dma_wait3A_98 = arith.constant 0 : i32
    %dma_wait3A_99 = arith.constant 0 : i32
    %dma_wait3A_100 = tpu.memref_slice %arg11[%dma_wait3A_97, %dma_wait3A_98, %dma_wait3A_99] : memref<2x125x128xf32, #tpu.memory_space<vmem>> -> memref<1x125x128xf32, #tpu.memory_space<vmem>>
    %dma_wait3A_101 = tpu.memref_squeeze %dma_wait3A_100 : memref<1x125x128xf32, #tpu.memory_space<vmem>> -> memref<125x128xf32, #tpu.memory_space<vmem>>
    %dma_wait3A_102 = arith.constant 0 : i32
    %dma_wait3A_103 = tpu.memref_slice %arg7[%dma_wait3A_96, %dma_wait3A_102] : memref<16x125xi32, #tpu.memory_space<vmem>> -> memref<1x125xi32, #tpu.memory_space<vmem>>
    %dma_wait3A_104 = tpu.memref_squeeze %dma_wait3A_103 : memref<1x125xi32, #tpu.memory_space<vmem>> -> memref<125xi32, #tpu.memory_space<vmem>>
    %dma_wait3A_105 = arith.constant 0 : i32
    %dma_wait3A_106 = arith.constant 0 : i32
    %dma_wait3A_107 = tpu.memref_slice %arg2[%dma_wait3A_105, %dma_wait3A_106] : memref<10000x128xf32, #tpu.memory_space<hbm>> -> memref<10000x128xf32, #tpu.memory_space<hbm>>
    tpu.wait_indirect_dma semaphore(%arg13 : memref<!tpu.dma_semaphore, #tpu.memory_space<semaphore_mem>>) src(%dma_wait3A_107 : memref<10000x128xf32, #tpu.memory_space<hbm>>) dst(%dma_wait3A_101 : memref<125x128xf32, #tpu.memory_space<vmem>>)
    %run_scoped3A = arith.constant 0 : i32
    %run_scoped3A_108 = arith.constant 14 : i32
    "tpu.region"() ({
      %run_scoped3A_498 = tpu.sem_alloc : memref<!tpu.dma_semaphore, #tpu.memory_space<semaphore_mem>>
      %dma_start3A_499 = arith.constant 0 : i32
      %dma_start3A_500 = arith.constant 0 : i32
      %dma_start3A_501 = tpu.memref_slice %arg11[%run_scoped3A, %dma_start3A_499, %dma_start3A_500] : memref<2x125x128xf32, #tpu.memory_space<vmem>> -> memref<1x125x128xf32, #tpu.memory_space<vmem>>
      %dma_start3A_502 = tpu.memref_squeeze %dma_start3A_501 : memref<1x125x128xf32, #tpu.memory_space<vmem>> -> memref<125x128xf32, #tpu.memory_space<vmem>>
      %dma_start3A_503 = arith.constant 0 : i32
      %dma_start3A_504 = tpu.memref_slice %arg9[%run_scoped3A_108, %dma_start3A_503] : memref<16x125xi32, #tpu.memory_space<vmem>> -> memref<1x125xi32, #tpu.memory_space<vmem>>
      %dma_start3A_505 = tpu.memref_squeeze %dma_start3A_504 : memref<1x125xi32, #tpu.memory_space<vmem>> -> memref<125xi32, #tpu.memory_space<vmem>>
      %dma_start3A_506 = arith.constant 0 : i32
      %dma_start3A_507 = arith.constant 0 : i32
      %dma_start3A_508 = tpu.memref_slice %arg12[%dma_start3A_506, %dma_start3A_507] : memref<10000x128xf32, #tpu.memory_space<vmem_shared>> -> memref<10000x128xf32, #tpu.memory_space<vmem_shared>>
      tpu.enqueue_indirect_dma source(%dma_start3A_502 : memref<125x128xf32, #tpu.memory_space<vmem>>) target(%dma_start3A_508 : memref<10000x128xf32, #tpu.memory_space<vmem_shared>>) offsets(%dma_start3A_505 : memref<125xi32, #tpu.memory_space<vmem>>) semaphore(%run_scoped3A_498 : memref<!tpu.dma_semaphore, #tpu.memory_space<semaphore_mem>>) {add = true}
      %dma_wait3A_509 = arith.constant 0 : i32
      %dma_wait3A_510 = arith.constant 0 : i32
      %dma_wait3A_511 = tpu.memref_slice %arg11[%run_scoped3A, %dma_wait3A_509, %dma_wait3A_510] : memref<2x125x128xf32, #tpu.memory_space<vmem>> -> memref<1x125x128xf32, #tpu.memory_space<vmem>>
      %dma_wait3A_512 = tpu.memref_squeeze %dma_wait3A_511 : memref<1x125x128xf32, #tpu.memory_space<vmem>> -> memref<125x128xf32, #tpu.memory_space<vmem>>
      %dma_wait3A_513 = arith.constant 0 : i32
      %dma_wait3A_514 = tpu.memref_slice %arg9[%run_scoped3A_108, %dma_wait3A_513] : memref<16x125xi32, #tpu.memory_space<vmem>> -> memref<1x125xi32, #tpu.memory_space<vmem>>
      %dma_wait3A_515 = tpu.memref_squeeze %dma_wait3A_514 : memref<1x125xi32, #tpu.memory_space<vmem>> -> memref<125xi32, #tpu.memory_space<vmem>>
      %dma_wait3A_516 = arith.constant 0 : i32
      %dma_wait3A_517 = arith.constant 0 : i32
      %dma_wait3A_518 = tpu.memref_slice %arg12[%dma_wait3A_516, %dma_wait3A_517] : memref<10000x128xf32, #tpu.memory_space<vmem_shared>> -> memref<10000x128xf32, #tpu.memory_space<vmem_shared>>
      tpu.wait_indirect_dma semaphore(%run_scoped3A_498 : memref<!tpu.dma_semaphore, #tpu.memory_space<semaphore_mem>>) src(%dma_wait3A_512 : memref<125x128xf32, #tpu.memory_space<vmem>>) dst(%dma_wait3A_518 : memref<10000x128xf32, #tpu.memory_space<vmem_shared>>)
      tpu.yield
    }) : () -> ()
    %dma_wait3A_109 = arith.constant 0 : i32
    %dma_wait3A_110 = arith.constant 0 : i32
    %dma_wait3A_111 = arith.constant 0 : i32
    %dma_wait3A_112 = tpu.memref_slice %arg3[%dma_wait3A_109, %dma_wait3A_110, %dma_wait3A_111] : memref<160x16x125xi32, #tpu.memory_space<hbm>> -> memref<1x16x125xi32, #tpu.memory_space<hbm>>
    %dma_wait3A_113 = tpu.memref_squeeze %dma_wait3A_112 : memref<1x16x125xi32, #tpu.memory_space<hbm>> -> memref<16x125xi32, #tpu.memory_space<hbm>>
    %dma_wait3A_114 = arith.constant 0 : i32
    %dma_wait3A_115 = arith.constant 0 : i32
    %dma_wait3A_116 = tpu.memref_slice %arg3[%dma_wait3A_109, %dma_wait3A_114, %dma_wait3A_115] : memref<160x16x125xi32, #tpu.memory_space<hbm>> -> memref<1x16x125xi32, #tpu.memory_space<hbm>>
    %dma_wait3A_117 = tpu.memref_squeeze %dma_wait3A_116 : memref<1x16x125xi32, #tpu.memory_space<hbm>> -> memref<16x125xi32, #tpu.memory_space<hbm>>
    tpu.wait_dma2 semaphore(%arg16 : memref<!tpu.dma_semaphore, #tpu.memory_space<semaphore_mem>>) src(%dma_wait3A_117 : memref<16x125xi32, #tpu.memory_space<hbm>>) dst(%arg8 : memref<16x125xi32, #tpu.memory_space<vmem>>)
    %dma_wait3A_118 = arith.constant 0 : i32
    %dma_wait3A_119 = arith.constant 0 : i32
    %dma_wait3A_120 = arith.constant 0 : i32
    %dma_wait3A_121 = tpu.memref_slice %arg3[%dma_wait3A_118, %dma_wait3A_119, %dma_wait3A_120] : memref<160x16x125xi32, #tpu.memory_space<hbm>> -> memref<1x16x125xi32, #tpu.memory_space<hbm>>
    %dma_wait3A_122 = tpu.memref_squeeze %dma_wait3A_121 : memref<1x16x125xi32, #tpu.memory_space<hbm>> -> memref<16x125xi32, #tpu.memory_space<hbm>>
    %dma_wait3A_123 = arith.constant 0 : i32
    %dma_wait3A_124 = arith.constant 0 : i32
    %dma_wait3A_125 = tpu.memref_slice %arg3[%dma_wait3A_118, %dma_wait3A_123, %dma_wait3A_124] : memref<160x16x125xi32, #tpu.memory_space<hbm>> -> memref<1x16x125xi32, #tpu.memory_space<hbm>>
    %dma_wait3A_126 = tpu.memref_squeeze %dma_wait3A_125 : memref<1x16x125xi32, #tpu.memory_space<hbm>> -> memref<16x125xi32, #tpu.memory_space<hbm>>
    tpu.wait_dma2 semaphore(%arg16 : memref<!tpu.dma_semaphore, #tpu.memory_space<semaphore_mem>>) src(%dma_wait3A_126 : memref<16x125xi32, #tpu.memory_space<hbm>>) dst(%arg10 : memref<16x125xi32, #tpu.memory_space<vmem>>)
    %dma_start3A_127 = arith.constant 0 : i32
    %dma_start3A_128 = arith.constant 0 : i32
    %dma_start3A_129 = arith.constant 0 : i32
    %dma_start3A_130 = arith.constant 0 : i32
    %dma_start3A_131 = tpu.memref_slice %arg11[%dma_start3A_128, %dma_start3A_129, %dma_start3A_130] : memref<2x125x128xf32, #tpu.memory_space<vmem>> -> memref<1x125x128xf32, #tpu.memory_space<vmem>>
    %dma_start3A_132 = tpu.memref_squeeze %dma_start3A_131 : memref<1x125x128xf32, #tpu.memory_space<vmem>> -> memref<125x128xf32, #tpu.memory_space<vmem>>
    %dma_start3A_133 = arith.constant 0 : i32
    %dma_start3A_134 = tpu.memref_slice %arg8[%dma_start3A_127, %dma_start3A_133] : memref<16x125xi32, #tpu.memory_space<vmem>> -> memref<1x125xi32, #tpu.memory_space<vmem>>
    %dma_start3A_135 = tpu.memref_squeeze %dma_start3A_134 : memref<1x125xi32, #tpu.memory_space<vmem>> -> memref<125xi32, #tpu.memory_space<vmem>>
    %dma_start3A_136 = arith.constant 0 : i32
    %dma_start3A_137 = arith.constant 0 : i32
    %dma_start3A_138 = tpu.memref_slice %arg2[%dma_start3A_136, %dma_start3A_137] : memref<10000x128xf32, #tpu.memory_space<hbm>> -> memref<10000x128xf32, #tpu.memory_space<hbm>>
    tpu.enqueue_indirect_dma source(%dma_start3A_138 : memref<10000x128xf32, #tpu.memory_space<hbm>>) target(%dma_start3A_132 : memref<125x128xf32, #tpu.memory_space<vmem>>) offsets(%dma_start3A_135 : memref<125xi32, #tpu.memory_space<vmem>>) semaphore(%arg13 : memref<!tpu.dma_semaphore, #tpu.memory_space<semaphore_mem>>)
    %dma_wait3A_139 = arith.constant 0 : i32
    %dma_wait3A_140 = arith.constant 1 : i32
    %dma_wait3A_141 = arith.constant 0 : i32
    %dma_wait3A_142 = arith.constant 0 : i32
    %dma_wait3A_143 = tpu.memref_slice %arg11[%dma_wait3A_140, %dma_wait3A_141, %dma_wait3A_142] : memref<2x125x128xf32, #tpu.memory_space<vmem>> -> memref<1x125x128xf32, #tpu.memory_space<vmem>>
    %dma_wait3A_144 = tpu.memref_squeeze %dma_wait3A_143 : memref<1x125x128xf32, #tpu.memory_space<vmem>> -> memref<125x128xf32, #tpu.memory_space<vmem>>
    %dma_wait3A_145 = arith.constant 0 : i32
    %dma_wait3A_146 = tpu.memref_slice %arg7[%dma_wait3A_139, %dma_wait3A_145] : memref<16x125xi32, #tpu.memory_space<vmem>> -> memref<1x125xi32, #tpu.memory_space<vmem>>
    %dma_wait3A_147 = tpu.memref_squeeze %dma_wait3A_146 : memref<1x125xi32, #tpu.memory_space<vmem>> -> memref<125xi32, #tpu.memory_space<vmem>>
    %dma_wait3A_148 = arith.constant 0 : i32
    %dma_wait3A_149 = arith.constant 0 : i32
    %dma_wait3A_150 = tpu.memref_slice %arg2[%dma_wait3A_148, %dma_wait3A_149] : memref<10000x128xf32, #tpu.memory_space<hbm>> -> memref<10000x128xf32, #tpu.memory_space<hbm>>
    tpu.wait_indirect_dma semaphore(%arg14 : memref<!tpu.dma_semaphore, #tpu.memory_space<semaphore_mem>>) src(%dma_wait3A_150 : memref<10000x128xf32, #tpu.memory_space<hbm>>) dst(%dma_wait3A_144 : memref<125x128xf32, #tpu.memory_space<vmem>>)
    %run_scoped3A_151 = arith.constant 1 : i32
    %run_scoped3A_152 = arith.constant 15 : i32
    "tpu.region"() ({
      %run_scoped3A_498 = tpu.sem_alloc : memref<!tpu.dma_semaphore, #tpu.memory_space<semaphore_mem>>
      %dma_start3A_499 = arith.constant 0 : i32
      %dma_start3A_500 = arith.constant 0 : i32
      %dma_start3A_501 = tpu.memref_slice %arg11[%run_scoped3A_151, %dma_start3A_499, %dma_start3A_500] : memref<2x125x128xf32, #tpu.memory_space<vmem>> -> memref<1x125x128xf32, #tpu.memory_space<vmem>>
      %dma_start3A_502 = tpu.memref_squeeze %dma_start3A_501 : memref<1x125x128xf32, #tpu.memory_space<vmem>> -> memref<125x128xf32, #tpu.memory_space<vmem>>
      %dma_start3A_503 = arith.constant 0 : i32
      %dma_start3A_504 = tpu.memref_slice %arg9[%run_scoped3A_152, %dma_start3A_503] : memref<16x125xi32, #tpu.memory_space<vmem>> -> memref<1x125xi32, #tpu.memory_space<vmem>>
      %dma_start3A_505 = tpu.memref_squeeze %dma_start3A_504 : memref<1x125xi32, #tpu.memory_space<vmem>> -> memref<125xi32, #tpu.memory_space<vmem>>
      %dma_start3A_506 = arith.constant 0 : i32
      %dma_start3A_507 = arith.constant 0 : i32
      %dma_start3A_508 = tpu.memref_slice %arg12[%dma_start3A_506, %dma_start3A_507] : memref<10000x128xf32, #tpu.memory_space<vmem_shared>> -> memref<10000x128xf32, #tpu.memory_space<vmem_shared>>
      tpu.enqueue_indirect_dma source(%dma_start3A_502 : memref<125x128xf32, #tpu.memory_space<vmem>>) target(%dma_start3A_508 : memref<10000x128xf32, #tpu.memory_space<vmem_shared>>) offsets(%dma_start3A_505 : memref<125xi32, #tpu.memory_space<vmem>>) semaphore(%run_scoped3A_498 : memref<!tpu.dma_semaphore, #tpu.memory_space<semaphore_mem>>) {add = true}
      %dma_wait3A_509 = arith.constant 0 : i32
      %dma_wait3A_510 = arith.constant 0 : i32
      %dma_wait3A_511 = tpu.memref_slice %arg11[%run_scoped3A_151, %dma_wait3A_509, %dma_wait3A_510] : memref<2x125x128xf32, #tpu.memory_space<vmem>> -> memref<1x125x128xf32, #tpu.memory_space<vmem>>
      %dma_wait3A_512 = tpu.memref_squeeze %dma_wait3A_511 : memref<1x125x128xf32, #tpu.memory_space<vmem>> -> memref<125x128xf32, #tpu.memory_space<vmem>>
      %dma_wait3A_513 = arith.constant 0 : i32
      %dma_wait3A_514 = tpu.memref_slice %arg9[%run_scoped3A_152, %dma_wait3A_513] : memref<16x125xi32, #tpu.memory_space<vmem>> -> memref<1x125xi32, #tpu.memory_space<vmem>>
      %dma_wait3A_515 = tpu.memref_squeeze %dma_wait3A_514 : memref<1x125xi32, #tpu.memory_space<vmem>> -> memref<125xi32, #tpu.memory_space<vmem>>
      %dma_wait3A_516 = arith.constant 0 : i32
      %dma_wait3A_517 = arith.constant 0 : i32
      %dma_wait3A_518 = tpu.memref_slice %arg12[%dma_wait3A_516, %dma_wait3A_517] : memref<10000x128xf32, #tpu.memory_space<vmem_shared>> -> memref<10000x128xf32, #tpu.memory_space<vmem_shared>>
      tpu.wait_indirect_dma semaphore(%run_scoped3A_498 : memref<!tpu.dma_semaphore, #tpu.memory_space<semaphore_mem>>) src(%dma_wait3A_512 : memref<125x128xf32, #tpu.memory_space<vmem>>) dst(%dma_wait3A_518 : memref<10000x128xf32, #tpu.memory_space<vmem_shared>>)
      tpu.yield
    }) : () -> ()
    %dma_start3A_153 = arith.constant 1 : i32
    %dma_start3A_154 = arith.constant 1 : i32
    %dma_start3A_155 = arith.constant 0 : i32
    %dma_start3A_156 = arith.constant 0 : i32
    %dma_start3A_157 = tpu.memref_slice %arg11[%dma_start3A_154, %dma_start3A_155, %dma_start3A_156] : memref<2x125x128xf32, #tpu.memory_space<vmem>> -> memref<1x125x128xf32, #tpu.memory_space<vmem>>
    %dma_start3A_158 = tpu.memref_squeeze %dma_start3A_157 : memref<1x125x128xf32, #tpu.memory_space<vmem>> -> memref<125x128xf32, #tpu.memory_space<vmem>>
    %dma_start3A_159 = arith.constant 0 : i32
    %dma_start3A_160 = tpu.memref_slice %arg8[%dma_start3A_153, %dma_start3A_159] : memref<16x125xi32, #tpu.memory_space<vmem>> -> memref<1x125xi32, #tpu.memory_space<vmem>>
    %dma_start3A_161 = tpu.memref_squeeze %dma_start3A_160 : memref<1x125xi32, #tpu.memory_space<vmem>> -> memref<125xi32, #tpu.memory_space<vmem>>
    %dma_start3A_162 = arith.constant 0 : i32
    %dma_start3A_163 = arith.constant 0 : i32
    %dma_start3A_164 = tpu.memref_slice %arg2[%dma_start3A_162, %dma_start3A_163] : memref<10000x128xf32, #tpu.memory_space<hbm>> -> memref<10000x128xf32, #tpu.memory_space<hbm>>
    tpu.enqueue_indirect_dma source(%dma_start3A_164 : memref<10000x128xf32, #tpu.memory_space<hbm>>) target(%dma_start3A_158 : memref<125x128xf32, #tpu.memory_space<vmem>>) offsets(%dma_start3A_161 : memref<125xi32, #tpu.memory_space<vmem>>) semaphore(%arg14 : memref<!tpu.dma_semaphore, #tpu.memory_space<semaphore_mem>>)
    %add3A_165 = arith.constant 2 : i32
    %add3A_166 = arith.addi %mul3A_2, %add3A_165 : i32
    %dma_start3A_167 = arith.constant 0 : i32
    %dma_start3A_168 = arith.constant 0 : i32
    %dma_start3A_169 = tpu.memref_slice %arg3[%add3A_166, %dma_start3A_167, %dma_start3A_168] : memref<160x16x125xi32, #tpu.memory_space<hbm>> -> memref<1x16x125xi32, #tpu.memory_space<hbm>>
    %dma_start3A_170 = tpu.memref_squeeze %dma_start3A_169 : memref<1x16x125xi32, #tpu.memory_space<hbm>> -> memref<16x125xi32, #tpu.memory_space<hbm>>
    %dma_start3A_171 = arith.constant 0 : i32
    %dma_start3A_172 = arith.constant 0 : i32
    %dma_start3A_173 = tpu.memref_slice %arg3[%add3A_166, %dma_start3A_171, %dma_start3A_172] : memref<160x16x125xi32, #tpu.memory_space<hbm>> -> memref<1x16x125xi32, #tpu.memory_space<hbm>>
    %dma_start3A_174 = tpu.memref_squeeze %dma_start3A_173 : memref<1x16x125xi32, #tpu.memory_space<hbm>> -> memref<16x125xi32, #tpu.memory_space<hbm>>
    tpu.enqueue_dma source(%dma_start3A_174 : memref<16x125xi32, #tpu.memory_space<hbm>>) target(%arg7 : memref<16x125xi32, #tpu.memory_space<vmem>>) target_semaphore(%arg15 : memref<!tpu.dma_semaphore, #tpu.memory_space<semaphore_mem>>)
    %add3A_175 = arith.constant 2 : i32
    %add3A_176 = arith.addi %mul3A_2, %add3A_175 : i32
    %dma_start3A_177 = arith.constant 0 : i32
    %dma_start3A_178 = arith.constant 0 : i32
    %dma_start3A_179 = tpu.memref_slice %arg4[%add3A_176, %dma_start3A_177, %dma_start3A_178] : memref<160x16x125xi32, #tpu.memory_space<hbm>> -> memref<1x16x125xi32, #tpu.memory_space<hbm>>
    %dma_start3A_180 = tpu.memref_squeeze %dma_start3A_179 : memref<1x16x125xi32, #tpu.memory_space<hbm>> -> memref<16x125xi32, #tpu.memory_space<hbm>>
    %dma_start3A_181 = arith.constant 0 : i32
    %dma_start3A_182 = arith.constant 0 : i32
    %dma_start3A_183 = tpu.memref_slice %arg4[%add3A_176, %dma_start3A_181, %dma_start3A_182] : memref<160x16x125xi32, #tpu.memory_space<hbm>> -> memref<1x16x125xi32, #tpu.memory_space<hbm>>
    %dma_start3A_184 = tpu.memref_squeeze %dma_start3A_183 : memref<1x16x125xi32, #tpu.memory_space<hbm>> -> memref<16x125xi32, #tpu.memory_space<hbm>>
    tpu.enqueue_dma source(%dma_start3A_184 : memref<16x125xi32, #tpu.memory_space<hbm>>) target(%arg9 : memref<16x125xi32, #tpu.memory_space<vmem>>) target_semaphore(%arg15 : memref<!tpu.dma_semaphore, #tpu.memory_space<semaphore_mem>>)
    %scan3A_185 = arith.constant 0 : i32
    %scan3A_186 = arith.constant 0 : i32
    %scan3A_187 = arith.constant 7 : i32
    %scan3A_188 = arith.addi %scan3A_186, %scan3A_187 : i32
    %scan3A_189 = arith.constant 1 : i32
    scf.for %scan3A_498 = %scan3A_186 to %scan3A_188 step %scan3A_189  : i32 {
      %mul3A_499 = arith.constant 2 : i32
      %mul3A_500 = arith.muli %mul3A_499, %scan3A_498 : i32
      %dma_wait3A_501 = arith.constant 0 : i32
      %dma_wait3A_502 = arith.constant 0 : i32
      %dma_wait3A_503 = arith.constant 0 : i32
      %dma_wait3A_504 = arith.constant 0 : i32
      %dma_wait3A_505 = tpu.memref_slice %arg11[%dma_wait3A_502, %dma_wait3A_503, %dma_wait3A_504] : memref<2x125x128xf32, #tpu.memory_space<vmem>> -> memref<1x125x128xf32, #tpu.memory_space<vmem>>
      %dma_wait3A_506 = tpu.memref_squeeze %dma_wait3A_505 : memref<1x125x128xf32, #tpu.memory_space<vmem>> -> memref<125x128xf32, #tpu.memory_space<vmem>>
      %dma_wait3A_507 = arith.constant 0 : i32
      %dma_wait3A_508 = tpu.memref_slice %arg7[%dma_wait3A_501, %dma_wait3A_507] : memref<16x125xi32, #tpu.memory_space<vmem>> -> memref<1x125xi32, #tpu.memory_space<vmem>>
      %dma_wait3A_509 = tpu.memref_squeeze %dma_wait3A_508 : memref<1x125xi32, #tpu.memory_space<vmem>> -> memref<125xi32, #tpu.memory_space<vmem>>
      %dma_wait3A_510 = arith.constant 0 : i32
      %dma_wait3A_511 = arith.constant 0 : i32
      %dma_wait3A_512 = tpu.memref_slice %arg2[%dma_wait3A_510, %dma_wait3A_511] : memref<10000x128xf32, #tpu.memory_space<hbm>> -> memref<10000x128xf32, #tpu.memory_space<hbm>>
      tpu.wait_indirect_dma semaphore(%arg13 : memref<!tpu.dma_semaphore, #tpu.memory_space<semaphore_mem>>) src(%dma_wait3A_512 : memref<10000x128xf32, #tpu.memory_space<hbm>>) dst(%dma_wait3A_506 : memref<125x128xf32, #tpu.memory_space<vmem>>)
      %run_scoped3A_513 = arith.constant 0 : i32
      "tpu.region"() ({
        %run_scoped3A_555 = tpu.sem_alloc : memref<!tpu.dma_semaphore, #tpu.memory_space<semaphore_mem>>
        %dma_start3A_556 = arith.constant 0 : i32
        %dma_start3A_557 = arith.constant 0 : i32
        %dma_start3A_558 = tpu.memref_slice %arg11[%run_scoped3A_513, %dma_start3A_556, %dma_start3A_557] : memref<2x125x128xf32, #tpu.memory_space<vmem>> -> memref<1x125x128xf32, #tpu.memory_space<vmem>>
        %dma_start3A_559 = tpu.memref_squeeze %dma_start3A_558 : memref<1x125x128xf32, #tpu.memory_space<vmem>> -> memref<125x128xf32, #tpu.memory_space<vmem>>
        %dma_start3A_560 = arith.constant 0 : i32
        %dma_start3A_561 = tpu.memref_slice %arg10[%mul3A_500, %dma_start3A_560] : memref<16x125xi32, #tpu.memory_space<vmem>> -> memref<1x125xi32, #tpu.memory_space<vmem>>
        %dma_start3A_562 = tpu.memref_squeeze %dma_start3A_561 : memref<1x125xi32, #tpu.memory_space<vmem>> -> memref<125xi32, #tpu.memory_space<vmem>>
        %dma_start3A_563 = arith.constant 0 : i32
        %dma_start3A_564 = arith.constant 0 : i32
        %dma_start3A_565 = tpu.memref_slice %arg12[%dma_start3A_563, %dma_start3A_564] : memref<10000x128xf32, #tpu.memory_space<vmem_shared>> -> memref<10000x128xf32, #tpu.memory_space<vmem_shared>>
        tpu.enqueue_indirect_dma source(%dma_start3A_559 : memref<125x128xf32, #tpu.memory_space<vmem>>) target(%dma_start3A_565 : memref<10000x128xf32, #tpu.memory_space<vmem_shared>>) offsets(%dma_start3A_562 : memref<125xi32, #tpu.memory_space<vmem>>) semaphore(%run_scoped3A_555 : memref<!tpu.dma_semaphore, #tpu.memory_space<semaphore_mem>>) {add = true}
        %dma_wait3A_566 = arith.constant 0 : i32
        %dma_wait3A_567 = arith.constant 0 : i32
        %dma_wait3A_568 = tpu.memref_slice %arg11[%run_scoped3A_513, %dma_wait3A_566, %dma_wait3A_567] : memref<2x125x128xf32, #tpu.memory_space<vmem>> -> memref<1x125x128xf32, #tpu.memory_space<vmem>>
        %dma_wait3A_569 = tpu.memref_squeeze %dma_wait3A_568 : memref<1x125x128xf32, #tpu.memory_space<vmem>> -> memref<125x128xf32, #tpu.memory_space<vmem>>
        %dma_wait3A_570 = arith.constant 0 : i32
        %dma_wait3A_571 = tpu.memref_slice %arg10[%mul3A_500, %dma_wait3A_570] : memref<16x125xi32, #tpu.memory_space<vmem>> -> memref<1x125xi32, #tpu.memory_space<vmem>>
        %dma_wait3A_572 = tpu.memref_squeeze %dma_wait3A_571 : memref<1x125xi32, #tpu.memory_space<vmem>> -> memref<125xi32, #tpu.memory_space<vmem>>
        %dma_wait3A_573 = arith.constant 0 : i32
        %dma_wait3A_574 = arith.constant 0 : i32
        %dma_wait3A_575 = tpu.memref_slice %arg12[%dma_wait3A_573, %dma_wait3A_574] : memref<10000x128xf32, #tpu.memory_space<vmem_shared>> -> memref<10000x128xf32, #tpu.memory_space<vmem_shared>>
        tpu.wait_indirect_dma semaphore(%run_scoped3A_555 : memref<!tpu.dma_semaphore, #tpu.memory_space<semaphore_mem>>) src(%dma_wait3A_569 : memref<125x128xf32, #tpu.memory_space<vmem>>) dst(%dma_wait3A_575 : memref<10000x128xf32, #tpu.memory_space<vmem_shared>>)
        tpu.yield
      }) : () -> ()
      %add3A_514 = arith.constant 2 : i32
      %add3A_515 = arith.addi %mul3A_500, %add3A_514 : i32
      %dma_start3A_516 = arith.constant 0 : i32
      %dma_start3A_517 = arith.constant 0 : i32
      %dma_start3A_518 = arith.constant 0 : i32
      %dma_start3A_519 = tpu.memref_slice %arg11[%dma_start3A_516, %dma_start3A_517, %dma_start3A_518] : memref<2x125x128xf32, #tpu.memory_space<vmem>> -> memref<1x125x128xf32, #tpu.memory_space<vmem>>
      %dma_start3A_520 = tpu.memref_squeeze %dma_start3A_519 : memref<1x125x128xf32, #tpu.memory_space<vmem>> -> memref<125x128xf32, #tpu.memory_space<vmem>>
      %dma_start3A_521 = arith.constant 0 : i32
      %dma_start3A_522 = tpu.memref_slice %arg8[%add3A_515, %dma_start3A_521] : memref<16x125xi32, #tpu.memory_space<vmem>> -> memref<1x125xi32, #tpu.memory_space<vmem>>
      %dma_start3A_523 = tpu.memref_squeeze %dma_start3A_522 : memref<1x125xi32, #tpu.memory_space<vmem>> -> memref<125xi32, #tpu.memory_space<vmem>>
      %dma_start3A_524 = arith.constant 0 : i32
      %dma_start3A_525 = arith.constant 0 : i32
      %dma_start3A_526 = tpu.memref_slice %arg2[%dma_start3A_524, %dma_start3A_525] : memref<10000x128xf32, #tpu.memory_space<hbm>> -> memref<10000x128xf32, #tpu.memory_space<hbm>>
      tpu.enqueue_indirect_dma source(%dma_start3A_526 : memref<10000x128xf32, #tpu.memory_space<hbm>>) target(%dma_start3A_520 : memref<125x128xf32, #tpu.memory_space<vmem>>) offsets(%dma_start3A_523 : memref<125xi32, #tpu.memory_space<vmem>>) semaphore(%arg13 : memref<!tpu.dma_semaphore, #tpu.memory_space<semaphore_mem>>)
      %dma_wait3A_527 = arith.constant 0 : i32
      %dma_wait3A_528 = arith.constant 1 : i32
      %dma_wait3A_529 = arith.constant 0 : i32
      %dma_wait3A_530 = arith.constant 0 : i32
      %dma_wait3A_531 = tpu.memref_slice %arg11[%dma_wait3A_528, %dma_wait3A_529, %dma_wait3A_530] : memref<2x125x128xf32, #tpu.memory_space<vmem>> -> memref<1x125x128xf32, #tpu.memory_space<vmem>>
      %dma_wait3A_532 = tpu.memref_squeeze %dma_wait3A_531 : memref<1x125x128xf32, #tpu.memory_space<vmem>> -> memref<125x128xf32, #tpu.memory_space<vmem>>
      %dma_wait3A_533 = arith.constant 0 : i32
      %dma_wait3A_534 = tpu.memref_slice %arg7[%dma_wait3A_527, %dma_wait3A_533] : memref<16x125xi32, #tpu.memory_space<vmem>> -> memref<1x125xi32, #tpu.memory_space<vmem>>
      %dma_wait3A_535 = tpu.memref_squeeze %dma_wait3A_534 : memref<1x125xi32, #tpu.memory_space<vmem>> -> memref<125xi32, #tpu.memory_space<vmem>>
      %dma_wait3A_536 = arith.constant 0 : i32
      %dma_wait3A_537 = arith.constant 0 : i32
      %dma_wait3A_538 = tpu.memref_slice %arg2[%dma_wait3A_536, %dma_wait3A_537] : memref<10000x128xf32, #tpu.memory_space<hbm>> -> memref<10000x128xf32, #tpu.memory_space<hbm>>
      tpu.wait_indirect_dma semaphore(%arg14 : memref<!tpu.dma_semaphore, #tpu.memory_space<semaphore_mem>>) src(%dma_wait3A_538 : memref<10000x128xf32, #tpu.memory_space<hbm>>) dst(%dma_wait3A_532 : memref<125x128xf32, #tpu.memory_space<vmem>>)
      %add3A_539 = arith.constant 1 : i32
      %add3A_540 = arith.addi %mul3A_500, %add3A_539 : i32
      %run_scoped3A_541 = arith.constant 1 : i32
      "tpu.region"() ({
        %run_scoped3A_555 = tpu.sem_alloc : memref<!tpu.dma_semaphore, #tpu.memory_space<semaphore_mem>>
        %dma_start3A_556 = arith.constant 0 : i32
        %dma_start3A_557 = arith.constant 0 : i32
        %dma_start3A_558 = tpu.memref_slice %arg11[%run_scoped3A_541, %dma_start3A_556, %dma_start3A_557] : memref<2x125x128xf32, #tpu.memory_space<vmem>> -> memref<1x125x128xf32, #tpu.memory_space<vmem>>
        %dma_start3A_559 = tpu.memref_squeeze %dma_start3A_558 : memref<1x125x128xf32, #tpu.memory_space<vmem>> -> memref<125x128xf32, #tpu.memory_space<vmem>>
        %dma_start3A_560 = arith.constant 0 : i32
        %dma_start3A_561 = tpu.memref_slice %arg10[%add3A_540, %dma_start3A_560] : memref<16x125xi32, #tpu.memory_space<vmem>> -> memref<1x125xi32, #tpu.memory_space<vmem>>
        %dma_start3A_562 = tpu.memref_squeeze %dma_start3A_561 : memref<1x125xi32, #tpu.memory_space<vmem>> -> memref<125xi32, #tpu.memory_space<vmem>>
        %dma_start3A_563 = arith.constant 0 : i32
        %dma_start3A_564 = arith.constant 0 : i32
        %dma_start3A_565 = tpu.memref_slice %arg12[%dma_start3A_563, %dma_start3A_564] : memref<10000x128xf32, #tpu.memory_space<vmem_shared>> -> memref<10000x128xf32, #tpu.memory_space<vmem_shared>>
        tpu.enqueue_indirect_dma source(%dma_start3A_559 : memref<125x128xf32, #tpu.memory_space<vmem>>) target(%dma_start3A_565 : memref<10000x128xf32, #tpu.memory_space<vmem_shared>>) offsets(%dma_start3A_562 : memref<125xi32, #tpu.memory_space<vmem>>) semaphore(%run_scoped3A_555 : memref<!tpu.dma_semaphore, #tpu.memory_space<semaphore_mem>>) {add = true}
        %dma_wait3A_566 = arith.constant 0 : i32
        %dma_wait3A_567 = arith.constant 0 : i32
        %dma_wait3A_568 = tpu.memref_slice %arg11[%run_scoped3A_541, %dma_wait3A_566, %dma_wait3A_567] : memref<2x125x128xf32, #tpu.memory_space<vmem>> -> memref<1x125x128xf32, #tpu.memory_space<vmem>>
        %dma_wait3A_569 = tpu.memref_squeeze %dma_wait3A_568 : memref<1x125x128xf32, #tpu.memory_space<vmem>> -> memref<125x128xf32, #tpu.memory_space<vmem>>
        %dma_wait3A_570 = arith.constant 0 : i32
        %dma_wait3A_571 = tpu.memref_slice %arg10[%add3A_540, %dma_wait3A_570] : memref<16x125xi32, #tpu.memory_space<vmem>> -> memref<1x125xi32, #tpu.memory_space<vmem>>
        %dma_wait3A_572 = tpu.memref_squeeze %dma_wait3A_571 : memref<1x125xi32, #tpu.memory_space<vmem>> -> memref<125xi32, #tpu.memory_space<vmem>>
        %dma_wait3A_573 = arith.constant 0 : i32
        %dma_wait3A_574 = arith.constant 0 : i32
        %dma_wait3A_575 = tpu.memref_slice %arg12[%dma_wait3A_573, %dma_wait3A_574] : memref<10000x128xf32, #tpu.memory_space<vmem_shared>> -> memref<10000x128xf32, #tpu.memory_space<vmem_shared>>
        tpu.wait_indirect_dma semaphore(%run_scoped3A_555 : memref<!tpu.dma_semaphore, #tpu.memory_space<semaphore_mem>>) src(%dma_wait3A_569 : memref<125x128xf32, #tpu.memory_space<vmem>>) dst(%dma_wait3A_575 : memref<10000x128xf32, #tpu.memory_space<vmem_shared>>)
        tpu.yield
      }) : () -> ()
      %add3A_542 = arith.constant 3 : i32
      %add3A_543 = arith.addi %mul3A_500, %add3A_542 : i32
      %dma_start3A_544 = arith.constant 1 : i32
      %dma_start3A_545 = arith.constant 0 : i32
      %dma_start3A_546 = arith.constant 0 : i32
      %dma_start3A_547 = tpu.memref_slice %arg11[%dma_start3A_544, %dma_start3A_545, %dma_start3A_546] : memref<2x125x128xf32, #tpu.memory_space<vmem>> -> memref<1x125x128xf32, #tpu.memory_space<vmem>>
      %dma_start3A_548 = tpu.memref_squeeze %dma_start3A_547 : memref<1x125x128xf32, #tpu.memory_space<vmem>> -> memref<125x128xf32, #tpu.memory_space<vmem>>
      %dma_start3A_549 = arith.constant 0 : i32
      %dma_start3A_550 = tpu.memref_slice %arg8[%add3A_543, %dma_start3A_549] : memref<16x125xi32, #tpu.memory_space<vmem>> -> memref<1x125xi32, #tpu.memory_space<vmem>>
      %dma_start3A_551 = tpu.memref_squeeze %dma_start3A_550 : memref<1x125xi32, #tpu.memory_space<vmem>> -> memref<125xi32, #tpu.memory_space<vmem>>
      %dma_start3A_552 = arith.constant 0 : i32
      %dma_start3A_553 = arith.constant 0 : i32
      %dma_start3A_554 = tpu.memref_slice %arg2[%dma_start3A_552, %dma_start3A_553] : memref<10000x128xf32, #tpu.memory_space<hbm>> -> memref<10000x128xf32, #tpu.memory_space<hbm>>
      tpu.enqueue_indirect_dma source(%dma_start3A_554 : memref<10000x128xf32, #tpu.memory_space<hbm>>) target(%dma_start3A_548 : memref<125x128xf32, #tpu.memory_space<vmem>>) offsets(%dma_start3A_551 : memref<125xi32, #tpu.memory_space<vmem>>) semaphore(%arg14 : memref<!tpu.dma_semaphore, #tpu.memory_space<semaphore_mem>>)
    }
    %scan3A_190 = arith.constant 7 : i32
    %dma_wait3A_191 = arith.constant 0 : i32
    %dma_wait3A_192 = arith.constant 0 : i32
    %dma_wait3A_193 = arith.constant 0 : i32
    %dma_wait3A_194 = arith.constant 0 : i32
    %dma_wait3A_195 = tpu.memref_slice %arg11[%dma_wait3A_192, %dma_wait3A_193, %dma_wait3A_194] : memref<2x125x128xf32, #tpu.memory_space<vmem>> -> memref<1x125x128xf32, #tpu.memory_space<vmem>>
    %dma_wait3A_196 = tpu.memref_squeeze %dma_wait3A_195 : memref<1x125x128xf32, #tpu.memory_space<vmem>> -> memref<125x128xf32, #tpu.memory_space<vmem>>
    %dma_wait3A_197 = arith.constant 0 : i32
    %dma_wait3A_198 = tpu.memref_slice %arg7[%dma_wait3A_191, %dma_wait3A_197] : memref<16x125xi32, #tpu.memory_space<vmem>> -> memref<1x125xi32, #tpu.memory_space<vmem>>
    %dma_wait3A_199 = tpu.memref_squeeze %dma_wait3A_198 : memref<1x125xi32, #tpu.memory_space<vmem>> -> memref<125xi32, #tpu.memory_space<vmem>>
    %dma_wait3A_200 = arith.constant 0 : i32
    %dma_wait3A_201 = arith.constant 0 : i32
    %dma_wait3A_202 = tpu.memref_slice %arg2[%dma_wait3A_200, %dma_wait3A_201] : memref<10000x128xf32, #tpu.memory_space<hbm>> -> memref<10000x128xf32, #tpu.memory_space<hbm>>
    tpu.wait_indirect_dma semaphore(%arg13 : memref<!tpu.dma_semaphore, #tpu.memory_space<semaphore_mem>>) src(%dma_wait3A_202 : memref<10000x128xf32, #tpu.memory_space<hbm>>) dst(%dma_wait3A_196 : memref<125x128xf32, #tpu.memory_space<vmem>>)
    %run_scoped3A_203 = arith.constant 0 : i32
    %run_scoped3A_204 = arith.constant 14 : i32
    "tpu.region"() ({
      %run_scoped3A_498 = tpu.sem_alloc : memref<!tpu.dma_semaphore, #tpu.memory_space<semaphore_mem>>
      %dma_start3A_499 = arith.constant 0 : i32
      %dma_start3A_500 = arith.constant 0 : i32
      %dma_start3A_501 = tpu.memref_slice %arg11[%run_scoped3A_203, %dma_start3A_499, %dma_start3A_500] : memref<2x125x128xf32, #tpu.memory_space<vmem>> -> memref<1x125x128xf32, #tpu.memory_space<vmem>>
      %dma_start3A_502 = tpu.memref_squeeze %dma_start3A_501 : memref<1x125x128xf32, #tpu.memory_space<vmem>> -> memref<125x128xf32, #tpu.memory_space<vmem>>
      %dma_start3A_503 = arith.constant 0 : i32
      %dma_start3A_504 = tpu.memref_slice %arg10[%run_scoped3A_204, %dma_start3A_503] : memref<16x125xi32, #tpu.memory_space<vmem>> -> memref<1x125xi32, #tpu.memory_space<vmem>>
      %dma_start3A_505 = tpu.memref_squeeze %dma_start3A_504 : memref<1x125xi32, #tpu.memory_space<vmem>> -> memref<125xi32, #tpu.memory_space<vmem>>
      %dma_start3A_506 = arith.constant 0 : i32
      %dma_start3A_507 = arith.constant 0 : i32
      %dma_start3A_508 = tpu.memref_slice %arg12[%dma_start3A_506, %dma_start3A_507] : memref<10000x128xf32, #tpu.memory_space<vmem_shared>> -> memref<10000x128xf32, #tpu.memory_space<vmem_shared>>
      tpu.enqueue_indirect_dma source(%dma_start3A_502 : memref<125x128xf32, #tpu.memory_space<vmem>>) target(%dma_start3A_508 : memref<10000x128xf32, #tpu.memory_space<vmem_shared>>) offsets(%dma_start3A_505 : memref<125xi32, #tpu.memory_space<vmem>>) semaphore(%run_scoped3A_498 : memref<!tpu.dma_semaphore, #tpu.memory_space<semaphore_mem>>) {add = true}
      %dma_wait3A_509 = arith.constant 0 : i32
      %dma_wait3A_510 = arith.constant 0 : i32
      %dma_wait3A_511 = tpu.memref_slice %arg11[%run_scoped3A_203, %dma_wait3A_509, %dma_wait3A_510] : memref<2x125x128xf32, #tpu.memory_space<vmem>> -> memref<1x125x128xf32, #tpu.memory_space<vmem>>
      %dma_wait3A_512 = tpu.memref_squeeze %dma_wait3A_511 : memref<1x125x128xf32, #tpu.memory_space<vmem>> -> memref<125x128xf32, #tpu.memory_space<vmem>>
      %dma_wait3A_513 = arith.constant 0 : i32
      %dma_wait3A_514 = tpu.memref_slice %arg10[%run_scoped3A_204, %dma_wait3A_513] : memref<16x125xi32, #tpu.memory_space<vmem>> -> memref<1x125xi32, #tpu.memory_space<vmem>>
      %dma_wait3A_515 = tpu.memref_squeeze %dma_wait3A_514 : memref<1x125xi32, #tpu.memory_space<vmem>> -> memref<125xi32, #tpu.memory_space<vmem>>
      %dma_wait3A_516 = arith.constant 0 : i32
      %dma_wait3A_517 = arith.constant 0 : i32
      %dma_wait3A_518 = tpu.memref_slice %arg12[%dma_wait3A_516, %dma_wait3A_517] : memref<10000x128xf32, #tpu.memory_space<vmem_shared>> -> memref<10000x128xf32, #tpu.memory_space<vmem_shared>>
      tpu.wait_indirect_dma semaphore(%run_scoped3A_498 : memref<!tpu.dma_semaphore, #tpu.memory_space<semaphore_mem>>) src(%dma_wait3A_512 : memref<125x128xf32, #tpu.memory_space<vmem>>) dst(%dma_wait3A_518 : memref<10000x128xf32, #tpu.memory_space<vmem_shared>>)
      tpu.yield
    }) : () -> ()
    %dma_wait3A_205 = arith.constant 0 : i32
    %dma_wait3A_206 = arith.constant 0 : i32
    %dma_wait3A_207 = arith.constant 0 : i32
    %dma_wait3A_208 = tpu.memref_slice %arg3[%dma_wait3A_205, %dma_wait3A_206, %dma_wait3A_207] : memref<160x16x125xi32, #tpu.memory_space<hbm>> -> memref<1x16x125xi32, #tpu.memory_space<hbm>>
    %dma_wait3A_209 = tpu.memref_squeeze %dma_wait3A_208 : memref<1x16x125xi32, #tpu.memory_space<hbm>> -> memref<16x125xi32, #tpu.memory_space<hbm>>
    %dma_wait3A_210 = arith.constant 0 : i32
    %dma_wait3A_211 = arith.constant 0 : i32
    %dma_wait3A_212 = tpu.memref_slice %arg3[%dma_wait3A_205, %dma_wait3A_210, %dma_wait3A_211] : memref<160x16x125xi32, #tpu.memory_space<hbm>> -> memref<1x16x125xi32, #tpu.memory_space<hbm>>
    %dma_wait3A_213 = tpu.memref_squeeze %dma_wait3A_212 : memref<1x16x125xi32, #tpu.memory_space<hbm>> -> memref<16x125xi32, #tpu.memory_space<hbm>>
    tpu.wait_dma2 semaphore(%arg15 : memref<!tpu.dma_semaphore, #tpu.memory_space<semaphore_mem>>) src(%dma_wait3A_213 : memref<16x125xi32, #tpu.memory_space<hbm>>) dst(%arg7 : memref<16x125xi32, #tpu.memory_space<vmem>>)
    %dma_wait3A_214 = arith.constant 0 : i32
    %dma_wait3A_215 = arith.constant 0 : i32
    %dma_wait3A_216 = arith.constant 0 : i32
    %dma_wait3A_217 = tpu.memref_slice %arg3[%dma_wait3A_214, %dma_wait3A_215, %dma_wait3A_216] : memref<160x16x125xi32, #tpu.memory_space<hbm>> -> memref<1x16x125xi32, #tpu.memory_space<hbm>>
    %dma_wait3A_218 = tpu.memref_squeeze %dma_wait3A_217 : memref<1x16x125xi32, #tpu.memory_space<hbm>> -> memref<16x125xi32, #tpu.memory_space<hbm>>
    %dma_wait3A_219 = arith.constant 0 : i32
    %dma_wait3A_220 = arith.constant 0 : i32
    %dma_wait3A_221 = tpu.memref_slice %arg3[%dma_wait3A_214, %dma_wait3A_219, %dma_wait3A_220] : memref<160x16x125xi32, #tpu.memory_space<hbm>> -> memref<1x16x125xi32, #tpu.memory_space<hbm>>
    %dma_wait3A_222 = tpu.memref_squeeze %dma_wait3A_221 : memref<1x16x125xi32, #tpu.memory_space<hbm>> -> memref<16x125xi32, #tpu.memory_space<hbm>>
    tpu.wait_dma2 semaphore(%arg15 : memref<!tpu.dma_semaphore, #tpu.memory_space<semaphore_mem>>) src(%dma_wait3A_222 : memref<16x125xi32, #tpu.memory_space<hbm>>) dst(%arg9 : memref<16x125xi32, #tpu.memory_space<vmem>>)
    %dma_start3A_223 = arith.constant 0 : i32
    %dma_start3A_224 = arith.constant 0 : i32
    %dma_start3A_225 = arith.constant 0 : i32
    %dma_start3A_226 = arith.constant 0 : i32
    %dma_start3A_227 = tpu.memref_slice %arg11[%dma_start3A_224, %dma_start3A_225, %dma_start3A_226] : memref<2x125x128xf32, #tpu.memory_space<vmem>> -> memref<1x125x128xf32, #tpu.memory_space<vmem>>
    %dma_start3A_228 = tpu.memref_squeeze %dma_start3A_227 : memref<1x125x128xf32, #tpu.memory_space<vmem>> -> memref<125x128xf32, #tpu.memory_space<vmem>>
    %dma_start3A_229 = arith.constant 0 : i32
    %dma_start3A_230 = tpu.memref_slice %arg7[%dma_start3A_223, %dma_start3A_229] : memref<16x125xi32, #tpu.memory_space<vmem>> -> memref<1x125xi32, #tpu.memory_space<vmem>>
    %dma_start3A_231 = tpu.memref_squeeze %dma_start3A_230 : memref<1x125xi32, #tpu.memory_space<vmem>> -> memref<125xi32, #tpu.memory_space<vmem>>
    %dma_start3A_232 = arith.constant 0 : i32
    %dma_start3A_233 = arith.constant 0 : i32
    %dma_start3A_234 = tpu.memref_slice %arg2[%dma_start3A_232, %dma_start3A_233] : memref<10000x128xf32, #tpu.memory_space<hbm>> -> memref<10000x128xf32, #tpu.memory_space<hbm>>
    tpu.enqueue_indirect_dma source(%dma_start3A_234 : memref<10000x128xf32, #tpu.memory_space<hbm>>) target(%dma_start3A_228 : memref<125x128xf32, #tpu.memory_space<vmem>>) offsets(%dma_start3A_231 : memref<125xi32, #tpu.memory_space<vmem>>) semaphore(%arg13 : memref<!tpu.dma_semaphore, #tpu.memory_space<semaphore_mem>>)
    %dma_wait3A_235 = arith.constant 0 : i32
    %dma_wait3A_236 = arith.constant 1 : i32
    %dma_wait3A_237 = arith.constant 0 : i32
    %dma_wait3A_238 = arith.constant 0 : i32
    %dma_wait3A_239 = tpu.memref_slice %arg11[%dma_wait3A_236, %dma_wait3A_237, %dma_wait3A_238] : memref<2x125x128xf32, #tpu.memory_space<vmem>> -> memref<1x125x128xf32, #tpu.memory_space<vmem>>
    %dma_wait3A_240 = tpu.memref_squeeze %dma_wait3A_239 : memref<1x125x128xf32, #tpu.memory_space<vmem>> -> memref<125x128xf32, #tpu.memory_space<vmem>>
    %dma_wait3A_241 = arith.constant 0 : i32
    %dma_wait3A_242 = tpu.memref_slice %arg7[%dma_wait3A_235, %dma_wait3A_241] : memref<16x125xi32, #tpu.memory_space<vmem>> -> memref<1x125xi32, #tpu.memory_space<vmem>>
    %dma_wait3A_243 = tpu.memref_squeeze %dma_wait3A_242 : memref<1x125xi32, #tpu.memory_space<vmem>> -> memref<125xi32, #tpu.memory_space<vmem>>
    %dma_wait3A_244 = arith.constant 0 : i32
    %dma_wait3A_245 = arith.constant 0 : i32
    %dma_wait3A_246 = tpu.memref_slice %arg2[%dma_wait3A_244, %dma_wait3A_245] : memref<10000x128xf32, #tpu.memory_space<hbm>> -> memref<10000x128xf32, #tpu.memory_space<hbm>>
    tpu.wait_indirect_dma semaphore(%arg14 : memref<!tpu.dma_semaphore, #tpu.memory_space<semaphore_mem>>) src(%dma_wait3A_246 : memref<10000x128xf32, #tpu.memory_space<hbm>>) dst(%dma_wait3A_240 : memref<125x128xf32, #tpu.memory_space<vmem>>)
    %run_scoped3A_247 = arith.constant 1 : i32
    %run_scoped3A_248 = arith.constant 15 : i32
    "tpu.region"() ({
      %run_scoped3A_498 = tpu.sem_alloc : memref<!tpu.dma_semaphore, #tpu.memory_space<semaphore_mem>>
      %dma_start3A_499 = arith.constant 0 : i32
      %dma_start3A_500 = arith.constant 0 : i32
      %dma_start3A_501 = tpu.memref_slice %arg11[%run_scoped3A_247, %dma_start3A_499, %dma_start3A_500] : memref<2x125x128xf32, #tpu.memory_space<vmem>> -> memref<1x125x128xf32, #tpu.memory_space<vmem>>
      %dma_start3A_502 = tpu.memref_squeeze %dma_start3A_501 : memref<1x125x128xf32, #tpu.memory_space<vmem>> -> memref<125x128xf32, #tpu.memory_space<vmem>>
      %dma_start3A_503 = arith.constant 0 : i32
      %dma_start3A_504 = tpu.memref_slice %arg10[%run_scoped3A_248, %dma_start3A_503] : memref<16x125xi32, #tpu.memory_space<vmem>> -> memref<1x125xi32, #tpu.memory_space<vmem>>
      %dma_start3A_505 = tpu.memref_squeeze %dma_start3A_504 : memref<1x125xi32, #tpu.memory_space<vmem>> -> memref<125xi32, #tpu.memory_space<vmem>>
      %dma_start3A_506 = arith.constant 0 : i32
      %dma_start3A_507 = arith.constant 0 : i32
      %dma_start3A_508 = tpu.memref_slice %arg12[%dma_start3A_506, %dma_start3A_507] : memref<10000x128xf32, #tpu.memory_space<vmem_shared>> -> memref<10000x128xf32, #tpu.memory_space<vmem_shared>>
      tpu.enqueue_indirect_dma source(%dma_start3A_502 : memref<125x128xf32, #tpu.memory_space<vmem>>) target(%dma_start3A_508 : memref<10000x128xf32, #tpu.memory_space<vmem_shared>>) offsets(%dma_start3A_505 : memref<125xi32, #tpu.memory_space<vmem>>) semaphore(%run_scoped3A_498 : memref<!tpu.dma_semaphore, #tpu.memory_space<semaphore_mem>>) {add = true}
      %dma_wait3A_509 = arith.constant 0 : i32
      %dma_wait3A_510 = arith.constant 0 : i32
      %dma_wait3A_511 = tpu.memref_slice %arg11[%run_scoped3A_247, %dma_wait3A_509, %dma_wait3A_510] : memref<2x125x128xf32, #tpu.memory_space<vmem>> -> memref<1x125x128xf32, #tpu.memory_space<vmem>>
      %dma_wait3A_512 = tpu.memref_squeeze %dma_wait3A_511 : memref<1x125x128xf32, #tpu.memory_space<vmem>> -> memref<125x128xf32, #tpu.memory_space<vmem>>
      %dma_wait3A_513 = arith.constant 0 : i32
      %dma_wait3A_514 = tpu.memref_slice %arg10[%run_scoped3A_248, %dma_wait3A_513] : memref<16x125xi32, #tpu.memory_space<vmem>> -> memref<1x125xi32, #tpu.memory_space<vmem>>
      %dma_wait3A_515 = tpu.memref_squeeze %dma_wait3A_514 : memref<1x125xi32, #tpu.memory_space<vmem>> -> memref<125xi32, #tpu.memory_space<vmem>>
      %dma_wait3A_516 = arith.constant 0 : i32
      %dma_wait3A_517 = arith.constant 0 : i32
      %dma_wait3A_518 = tpu.memref_slice %arg12[%dma_wait3A_516, %dma_wait3A_517] : memref<10000x128xf32, #tpu.memory_space<vmem_shared>> -> memref<10000x128xf32, #tpu.memory_space<vmem_shared>>
      tpu.wait_indirect_dma semaphore(%run_scoped3A_498 : memref<!tpu.dma_semaphore, #tpu.memory_space<semaphore_mem>>) src(%dma_wait3A_512 : memref<125x128xf32, #tpu.memory_space<vmem>>) dst(%dma_wait3A_518 : memref<10000x128xf32, #tpu.memory_space<vmem_shared>>)
      tpu.yield
    }) : () -> ()
    %dma_start3A_249 = arith.constant 1 : i32
    %dma_start3A_250 = arith.constant 1 : i32
    %dma_start3A_251 = arith.constant 0 : i32
    %dma_start3A_252 = arith.constant 0 : i32
    %dma_start3A_253 = tpu.memref_slice %arg11[%dma_start3A_250, %dma_start3A_251, %dma_start3A_252] : memref<2x125x128xf32, #tpu.memory_space<vmem>> -> memref<1x125x128xf32, #tpu.memory_space<vmem>>
    %dma_start3A_254 = tpu.memref_squeeze %dma_start3A_253 : memref<1x125x128xf32, #tpu.memory_space<vmem>> -> memref<125x128xf32, #tpu.memory_space<vmem>>
    %dma_start3A_255 = arith.constant 0 : i32
    %dma_start3A_256 = tpu.memref_slice %arg7[%dma_start3A_249, %dma_start3A_255] : memref<16x125xi32, #tpu.memory_space<vmem>> -> memref<1x125xi32, #tpu.memory_space<vmem>>
    %dma_start3A_257 = tpu.memref_squeeze %dma_start3A_256 : memref<1x125xi32, #tpu.memory_space<vmem>> -> memref<125xi32, #tpu.memory_space<vmem>>
    %dma_start3A_258 = arith.constant 0 : i32
    %dma_start3A_259 = arith.constant 0 : i32
    %dma_start3A_260 = tpu.memref_slice %arg2[%dma_start3A_258, %dma_start3A_259] : memref<10000x128xf32, #tpu.memory_space<hbm>> -> memref<10000x128xf32, #tpu.memory_space<hbm>>
    tpu.enqueue_indirect_dma source(%dma_start3A_260 : memref<10000x128xf32, #tpu.memory_space<hbm>>) target(%dma_start3A_254 : memref<125x128xf32, #tpu.memory_space<vmem>>) offsets(%dma_start3A_257 : memref<125xi32, #tpu.memory_space<vmem>>) semaphore(%arg14 : memref<!tpu.dma_semaphore, #tpu.memory_space<semaphore_mem>>)
    %add3A_261 = arith.constant 3 : i32
    %add3A_262 = arith.addi %mul3A_2, %add3A_261 : i32
    %dma_start3A_263 = arith.constant 0 : i32
    %dma_start3A_264 = arith.constant 0 : i32
    %dma_start3A_265 = tpu.memref_slice %arg3[%add3A_262, %dma_start3A_263, %dma_start3A_264] : memref<160x16x125xi32, #tpu.memory_space<hbm>> -> memref<1x16x125xi32, #tpu.memory_space<hbm>>
    %dma_start3A_266 = tpu.memref_squeeze %dma_start3A_265 : memref<1x16x125xi32, #tpu.memory_space<hbm>> -> memref<16x125xi32, #tpu.memory_space<hbm>>
    %dma_start3A_267 = arith.constant 0 : i32
    %dma_start3A_268 = arith.constant 0 : i32
    %dma_start3A_269 = tpu.memref_slice %arg3[%add3A_262, %dma_start3A_267, %dma_start3A_268] : memref<160x16x125xi32, #tpu.memory_space<hbm>> -> memref<1x16x125xi32, #tpu.memory_space<hbm>>
    %dma_start3A_270 = tpu.memref_squeeze %dma_start3A_269 : memref<1x16x125xi32, #tpu.memory_space<hbm>> -> memref<16x125xi32, #tpu.memory_space<hbm>>
    tpu.enqueue_dma source(%dma_start3A_270 : memref<16x125xi32, #tpu.memory_space<hbm>>) target(%arg8 : memref<16x125xi32, #tpu.memory_space<vmem>>) target_semaphore(%arg16 : memref<!tpu.dma_semaphore, #tpu.memory_space<semaphore_mem>>)
    %add3A_271 = arith.constant 3 : i32
    %add3A_272 = arith.addi %mul3A_2, %add3A_271 : i32
    %dma_start3A_273 = arith.constant 0 : i32
    %dma_start3A_274 = arith.constant 0 : i32
    %dma_start3A_275 = tpu.memref_slice %arg4[%add3A_272, %dma_start3A_273, %dma_start3A_274] : memref<160x16x125xi32, #tpu.memory_space<hbm>> -> memref<1x16x125xi32, #tpu.memory_space<hbm>>
    %dma_start3A_276 = tpu.memref_squeeze %dma_start3A_275 : memref<1x16x125xi32, #tpu.memory_space<hbm>> -> memref<16x125xi32, #tpu.memory_space<hbm>>
    %dma_start3A_277 = arith.constant 0 : i32
    %dma_start3A_278 = arith.constant 0 : i32
    %dma_start3A_279 = tpu.memref_slice %arg4[%add3A_272, %dma_start3A_277, %dma_start3A_278] : memref<160x16x125xi32, #tpu.memory_space<hbm>> -> memref<1x16x125xi32, #tpu.memory_space<hbm>>
    %dma_start3A_280 = tpu.memref_squeeze %dma_start3A_279 : memref<1x16x125xi32, #tpu.memory_space<hbm>> -> memref<16x125xi32, #tpu.memory_space<hbm>>
    tpu.enqueue_dma source(%dma_start3A_280 : memref<16x125xi32, #tpu.memory_space<hbm>>) target(%arg10 : memref<16x125xi32, #tpu.memory_space<vmem>>) target_semaphore(%arg16 : memref<!tpu.dma_semaphore, #tpu.memory_space<semaphore_mem>>)
    %scan3A_281 = arith.constant 0 : i32
    %scan3A_282 = arith.constant 0 : i32
    %scan3A_283 = arith.constant 7 : i32
    %scan3A_284 = arith.addi %scan3A_282, %scan3A_283 : i32
    %scan3A_285 = arith.constant 1 : i32
    scf.for %scan3A_498 = %scan3A_282 to %scan3A_284 step %scan3A_285  : i32 {
      %mul3A_499 = arith.constant 2 : i32
      %mul3A_500 = arith.muli %mul3A_499, %scan3A_498 : i32
      %dma_wait3A_501 = arith.constant 0 : i32
      %dma_wait3A_502 = arith.constant 0 : i32
      %dma_wait3A_503 = arith.constant 0 : i32
      %dma_wait3A_504 = arith.constant 0 : i32
      %dma_wait3A_505 = tpu.memref_slice %arg11[%dma_wait3A_502, %dma_wait3A_503, %dma_wait3A_504] : memref<2x125x128xf32, #tpu.memory_space<vmem>> -> memref<1x125x128xf32, #tpu.memory_space<vmem>>
      %dma_wait3A_506 = tpu.memref_squeeze %dma_wait3A_505 : memref<1x125x128xf32, #tpu.memory_space<vmem>> -> memref<125x128xf32, #tpu.memory_space<vmem>>
      %dma_wait3A_507 = arith.constant 0 : i32
      %dma_wait3A_508 = tpu.memref_slice %arg7[%dma_wait3A_501, %dma_wait3A_507] : memref<16x125xi32, #tpu.memory_space<vmem>> -> memref<1x125xi32, #tpu.memory_space<vmem>>
      %dma_wait3A_509 = tpu.memref_squeeze %dma_wait3A_508 : memref<1x125xi32, #tpu.memory_space<vmem>> -> memref<125xi32, #tpu.memory_space<vmem>>
      %dma_wait3A_510 = arith.constant 0 : i32
      %dma_wait3A_511 = arith.constant 0 : i32
      %dma_wait3A_512 = tpu.memref_slice %arg2[%dma_wait3A_510, %dma_wait3A_511] : memref<10000x128xf32, #tpu.memory_space<hbm>> -> memref<10000x128xf32, #tpu.memory_space<hbm>>
      tpu.wait_indirect_dma semaphore(%arg13 : memref<!tpu.dma_semaphore, #tpu.memory_space<semaphore_mem>>) src(%dma_wait3A_512 : memref<10000x128xf32, #tpu.memory_space<hbm>>) dst(%dma_wait3A_506 : memref<125x128xf32, #tpu.memory_space<vmem>>)
      %run_scoped3A_513 = arith.constant 0 : i32
      "tpu.region"() ({
        %run_scoped3A_555 = tpu.sem_alloc : memref<!tpu.dma_semaphore, #tpu.memory_space<semaphore_mem>>
        %dma_start3A_556 = arith.constant 0 : i32
        %dma_start3A_557 = arith.constant 0 : i32
        %dma_start3A_558 = tpu.memref_slice %arg11[%run_scoped3A_513, %dma_start3A_556, %dma_start3A_557] : memref<2x125x128xf32, #tpu.memory_space<vmem>> -> memref<1x125x128xf32, #tpu.memory_space<vmem>>
        %dma_start3A_559 = tpu.memref_squeeze %dma_start3A_558 : memref<1x125x128xf32, #tpu.memory_space<vmem>> -> memref<125x128xf32, #tpu.memory_space<vmem>>
        %dma_start3A_560 = arith.constant 0 : i32
        %dma_start3A_561 = tpu.memref_slice %arg9[%mul3A_500, %dma_start3A_560] : memref<16x125xi32, #tpu.memory_space<vmem>> -> memref<1x125xi32, #tpu.memory_space<vmem>>
        %dma_start3A_562 = tpu.memref_squeeze %dma_start3A_561 : memref<1x125xi32, #tpu.memory_space<vmem>> -> memref<125xi32, #tpu.memory_space<vmem>>
        %dma_start3A_563 = arith.constant 0 : i32
        %dma_start3A_564 = arith.constant 0 : i32
        %dma_start3A_565 = tpu.memref_slice %arg12[%dma_start3A_563, %dma_start3A_564] : memref<10000x128xf32, #tpu.memory_space<vmem_shared>> -> memref<10000x128xf32, #tpu.memory_space<vmem_shared>>
        tpu.enqueue_indirect_dma source(%dma_start3A_559 : memref<125x128xf32, #tpu.memory_space<vmem>>) target(%dma_start3A_565 : memref<10000x128xf32, #tpu.memory_space<vmem_shared>>) offsets(%dma_start3A_562 : memref<125xi32, #tpu.memory_space<vmem>>) semaphore(%run_scoped3A_555 : memref<!tpu.dma_semaphore, #tpu.memory_space<semaphore_mem>>) {add = true}
        %dma_wait3A_566 = arith.constant 0 : i32
        %dma_wait3A_567 = arith.constant 0 : i32
        %dma_wait3A_568 = tpu.memref_slice %arg11[%run_scoped3A_513, %dma_wait3A_566, %dma_wait3A_567] : memref<2x125x128xf32, #tpu.memory_space<vmem>> -> memref<1x125x128xf32, #tpu.memory_space<vmem>>
        %dma_wait3A_569 = tpu.memref_squeeze %dma_wait3A_568 : memref<1x125x128xf32, #tpu.memory_space<vmem>> -> memref<125x128xf32, #tpu.memory_space<vmem>>
        %dma_wait3A_570 = arith.constant 0 : i32
        %dma_wait3A_571 = tpu.memref_slice %arg9[%mul3A_500, %dma_wait3A_570] : memref<16x125xi32, #tpu.memory_space<vmem>> -> memref<1x125xi32, #tpu.memory_space<vmem>>
        %dma_wait3A_572 = tpu.memref_squeeze %dma_wait3A_571 : memref<1x125xi32, #tpu.memory_space<vmem>> -> memref<125xi32, #tpu.memory_space<vmem>>
        %dma_wait3A_573 = arith.constant 0 : i32
        %dma_wait3A_574 = arith.constant 0 : i32
        %dma_wait3A_575 = tpu.memref_slice %arg12[%dma_wait3A_573, %dma_wait3A_574] : memref<10000x128xf32, #tpu.memory_space<vmem_shared>> -> memref<10000x128xf32, #tpu.memory_space<vmem_shared>>
        tpu.wait_indirect_dma semaphore(%run_scoped3A_555 : memref<!tpu.dma_semaphore, #tpu.memory_space<semaphore_mem>>) src(%dma_wait3A_569 : memref<125x128xf32, #tpu.memory_space<vmem>>) dst(%dma_wait3A_575 : memref<10000x128xf32, #tpu.memory_space<vmem_shared>>)
        tpu.yield
      }) : () -> ()
      %add3A_514 = arith.constant 2 : i32
      %add3A_515 = arith.addi %mul3A_500, %add3A_514 : i32
      %dma_start3A_516 = arith.constant 0 : i32
      %dma_start3A_517 = arith.constant 0 : i32
      %dma_start3A_518 = arith.constant 0 : i32
      %dma_start3A_519 = tpu.memref_slice %arg11[%dma_start3A_516, %dma_start3A_517, %dma_start3A_518] : memref<2x125x128xf32, #tpu.memory_space<vmem>> -> memref<1x125x128xf32, #tpu.memory_space<vmem>>
      %dma_start3A_520 = tpu.memref_squeeze %dma_start3A_519 : memref<1x125x128xf32, #tpu.memory_space<vmem>> -> memref<125x128xf32, #tpu.memory_space<vmem>>
      %dma_start3A_521 = arith.constant 0 : i32
      %dma_start3A_522 = tpu.memref_slice %arg7[%add3A_515, %dma_start3A_521] : memref<16x125xi32, #tpu.memory_space<vmem>> -> memref<1x125xi32, #tpu.memory_space<vmem>>
      %dma_start3A_523 = tpu.memref_squeeze %dma_start3A_522 : memref<1x125xi32, #tpu.memory_space<vmem>> -> memref<125xi32, #tpu.memory_space<vmem>>
      %dma_start3A_524 = arith.constant 0 : i32
      %dma_start3A_525 = arith.constant 0 : i32
      %dma_start3A_526 = tpu.memref_slice %arg2[%dma_start3A_524, %dma_start3A_525] : memref<10000x128xf32, #tpu.memory_space<hbm>> -> memref<10000x128xf32, #tpu.memory_space<hbm>>
      tpu.enqueue_indirect_dma source(%dma_start3A_526 : memref<10000x128xf32, #tpu.memory_space<hbm>>) target(%dma_start3A_520 : memref<125x128xf32, #tpu.memory_space<vmem>>) offsets(%dma_start3A_523 : memref<125xi32, #tpu.memory_space<vmem>>) semaphore(%arg13 : memref<!tpu.dma_semaphore, #tpu.memory_space<semaphore_mem>>)
      %dma_wait3A_527 = arith.constant 0 : i32
      %dma_wait3A_528 = arith.constant 1 : i32
      %dma_wait3A_529 = arith.constant 0 : i32
      %dma_wait3A_530 = arith.constant 0 : i32
      %dma_wait3A_531 = tpu.memref_slice %arg11[%dma_wait3A_528, %dma_wait3A_529, %dma_wait3A_530] : memref<2x125x128xf32, #tpu.memory_space<vmem>> -> memref<1x125x128xf32, #tpu.memory_space<vmem>>
      %dma_wait3A_532 = tpu.memref_squeeze %dma_wait3A_531 : memref<1x125x128xf32, #tpu.memory_space<vmem>> -> memref<125x128xf32, #tpu.memory_space<vmem>>
      %dma_wait3A_533 = arith.constant 0 : i32
      %dma_wait3A_534 = tpu.memref_slice %arg7[%dma_wait3A_527, %dma_wait3A_533] : memref<16x125xi32, #tpu.memory_space<vmem>> -> memref<1x125xi32, #tpu.memory_space<vmem>>
      %dma_wait3A_535 = tpu.memref_squeeze %dma_wait3A_534 : memref<1x125xi32, #tpu.memory_space<vmem>> -> memref<125xi32, #tpu.memory_space<vmem>>
      %dma_wait3A_536 = arith.constant 0 : i32
      %dma_wait3A_537 = arith.constant 0 : i32
      %dma_wait3A_538 = tpu.memref_slice %arg2[%dma_wait3A_536, %dma_wait3A_537] : memref<10000x128xf32, #tpu.memory_space<hbm>> -> memref<10000x128xf32, #tpu.memory_space<hbm>>
      tpu.wait_indirect_dma semaphore(%arg14 : memref<!tpu.dma_semaphore, #tpu.memory_space<semaphore_mem>>) src(%dma_wait3A_538 : memref<10000x128xf32, #tpu.memory_space<hbm>>) dst(%dma_wait3A_532 : memref<125x128xf32, #tpu.memory_space<vmem>>)
      %add3A_539 = arith.constant 1 : i32
      %add3A_540 = arith.addi %mul3A_500, %add3A_539 : i32
      %run_scoped3A_541 = arith.constant 1 : i32
      "tpu.region"() ({
        %run_scoped3A_555 = tpu.sem_alloc : memref<!tpu.dma_semaphore, #tpu.memory_space<semaphore_mem>>
        %dma_start3A_556 = arith.constant 0 : i32
        %dma_start3A_557 = arith.constant 0 : i32
        %dma_start3A_558 = tpu.memref_slice %arg11[%run_scoped3A_541, %dma_start3A_556, %dma_start3A_557] : memref<2x125x128xf32, #tpu.memory_space<vmem>> -> memref<1x125x128xf32, #tpu.memory_space<vmem>>
        %dma_start3A_559 = tpu.memref_squeeze %dma_start3A_558 : memref<1x125x128xf32, #tpu.memory_space<vmem>> -> memref<125x128xf32, #tpu.memory_space<vmem>>
        %dma_start3A_560 = arith.constant 0 : i32
        %dma_start3A_561 = tpu.memref_slice %arg9[%add3A_540, %dma_start3A_560] : memref<16x125xi32, #tpu.memory_space<vmem>> -> memref<1x125xi32, #tpu.memory_space<vmem>>
        %dma_start3A_562 = tpu.memref_squeeze %dma_start3A_561 : memref<1x125xi32, #tpu.memory_space<vmem>> -> memref<125xi32, #tpu.memory_space<vmem>>
        %dma_start3A_563 = arith.constant 0 : i32
        %dma_start3A_564 = arith.constant 0 : i32
        %dma_start3A_565 = tpu.memref_slice %arg12[%dma_start3A_563, %dma_start3A_564] : memref<10000x128xf32, #tpu.memory_space<vmem_shared>> -> memref<10000x128xf32, #tpu.memory_space<vmem_shared>>
        tpu.enqueue_indirect_dma source(%dma_start3A_559 : memref<125x128xf32, #tpu.memory_space<vmem>>) target(%dma_start3A_565 : memref<10000x128xf32, #tpu.memory_space<vmem_shared>>) offsets(%dma_start3A_562 : memref<125xi32, #tpu.memory_space<vmem>>) semaphore(%run_scoped3A_555 : memref<!tpu.dma_semaphore, #tpu.memory_space<semaphore_mem>>) {add = true}
        %dma_wait3A_566 = arith.constant 0 : i32
        %dma_wait3A_567 = arith.constant 0 : i32
        %dma_wait3A_568 = tpu.memref_slice %arg11[%run_scoped3A_541, %dma_wait3A_566, %dma_wait3A_567] : memref<2x125x128xf32, #tpu.memory_space<vmem>> -> memref<1x125x128xf32, #tpu.memory_space<vmem>>
        %dma_wait3A_569 = tpu.memref_squeeze %dma_wait3A_568 : memref<1x125x128xf32, #tpu.memory_space<vmem>> -> memref<125x128xf32, #tpu.memory_space<vmem>>
        %dma_wait3A_570 = arith.constant 0 : i32
        %dma_wait3A_571 = tpu.memref_slice %arg9[%add3A_540, %dma_wait3A_570] : memref<16x125xi32, #tpu.memory_space<vmem>> -> memref<1x125xi32, #tpu.memory_space<vmem>>
        %dma_wait3A_572 = tpu.memref_squeeze %dma_wait3A_571 : memref<1x125xi32, #tpu.memory_space<vmem>> -> memref<125xi32, #tpu.memory_space<vmem>>
        %dma_wait3A_573 = arith.constant 0 : i32
        %dma_wait3A_574 = arith.constant 0 : i32
        %dma_wait3A_575 = tpu.memref_slice %arg12[%dma_wait3A_573, %dma_wait3A_574] : memref<10000x128xf32, #tpu.memory_space<vmem_shared>> -> memref<10000x128xf32, #tpu.memory_space<vmem_shared>>
        tpu.wait_indirect_dma semaphore(%run_scoped3A_555 : memref<!tpu.dma_semaphore, #tpu.memory_space<semaphore_mem>>) src(%dma_wait3A_569 : memref<125x128xf32, #tpu.memory_space<vmem>>) dst(%dma_wait3A_575 : memref<10000x128xf32, #tpu.memory_space<vmem_shared>>)
        tpu.yield
      }) : () -> ()
      %add3A_542 = arith.constant 3 : i32
      %add3A_543 = arith.addi %mul3A_500, %add3A_542 : i32
      %dma_start3A_544 = arith.constant 1 : i32
      %dma_start3A_545 = arith.constant 0 : i32
      %dma_start3A_546 = arith.constant 0 : i32
      %dma_start3A_547 = tpu.memref_slice %arg11[%dma_start3A_544, %dma_start3A_545, %dma_start3A_546] : memref<2x125x128xf32, #tpu.memory_space<vmem>> -> memref<1x125x128xf32, #tpu.memory_space<vmem>>
      %dma_start3A_548 = tpu.memref_squeeze %dma_start3A_547 : memref<1x125x128xf32, #tpu.memory_space<vmem>> -> memref<125x128xf32, #tpu.memory_space<vmem>>
      %dma_start3A_549 = arith.constant 0 : i32
      %dma_start3A_550 = tpu.memref_slice %arg7[%add3A_543, %dma_start3A_549] : memref<16x125xi32, #tpu.memory_space<vmem>> -> memref<1x125xi32, #tpu.memory_space<vmem>>
      %dma_start3A_551 = tpu.memref_squeeze %dma_start3A_550 : memref<1x125xi32, #tpu.memory_space<vmem>> -> memref<125xi32, #tpu.memory_space<vmem>>
      %dma_start3A_552 = arith.constant 0 : i32
      %dma_start3A_553 = arith.constant 0 : i32
      %dma_start3A_554 = tpu.memref_slice %arg2[%dma_start3A_552, %dma_start3A_553] : memref<10000x128xf32, #tpu.memory_space<hbm>> -> memref<10000x128xf32, #tpu.memory_space<hbm>>
      tpu.enqueue_indirect_dma source(%dma_start3A_554 : memref<10000x128xf32, #tpu.memory_space<hbm>>) target(%dma_start3A_548 : memref<125x128xf32, #tpu.memory_space<vmem>>) offsets(%dma_start3A_551 : memref<125xi32, #tpu.memory_space<vmem>>) semaphore(%arg14 : memref<!tpu.dma_semaphore, #tpu.memory_space<semaphore_mem>>)
    }
    %scan3A_286 = arith.constant 7 : i32
    %dma_wait3A_287 = arith.constant 0 : i32
    %dma_wait3A_288 = arith.constant 0 : i32
    %dma_wait3A_289 = arith.constant 0 : i32
    %dma_wait3A_290 = arith.constant 0 : i32
    %dma_wait3A_291 = tpu.memref_slice %arg11[%dma_wait3A_288, %dma_wait3A_289, %dma_wait3A_290] : memref<2x125x128xf32, #tpu.memory_space<vmem>> -> memref<1x125x128xf32, #tpu.memory_space<vmem>>
    %dma_wait3A_292 = tpu.memref_squeeze %dma_wait3A_291 : memref<1x125x128xf32, #tpu.memory_space<vmem>> -> memref<125x128xf32, #tpu.memory_space<vmem>>
    %dma_wait3A_293 = arith.constant 0 : i32
    %dma_wait3A_294 = tpu.memref_slice %arg7[%dma_wait3A_287, %dma_wait3A_293] : memref<16x125xi32, #tpu.memory_space<vmem>> -> memref<1x125xi32, #tpu.memory_space<vmem>>
    %dma_wait3A_295 = tpu.memref_squeeze %dma_wait3A_294 : memref<1x125xi32, #tpu.memory_space<vmem>> -> memref<125xi32, #tpu.memory_space<vmem>>
    %dma_wait3A_296 = arith.constant 0 : i32
    %dma_wait3A_297 = arith.constant 0 : i32
    %dma_wait3A_298 = tpu.memref_slice %arg2[%dma_wait3A_296, %dma_wait3A_297] : memref<10000x128xf32, #tpu.memory_space<hbm>> -> memref<10000x128xf32, #tpu.memory_space<hbm>>
    tpu.wait_indirect_dma semaphore(%arg13 : memref<!tpu.dma_semaphore, #tpu.memory_space<semaphore_mem>>) src(%dma_wait3A_298 : memref<10000x128xf32, #tpu.memory_space<hbm>>) dst(%dma_wait3A_292 : memref<125x128xf32, #tpu.memory_space<vmem>>)
    %run_scoped3A_299 = arith.constant 0 : i32
    %run_scoped3A_300 = arith.constant 14 : i32
    "tpu.region"() ({
      %run_scoped3A_498 = tpu.sem_alloc : memref<!tpu.dma_semaphore, #tpu.memory_space<semaphore_mem>>
      %dma_start3A_499 = arith.constant 0 : i32
      %dma_start3A_500 = arith.constant 0 : i32
      %dma_start3A_501 = tpu.memref_slice %arg11[%run_scoped3A_299, %dma_start3A_499, %dma_start3A_500] : memref<2x125x128xf32, #tpu.memory_space<vmem>> -> memref<1x125x128xf32, #tpu.memory_space<vmem>>
      %dma_start3A_502 = tpu.memref_squeeze %dma_start3A_501 : memref<1x125x128xf32, #tpu.memory_space<vmem>> -> memref<125x128xf32, #tpu.memory_space<vmem>>
      %dma_start3A_503 = arith.constant 0 : i32
      %dma_start3A_504 = tpu.memref_slice %arg9[%run_scoped3A_300, %dma_start3A_503] : memref<16x125xi32, #tpu.memory_space<vmem>> -> memref<1x125xi32, #tpu.memory_space<vmem>>
      %dma_start3A_505 = tpu.memref_squeeze %dma_start3A_504 : memref<1x125xi32, #tpu.memory_space<vmem>> -> memref<125xi32, #tpu.memory_space<vmem>>
      %dma_start3A_506 = arith.constant 0 : i32
      %dma_start3A_507 = arith.constant 0 : i32
      %dma_start3A_508 = tpu.memref_slice %arg12[%dma_start3A_506, %dma_start3A_507] : memref<10000x128xf32, #tpu.memory_space<vmem_shared>> -> memref<10000x128xf32, #tpu.memory_space<vmem_shared>>
      tpu.enqueue_indirect_dma source(%dma_start3A_502 : memref<125x128xf32, #tpu.memory_space<vmem>>) target(%dma_start3A_508 : memref<10000x128xf32, #tpu.memory_space<vmem_shared>>) offsets(%dma_start3A_505 : memref<125xi32, #tpu.memory_space<vmem>>) semaphore(%run_scoped3A_498 : memref<!tpu.dma_semaphore, #tpu.memory_space<semaphore_mem>>) {add = true}
      %dma_wait3A_509 = arith.constant 0 : i32
      %dma_wait3A_510 = arith.constant 0 : i32
      %dma_wait3A_511 = tpu.memref_slice %arg11[%run_scoped3A_299, %dma_wait3A_509, %dma_wait3A_510] : memref<2x125x128xf32, #tpu.memory_space<vmem>> -> memref<1x125x128xf32, #tpu.memory_space<vmem>>
      %dma_wait3A_512 = tpu.memref_squeeze %dma_wait3A_511 : memref<1x125x128xf32, #tpu.memory_space<vmem>> -> memref<125x128xf32, #tpu.memory_space<vmem>>
      %dma_wait3A_513 = arith.constant 0 : i32
      %dma_wait3A_514 = tpu.memref_slice %arg9[%run_scoped3A_300, %dma_wait3A_513] : memref<16x125xi32, #tpu.memory_space<vmem>> -> memref<1x125xi32, #tpu.memory_space<vmem>>
      %dma_wait3A_515 = tpu.memref_squeeze %dma_wait3A_514 : memref<1x125xi32, #tpu.memory_space<vmem>> -> memref<125xi32, #tpu.memory_space<vmem>>
      %dma_wait3A_516 = arith.constant 0 : i32
      %dma_wait3A_517 = arith.constant 0 : i32
      %dma_wait3A_518 = tpu.memref_slice %arg12[%dma_wait3A_516, %dma_wait3A_517] : memref<10000x128xf32, #tpu.memory_space<vmem_shared>> -> memref<10000x128xf32, #tpu.memory_space<vmem_shared>>
      tpu.wait_indirect_dma semaphore(%run_scoped3A_498 : memref<!tpu.dma_semaphore, #tpu.memory_space<semaphore_mem>>) src(%dma_wait3A_512 : memref<125x128xf32, #tpu.memory_space<vmem>>) dst(%dma_wait3A_518 : memref<10000x128xf32, #tpu.memory_space<vmem_shared>>)
      tpu.yield
    }) : () -> ()
    %dma_wait3A_301 = arith.constant 0 : i32
    %dma_wait3A_302 = arith.constant 0 : i32
    %dma_wait3A_303 = arith.constant 0 : i32
    %dma_wait3A_304 = tpu.memref_slice %arg3[%dma_wait3A_301, %dma_wait3A_302, %dma_wait3A_303] : memref<160x16x125xi32, #tpu.memory_space<hbm>> -> memref<1x16x125xi32, #tpu.memory_space<hbm>>
    %dma_wait3A_305 = tpu.memref_squeeze %dma_wait3A_304 : memref<1x16x125xi32, #tpu.memory_space<hbm>> -> memref<16x125xi32, #tpu.memory_space<hbm>>
    %dma_wait3A_306 = arith.constant 0 : i32
    %dma_wait3A_307 = arith.constant 0 : i32
    %dma_wait3A_308 = tpu.memref_slice %arg3[%dma_wait3A_301, %dma_wait3A_306, %dma_wait3A_307] : memref<160x16x125xi32, #tpu.memory_space<hbm>> -> memref<1x16x125xi32, #tpu.memory_space<hbm>>
    %dma_wait3A_309 = tpu.memref_squeeze %dma_wait3A_308 : memref<1x16x125xi32, #tpu.memory_space<hbm>> -> memref<16x125xi32, #tpu.memory_space<hbm>>
    tpu.wait_dma2 semaphore(%arg16 : memref<!tpu.dma_semaphore, #tpu.memory_space<semaphore_mem>>) src(%dma_wait3A_309 : memref<16x125xi32, #tpu.memory_space<hbm>>) dst(%arg8 : memref<16x125xi32, #tpu.memory_space<vmem>>)
    %dma_wait3A_310 = arith.constant 0 : i32
    %dma_wait3A_311 = arith.constant 0 : i32
    %dma_wait3A_312 = arith.constant 0 : i32
    %dma_wait3A_313 = tpu.memref_slice %arg3[%dma_wait3A_310, %dma_wait3A_311, %dma_wait3A_312] : memref<160x16x125xi32, #tpu.memory_space<hbm>> -> memref<1x16x125xi32, #tpu.memory_space<hbm>>
    %dma_wait3A_314 = tpu.memref_squeeze %dma_wait3A_313 : memref<1x16x125xi32, #tpu.memory_space<hbm>> -> memref<16x125xi32, #tpu.memory_space<hbm>>
    %dma_wait3A_315 = arith.constant 0 : i32
    %dma_wait3A_316 = arith.constant 0 : i32
    %dma_wait3A_317 = tpu.memref_slice %arg3[%dma_wait3A_310, %dma_wait3A_315, %dma_wait3A_316] : memref<160x16x125xi32, #tpu.memory_space<hbm>> -> memref<1x16x125xi32, #tpu.memory_space<hbm>>
    %dma_wait3A_318 = tpu.memref_squeeze %dma_wait3A_317 : memref<1x16x125xi32, #tpu.memory_space<hbm>> -> memref<16x125xi32, #tpu.memory_space<hbm>>
    tpu.wait_dma2 semaphore(%arg16 : memref<!tpu.dma_semaphore, #tpu.memory_space<semaphore_mem>>) src(%dma_wait3A_318 : memref<16x125xi32, #tpu.memory_space<hbm>>) dst(%arg10 : memref<16x125xi32, #tpu.memory_space<vmem>>)
    %dma_start3A_319 = arith.constant 0 : i32
    %dma_start3A_320 = arith.constant 0 : i32
    %dma_start3A_321 = arith.constant 0 : i32
    %dma_start3A_322 = arith.constant 0 : i32
    %dma_start3A_323 = tpu.memref_slice %arg11[%dma_start3A_320, %dma_start3A_321, %dma_start3A_322] : memref<2x125x128xf32, #tpu.memory_space<vmem>> -> memref<1x125x128xf32, #tpu.memory_space<vmem>>
    %dma_start3A_324 = tpu.memref_squeeze %dma_start3A_323 : memref<1x125x128xf32, #tpu.memory_space<vmem>> -> memref<125x128xf32, #tpu.memory_space<vmem>>
    %dma_start3A_325 = arith.constant 0 : i32
    %dma_start3A_326 = tpu.memref_slice %arg8[%dma_start3A_319, %dma_start3A_325] : memref<16x125xi32, #tpu.memory_space<vmem>> -> memref<1x125xi32, #tpu.memory_space<vmem>>
    %dma_start3A_327 = tpu.memref_squeeze %dma_start3A_326 : memref<1x125xi32, #tpu.memory_space<vmem>> -> memref<125xi32, #tpu.memory_space<vmem>>
    %dma_start3A_328 = arith.constant 0 : i32
    %dma_start3A_329 = arith.constant 0 : i32
    %dma_start3A_330 = tpu.memref_slice %arg2[%dma_start3A_328, %dma_start3A_329] : memref<10000x128xf32, #tpu.memory_space<hbm>> -> memref<10000x128xf32, #tpu.memory_space<hbm>>
    tpu.enqueue_indirect_dma source(%dma_start3A_330 : memref<10000x128xf32, #tpu.memory_space<hbm>>) target(%dma_start3A_324 : memref<125x128xf32, #tpu.memory_space<vmem>>) offsets(%dma_start3A_327 : memref<125xi32, #tpu.memory_space<vmem>>) semaphore(%arg13 : memref<!tpu.dma_semaphore, #tpu.memory_space<semaphore_mem>>)
    %dma_wait3A_331 = arith.constant 0 : i32
    %dma_wait3A_332 = arith.constant 1 : i32
    %dma_wait3A_333 = arith.constant 0 : i32
    %dma_wait3A_334 = arith.constant 0 : i32
    %dma_wait3A_335 = tpu.memref_slice %arg11[%dma_wait3A_332, %dma_wait3A_333, %dma_wait3A_334] : memref<2x125x128xf32, #tpu.memory_space<vmem>> -> memref<1x125x128xf32, #tpu.memory_space<vmem>>
    %dma_wait3A_336 = tpu.memref_squeeze %dma_wait3A_335 : memref<1x125x128xf32, #tpu.memory_space<vmem>> -> memref<125x128xf32, #tpu.memory_space<vmem>>
    %dma_wait3A_337 = arith.constant 0 : i32
    %dma_wait3A_338 = tpu.memref_slice %arg7[%dma_wait3A_331, %dma_wait3A_337] : memref<16x125xi32, #tpu.memory_space<vmem>> -> memref<1x125xi32, #tpu.memory_space<vmem>>
    %dma_wait3A_339 = tpu.memref_squeeze %dma_wait3A_338 : memref<1x125xi32, #tpu.memory_space<vmem>> -> memref<125xi32, #tpu.memory_space<vmem>>
    %dma_wait3A_340 = arith.constant 0 : i32
    %dma_wait3A_341 = arith.constant 0 : i32
    %dma_wait3A_342 = tpu.memref_slice %arg2[%dma_wait3A_340, %dma_wait3A_341] : memref<10000x128xf32, #tpu.memory_space<hbm>> -> memref<10000x128xf32, #tpu.memory_space<hbm>>
    tpu.wait_indirect_dma semaphore(%arg14 : memref<!tpu.dma_semaphore, #tpu.memory_space<semaphore_mem>>) src(%dma_wait3A_342 : memref<10000x128xf32, #tpu.memory_space<hbm>>) dst(%dma_wait3A_336 : memref<125x128xf32, #tpu.memory_space<vmem>>)
    %run_scoped3A_343 = arith.constant 1 : i32
    %run_scoped3A_344 = arith.constant 15 : i32
    "tpu.region"() ({
      %run_scoped3A_498 = tpu.sem_alloc : memref<!tpu.dma_semaphore, #tpu.memory_space<semaphore_mem>>
      %dma_start3A_499 = arith.constant 0 : i32
      %dma_start3A_500 = arith.constant 0 : i32
      %dma_start3A_501 = tpu.memref_slice %arg11[%run_scoped3A_343, %dma_start3A_499, %dma_start3A_500] : memref<2x125x128xf32, #tpu.memory_space<vmem>> -> memref<1x125x128xf32, #tpu.memory_space<vmem>>
      %dma_start3A_502 = tpu.memref_squeeze %dma_start3A_501 : memref<1x125x128xf32, #tpu.memory_space<vmem>> -> memref<125x128xf32, #tpu.memory_space<vmem>>
      %dma_start3A_503 = arith.constant 0 : i32
      %dma_start3A_504 = tpu.memref_slice %arg9[%run_scoped3A_344, %dma_start3A_503] : memref<16x125xi32, #tpu.memory_space<vmem>> -> memref<1x125xi32, #tpu.memory_space<vmem>>
      %dma_start3A_505 = tpu.memref_squeeze %dma_start3A_504 : memref<1x125xi32, #tpu.memory_space<vmem>> -> memref<125xi32, #tpu.memory_space<vmem>>
      %dma_start3A_506 = arith.constant 0 : i32
      %dma_start3A_507 = arith.constant 0 : i32
      %dma_start3A_508 = tpu.memref_slice %arg12[%dma_start3A_506, %dma_start3A_507] : memref<10000x128xf32, #tpu.memory_space<vmem_shared>> -> memref<10000x128xf32, #tpu.memory_space<vmem_shared>>
      tpu.enqueue_indirect_dma source(%dma_start3A_502 : memref<125x128xf32, #tpu.memory_space<vmem>>) target(%dma_start3A_508 : memref<10000x128xf32, #tpu.memory_space<vmem_shared>>) offsets(%dma_start3A_505 : memref<125xi32, #tpu.memory_space<vmem>>) semaphore(%run_scoped3A_498 : memref<!tpu.dma_semaphore, #tpu.memory_space<semaphore_mem>>) {add = true}
      %dma_wait3A_509 = arith.constant 0 : i32
      %dma_wait3A_510 = arith.constant 0 : i32
      %dma_wait3A_511 = tpu.memref_slice %arg11[%run_scoped3A_343, %dma_wait3A_509, %dma_wait3A_510] : memref<2x125x128xf32, #tpu.memory_space<vmem>> -> memref<1x125x128xf32, #tpu.memory_space<vmem>>
      %dma_wait3A_512 = tpu.memref_squeeze %dma_wait3A_511 : memref<1x125x128xf32, #tpu.memory_space<vmem>> -> memref<125x128xf32, #tpu.memory_space<vmem>>
      %dma_wait3A_513 = arith.constant 0 : i32
      %dma_wait3A_514 = tpu.memref_slice %arg9[%run_scoped3A_344, %dma_wait3A_513] : memref<16x125xi32, #tpu.memory_space<vmem>> -> memref<1x125xi32, #tpu.memory_space<vmem>>
      %dma_wait3A_515 = tpu.memref_squeeze %dma_wait3A_514 : memref<1x125xi32, #tpu.memory_space<vmem>> -> memref<125xi32, #tpu.memory_space<vmem>>
      %dma_wait3A_516 = arith.constant 0 : i32
      %dma_wait3A_517 = arith.constant 0 : i32
      %dma_wait3A_518 = tpu.memref_slice %arg12[%dma_wait3A_516, %dma_wait3A_517] : memref<10000x128xf32, #tpu.memory_space<vmem_shared>> -> memref<10000x128xf32, #tpu.memory_space<vmem_shared>>
      tpu.wait_indirect_dma semaphore(%run_scoped3A_498 : memref<!tpu.dma_semaphore, #tpu.memory_space<semaphore_mem>>) src(%dma_wait3A_512 : memref<125x128xf32, #tpu.memory_space<vmem>>) dst(%dma_wait3A_518 : memref<10000x128xf32, #tpu.memory_space<vmem_shared>>)
      tpu.yield
    }) : () -> ()
    %dma_start3A_345 = arith.constant 1 : i32
    %dma_start3A_346 = arith.constant 1 : i32
    %dma_start3A_347 = arith.constant 0 : i32
    %dma_start3A_348 = arith.constant 0 : i32
    %dma_start3A_349 = tpu.memref_slice %arg11[%dma_start3A_346, %dma_start3A_347, %dma_start3A_348] : memref<2x125x128xf32, #tpu.memory_space<vmem>> -> memref<1x125x128xf32, #tpu.memory_space<vmem>>
    %dma_start3A_350 = tpu.memref_squeeze %dma_start3A_349 : memref<1x125x128xf32, #tpu.memory_space<vmem>> -> memref<125x128xf32, #tpu.memory_space<vmem>>
    %dma_start3A_351 = arith.constant 0 : i32
    %dma_start3A_352 = tpu.memref_slice %arg8[%dma_start3A_345, %dma_start3A_351] : memref<16x125xi32, #tpu.memory_space<vmem>> -> memref<1x125xi32, #tpu.memory_space<vmem>>
    %dma_start3A_353 = tpu.memref_squeeze %dma_start3A_352 : memref<1x125xi32, #tpu.memory_space<vmem>> -> memref<125xi32, #tpu.memory_space<vmem>>
    %dma_start3A_354 = arith.constant 0 : i32
    %dma_start3A_355 = arith.constant 0 : i32
    %dma_start3A_356 = tpu.memref_slice %arg2[%dma_start3A_354, %dma_start3A_355] : memref<10000x128xf32, #tpu.memory_space<hbm>> -> memref<10000x128xf32, #tpu.memory_space<hbm>>
    tpu.enqueue_indirect_dma source(%dma_start3A_356 : memref<10000x128xf32, #tpu.memory_space<hbm>>) target(%dma_start3A_350 : memref<125x128xf32, #tpu.memory_space<vmem>>) offsets(%dma_start3A_353 : memref<125xi32, #tpu.memory_space<vmem>>) semaphore(%arg14 : memref<!tpu.dma_semaphore, #tpu.memory_space<semaphore_mem>>)
    %add3A_357 = arith.constant 4 : i32
    %add3A_358 = arith.addi %mul3A_2, %add3A_357 : i32
    %dma_start3A_359 = arith.constant 0 : i32
    %dma_start3A_360 = arith.constant 0 : i32
    %dma_start3A_361 = tpu.memref_slice %arg3[%add3A_358, %dma_start3A_359, %dma_start3A_360] : memref<160x16x125xi32, #tpu.memory_space<hbm>> -> memref<1x16x125xi32, #tpu.memory_space<hbm>>
    %dma_start3A_362 = tpu.memref_squeeze %dma_start3A_361 : memref<1x16x125xi32, #tpu.memory_space<hbm>> -> memref<16x125xi32, #tpu.memory_space<hbm>>
    %dma_start3A_363 = arith.constant 0 : i32
    %dma_start3A_364 = arith.constant 0 : i32
    %dma_start3A_365 = tpu.memref_slice %arg3[%add3A_358, %dma_start3A_363, %dma_start3A_364] : memref<160x16x125xi32, #tpu.memory_space<hbm>> -> memref<1x16x125xi32, #tpu.memory_space<hbm>>
    %dma_start3A_366 = tpu.memref_squeeze %dma_start3A_365 : memref<1x16x125xi32, #tpu.memory_space<hbm>> -> memref<16x125xi32, #tpu.memory_space<hbm>>
    tpu.enqueue_dma source(%dma_start3A_366 : memref<16x125xi32, #tpu.memory_space<hbm>>) target(%arg7 : memref<16x125xi32, #tpu.memory_space<vmem>>) target_semaphore(%arg15 : memref<!tpu.dma_semaphore, #tpu.memory_space<semaphore_mem>>)
    %add3A_367 = arith.constant 4 : i32
    %add3A_368 = arith.addi %mul3A_2, %add3A_367 : i32
    %dma_start3A_369 = arith.constant 0 : i32
    %dma_start3A_370 = arith.constant 0 : i32
    %dma_start3A_371 = tpu.memref_slice %arg4[%add3A_368, %dma_start3A_369, %dma_start3A_370] : memref<160x16x125xi32, #tpu.memory_space<hbm>> -> memref<1x16x125xi32, #tpu.memory_space<hbm>>
    %dma_start3A_372 = tpu.memref_squeeze %dma_start3A_371 : memref<1x16x125xi32, #tpu.memory_space<hbm>> -> memref<16x125xi32, #tpu.memory_space<hbm>>
    %dma_start3A_373 = arith.constant 0 : i32
    %dma_start3A_374 = arith.constant 0 : i32
    %dma_start3A_375 = tpu.memref_slice %arg4[%add3A_368, %dma_start3A_373, %dma_start3A_374] : memref<160x16x125xi32, #tpu.memory_space<hbm>> -> memref<1x16x125xi32, #tpu.memory_space<hbm>>
    %dma_start3A_376 = tpu.memref_squeeze %dma_start3A_375 : memref<1x16x125xi32, #tpu.memory_space<hbm>> -> memref<16x125xi32, #tpu.memory_space<hbm>>
    tpu.enqueue_dma source(%dma_start3A_376 : memref<16x125xi32, #tpu.memory_space<hbm>>) target(%arg9 : memref<16x125xi32, #tpu.memory_space<vmem>>) target_semaphore(%arg15 : memref<!tpu.dma_semaphore, #tpu.memory_space<semaphore_mem>>)
    %scan3A_377 = arith.constant 0 : i32
    %scan3A_378 = arith.constant 0 : i32
    %scan3A_379 = arith.constant 7 : i32
    %scan3A_380 = arith.addi %scan3A_378, %scan3A_379 : i32
    %scan3A_381 = arith.constant 1 : i32
    scf.for %scan3A_498 = %scan3A_378 to %scan3A_380 step %scan3A_381  : i32 {
      %mul3A_499 = arith.constant 2 : i32
      %mul3A_500 = arith.muli %mul3A_499, %scan3A_498 : i32
      %dma_wait3A_501 = arith.constant 0 : i32
      %dma_wait3A_502 = arith.constant 0 : i32
      %dma_wait3A_503 = arith.constant 0 : i32
      %dma_wait3A_504 = arith.constant 0 : i32
      %dma_wait3A_505 = tpu.memref_slice %arg11[%dma_wait3A_502, %dma_wait3A_503, %dma_wait3A_504] : memref<2x125x128xf32, #tpu.memory_space<vmem>> -> memref<1x125x128xf32, #tpu.memory_space<vmem>>
      %dma_wait3A_506 = tpu.memref_squeeze %dma_wait3A_505 : memref<1x125x128xf32, #tpu.memory_space<vmem>> -> memref<125x128xf32, #tpu.memory_space<vmem>>
      %dma_wait3A_507 = arith.constant 0 : i32
      %dma_wait3A_508 = tpu.memref_slice %arg7[%dma_wait3A_501, %dma_wait3A_507] : memref<16x125xi32, #tpu.memory_space<vmem>> -> memref<1x125xi32, #tpu.memory_space<vmem>>
      %dma_wait3A_509 = tpu.memref_squeeze %dma_wait3A_508 : memref<1x125xi32, #tpu.memory_space<vmem>> -> memref<125xi32, #tpu.memory_space<vmem>>
      %dma_wait3A_510 = arith.constant 0 : i32
      %dma_wait3A_511 = arith.constant 0 : i32
      %dma_wait3A_512 = tpu.memref_slice %arg2[%dma_wait3A_510, %dma_wait3A_511] : memref<10000x128xf32, #tpu.memory_space<hbm>> -> memref<10000x128xf32, #tpu.memory_space<hbm>>
      tpu.wait_indirect_dma semaphore(%arg13 : memref<!tpu.dma_semaphore, #tpu.memory_space<semaphore_mem>>) src(%dma_wait3A_512 : memref<10000x128xf32, #tpu.memory_space<hbm>>) dst(%dma_wait3A_506 : memref<125x128xf32, #tpu.memory_space<vmem>>)
      %run_scoped3A_513 = arith.constant 0 : i32
      "tpu.region"() ({
        %run_scoped3A_555 = tpu.sem_alloc : memref<!tpu.dma_semaphore, #tpu.memory_space<semaphore_mem>>
        %dma_start3A_556 = arith.constant 0 : i32
        %dma_start3A_557 = arith.constant 0 : i32
        %dma_start3A_558 = tpu.memref_slice %arg11[%run_scoped3A_513, %dma_start3A_556, %dma_start3A_557] : memref<2x125x128xf32, #tpu.memory_space<vmem>> -> memref<1x125x128xf32, #tpu.memory_space<vmem>>
        %dma_start3A_559 = tpu.memref_squeeze %dma_start3A_558 : memref<1x125x128xf32, #tpu.memory_space<vmem>> -> memref<125x128xf32, #tpu.memory_space<vmem>>
        %dma_start3A_560 = arith.constant 0 : i32
        %dma_start3A_561 = tpu.memref_slice %arg10[%mul3A_500, %dma_start3A_560] : memref<16x125xi32, #tpu.memory_space<vmem>> -> memref<1x125xi32, #tpu.memory_space<vmem>>
        %dma_start3A_562 = tpu.memref_squeeze %dma_start3A_561 : memref<1x125xi32, #tpu.memory_space<vmem>> -> memref<125xi32, #tpu.memory_space<vmem>>
        %dma_start3A_563 = arith.constant 0 : i32
        %dma_start3A_564 = arith.constant 0 : i32
        %dma_start3A_565 = tpu.memref_slice %arg12[%dma_start3A_563, %dma_start3A_564] : memref<10000x128xf32, #tpu.memory_space<vmem_shared>> -> memref<10000x128xf32, #tpu.memory_space<vmem_shared>>
        tpu.enqueue_indirect_dma source(%dma_start3A_559 : memref<125x128xf32, #tpu.memory_space<vmem>>) target(%dma_start3A_565 : memref<10000x128xf32, #tpu.memory_space<vmem_shared>>) offsets(%dma_start3A_562 : memref<125xi32, #tpu.memory_space<vmem>>) semaphore(%run_scoped3A_555 : memref<!tpu.dma_semaphore, #tpu.memory_space<semaphore_mem>>) {add = true}
        %dma_wait3A_566 = arith.constant 0 : i32
        %dma_wait3A_567 = arith.constant 0 : i32
        %dma_wait3A_568 = tpu.memref_slice %arg11[%run_scoped3A_513, %dma_wait3A_566, %dma_wait3A_567] : memref<2x125x128xf32, #tpu.memory_space<vmem>> -> memref<1x125x128xf32, #tpu.memory_space<vmem>>
        %dma_wait3A_569 = tpu.memref_squeeze %dma_wait3A_568 : memref<1x125x128xf32, #tpu.memory_space<vmem>> -> memref<125x128xf32, #tpu.memory_space<vmem>>
        %dma_wait3A_570 = arith.constant 0 : i32
        %dma_wait3A_571 = tpu.memref_slice %arg10[%mul3A_500, %dma_wait3A_570] : memref<16x125xi32, #tpu.memory_space<vmem>> -> memref<1x125xi32, #tpu.memory_space<vmem>>
        %dma_wait3A_572 = tpu.memref_squeeze %dma_wait3A_571 : memref<1x125xi32, #tpu.memory_space<vmem>> -> memref<125xi32, #tpu.memory_space<vmem>>
        %dma_wait3A_573 = arith.constant 0 : i32
        %dma_wait3A_574 = arith.constant 0 : i32
        %dma_wait3A_575 = tpu.memref_slice %arg12[%dma_wait3A_573, %dma_wait3A_574] : memref<10000x128xf32, #tpu.memory_space<vmem_shared>> -> memref<10000x128xf32, #tpu.memory_space<vmem_shared>>
        tpu.wait_indirect_dma semaphore(%run_scoped3A_555 : memref<!tpu.dma_semaphore, #tpu.memory_space<semaphore_mem>>) src(%dma_wait3A_569 : memref<125x128xf32, #tpu.memory_space<vmem>>) dst(%dma_wait3A_575 : memref<10000x128xf32, #tpu.memory_space<vmem_shared>>)
        tpu.yield
      }) : () -> ()
      %add3A_514 = arith.constant 2 : i32
      %add3A_515 = arith.addi %mul3A_500, %add3A_514 : i32
      %dma_start3A_516 = arith.constant 0 : i32
      %dma_start3A_517 = arith.constant 0 : i32
      %dma_start3A_518 = arith.constant 0 : i32
      %dma_start3A_519 = tpu.memref_slice %arg11[%dma_start3A_516, %dma_start3A_517, %dma_start3A_518] : memref<2x125x128xf32, #tpu.memory_space<vmem>> -> memref<1x125x128xf32, #tpu.memory_space<vmem>>
      %dma_start3A_520 = tpu.memref_squeeze %dma_start3A_519 : memref<1x125x128xf32, #tpu.memory_space<vmem>> -> memref<125x128xf32, #tpu.memory_space<vmem>>
      %dma_start3A_521 = arith.constant 0 : i32
      %dma_start3A_522 = tpu.memref_slice %arg8[%add3A_515, %dma_start3A_521] : memref<16x125xi32, #tpu.memory_space<vmem>> -> memref<1x125xi32, #tpu.memory_space<vmem>>
      %dma_start3A_523 = tpu.memref_squeeze %dma_start3A_522 : memref<1x125xi32, #tpu.memory_space<vmem>> -> memref<125xi32, #tpu.memory_space<vmem>>
      %dma_start3A_524 = arith.constant 0 : i32
      %dma_start3A_525 = arith.constant 0 : i32
      %dma_start3A_526 = tpu.memref_slice %arg2[%dma_start3A_524, %dma_start3A_525] : memref<10000x128xf32, #tpu.memory_space<hbm>> -> memref<10000x128xf32, #tpu.memory_space<hbm>>
      tpu.enqueue_indirect_dma source(%dma_start3A_526 : memref<10000x128xf32, #tpu.memory_space<hbm>>) target(%dma_start3A_520 : memref<125x128xf32, #tpu.memory_space<vmem>>) offsets(%dma_start3A_523 : memref<125xi32, #tpu.memory_space<vmem>>) semaphore(%arg13 : memref<!tpu.dma_semaphore, #tpu.memory_space<semaphore_mem>>)
      %dma_wait3A_527 = arith.constant 0 : i32
      %dma_wait3A_528 = arith.constant 1 : i32
      %dma_wait3A_529 = arith.constant 0 : i32
      %dma_wait3A_530 = arith.constant 0 : i32
      %dma_wait3A_531 = tpu.memref_slice %arg11[%dma_wait3A_528, %dma_wait3A_529, %dma_wait3A_530] : memref<2x125x128xf32, #tpu.memory_space<vmem>> -> memref<1x125x128xf32, #tpu.memory_space<vmem>>
      %dma_wait3A_532 = tpu.memref_squeeze %dma_wait3A_531 : memref<1x125x128xf32, #tpu.memory_space<vmem>> -> memref<125x128xf32, #tpu.memory_space<vmem>>
      %dma_wait3A_533 = arith.constant 0 : i32
      %dma_wait3A_534 = tpu.memref_slice %arg7[%dma_wait3A_527, %dma_wait3A_533] : memref<16x125xi32, #tpu.memory_space<vmem>> -> memref<1x125xi32, #tpu.memory_space<vmem>>
      %dma_wait3A_535 = tpu.memref_squeeze %dma_wait3A_534 : memref<1x125xi32, #tpu.memory_space<vmem>> -> memref<125xi32, #tpu.memory_space<vmem>>
      %dma_wait3A_536 = arith.constant 0 : i32
      %dma_wait3A_537 = arith.constant 0 : i32
      %dma_wait3A_538 = tpu.memref_slice %arg2[%dma_wait3A_536, %dma_wait3A_537] : memref<10000x128xf32, #tpu.memory_space<hbm>> -> memref<10000x128xf32, #tpu.memory_space<hbm>>
      tpu.wait_indirect_dma semaphore(%arg14 : memref<!tpu.dma_semaphore, #tpu.memory_space<semaphore_mem>>) src(%dma_wait3A_538 : memref<10000x128xf32, #tpu.memory_space<hbm>>) dst(%dma_wait3A_532 : memref<125x128xf32, #tpu.memory_space<vmem>>)
      %add3A_539 = arith.constant 1 : i32
      %add3A_540 = arith.addi %mul3A_500, %add3A_539 : i32
      %run_scoped3A_541 = arith.constant 1 : i32
      "tpu.region"() ({
        %run_scoped3A_555 = tpu.sem_alloc : memref<!tpu.dma_semaphore, #tpu.memory_space<semaphore_mem>>
        %dma_start3A_556 = arith.constant 0 : i32
        %dma_start3A_557 = arith.constant 0 : i32
        %dma_start3A_558 = tpu.memref_slice %arg11[%run_scoped3A_541, %dma_start3A_556, %dma_start3A_557] : memref<2x125x128xf32, #tpu.memory_space<vmem>> -> memref<1x125x128xf32, #tpu.memory_space<vmem>>
        %dma_start3A_559 = tpu.memref_squeeze %dma_start3A_558 : memref<1x125x128xf32, #tpu.memory_space<vmem>> -> memref<125x128xf32, #tpu.memory_space<vmem>>
        %dma_start3A_560 = arith.constant 0 : i32
        %dma_start3A_561 = tpu.memref_slice %arg10[%add3A_540, %dma_start3A_560] : memref<16x125xi32, #tpu.memory_space<vmem>> -> memref<1x125xi32, #tpu.memory_space<vmem>>
        %dma_start3A_562 = tpu.memref_squeeze %dma_start3A_561 : memref<1x125xi32, #tpu.memory_space<vmem>> -> memref<125xi32, #tpu.memory_space<vmem>>
        %dma_start3A_563 = arith.constant 0 : i32
        %dma_start3A_564 = arith.constant 0 : i32
        %dma_start3A_565 = tpu.memref_slice %arg12[%dma_start3A_563, %dma_start3A_564] : memref<10000x128xf32, #tpu.memory_space<vmem_shared>> -> memref<10000x128xf32, #tpu.memory_space<vmem_shared>>
        tpu.enqueue_indirect_dma source(%dma_start3A_559 : memref<125x128xf32, #tpu.memory_space<vmem>>) target(%dma_start3A_565 : memref<10000x128xf32, #tpu.memory_space<vmem_shared>>) offsets(%dma_start3A_562 : memref<125xi32, #tpu.memory_space<vmem>>) semaphore(%run_scoped3A_555 : memref<!tpu.dma_semaphore, #tpu.memory_space<semaphore_mem>>) {add = true}
        %dma_wait3A_566 = arith.constant 0 : i32
        %dma_wait3A_567 = arith.constant 0 : i32
        %dma_wait3A_568 = tpu.memref_slice %arg11[%run_scoped3A_541, %dma_wait3A_566, %dma_wait3A_567] : memref<2x125x128xf32, #tpu.memory_space<vmem>> -> memref<1x125x128xf32, #tpu.memory_space<vmem>>
        %dma_wait3A_569 = tpu.memref_squeeze %dma_wait3A_568 : memref<1x125x128xf32, #tpu.memory_space<vmem>> -> memref<125x128xf32, #tpu.memory_space<vmem>>
        %dma_wait3A_570 = arith.constant 0 : i32
        %dma_wait3A_571 = tpu.memref_slice %arg10[%add3A_540, %dma_wait3A_570] : memref<16x125xi32, #tpu.memory_space<vmem>> -> memref<1x125xi32, #tpu.memory_space<vmem>>
        %dma_wait3A_572 = tpu.memref_squeeze %dma_wait3A_571 : memref<1x125xi32, #tpu.memory_space<vmem>> -> memref<125xi32, #tpu.memory_space<vmem>>
        %dma_wait3A_573 = arith.constant 0 : i32
        %dma_wait3A_574 = arith.constant 0 : i32
        %dma_wait3A_575 = tpu.memref_slice %arg12[%dma_wait3A_573, %dma_wait3A_574] : memref<10000x128xf32, #tpu.memory_space<vmem_shared>> -> memref<10000x128xf32, #tpu.memory_space<vmem_shared>>
        tpu.wait_indirect_dma semaphore(%run_scoped3A_555 : memref<!tpu.dma_semaphore, #tpu.memory_space<semaphore_mem>>) src(%dma_wait3A_569 : memref<125x128xf32, #tpu.memory_space<vmem>>) dst(%dma_wait3A_575 : memref<10000x128xf32, #tpu.memory_space<vmem_shared>>)
        tpu.yield
      }) : () -> ()
      %add3A_542 = arith.constant 3 : i32
      %add3A_543 = arith.addi %mul3A_500, %add3A_542 : i32
      %dma_start3A_544 = arith.constant 1 : i32
      %dma_start3A_545 = arith.constant 0 : i32
      %dma_start3A_546 = arith.constant 0 : i32
      %dma_start3A_547 = tpu.memref_slice %arg11[%dma_start3A_544, %dma_start3A_545, %dma_start3A_546] : memref<2x125x128xf32, #tpu.memory_space<vmem>> -> memref<1x125x128xf32, #tpu.memory_space<vmem>>
      %dma_start3A_548 = tpu.memref_squeeze %dma_start3A_547 : memref<1x125x128xf32, #tpu.memory_space<vmem>> -> memref<125x128xf32, #tpu.memory_space<vmem>>
      %dma_start3A_549 = arith.constant 0 : i32
      %dma_start3A_550 = tpu.memref_slice %arg8[%add3A_543, %dma_start3A_549] : memref<16x125xi32, #tpu.memory_space<vmem>> -> memref<1x125xi32, #tpu.memory_space<vmem>>
      %dma_start3A_551 = tpu.memref_squeeze %dma_start3A_550 : memref<1x125xi32, #tpu.memory_space<vmem>> -> memref<125xi32, #tpu.memory_space<vmem>>
      %dma_start3A_552 = arith.constant 0 : i32
      %dma_start3A_553 = arith.constant 0 : i32
      %dma_start3A_554 = tpu.memref_slice %arg2[%dma_start3A_552, %dma_start3A_553] : memref<10000x128xf32, #tpu.memory_space<hbm>> -> memref<10000x128xf32, #tpu.memory_space<hbm>>
      tpu.enqueue_indirect_dma source(%dma_start3A_554 : memref<10000x128xf32, #tpu.memory_space<hbm>>) target(%dma_start3A_548 : memref<125x128xf32, #tpu.memory_space<vmem>>) offsets(%dma_start3A_551 : memref<125xi32, #tpu.memory_space<vmem>>) semaphore(%arg14 : memref<!tpu.dma_semaphore, #tpu.memory_space<semaphore_mem>>)
    }
    %scan3A_382 = arith.constant 7 : i32
    %dma_wait3A_383 = arith.constant 0 : i32
    %dma_wait3A_384 = arith.constant 0 : i32
    %dma_wait3A_385 = arith.constant 0 : i32
    %dma_wait3A_386 = arith.constant 0 : i32
    %dma_wait3A_387 = tpu.memref_slice %arg11[%dma_wait3A_384, %dma_wait3A_385, %dma_wait3A_386] : memref<2x125x128xf32, #tpu.memory_space<vmem>> -> memref<1x125x128xf32, #tpu.memory_space<vmem>>
    %dma_wait3A_388 = tpu.memref_squeeze %dma_wait3A_387 : memref<1x125x128xf32, #tpu.memory_space<vmem>> -> memref<125x128xf32, #tpu.memory_space<vmem>>
    %dma_wait3A_389 = arith.constant 0 : i32
    %dma_wait3A_390 = tpu.memref_slice %arg7[%dma_wait3A_383, %dma_wait3A_389] : memref<16x125xi32, #tpu.memory_space<vmem>> -> memref<1x125xi32, #tpu.memory_space<vmem>>
    %dma_wait3A_391 = tpu.memref_squeeze %dma_wait3A_390 : memref<1x125xi32, #tpu.memory_space<vmem>> -> memref<125xi32, #tpu.memory_space<vmem>>
    %dma_wait3A_392 = arith.constant 0 : i32
    %dma_wait3A_393 = arith.constant 0 : i32
    %dma_wait3A_394 = tpu.memref_slice %arg2[%dma_wait3A_392, %dma_wait3A_393] : memref<10000x128xf32, #tpu.memory_space<hbm>> -> memref<10000x128xf32, #tpu.memory_space<hbm>>
    tpu.wait_indirect_dma semaphore(%arg13 : memref<!tpu.dma_semaphore, #tpu.memory_space<semaphore_mem>>) src(%dma_wait3A_394 : memref<10000x128xf32, #tpu.memory_space<hbm>>) dst(%dma_wait3A_388 : memref<125x128xf32, #tpu.memory_space<vmem>>)
    %run_scoped3A_395 = arith.constant 0 : i32
    %run_scoped3A_396 = arith.constant 14 : i32
    "tpu.region"() ({
      %run_scoped3A_498 = tpu.sem_alloc : memref<!tpu.dma_semaphore, #tpu.memory_space<semaphore_mem>>
      %dma_start3A_499 = arith.constant 0 : i32
      %dma_start3A_500 = arith.constant 0 : i32
      %dma_start3A_501 = tpu.memref_slice %arg11[%run_scoped3A_395, %dma_start3A_499, %dma_start3A_500] : memref<2x125x128xf32, #tpu.memory_space<vmem>> -> memref<1x125x128xf32, #tpu.memory_space<vmem>>
      %dma_start3A_502 = tpu.memref_squeeze %dma_start3A_501 : memref<1x125x128xf32, #tpu.memory_space<vmem>> -> memref<125x128xf32, #tpu.memory_space<vmem>>
      %dma_start3A_503 = arith.constant 0 : i32
      %dma_start3A_504 = tpu.memref_slice %arg10[%run_scoped3A_396, %dma_start3A_503] : memref<16x125xi32, #tpu.memory_space<vmem>> -> memref<1x125xi32, #tpu.memory_space<vmem>>
      %dma_start3A_505 = tpu.memref_squeeze %dma_start3A_504 : memref<1x125xi32, #tpu.memory_space<vmem>> -> memref<125xi32, #tpu.memory_space<vmem>>
      %dma_start3A_506 = arith.constant 0 : i32
      %dma_start3A_507 = arith.constant 0 : i32
      %dma_start3A_508 = tpu.memref_slice %arg12[%dma_start3A_506, %dma_start3A_507] : memref<10000x128xf32, #tpu.memory_space<vmem_shared>> -> memref<10000x128xf32, #tpu.memory_space<vmem_shared>>
      tpu.enqueue_indirect_dma source(%dma_start3A_502 : memref<125x128xf32, #tpu.memory_space<vmem>>) target(%dma_start3A_508 : memref<10000x128xf32, #tpu.memory_space<vmem_shared>>) offsets(%dma_start3A_505 : memref<125xi32, #tpu.memory_space<vmem>>) semaphore(%run_scoped3A_498 : memref<!tpu.dma_semaphore, #tpu.memory_space<semaphore_mem>>) {add = true}
      %dma_wait3A_509 = arith.constant 0 : i32
      %dma_wait3A_510 = arith.constant 0 : i32
      %dma_wait3A_511 = tpu.memref_slice %arg11[%run_scoped3A_395, %dma_wait3A_509, %dma_wait3A_510] : memref<2x125x128xf32, #tpu.memory_space<vmem>> -> memref<1x125x128xf32, #tpu.memory_space<vmem>>
      %dma_wait3A_512 = tpu.memref_squeeze %dma_wait3A_511 : memref<1x125x128xf32, #tpu.memory_space<vmem>> -> memref<125x128xf32, #tpu.memory_space<vmem>>
      %dma_wait3A_513 = arith.constant 0 : i32
      %dma_wait3A_514 = tpu.memref_slice %arg10[%run_scoped3A_396, %dma_wait3A_513] : memref<16x125xi32, #tpu.memory_space<vmem>> -> memref<1x125xi32, #tpu.memory_space<vmem>>
      %dma_wait3A_515 = tpu.memref_squeeze %dma_wait3A_514 : memref<1x125xi32, #tpu.memory_space<vmem>> -> memref<125xi32, #tpu.memory_space<vmem>>
      %dma_wait3A_516 = arith.constant 0 : i32
      %dma_wait3A_517 = arith.constant 0 : i32
      %dma_wait3A_518 = tpu.memref_slice %arg12[%dma_wait3A_516, %dma_wait3A_517] : memref<10000x128xf32, #tpu.memory_space<vmem_shared>> -> memref<10000x128xf32, #tpu.memory_space<vmem_shared>>
      tpu.wait_indirect_dma semaphore(%run_scoped3A_498 : memref<!tpu.dma_semaphore, #tpu.memory_space<semaphore_mem>>) src(%dma_wait3A_512 : memref<125x128xf32, #tpu.memory_space<vmem>>) dst(%dma_wait3A_518 : memref<10000x128xf32, #tpu.memory_space<vmem_shared>>)
      tpu.yield
    }) : () -> ()
    %dma_wait3A_397 = arith.constant 0 : i32
    %dma_wait3A_398 = arith.constant 0 : i32
    %dma_wait3A_399 = arith.constant 0 : i32
    %dma_wait3A_400 = tpu.memref_slice %arg3[%dma_wait3A_397, %dma_wait3A_398, %dma_wait3A_399] : memref<160x16x125xi32, #tpu.memory_space<hbm>> -> memref<1x16x125xi32, #tpu.memory_space<hbm>>
    %dma_wait3A_401 = tpu.memref_squeeze %dma_wait3A_400 : memref<1x16x125xi32, #tpu.memory_space<hbm>> -> memref<16x125xi32, #tpu.memory_space<hbm>>
    %dma_wait3A_402 = arith.constant 0 : i32
    %dma_wait3A_403 = arith.constant 0 : i32
    %dma_wait3A_404 = tpu.memref_slice %arg3[%dma_wait3A_397, %dma_wait3A_402, %dma_wait3A_403] : memref<160x16x125xi32, #tpu.memory_space<hbm>> -> memref<1x16x125xi32, #tpu.memory_space<hbm>>
    %dma_wait3A_405 = tpu.memref_squeeze %dma_wait3A_404 : memref<1x16x125xi32, #tpu.memory_space<hbm>> -> memref<16x125xi32, #tpu.memory_space<hbm>>
    tpu.wait_dma2 semaphore(%arg15 : memref<!tpu.dma_semaphore, #tpu.memory_space<semaphore_mem>>) src(%dma_wait3A_405 : memref<16x125xi32, #tpu.memory_space<hbm>>) dst(%arg7 : memref<16x125xi32, #tpu.memory_space<vmem>>)
    %dma_wait3A_406 = arith.constant 0 : i32
    %dma_wait3A_407 = arith.constant 0 : i32
    %dma_wait3A_408 = arith.constant 0 : i32
    %dma_wait3A_409 = tpu.memref_slice %arg3[%dma_wait3A_406, %dma_wait3A_407, %dma_wait3A_408] : memref<160x16x125xi32, #tpu.memory_space<hbm>> -> memref<1x16x125xi32, #tpu.memory_space<hbm>>
    %dma_wait3A_410 = tpu.memref_squeeze %dma_wait3A_409 : memref<1x16x125xi32, #tpu.memory_space<hbm>> -> memref<16x125xi32, #tpu.memory_space<hbm>>
    %dma_wait3A_411 = arith.constant 0 : i32
    %dma_wait3A_412 = arith.constant 0 : i32
    %dma_wait3A_413 = tpu.memref_slice %arg3[%dma_wait3A_406, %dma_wait3A_411, %dma_wait3A_412] : memref<160x16x125xi32, #tpu.memory_space<hbm>> -> memref<1x16x125xi32, #tpu.memory_space<hbm>>
    %dma_wait3A_414 = tpu.memref_squeeze %dma_wait3A_413 : memref<1x16x125xi32, #tpu.memory_space<hbm>> -> memref<16x125xi32, #tpu.memory_space<hbm>>
    tpu.wait_dma2 semaphore(%arg15 : memref<!tpu.dma_semaphore, #tpu.memory_space<semaphore_mem>>) src(%dma_wait3A_414 : memref<16x125xi32, #tpu.memory_space<hbm>>) dst(%arg9 : memref<16x125xi32, #tpu.memory_space<vmem>>)
    %dma_start3A_415 = arith.constant 0 : i32
    %dma_start3A_416 = arith.constant 0 : i32
    %dma_start3A_417 = arith.constant 0 : i32
    %dma_start3A_418 = arith.constant 0 : i32
    %dma_start3A_419 = tpu.memref_slice %arg11[%dma_start3A_416, %dma_start3A_417, %dma_start3A_418] : memref<2x125x128xf32, #tpu.memory_space<vmem>> -> memref<1x125x128xf32, #tpu.memory_space<vmem>>
    %dma_start3A_420 = tpu.memref_squeeze %dma_start3A_419 : memref<1x125x128xf32, #tpu.memory_space<vmem>> -> memref<125x128xf32, #tpu.memory_space<vmem>>
    %dma_start3A_421 = arith.constant 0 : i32
    %dma_start3A_422 = tpu.memref_slice %arg7[%dma_start3A_415, %dma_start3A_421] : memref<16x125xi32, #tpu.memory_space<vmem>> -> memref<1x125xi32, #tpu.memory_space<vmem>>
    %dma_start3A_423 = tpu.memref_squeeze %dma_start3A_422 : memref<1x125xi32, #tpu.memory_space<vmem>> -> memref<125xi32, #tpu.memory_space<vmem>>
    %dma_start3A_424 = arith.constant 0 : i32
    %dma_start3A_425 = arith.constant 0 : i32
    %dma_start3A_426 = tpu.memref_slice %arg2[%dma_start3A_424, %dma_start3A_425] : memref<10000x128xf32, #tpu.memory_space<hbm>> -> memref<10000x128xf32, #tpu.memory_space<hbm>>
    tpu.enqueue_indirect_dma source(%dma_start3A_426 : memref<10000x128xf32, #tpu.memory_space<hbm>>) target(%dma_start3A_420 : memref<125x128xf32, #tpu.memory_space<vmem>>) offsets(%dma_start3A_423 : memref<125xi32, #tpu.memory_space<vmem>>) semaphore(%arg13 : memref<!tpu.dma_semaphore, #tpu.memory_space<semaphore_mem>>)
    %dma_wait3A_427 = arith.constant 0 : i32
    %dma_wait3A_428 = arith.constant 1 : i32
    %dma_wait3A_429 = arith.constant 0 : i32
    %dma_wait3A_430 = arith.constant 0 : i32
    %dma_wait3A_431 = tpu.memref_slice %arg11[%dma_wait3A_428, %dma_wait3A_429, %dma_wait3A_430] : memref<2x125x128xf32, #tpu.memory_space<vmem>> -> memref<1x125x128xf32, #tpu.memory_space<vmem>>
    %dma_wait3A_432 = tpu.memref_squeeze %dma_wait3A_431 : memref<1x125x128xf32, #tpu.memory_space<vmem>> -> memref<125x128xf32, #tpu.memory_space<vmem>>
    %dma_wait3A_433 = arith.constant 0 : i32
    %dma_wait3A_434 = tpu.memref_slice %arg7[%dma_wait3A_427, %dma_wait3A_433] : memref<16x125xi32, #tpu.memory_space<vmem>> -> memref<1x125xi32, #tpu.memory_space<vmem>>
    %dma_wait3A_435 = tpu.memref_squeeze %dma_wait3A_434 : memref<1x125xi32, #tpu.memory_space<vmem>> -> memref<125xi32, #tpu.memory_space<vmem>>
    %dma_wait3A_436 = arith.constant 0 : i32
    %dma_wait3A_437 = arith.constant 0 : i32
    %dma_wait3A_438 = tpu.memref_slice %arg2[%dma_wait3A_436, %dma_wait3A_437] : memref<10000x128xf32, #tpu.memory_space<hbm>> -> memref<10000x128xf32, #tpu.memory_space<hbm>>
    tpu.wait_indirect_dma semaphore(%arg14 : memref<!tpu.dma_semaphore, #tpu.memory_space<semaphore_mem>>) src(%dma_wait3A_438 : memref<10000x128xf32, #tpu.memory_space<hbm>>) dst(%dma_wait3A_432 : memref<125x128xf32, #tpu.memory_space<vmem>>)
    %run_scoped3A_439 = arith.constant 1 : i32
    %run_scoped3A_440 = arith.constant 15 : i32
    "tpu.region"() ({
      %run_scoped3A_498 = tpu.sem_alloc : memref<!tpu.dma_semaphore, #tpu.memory_space<semaphore_mem>>
      %dma_start3A_499 = arith.constant 0 : i32
      %dma_start3A_500 = arith.constant 0 : i32
      %dma_start3A_501 = tpu.memref_slice %arg11[%run_scoped3A_439, %dma_start3A_499, %dma_start3A_500] : memref<2x125x128xf32, #tpu.memory_space<vmem>> -> memref<1x125x128xf32, #tpu.memory_space<vmem>>
      %dma_start3A_502 = tpu.memref_squeeze %dma_start3A_501 : memref<1x125x128xf32, #tpu.memory_space<vmem>> -> memref<125x128xf32, #tpu.memory_space<vmem>>
      %dma_start3A_503 = arith.constant 0 : i32
      %dma_start3A_504 = tpu.memref_slice %arg10[%run_scoped3A_440, %dma_start3A_503] : memref<16x125xi32, #tpu.memory_space<vmem>> -> memref<1x125xi32, #tpu.memory_space<vmem>>
      %dma_start3A_505 = tpu.memref_squeeze %dma_start3A_504 : memref<1x125xi32, #tpu.memory_space<vmem>> -> memref<125xi32, #tpu.memory_space<vmem>>
      %dma_start3A_506 = arith.constant 0 : i32
      %dma_start3A_507 = arith.constant 0 : i32
      %dma_start3A_508 = tpu.memref_slice %arg12[%dma_start3A_506, %dma_start3A_507] : memref<10000x128xf32, #tpu.memory_space<vmem_shared>> -> memref<10000x128xf32, #tpu.memory_space<vmem_shared>>
      tpu.enqueue_indirect_dma source(%dma_start3A_502 : memref<125x128xf32, #tpu.memory_space<vmem>>) target(%dma_start3A_508 : memref<10000x128xf32, #tpu.memory_space<vmem_shared>>) offsets(%dma_start3A_505 : memref<125xi32, #tpu.memory_space<vmem>>) semaphore(%run_scoped3A_498 : memref<!tpu.dma_semaphore, #tpu.memory_space<semaphore_mem>>) {add = true}
      %dma_wait3A_509 = arith.constant 0 : i32
      %dma_wait3A_510 = arith.constant 0 : i32
      %dma_wait3A_511 = tpu.memref_slice %arg11[%run_scoped3A_439, %dma_wait3A_509, %dma_wait3A_510] : memref<2x125x128xf32, #tpu.memory_space<vmem>> -> memref<1x125x128xf32, #tpu.memory_space<vmem>>
      %dma_wait3A_512 = tpu.memref_squeeze %dma_wait3A_511 : memref<1x125x128xf32, #tpu.memory_space<vmem>> -> memref<125x128xf32, #tpu.memory_space<vmem>>
      %dma_wait3A_513 = arith.constant 0 : i32
      %dma_wait3A_514 = tpu.memref_slice %arg10[%run_scoped3A_440, %dma_wait3A_513] : memref<16x125xi32, #tpu.memory_space<vmem>> -> memref<1x125xi32, #tpu.memory_space<vmem>>
      %dma_wait3A_515 = tpu.memref_squeeze %dma_wait3A_514 : memref<1x125xi32, #tpu.memory_space<vmem>> -> memref<125xi32, #tpu.memory_space<vmem>>
      %dma_wait3A_516 = arith.constant 0 : i32
      %dma_wait3A_517 = arith.constant 0 : i32
      %dma_wait3A_518 = tpu.memref_slice %arg12[%dma_wait3A_516, %dma_wait3A_517] : memref<10000x128xf32, #tpu.memory_space<vmem_shared>> -> memref<10000x128xf32, #tpu.memory_space<vmem_shared>>
      tpu.wait_indirect_dma semaphore(%run_scoped3A_498 : memref<!tpu.dma_semaphore, #tpu.memory_space<semaphore_mem>>) src(%dma_wait3A_512 : memref<125x128xf32, #tpu.memory_space<vmem>>) dst(%dma_wait3A_518 : memref<10000x128xf32, #tpu.memory_space<vmem_shared>>)
      tpu.yield
    }) : () -> ()
    %dma_start3A_441 = arith.constant 1 : i32
    %dma_start3A_442 = arith.constant 1 : i32
    %dma_start3A_443 = arith.constant 0 : i32
    %dma_start3A_444 = arith.constant 0 : i32
    %dma_start3A_445 = tpu.memref_slice %arg11[%dma_start3A_442, %dma_start3A_443, %dma_start3A_444] : memref<2x125x128xf32, #tpu.memory_space<vmem>> -> memref<1x125x128xf32, #tpu.memory_space<vmem>>
    %dma_start3A_446 = tpu.memref_squeeze %dma_start3A_445 : memref<1x125x128xf32, #tpu.memory_space<vmem>> -> memref<125x128xf32, #tpu.memory_space<vmem>>
    %dma_start3A_447 = arith.constant 0 : i32
    %dma_start3A_448 = tpu.memref_slice %arg7[%dma_start3A_441, %dma_start3A_447] : memref<16x125xi32, #tpu.memory_space<vmem>> -> memref<1x125xi32, #tpu.memory_space<vmem>>
    %dma_start3A_449 = tpu.memref_squeeze %dma_start3A_448 : memref<1x125xi32, #tpu.memory_space<vmem>> -> memref<125xi32, #tpu.memory_space<vmem>>
    %dma_start3A_450 = arith.constant 0 : i32
    %dma_start3A_451 = arith.constant 0 : i32
    %dma_start3A_452 = tpu.memref_slice %arg2[%dma_start3A_450, %dma_start3A_451] : memref<10000x128xf32, #tpu.memory_space<hbm>> -> memref<10000x128xf32, #tpu.memory_space<hbm>>
    tpu.enqueue_indirect_dma source(%dma_start3A_452 : memref<10000x128xf32, #tpu.memory_space<hbm>>) target(%dma_start3A_446 : memref<125x128xf32, #tpu.memory_space<vmem>>) offsets(%dma_start3A_449 : memref<125xi32, #tpu.memory_space<vmem>>) semaphore(%arg14 : memref<!tpu.dma_semaphore, #tpu.memory_space<semaphore_mem>>)
    %scan3A_453 = arith.constant 0 : i32
    %scan3A_454 = arith.constant 0 : i32
    %scan3A_455 = arith.constant 7 : i32
    %scan3A_456 = arith.addi %scan3A_454, %scan3A_455 : i32
    %scan3A_457 = arith.constant 1 : i32
    scf.for %scan3A_498 = %scan3A_454 to %scan3A_456 step %scan3A_457  : i32 {
      %mul3A_499 = arith.constant 2 : i32
      %mul3A_500 = arith.muli %mul3A_499, %scan3A_498 : i32
      %dma_wait3A_501 = arith.constant 0 : i32
      %dma_wait3A_502 = arith.constant 0 : i32
      %dma_wait3A_503 = arith.constant 0 : i32
      %dma_wait3A_504 = arith.constant 0 : i32
      %dma_wait3A_505 = tpu.memref_slice %arg11[%dma_wait3A_502, %dma_wait3A_503, %dma_wait3A_504] : memref<2x125x128xf32, #tpu.memory_space<vmem>> -> memref<1x125x128xf32, #tpu.memory_space<vmem>>
      %dma_wait3A_506 = tpu.memref_squeeze %dma_wait3A_505 : memref<1x125x128xf32, #tpu.memory_space<vmem>> -> memref<125x128xf32, #tpu.memory_space<vmem>>
      %dma_wait3A_507 = arith.constant 0 : i32
      %dma_wait3A_508 = tpu.memref_slice %arg7[%dma_wait3A_501, %dma_wait3A_507] : memref<16x125xi32, #tpu.memory_space<vmem>> -> memref<1x125xi32, #tpu.memory_space<vmem>>
      %dma_wait3A_509 = tpu.memref_squeeze %dma_wait3A_508 : memref<1x125xi32, #tpu.memory_space<vmem>> -> memref<125xi32, #tpu.memory_space<vmem>>
      %dma_wait3A_510 = arith.constant 0 : i32
      %dma_wait3A_511 = arith.constant 0 : i32
      %dma_wait3A_512 = tpu.memref_slice %arg2[%dma_wait3A_510, %dma_wait3A_511] : memref<10000x128xf32, #tpu.memory_space<hbm>> -> memref<10000x128xf32, #tpu.memory_space<hbm>>
      tpu.wait_indirect_dma semaphore(%arg13 : memref<!tpu.dma_semaphore, #tpu.memory_space<semaphore_mem>>) src(%dma_wait3A_512 : memref<10000x128xf32, #tpu.memory_space<hbm>>) dst(%dma_wait3A_506 : memref<125x128xf32, #tpu.memory_space<vmem>>)
      %run_scoped3A_513 = arith.constant 0 : i32
      "tpu.region"() ({
        %run_scoped3A_555 = tpu.sem_alloc : memref<!tpu.dma_semaphore, #tpu.memory_space<semaphore_mem>>
        %dma_start3A_556 = arith.constant 0 : i32
        %dma_start3A_557 = arith.constant 0 : i32
        %dma_start3A_558 = tpu.memref_slice %arg11[%run_scoped3A_513, %dma_start3A_556, %dma_start3A_557] : memref<2x125x128xf32, #tpu.memory_space<vmem>> -> memref<1x125x128xf32, #tpu.memory_space<vmem>>
        %dma_start3A_559 = tpu.memref_squeeze %dma_start3A_558 : memref<1x125x128xf32, #tpu.memory_space<vmem>> -> memref<125x128xf32, #tpu.memory_space<vmem>>
        %dma_start3A_560 = arith.constant 0 : i32
        %dma_start3A_561 = tpu.memref_slice %arg9[%mul3A_500, %dma_start3A_560] : memref<16x125xi32, #tpu.memory_space<vmem>> -> memref<1x125xi32, #tpu.memory_space<vmem>>
        %dma_start3A_562 = tpu.memref_squeeze %dma_start3A_561 : memref<1x125xi32, #tpu.memory_space<vmem>> -> memref<125xi32, #tpu.memory_space<vmem>>
        %dma_start3A_563 = arith.constant 0 : i32
        %dma_start3A_564 = arith.constant 0 : i32
        %dma_start3A_565 = tpu.memref_slice %arg12[%dma_start3A_563, %dma_start3A_564] : memref<10000x128xf32, #tpu.memory_space<vmem_shared>> -> memref<10000x128xf32, #tpu.memory_space<vmem_shared>>
        tpu.enqueue_indirect_dma source(%dma_start3A_559 : memref<125x128xf32, #tpu.memory_space<vmem>>) target(%dma_start3A_565 : memref<10000x128xf32, #tpu.memory_space<vmem_shared>>) offsets(%dma_start3A_562 : memref<125xi32, #tpu.memory_space<vmem>>) semaphore(%run_scoped3A_555 : memref<!tpu.dma_semaphore, #tpu.memory_space<semaphore_mem>>) {add = true}
        %dma_wait3A_566 = arith.constant 0 : i32
        %dma_wait3A_567 = arith.constant 0 : i32
        %dma_wait3A_568 = tpu.memref_slice %arg11[%run_scoped3A_513, %dma_wait3A_566, %dma_wait3A_567] : memref<2x125x128xf32, #tpu.memory_space<vmem>> -> memref<1x125x128xf32, #tpu.memory_space<vmem>>
        %dma_wait3A_569 = tpu.memref_squeeze %dma_wait3A_568 : memref<1x125x128xf32, #tpu.memory_space<vmem>> -> memref<125x128xf32, #tpu.memory_space<vmem>>
        %dma_wait3A_570 = arith.constant 0 : i32
        %dma_wait3A_571 = tpu.memref_slice %arg9[%mul3A_500, %dma_wait3A_570] : memref<16x125xi32, #tpu.memory_space<vmem>> -> memref<1x125xi32, #tpu.memory_space<vmem>>
        %dma_wait3A_572 = tpu.memref_squeeze %dma_wait3A_571 : memref<1x125xi32, #tpu.memory_space<vmem>> -> memref<125xi32, #tpu.memory_space<vmem>>
        %dma_wait3A_573 = arith.constant 0 : i32
        %dma_wait3A_574 = arith.constant 0 : i32
        %dma_wait3A_575 = tpu.memref_slice %arg12[%dma_wait3A_573, %dma_wait3A_574] : memref<10000x128xf32, #tpu.memory_space<vmem_shared>> -> memref<10000x128xf32, #tpu.memory_space<vmem_shared>>
        tpu.wait_indirect_dma semaphore(%run_scoped3A_555 : memref<!tpu.dma_semaphore, #tpu.memory_space<semaphore_mem>>) src(%dma_wait3A_569 : memref<125x128xf32, #tpu.memory_space<vmem>>) dst(%dma_wait3A_575 : memref<10000x128xf32, #tpu.memory_space<vmem_shared>>)
        tpu.yield
      }) : () -> ()
      %add3A_514 = arith.constant 2 : i32
      %add3A_515 = arith.addi %mul3A_500, %add3A_514 : i32
      %dma_start3A_516 = arith.constant 0 : i32
      %dma_start3A_517 = arith.constant 0 : i32
      %dma_start3A_518 = arith.constant 0 : i32
      %dma_start3A_519 = tpu.memref_slice %arg11[%dma_start3A_516, %dma_start3A_517, %dma_start3A_518] : memref<2x125x128xf32, #tpu.memory_space<vmem>> -> memref<1x125x128xf32, #tpu.memory_space<vmem>>
      %dma_start3A_520 = tpu.memref_squeeze %dma_start3A_519 : memref<1x125x128xf32, #tpu.memory_space<vmem>> -> memref<125x128xf32, #tpu.memory_space<vmem>>
      %dma_start3A_521 = arith.constant 0 : i32
      %dma_start3A_522 = tpu.memref_slice %arg7[%add3A_515, %dma_start3A_521] : memref<16x125xi32, #tpu.memory_space<vmem>> -> memref<1x125xi32, #tpu.memory_space<vmem>>
      %dma_start3A_523 = tpu.memref_squeeze %dma_start3A_522 : memref<1x125xi32, #tpu.memory_space<vmem>> -> memref<125xi32, #tpu.memory_space<vmem>>
      %dma_start3A_524 = arith.constant 0 : i32
      %dma_start3A_525 = arith.constant 0 : i32
      %dma_start3A_526 = tpu.memref_slice %arg2[%dma_start3A_524, %dma_start3A_525] : memref<10000x128xf32, #tpu.memory_space<hbm>> -> memref<10000x128xf32, #tpu.memory_space<hbm>>
      tpu.enqueue_indirect_dma source(%dma_start3A_526 : memref<10000x128xf32, #tpu.memory_space<hbm>>) target(%dma_start3A_520 : memref<125x128xf32, #tpu.memory_space<vmem>>) offsets(%dma_start3A_523 : memref<125xi32, #tpu.memory_space<vmem>>) semaphore(%arg13 : memref<!tpu.dma_semaphore, #tpu.memory_space<semaphore_mem>>)
      %dma_wait3A_527 = arith.constant 0 : i32
      %dma_wait3A_528 = arith.constant 1 : i32
      %dma_wait3A_529 = arith.constant 0 : i32
      %dma_wait3A_530 = arith.constant 0 : i32
      %dma_wait3A_531 = tpu.memref_slice %arg11[%dma_wait3A_528, %dma_wait3A_529, %dma_wait3A_530] : memref<2x125x128xf32, #tpu.memory_space<vmem>> -> memref<1x125x128xf32, #tpu.memory_space<vmem>>
      %dma_wait3A_532 = tpu.memref_squeeze %dma_wait3A_531 : memref<1x125x128xf32, #tpu.memory_space<vmem>> -> memref<125x128xf32, #tpu.memory_space<vmem>>
      %dma_wait3A_533 = arith.constant 0 : i32
      %dma_wait3A_534 = tpu.memref_slice %arg7[%dma_wait3A_527, %dma_wait3A_533] : memref<16x125xi32, #tpu.memory_space<vmem>> -> memref<1x125xi32, #tpu.memory_space<vmem>>
      %dma_wait3A_535 = tpu.memref_squeeze %dma_wait3A_534 : memref<1x125xi32, #tpu.memory_space<vmem>> -> memref<125xi32, #tpu.memory_space<vmem>>
      %dma_wait3A_536 = arith.constant 0 : i32
      %dma_wait3A_537 = arith.constant 0 : i32
      %dma_wait3A_538 = tpu.memref_slice %arg2[%dma_wait3A_536, %dma_wait3A_537] : memref<10000x128xf32, #tpu.memory_space<hbm>> -> memref<10000x128xf32, #tpu.memory_space<hbm>>
      tpu.wait_indirect_dma semaphore(%arg14 : memref<!tpu.dma_semaphore, #tpu.memory_space<semaphore_mem>>) src(%dma_wait3A_538 : memref<10000x128xf32, #tpu.memory_space<hbm>>) dst(%dma_wait3A_532 : memref<125x128xf32, #tpu.memory_space<vmem>>)
      %add3A_539 = arith.constant 1 : i32
      %add3A_540 = arith.addi %mul3A_500, %add3A_539 : i32
      %run_scoped3A_541 = arith.constant 1 : i32
      "tpu.region"() ({
        %run_scoped3A_555 = tpu.sem_alloc : memref<!tpu.dma_semaphore, #tpu.memory_space<semaphore_mem>>
        %dma_start3A_556 = arith.constant 0 : i32
        %dma_start3A_557 = arith.constant 0 : i32
        %dma_start3A_558 = tpu.memref_slice %arg11[%run_scoped3A_541, %dma_start3A_556, %dma_start3A_557] : memref<2x125x128xf32, #tpu.memory_space<vmem>> -> memref<1x125x128xf32, #tpu.memory_space<vmem>>
        %dma_start3A_559 = tpu.memref_squeeze %dma_start3A_558 : memref<1x125x128xf32, #tpu.memory_space<vmem>> -> memref<125x128xf32, #tpu.memory_space<vmem>>
        %dma_start3A_560 = arith.constant 0 : i32
        %dma_start3A_561 = tpu.memref_slice %arg9[%add3A_540, %dma_start3A_560] : memref<16x125xi32, #tpu.memory_space<vmem>> -> memref<1x125xi32, #tpu.memory_space<vmem>>
        %dma_start3A_562 = tpu.memref_squeeze %dma_start3A_561 : memref<1x125xi32, #tpu.memory_space<vmem>> -> memref<125xi32, #tpu.memory_space<vmem>>
        %dma_start3A_563 = arith.constant 0 : i32
        %dma_start3A_564 = arith.constant 0 : i32
        %dma_start3A_565 = tpu.memref_slice %arg12[%dma_start3A_563, %dma_start3A_564] : memref<10000x128xf32, #tpu.memory_space<vmem_shared>> -> memref<10000x128xf32, #tpu.memory_space<vmem_shared>>
        tpu.enqueue_indirect_dma source(%dma_start3A_559 : memref<125x128xf32, #tpu.memory_space<vmem>>) target(%dma_start3A_565 : memref<10000x128xf32, #tpu.memory_space<vmem_shared>>) offsets(%dma_start3A_562 : memref<125xi32, #tpu.memory_space<vmem>>) semaphore(%run_scoped3A_555 : memref<!tpu.dma_semaphore, #tpu.memory_space<semaphore_mem>>) {add = true}
        %dma_wait3A_566 = arith.constant 0 : i32
        %dma_wait3A_567 = arith.constant 0 : i32
        %dma_wait3A_568 = tpu.memref_slice %arg11[%run_scoped3A_541, %dma_wait3A_566, %dma_wait3A_567] : memref<2x125x128xf32, #tpu.memory_space<vmem>> -> memref<1x125x128xf32, #tpu.memory_space<vmem>>
        %dma_wait3A_569 = tpu.memref_squeeze %dma_wait3A_568 : memref<1x125x128xf32, #tpu.memory_space<vmem>> -> memref<125x128xf32, #tpu.memory_space<vmem>>
        %dma_wait3A_570 = arith.constant 0 : i32
        %dma_wait3A_571 = tpu.memref_slice %arg9[%add3A_540, %dma_wait3A_570] : memref<16x125xi32, #tpu.memory_space<vmem>> -> memref<1x125xi32, #tpu.memory_space<vmem>>
        %dma_wait3A_572 = tpu.memref_squeeze %dma_wait3A_571 : memref<1x125xi32, #tpu.memory_space<vmem>> -> memref<125xi32, #tpu.memory_space<vmem>>
        %dma_wait3A_573 = arith.constant 0 : i32
        %dma_wait3A_574 = arith.constant 0 : i32
        %dma_wait3A_575 = tpu.memref_slice %arg12[%dma_wait3A_573, %dma_wait3A_574] : memref<10000x128xf32, #tpu.memory_space<vmem_shared>> -> memref<10000x128xf32, #tpu.memory_space<vmem_shared>>
        tpu.wait_indirect_dma semaphore(%run_scoped3A_555 : memref<!tpu.dma_semaphore, #tpu.memory_space<semaphore_mem>>) src(%dma_wait3A_569 : memref<125x128xf32, #tpu.memory_space<vmem>>) dst(%dma_wait3A_575 : memref<10000x128xf32, #tpu.memory_space<vmem_shared>>)
        tpu.yield
      }) : () -> ()
      %add3A_542 = arith.constant 3 : i32
      %add3A_543 = arith.addi %mul3A_500, %add3A_542 : i32
      %dma_start3A_544 = arith.constant 1 : i32
      %dma_start3A_545 = arith.constant 0 : i32
      %dma_start3A_546 = arith.constant 0 : i32
      %dma_start3A_547 = tpu.memref_slice %arg11[%dma_start3A_544, %dma_start3A_545, %dma_start3A_546] : memref<2x125x128xf32, #tpu.memory_space<vmem>> -> memref<1x125x128xf32, #tpu.memory_space<vmem>>
      %dma_start3A_548 = tpu.memref_squeeze %dma_start3A_547 : memref<1x125x128xf32, #tpu.memory_space<vmem>> -> memref<125x128xf32, #tpu.memory_space<vmem>>
      %dma_start3A_549 = arith.constant 0 : i32
      %dma_start3A_550 = tpu.memref_slice %arg7[%add3A_543, %dma_start3A_549] : memref<16x125xi32, #tpu.memory_space<vmem>> -> memref<1x125xi32, #tpu.memory_space<vmem>>
      %dma_start3A_551 = tpu.memref_squeeze %dma_start3A_550 : memref<1x125xi32, #tpu.memory_space<vmem>> -> memref<125xi32, #tpu.memory_space<vmem>>
      %dma_start3A_552 = arith.constant 0 : i32
      %dma_start3A_553 = arith.constant 0 : i32
      %dma_start3A_554 = tpu.memref_slice %arg2[%dma_start3A_552, %dma_start3A_553] : memref<10000x128xf32, #tpu.memory_space<hbm>> -> memref<10000x128xf32, #tpu.memory_space<hbm>>
      tpu.enqueue_indirect_dma source(%dma_start3A_554 : memref<10000x128xf32, #tpu.memory_space<hbm>>) target(%dma_start3A_548 : memref<125x128xf32, #tpu.memory_space<vmem>>) offsets(%dma_start3A_551 : memref<125xi32, #tpu.memory_space<vmem>>) semaphore(%arg14 : memref<!tpu.dma_semaphore, #tpu.memory_space<semaphore_mem>>)
    }
    %scan3A_458 = arith.constant 7 : i32
    %dma_wait3A_459 = arith.constant 0 : i32
    %dma_wait3A_460 = arith.constant 0 : i32
    %dma_wait3A_461 = arith.constant 0 : i32
    %dma_wait3A_462 = arith.constant 0 : i32
    %dma_wait3A_463 = tpu.memref_slice %arg11[%dma_wait3A_460, %dma_wait3A_461, %dma_wait3A_462] : memref<2x125x128xf32, #tpu.memory_space<vmem>> -> memref<1x125x128xf32, #tpu.memory_space<vmem>>
    %dma_wait3A_464 = tpu.memref_squeeze %dma_wait3A_463 : memref<1x125x128xf32, #tpu.memory_space<vmem>> -> memref<125x128xf32, #tpu.memory_space<vmem>>
    %dma_wait3A_465 = arith.constant 0 : i32
    %dma_wait3A_466 = tpu.memref_slice %arg7[%dma_wait3A_459, %dma_wait3A_465] : memref<16x125xi32, #tpu.memory_space<vmem>> -> memref<1x125xi32, #tpu.memory_space<vmem>>
    %dma_wait3A_467 = tpu.memref_squeeze %dma_wait3A_466 : memref<1x125xi32, #tpu.memory_space<vmem>> -> memref<125xi32, #tpu.memory_space<vmem>>
    %dma_wait3A_468 = arith.constant 0 : i32
    %dma_wait3A_469 = arith.constant 0 : i32
    %dma_wait3A_470 = tpu.memref_slice %arg2[%dma_wait3A_468, %dma_wait3A_469] : memref<10000x128xf32, #tpu.memory_space<hbm>> -> memref<10000x128xf32, #tpu.memory_space<hbm>>
    tpu.wait_indirect_dma semaphore(%arg13 : memref<!tpu.dma_semaphore, #tpu.memory_space<semaphore_mem>>) src(%dma_wait3A_470 : memref<10000x128xf32, #tpu.memory_space<hbm>>) dst(%dma_wait3A_464 : memref<125x128xf32, #tpu.memory_space<vmem>>)
    %run_scoped3A_471 = arith.constant 0 : i32
    %run_scoped3A_472 = arith.constant 14 : i32
    "tpu.region"() ({
      %run_scoped3A_498 = tpu.sem_alloc : memref<!tpu.dma_semaphore, #tpu.memory_space<semaphore_mem>>
      %dma_start3A_499 = arith.constant 0 : i32
      %dma_start3A_500 = arith.constant 0 : i32
      %dma_start3A_501 = tpu.memref_slice %arg11[%run_scoped3A_471, %dma_start3A_499, %dma_start3A_500] : memref<2x125x128xf32, #tpu.memory_space<vmem>> -> memref<1x125x128xf32, #tpu.memory_space<vmem>>
      %dma_start3A_502 = tpu.memref_squeeze %dma_start3A_501 : memref<1x125x128xf32, #tpu.memory_space<vmem>> -> memref<125x128xf32, #tpu.memory_space<vmem>>
      %dma_start3A_503 = arith.constant 0 : i32
      %dma_start3A_504 = tpu.memref_slice %arg9[%run_scoped3A_472, %dma_start3A_503] : memref<16x125xi32, #tpu.memory_space<vmem>> -> memref<1x125xi32, #tpu.memory_space<vmem>>
      %dma_start3A_505 = tpu.memref_squeeze %dma_start3A_504 : memref<1x125xi32, #tpu.memory_space<vmem>> -> memref<125xi32, #tpu.memory_space<vmem>>
      %dma_start3A_506 = arith.constant 0 : i32
      %dma_start3A_507 = arith.constant 0 : i32
      %dma_start3A_508 = tpu.memref_slice %arg12[%dma_start3A_506, %dma_start3A_507] : memref<10000x128xf32, #tpu.memory_space<vmem_shared>> -> memref<10000x128xf32, #tpu.memory_space<vmem_shared>>
      tpu.enqueue_indirect_dma source(%dma_start3A_502 : memref<125x128xf32, #tpu.memory_space<vmem>>) target(%dma_start3A_508 : memref<10000x128xf32, #tpu.memory_space<vmem_shared>>) offsets(%dma_start3A_505 : memref<125xi32, #tpu.memory_space<vmem>>) semaphore(%run_scoped3A_498 : memref<!tpu.dma_semaphore, #tpu.memory_space<semaphore_mem>>) {add = true}
      %dma_wait3A_509 = arith.constant 0 : i32
      %dma_wait3A_510 = arith.constant 0 : i32
      %dma_wait3A_511 = tpu.memref_slice %arg11[%run_scoped3A_471, %dma_wait3A_509, %dma_wait3A_510] : memref<2x125x128xf32, #tpu.memory_space<vmem>> -> memref<1x125x128xf32, #tpu.memory_space<vmem>>
      %dma_wait3A_512 = tpu.memref_squeeze %dma_wait3A_511 : memref<1x125x128xf32, #tpu.memory_space<vmem>> -> memref<125x128xf32, #tpu.memory_space<vmem>>
      %dma_wait3A_513 = arith.constant 0 : i32
      %dma_wait3A_514 = tpu.memref_slice %arg9[%run_scoped3A_472, %dma_wait3A_513] : memref<16x125xi32, #tpu.memory_space<vmem>> -> memref<1x125xi32, #tpu.memory_space<vmem>>
      %dma_wait3A_515 = tpu.memref_squeeze %dma_wait3A_514 : memref<1x125xi32, #tpu.memory_space<vmem>> -> memref<125xi32, #tpu.memory_space<vmem>>
      %dma_wait3A_516 = arith.constant 0 : i32
      %dma_wait3A_517 = arith.constant 0 : i32
      %dma_wait3A_518 = tpu.memref_slice %arg12[%dma_wait3A_516, %dma_wait3A_517] : memref<10000x128xf32, #tpu.memory_space<vmem_shared>> -> memref<10000x128xf32, #tpu.memory_space<vmem_shared>>
      tpu.wait_indirect_dma semaphore(%run_scoped3A_498 : memref<!tpu.dma_semaphore, #tpu.memory_space<semaphore_mem>>) src(%dma_wait3A_512 : memref<125x128xf32, #tpu.memory_space<vmem>>) dst(%dma_wait3A_518 : memref<10000x128xf32, #tpu.memory_space<vmem_shared>>)
      tpu.yield
    }) : () -> ()
    %dma_wait3A_473 = arith.constant 0 : i32
    %dma_wait3A_474 = arith.constant 1 : i32
    %dma_wait3A_475 = arith.constant 0 : i32
    %dma_wait3A_476 = arith.constant 0 : i32
    %dma_wait3A_477 = tpu.memref_slice %arg11[%dma_wait3A_474, %dma_wait3A_475, %dma_wait3A_476] : memref<2x125x128xf32, #tpu.memory_space<vmem>> -> memref<1x125x128xf32, #tpu.memory_space<vmem>>
    %dma_wait3A_478 = tpu.memref_squeeze %dma_wait3A_477 : memref<1x125x128xf32, #tpu.memory_space<vmem>> -> memref<125x128xf32, #tpu.memory_space<vmem>>
    %dma_wait3A_479 = arith.constant 0 : i32
    %dma_wait3A_480 = tpu.memref_slice %arg7[%dma_wait3A_473, %dma_wait3A_479] : memref<16x125xi32, #tpu.memory_space<vmem>> -> memref<1x125xi32, #tpu.memory_space<vmem>>
    %dma_wait3A_481 = tpu.memref_squeeze %dma_wait3A_480 : memref<1x125xi32, #tpu.memory_space<vmem>> -> memref<125xi32, #tpu.memory_space<vmem>>
    %dma_wait3A_482 = arith.constant 0 : i32
    %dma_wait3A_483 = arith.constant 0 : i32
    %dma_wait3A_484 = tpu.memref_slice %arg2[%dma_wait3A_482, %dma_wait3A_483] : memref<10000x128xf32, #tpu.memory_space<hbm>> -> memref<10000x128xf32, #tpu.memory_space<hbm>>
    tpu.wait_indirect_dma semaphore(%arg14 : memref<!tpu.dma_semaphore, #tpu.memory_space<semaphore_mem>>) src(%dma_wait3A_484 : memref<10000x128xf32, #tpu.memory_space<hbm>>) dst(%dma_wait3A_478 : memref<125x128xf32, #tpu.memory_space<vmem>>)
    %run_scoped3A_485 = arith.constant 1 : i32
    %run_scoped3A_486 = arith.constant 15 : i32
    "tpu.region"() ({
      %run_scoped3A_498 = tpu.sem_alloc : memref<!tpu.dma_semaphore, #tpu.memory_space<semaphore_mem>>
      %dma_start3A_499 = arith.constant 0 : i32
      %dma_start3A_500 = arith.constant 0 : i32
      %dma_start3A_501 = tpu.memref_slice %arg11[%run_scoped3A_485, %dma_start3A_499, %dma_start3A_500] : memref<2x125x128xf32, #tpu.memory_space<vmem>> -> memref<1x125x128xf32, #tpu.memory_space<vmem>>
      %dma_start3A_502 = tpu.memref_squeeze %dma_start3A_501 : memref<1x125x128xf32, #tpu.memory_space<vmem>> -> memref<125x128xf32, #tpu.memory_space<vmem>>
      %dma_start3A_503 = arith.constant 0 : i32
      %dma_start3A_504 = tpu.memref_slice %arg9[%run_scoped3A_486, %dma_start3A_503] : memref<16x125xi32, #tpu.memory_space<vmem>> -> memref<1x125xi32, #tpu.memory_space<vmem>>
      %dma_start3A_505 = tpu.memref_squeeze %dma_start3A_504 : memref<1x125xi32, #tpu.memory_space<vmem>> -> memref<125xi32, #tpu.memory_space<vmem>>
      %dma_start3A_506 = arith.constant 0 : i32
      %dma_start3A_507 = arith.constant 0 : i32
      %dma_start3A_508 = tpu.memref_slice %arg12[%dma_start3A_506, %dma_start3A_507] : memref<10000x128xf32, #tpu.memory_space<vmem_shared>> -> memref<10000x128xf32, #tpu.memory_space<vmem_shared>>
      tpu.enqueue_indirect_dma source(%dma_start3A_502 : memref<125x128xf32, #tpu.memory_space<vmem>>) target(%dma_start3A_508 : memref<10000x128xf32, #tpu.memory_space<vmem_shared>>) offsets(%dma_start3A_505 : memref<125xi32, #tpu.memory_space<vmem>>) semaphore(%run_scoped3A_498 : memref<!tpu.dma_semaphore, #tpu.memory_space<semaphore_mem>>) {add = true}
      %dma_wait3A_509 = arith.constant 0 : i32
      %dma_wait3A_510 = arith.constant 0 : i32
      %dma_wait3A_511 = tpu.memref_slice %arg11[%run_scoped3A_485, %dma_wait3A_509, %dma_wait3A_510] : memref<2x125x128xf32, #tpu.memory_space<vmem>> -> memref<1x125x128xf32, #tpu.memory_space<vmem>>
      %dma_wait3A_512 = tpu.memref_squeeze %dma_wait3A_511 : memref<1x125x128xf32, #tpu.memory_space<vmem>> -> memref<125x128xf32, #tpu.memory_space<vmem>>
      %dma_wait3A_513 = arith.constant 0 : i32
      %dma_wait3A_514 = tpu.memref_slice %arg9[%run_scoped3A_486, %dma_wait3A_513] : memref<16x125xi32, #tpu.memory_space<vmem>> -> memref<1x125xi32, #tpu.memory_space<vmem>>
      %dma_wait3A_515 = tpu.memref_squeeze %dma_wait3A_514 : memref<1x125xi32, #tpu.memory_space<vmem>> -> memref<125xi32, #tpu.memory_space<vmem>>
      %dma_wait3A_516 = arith.constant 0 : i32
      %dma_wait3A_517 = arith.constant 0 : i32
      %dma_wait3A_518 = tpu.memref_slice %arg12[%dma_wait3A_516, %dma_wait3A_517] : memref<10000x128xf32, #tpu.memory_space<vmem_shared>> -> memref<10000x128xf32, #tpu.memory_space<vmem_shared>>
      tpu.wait_indirect_dma semaphore(%run_scoped3A_498 : memref<!tpu.dma_semaphore, #tpu.memory_space<semaphore_mem>>) src(%dma_wait3A_512 : memref<125x128xf32, #tpu.memory_space<vmem>>) dst(%dma_wait3A_518 : memref<10000x128xf32, #tpu.memory_space<vmem_shared>>)
      tpu.yield
    }) : () -> ()
    %barrier3A_487 = arith.constant 0 : index
    tpu.barrier barrier_id(%barrier3A_487)
    %eq3A_488 = arith.constant 0 : i32
    %eq3A_489 = arith.cmpi eq, %arg0, %eq3A_488 : i32
    %convert_element_type3A_490 = arith.extui %eq3A_489 : i1 to i32
    %cond3A_491 = arith.constant 0 : i32
    %cond3A_492 = arith.cmpi ne, %convert_element_type3A_490, %cond3A_491 : i32
    scf.if %cond3A_492 {
      %lt3A_498 = arith.constant 15 : i32
      %lt3A_499 = arith.cmpi slt, %arg1, %lt3A_498 : i32
      %convert_element_type3A_500 = arith.extui %lt3A_499 : i1 to i32
      %cond3A_501 = arith.constant 0 : i32
      %cond3A_502 = arith.cmpi ne, %convert_element_type3A_500, %cond3A_501 : i32
      scf.if %cond3A_502 {
        "tpu.region"() ({
          %run_scoped3A_508 = tpu.sem_alloc : memref<!tpu.dma_semaphore, #tpu.memory_space<semaphore_mem>>
          %dma_start3A_509 = arith.constant 0 : i32
          %dma_start3A_510 = tpu.memref_slice %arg5[%multiple_of3A, %dma_start3A_509] : memref<10000x128xf32, #tpu.memory_space<hbm>> -> memref<632x128xf32, #tpu.memory_space<hbm>>
          %dma_start3A_511 = arith.constant 0 : i32
          %dma_start3A_512 = tpu.memref_slice %arg12[%multiple_of3A, %dma_start3A_511] : memref<10000x128xf32, #tpu.memory_space<vmem_shared>> -> memref<632x128xf32, #tpu.memory_space<vmem_shared>>
          tpu.enqueue_dma source(%dma_start3A_512 : memref<632x128xf32, #tpu.memory_space<vmem_shared>>) target(%dma_start3A_510 : memref<632x128xf32, #tpu.memory_space<hbm>>) target_semaphore(%run_scoped3A_508 : memref<!tpu.dma_semaphore, #tpu.memory_space<semaphore_mem>>)
          %dma_wait3A_513 = arith.constant 0 : i32
          %dma_wait3A_514 = tpu.memref_slice %arg5[%multiple_of3A, %dma_wait3A_513] : memref<10000x128xf32, #tpu.memory_space<hbm>> -> memref<632x128xf32, #tpu.memory_space<hbm>>
          %dma_wait3A_515 = arith.constant 0 : i32
          %dma_wait3A_516 = tpu.memref_slice %arg12[%multiple_of3A, %dma_wait3A_515] : memref<10000x128xf32, #tpu.memory_space<vmem_shared>> -> memref<632x128xf32, #tpu.memory_space<vmem_shared>>
          tpu.wait_dma2 semaphore(%run_scoped3A_508 : memref<!tpu.dma_semaphore, #tpu.memory_space<semaphore_mem>>) src(%dma_wait3A_516 : memref<632x128xf32, #tpu.memory_space<vmem_shared>>) dst(%dma_wait3A_514 : memref<632x128xf32, #tpu.memory_space<hbm>>)
          tpu.yield
        }) : () -> ()
      } else {
      }
      %eq3A_503 = arith.constant 15 : i32
      %eq3A_504 = arith.cmpi eq, %arg1, %eq3A_503 : i32
      %convert_element_type3A_505 = arith.extui %eq3A_504 : i1 to i32
      %cond3A_506 = arith.constant 0 : i32
      %cond3A_507 = arith.cmpi ne, %convert_element_type3A_505, %cond3A_506 : i32
      scf.if %cond3A_507 {
        "tpu.region"() ({
          %run_scoped3A_508 = tpu.sem_alloc : memref<!tpu.dma_semaphore, #tpu.memory_space<semaphore_mem>>
          %dma_start3A_509 = arith.constant 0 : i32
          %dma_start3A_510 = tpu.memref_slice %arg5[%multiple_of3A, %dma_start3A_509] : memref<10000x128xf32, #tpu.memory_space<hbm>> -> memref<520x128xf32, #tpu.memory_space<hbm>>
          %dma_start3A_511 = arith.constant 0 : i32
          %dma_start3A_512 = tpu.memref_slice %arg12[%multiple_of3A, %dma_start3A_511] : memref<10000x128xf32, #tpu.memory_space<vmem_shared>> -> memref<520x128xf32, #tpu.memory_space<vmem_shared>>
          tpu.enqueue_dma source(%dma_start3A_512 : memref<520x128xf32, #tpu.memory_space<vmem_shared>>) target(%dma_start3A_510 : memref<520x128xf32, #tpu.memory_space<hbm>>) target_semaphore(%run_scoped3A_508 : memref<!tpu.dma_semaphore, #tpu.memory_space<semaphore_mem>>)
          %dma_wait3A_513 = arith.constant 0 : i32
          %dma_wait3A_514 = tpu.memref_slice %arg5[%multiple_of3A, %dma_wait3A_513] : memref<10000x128xf32, #tpu.memory_space<hbm>> -> memref<520x128xf32, #tpu.memory_space<hbm>>
          %dma_wait3A_515 = arith.constant 0 : i32
          %dma_wait3A_516 = tpu.memref_slice %arg12[%multiple_of3A, %dma_wait3A_515] : memref<10000x128xf32, #tpu.memory_space<vmem_shared>> -> memref<520x128xf32, #tpu.memory_space<vmem_shared>>
          tpu.wait_dma2 semaphore(%run_scoped3A_508 : memref<!tpu.dma_semaphore, #tpu.memory_space<semaphore_mem>>) src(%dma_wait3A_516 : memref<520x128xf32, #tpu.memory_space<vmem_shared>>) dst(%dma_wait3A_514 : memref<520x128xf32, #tpu.memory_space<hbm>>)
          tpu.yield
        }) : () -> ()
      } else {
      }
    } else {
    }
    %eq3A_493 = arith.constant 1 : i32
    %eq3A_494 = arith.cmpi eq, %arg0, %eq3A_493 : i32
    %convert_element_type3A_495 = arith.extui %eq3A_494 : i1 to i32
    %cond3A_496 = arith.constant 0 : i32
    %cond3A_497 = arith.cmpi ne, %convert_element_type3A_495, %cond3A_496 : i32
    scf.if %cond3A_497 {
      %lt3A_498 = arith.constant 15 : i32
      %lt3A_499 = arith.cmpi slt, %arg1, %lt3A_498 : i32
      %convert_element_type3A_500 = arith.extui %lt3A_499 : i1 to i32
      %cond3A_501 = arith.constant 0 : i32
      %cond3A_502 = arith.cmpi ne, %convert_element_type3A_500, %cond3A_501 : i32
      scf.if %cond3A_502 {
        "tpu.region"() ({
          %run_scoped3A_508 = tpu.sem_alloc : memref<!tpu.dma_semaphore, #tpu.memory_space<semaphore_mem>>
          %dma_start3A_509 = arith.constant 0 : i32
          %dma_start3A_510 = tpu.memref_slice %arg6[%multiple_of3A, %dma_start3A_509] : memref<10000x128xf32, #tpu.memory_space<hbm>> -> memref<632x128xf32, #tpu.memory_space<hbm>>
          %dma_start3A_511 = arith.constant 0 : i32
          %dma_start3A_512 = tpu.memref_slice %arg12[%multiple_of3A, %dma_start3A_511] : memref<10000x128xf32, #tpu.memory_space<vmem_shared>> -> memref<632x128xf32, #tpu.memory_space<vmem_shared>>
          tpu.enqueue_dma source(%dma_start3A_512 : memref<632x128xf32, #tpu.memory_space<vmem_shared>>) target(%dma_start3A_510 : memref<632x128xf32, #tpu.memory_space<hbm>>) target_semaphore(%run_scoped3A_508 : memref<!tpu.dma_semaphore, #tpu.memory_space<semaphore_mem>>)
          %dma_wait3A_513 = arith.constant 0 : i32
          %dma_wait3A_514 = tpu.memref_slice %arg6[%multiple_of3A, %dma_wait3A_513] : memref<10000x128xf32, #tpu.memory_space<hbm>> -> memref<632x128xf32, #tpu.memory_space<hbm>>
          %dma_wait3A_515 = arith.constant 0 : i32
          %dma_wait3A_516 = tpu.memref_slice %arg12[%multiple_of3A, %dma_wait3A_515] : memref<10000x128xf32, #tpu.memory_space<vmem_shared>> -> memref<632x128xf32, #tpu.memory_space<vmem_shared>>
          tpu.wait_dma2 semaphore(%run_scoped3A_508 : memref<!tpu.dma_semaphore, #tpu.memory_space<semaphore_mem>>) src(%dma_wait3A_516 : memref<632x128xf32, #tpu.memory_space<vmem_shared>>) dst(%dma_wait3A_514 : memref<632x128xf32, #tpu.memory_space<hbm>>)
          tpu.yield
        }) : () -> ()
      } else {
      }
      %eq3A_503 = arith.constant 15 : i32
      %eq3A_504 = arith.cmpi eq, %arg1, %eq3A_503 : i32
      %convert_element_type3A_505 = arith.extui %eq3A_504 : i1 to i32
      %cond3A_506 = arith.constant 0 : i32
      %cond3A_507 = arith.cmpi ne, %convert_element_type3A_505, %cond3A_506 : i32
      scf.if %cond3A_507 {
        "tpu.region"() ({
          %run_scoped3A_508 = tpu.sem_alloc : memref<!tpu.dma_semaphore, #tpu.memory_space<semaphore_mem>>
          %dma_start3A_509 = arith.constant 0 : i32
          %dma_start3A_510 = tpu.memref_slice %arg6[%multiple_of3A, %dma_start3A_509] : memref<10000x128xf32, #tpu.memory_space<hbm>> -> memref<520x128xf32, #tpu.memory_space<hbm>>
          %dma_start3A_511 = arith.constant 0 : i32
          %dma_start3A_512 = tpu.memref_slice %arg12[%multiple_of3A, %dma_start3A_511] : memref<10000x128xf32, #tpu.memory_space<vmem_shared>> -> memref<520x128xf32, #tpu.memory_space<vmem_shared>>
          tpu.enqueue_dma source(%dma_start3A_512 : memref<520x128xf32, #tpu.memory_space<vmem_shared>>) target(%dma_start3A_510 : memref<520x128xf32, #tpu.memory_space<hbm>>) target_semaphore(%run_scoped3A_508 : memref<!tpu.dma_semaphore, #tpu.memory_space<semaphore_mem>>)
          %dma_wait3A_513 = arith.constant 0 : i32
          %dma_wait3A_514 = tpu.memref_slice %arg6[%multiple_of3A, %dma_wait3A_513] : memref<10000x128xf32, #tpu.memory_space<hbm>> -> memref<520x128xf32, #tpu.memory_space<hbm>>
          %dma_wait3A_515 = arith.constant 0 : i32
          %dma_wait3A_516 = tpu.memref_slice %arg12[%multiple_of3A, %dma_wait3A_515] : memref<10000x128xf32, #tpu.memory_space<vmem_shared>> -> memref<520x128xf32, #tpu.memory_space<vmem_shared>>
          tpu.wait_dma2 semaphore(%run_scoped3A_508 : memref<!tpu.dma_semaphore, #tpu.memory_space<semaphore_mem>>) src(%dma_wait3A_516 : memref<520x128xf32, #tpu.memory_space<vmem_shared>>) dst(%dma_wait3A_514 : memref<520x128xf32, #tpu.memory_space<hbm>>)
          tpu.yield
        }) : () -> ()
      } else {
      }
    } else {
    }
    return
  }
}

module attributes {stable_mosaic.version = 14 : i64} {
  func.func @body(%arg0: i32, %arg1: memref<2x10240xf32, #tpu.memory_space<vmem>>, %arg2: memref<1024x128xf32, #tpu.memory_space<vmem>>, %arg3: memref<128x128xf32, #tpu.memory_space<vmem>>, %arg4: memref<1024x128xf32, #tpu.memory_space<vmem>>) attributes {dimension_semantics = [#tpu.dimension_semantics<arbitrary>], iteration_bounds = array<i64: 10>, scalar_prefetch = 0 : i64, scratch_operands = 0 : i64, tpu.core_type = #tpu.core_type<tc>, window_params = [{pipeline_mode = #tpu.pipeline_mode<synchronous>, transform_indices = @transform_0, window_bounds = array<i64: 2, 10240>}, {transform_indices = @transform_1, window_bounds = array<i64: 1024, 128>}, {pipeline_mode = #tpu.pipeline_mode<synchronous>, transform_indices = @transform_2, window_bounds = array<i64: 128, 128>}, {transform_indices = @transform_3, window_bounds = array<i64: 1024, 128>}]} {
    %mul3A = arith.constant 1024 : i32
    %mul3A_0 = arith.muli %arg0, %mul3A : i32
    %multiple_of3A = tpu.assume_multiple %mul3A_0, 128 : i32
    %get3A = arith.constant 0 : index
    %get3A_1 = arith.index_cast %multiple_of3A : i32 to index
    %get3A_2 = vector.load %arg1[%get3A, %get3A_1] : memref<2x10240xf32, #tpu.memory_space<vmem>>, vector<1x1024xf32>
    %get3A_3 = vector.shape_cast %get3A_2 : vector<1x1024xf32> to vector<1024xf32>
    %get3A_4 = arith.constant 1 : index
    %get3A_5 = arith.index_cast %multiple_of3A : i32 to index
    %get3A_6 = vector.load %arg1[%get3A_4, %get3A_5] : memref<2x10240xf32, #tpu.memory_space<vmem>>, vector<1x1024xf32>
    %get3A_7 = vector.shape_cast %get3A_6 : vector<1x1024xf32> to vector<1024xf32>
    %add3A = arith.addf %get3A_3, %get3A_7 : vector<1024xf32>
    %add3A_8 = arith.constant 1.000000e+00 : f32
    %add3A_9 = vector.broadcast %add3A_8 : f32 to vector<1024xf32>
    %add3A_10 = arith.addf %add3A_9, %add3A : vector<1024xf32>
    %rsqrt3A = math.rsqrt %add3A_10 : vector<1024xf32>
    %get3A_11 = arith.constant 0 : index
    %get3A_12 = arith.constant 0 : index
    %get3A_13 = vector.load %arg2[%get3A_11, %get3A_12] : memref<1024x128xf32, #tpu.memory_space<vmem>>, vector<1024x128xf32>
    %get3A_14 = arith.constant 0 : index
    %get3A_15 = arith.constant 0 : index
    %get3A_16 = vector.load %arg3[%get3A_14, %get3A_15] : memref<128x128xf32, #tpu.memory_space<vmem>>, vector<128x128xf32>
    %dot_general3A = arith.constant dense<0.000000e+00> : vector<1024x128xf32>
    %dot_general3A_17 = tpu.matmul %get3A_13, %get3A_16, %dot_general3A {dimension_numbers = #tpu.dot_dimension_numbers<[1], [0], [0], [1], [0, 0, 1, 1], [], []>, transpose_lhs_hint = false} : vector<1024x128xf32>, vector<128x128xf32>, vector<1024x128xf32> -> vector<1024x128xf32>
    %broadcast_in_dim3A = vector.shape_cast %rsqrt3A : vector<1024xf32> to vector<1024x1xf32>
    %mul3A_18 = vector.broadcast %broadcast_in_dim3A : vector<1024x1xf32> to vector<1024x128xf32>
    %mul3A_19 = arith.mulf %dot_general3A_17, %mul3A_18 : vector<1024x128xf32>
    %swap3A = arith.constant 0 : index
    %swap3A_20 = arith.constant 0 : index
    %swap3A_21 = vector.load %arg4[%swap3A, %swap3A_20] : memref<1024x128xf32, #tpu.memory_space<vmem>>, vector<1024x128xf32>
    tpu.vector_store %arg4[%swap3A, %swap3A_20], %mul3A_19 {strides = array<i32>} : memref<1024x128xf32, #tpu.memory_space<vmem>>, vector<1024x128xf32>,
    return
  }
  func.func @transform_0(%arg0: i32) -> (i32, i32) {
    %c0_i32 = arith.constant 0 : i32
    %c0_i32_0 = arith.constant 0 : i32
    %c0_i32_1 = arith.constant 0 : i32
    return %c0_i32, %c0_i32_0 : i32, i32
  }
  func.func @transform_1(%arg0: i32) -> (i32, i32) {
    %c0_i32 = arith.constant 0 : i32
    %c0_i32_0 = arith.constant 0 : i32
    return %arg0, %c0_i32 : i32, i32
  }
  func.func @transform_2(%arg0: i32) -> (i32, i32) {
    %c0_i32 = arith.constant 0 : i32
    %c0_i32_0 = arith.constant 0 : i32
    %c0_i32_1 = arith.constant 0 : i32
    return %c0_i32, %c0_i32_0 : i32, i32
  }
  func.func @transform_3(%arg0: i32) -> (i32, i32) {
    %c0_i32 = arith.constant 0 : i32
    %c0_i32_0 = arith.constant 0 : i32
    return %arg0, %c0_i32 : i32, i32
  }
}

module attributes {stable_mosaic.version = 14 : i64} {
  func.func @body(%arg0: i32, %arg1: memref<2x10240xf32, #tpu.memory_space<vmem>>, %arg2: memref<1024x128xf32, #tpu.memory_space<vmem>>, %arg3: memref<1024x128xf32, #tpu.memory_space<vmem>>, %arg4: memref<1024x128xf32, #tpu.memory_space<vmem>>, %arg5: memref<1x128xf32, #tpu.memory_space<vmem>>, %arg6: memref<1024x128xf32, #tpu.memory_space<vmem>>) attributes {dimension_semantics = [#tpu.dimension_semantics<arbitrary>], iteration_bounds = array<i64: 10>, scalar_prefetch = 0 : i64, scratch_operands = 0 : i64, tpu.core_type = #tpu.core_type<tc>, window_params = [{pipeline_mode = #tpu.pipeline_mode<synchronous>, transform_indices = @transform_0, window_bounds = array<i64: 2, 10240>}, {transform_indices = @transform_1, window_bounds = array<i64: 1024, 128>}, {transform_indices = @transform_2, window_bounds = array<i64: 1024, 128>}, {transform_indices = @transform_3, window_bounds = array<i64: 1024, 128>}, {pipeline_mode = #tpu.pipeline_mode<synchronous>, transform_indices = @transform_4, window_bounds = array<i64: 1, 128>}, {transform_indices = @transform_5, window_bounds = array<i64: 1024, 128>}]} {
    %mul3A = arith.constant 1024 : i32
    %mul3A_0 = arith.muli %arg0, %mul3A : i32
    %multiple_of3A = tpu.assume_multiple %mul3A_0, 128 : i32
    %get3A = arith.constant 0 : index
    %get3A_1 = arith.index_cast %multiple_of3A : i32 to index
    %get3A_2 = vector.load %arg1[%get3A, %get3A_1] : memref<2x10240xf32, #tpu.memory_space<vmem>>, vector<1x1024xf32>
    %get3A_3 = vector.shape_cast %get3A_2 : vector<1x1024xf32> to vector<1024xf32>
    %get3A_4 = arith.constant 1 : index
    %get3A_5 = arith.index_cast %multiple_of3A : i32 to index
    %get3A_6 = vector.load %arg1[%get3A_4, %get3A_5] : memref<2x10240xf32, #tpu.memory_space<vmem>>, vector<1x1024xf32>
    %get3A_7 = vector.shape_cast %get3A_6 : vector<1x1024xf32> to vector<1024xf32>
    %add3A = arith.addf %get3A_3, %get3A_7 : vector<1024xf32>
    %add3A_8 = arith.constant 1.000000e+00 : f32
    %add3A_9 = vector.broadcast %add3A_8 : f32 to vector<1024xf32>
    %add3A_10 = arith.addf %add3A_9, %add3A : vector<1024xf32>
    %rsqrt3A = math.rsqrt %add3A_10 : vector<1024xf32>
    %get3A_11 = arith.constant 0 : index
    %get3A_12 = arith.constant 0 : index
    %get3A_13 = vector.load %arg2[%get3A_11, %get3A_12] : memref<1024x128xf32, #tpu.memory_space<vmem>>, vector<1024x128xf32>
    %get3A_14 = arith.constant 0 : index
    %get3A_15 = arith.constant 0 : index
    %get3A_16 = vector.load %arg3[%get3A_14, %get3A_15] : memref<1024x128xf32, #tpu.memory_space<vmem>>, vector<1024x128xf32>
    %add3A_17 = arith.addf %get3A_13, %get3A_16 : vector<1024x128xf32>
    %get3A_18 = arith.constant 0 : index
    %get3A_19 = arith.constant 0 : index
    %get3A_20 = vector.load %arg4[%get3A_18, %get3A_19] : memref<1024x128xf32, #tpu.memory_space<vmem>>, vector<1024x128xf32>
    %sub3A = arith.subf %add3A_17, %get3A_20 : vector<1024x128xf32>
    %broadcast_in_dim3A = vector.shape_cast %rsqrt3A : vector<1024xf32> to vector<1024x1xf32>
    %mul3A_21 = vector.broadcast %broadcast_in_dim3A : vector<1024x1xf32> to vector<1024x128xf32>
    %mul3A_22 = arith.mulf %sub3A, %mul3A_21 : vector<1024x128xf32>
    %get3A_23 = arith.constant 0 : index
    %get3A_24 = arith.constant 0 : index
    %get3A_25 = vector.load %arg5[%get3A_23, %get3A_24] : memref<1x128xf32, #tpu.memory_space<vmem>>, vector<1x128xf32>
    %add3A_26 = vector.broadcast %get3A_25 : vector<1x128xf32> to vector<1024x128xf32>
    %add3A_27 = arith.addf %mul3A_22, %add3A_26 : vector<1024x128xf32>
    %max3A = arith.constant 0.000000e+00 : f32
    %max3A_28 = vector.broadcast %max3A : f32 to vector<1024x128xf32>
    %max3A_29 = arith.maximumf %add3A_27, %max3A_28 : vector<1024x128xf32>
    %swap3A = arith.constant 0 : index
    %swap3A_30 = arith.constant 0 : index
    %swap3A_31 = vector.load %arg6[%swap3A, %swap3A_30] : memref<1024x128xf32, #tpu.memory_space<vmem>>, vector<1024x128xf32>
    tpu.vector_store %arg6[%swap3A, %swap3A_30], %max3A_29 {strides = array<i32>} : memref<1024x128xf32, #tpu.memory_space<vmem>>, vector<1024x128xf32>,
    return
  }
  func.func @transform_0(%arg0: i32) -> (i32, i32) {
    %c0_i32 = arith.constant 0 : i32
    %c0_i32_0 = arith.constant 0 : i32
    %c0_i32_1 = arith.constant 0 : i32
    return %c0_i32, %c0_i32_0 : i32, i32
  }
  func.func @transform_1(%arg0: i32) -> (i32, i32) {
    %c0_i32 = arith.constant 0 : i32
    %c0_i32_0 = arith.constant 0 : i32
    return %arg0, %c0_i32 : i32, i32
  }
  func.func @transform_2(%arg0: i32) -> (i32, i32) {
    %c0_i32 = arith.constant 0 : i32
    %c0_i32_0 = arith.constant 0 : i32
    return %arg0, %c0_i32 : i32, i32
  }
  func.func @transform_3(%arg0: i32) -> (i32, i32) {
    %c0_i32 = arith.constant 0 : i32
    %c0_i32_0 = arith.constant 0 : i32
    return %arg0, %c0_i32 : i32, i32
  }
  func.func @transform_4(%arg0: i32) -> (i32, i32) {
    %c0_i32 = arith.constant 0 : i32
    %c0_i32_0 = arith.constant 0 : i32
    %c0_i32_1 = arith.constant 0 : i32
    return %c0_i32, %c0_i32_0 : i32, i32
  }
  func.func @transform_5(%arg0: i32) -> (i32, i32) {
    %c0_i32 = arith.constant 0 : i32
    %c0_i32_0 = arith.constant 0 : i32
    return %arg0, %c0_i32 : i32, i32
  }
}

</mosaic_0001>

<sc_bundles>
// kernel: kernel.6.cloned.1.call-start
scs
__scs_entry_jumppad:
0x0: {  	(pc) =	sbr.rel $0x88, $3  }
0x1: {  	(tag) =	ssettag $0x0;
	lr =	simm.s32 $0x1  }
0x2: {  	[smem:$0x3F9D] =	sst lr;
	_ =	strace $0xD0000000  }
0x3: {  	_ = 	snop  }
0x4: {  	_ = 	snop  }
0x5: {  	_ = 	snop  }
0x6: {  	_ = 	snop  }
0x7: {  	_ = 	snop  }
__scs_overlays_trampoline_lowered:
0x8: {  	[smem:$0x3FAC] =	sst s0  }
0x9: {  	[smem:$0x3FAD] =	sst s1  }
0xa: {  	[smem:$0x3FAE] =	sst s2  }
0xb: {  	[smem:$0x3FAF] =	sst s3  }
0xc: {  	[smem:$0x3FB0] =	sst s4  }
0xd: {  	[smem:$0x3FB1] =	sst s5  }
0xe: {  	[smem:$0x3FB2] =	sst s6  }
0xf: {  	[smem:$0x3FB3] =	sst s7  }
0x10: {  	[smem:$0x3FB4] =	sst s8  }
0x11: {  	[smem:$0x3FB5] =	sst s9;
	s0 =	simm.s32 @!p0 $0x0  }
0x12: {  	s1 =	sld [smem:$0x3F9B];
	s0 =	simm.s32 @p0 $0x1  }
0x13: {  	[smem:$0x3FB6] =	sst s0;
	s0 =	simm.s32 @!p1 $0x0  }
0x14: {  	s2 =	sld [smem:$0x3F9A];
	s0 =	simm.s32 @p1 $0x1  }
0x15: {  	[smem:$0x3FB7] =	sst s0;
	s0 =	simm.s32 @!p2 $0x0  }
0x16: {  	s3 =	sld [smem:$0x3FDB];
	s0 =	simm.s32 @p2 $0x1  }
0x17: {  	s4 =	simm.s32 $0x1BF5;
	[smem:$0x3FB9] =	sst s0  }
0x18: {  	s0 =	sld [smem:$0x3F9C];
	_ =	swait.ge [sflag:s4], $0x0  }
0x19: {  	s7 =	sld [smem:$0x3F9D]  }
0x1a: {  	s8 =	sadd.s32 $0xFFFFE003, lr  }
0x1b: {  	s9 =	sadd.s32 $0xFFFFFEF7, lr;
	s5 =	simm.s32 $0xFFFFFFFF;
	p2 =	slt.u32 s8, $0xFFFFF086  }
0x1c: {  	p1 =	slt.u32 s9, $0xF7A;
	s5 =	simm.s32 @!p2 $0x0  }
0x1d: {  	s5 =	simm.s32 @p1 $0x1;
	p0 =	seq.s32 s7, s2  }
0x1e: {  	s7 =	smul.u32 @!p0 $0xF7A, s2;
	p2 =	seq.s32 @!p0 s5, $0x0  }
0x1f: {  	s9 =	smul.u32 $0xF7A, s1;
	s8 =	simm.s32 @!p0 $0x1BF5;
	p2 =	por !p2, p0  }
0x20: {  	[sflag:s8] =	ssyncset.s32 @!p0 $0xFFFFF086;
	s6 =	sadd.s32 @!p0 s3, s7;
	s7 =	simm.s32 @!p0 $0x108  }
0x21: {  	s3 =	sadd.s32 s3, s9;
	s6 =	sadd.s32 @!p0 $0x88, s6;
	s7 =	simm.s32 @p2 $0x1082  }
0x22: {  	[simem:s7], [sflag:s8] =	dma.local @!p0 [hbm:s6], $0xF7A  }
0x23: {  	s9 =	sor.u32 $0xD0000000, s2;
	s6 =	simm.s32 $0x108;
	_ =	swait.ge @!p0 [sflag:s8], $0x0  }
0x24: {  	s3 =	sadd.s32 $0x88, s3;
	s6 =	simm.s32 @!p1 $0x1082;
	[sflag:s4] =	ssyncset.s32 $0xFFFFF086  }
0x25: {  	[simem:s6], [sflag:s4] =	dma.local [hbm:s3], $0xF7A  }
0x26: {  	[smem:$0x3F9D] =	sst s1;
	(tag) =	ssettag s2;
	_ =	strace s9  }
0x27: {  	s1 =	sld [smem:$0x3FAD]  }
0x28: {  	s2 =	sld [smem:$0x3FAE]  }
0x29: {  	s4 =	sld [smem:$0x3FB0]  }
0x2a: {  	p0 =	seq.s32 s5, $0x0;
	s5 =	sld [smem:$0x3FB1]  }
0x2b: {  	s6 =	sld [smem:$0x3FB2]  }
0x2c: {  	s7 =	sld [smem:$0x3FB3]  }
0x2d: {  	s3 =	simm.s32 $0x108;
	s8 =	sld [smem:$0x3FB4]  }
0x2e: {  	s3 =	simm.s32 @!p0 $0x1082;
	s9 =	sld [smem:$0x3FB5]  }
0x2f: {  	lr =	sadd.s32 s0, s3;
	s0 =	sld [smem:$0x3FAC]  }
0x30: {  	s3 =	sld [smem:$0x3FAF]  }
0x31: {  	[smem:$0x3FB8] =	sst s10  }
0x32: {  	s10 =	sld [smem:$0x3FB6];
	_ =	sdelay $0x3  }
0x33: {  	p0 =	seq.s32 s10, $0x1;
	s10 =	sld [smem:$0x3FB8];
	_ =	sdelay $0x3  }
0x34: {  	[smem:$0x3FB8] =	sst s10  }
0x35: {  	s10 =	sld [smem:$0x3FB7];
	_ =	sdelay $0x3  }
0x36: {  	p1 =	seq.s32 s10, $0x1;
	s10 =	sld [smem:$0x3FB8];
	_ =	sdelay $0x3  }
0x37: {  	[smem:$0x3FB8] =	sst s10  }
0x38: {  	s10 =	sld [smem:$0x3FB9]  }
0x39: {  	_ = 	snop;
	(pc) =	sbr.ind lr, $3  }
0x3a: {  	_ = 	snop  }
0x3b: {  	_ = 	snop  }
0x3c: {  	p2 =	seq.s32 s10, $0x1;
	s10 =	sld [smem:$0x3FB8]  }
0x3d: {  	_ =	shalt  }
0x3e: {  	_ =	shalt  }
0x3f: {  	_ =	shalt  }
0x40: {  	_ =	shalt  }
0x41: {  	_ =	shalt  }
0x42: {  	_ =	shalt  }
0x43: {  	_ =	shalt  }
0x44: {  	_ =	shalt  }
0x45: {  	_ =	shalt  }
0x46: {  	_ =	shalt  }
0x47: {  	_ =	shalt  }
0x48: {  	_ =	shalt  }
0x49: {  	_ =	shalt  }
0x4a: {  	_ =	shalt  }
0x4b: {  	_ =	shalt  }
0x4c: {  	_ =	shalt  }
0x4d: {  	_ =	shalt  }
0x4e: {  	_ =	shalt  }
0x4f: {  	_ =	shalt  }
0x50: {  	_ =	shalt  }
0x51: {  	_ =	shalt  }
0x52: {  	_ =	shalt  }
0x53: {  	_ =	shalt  }
0x54: {  	_ =	shalt  }
0x55: {  	_ =	shalt  }
0x56: {  	_ =	shalt  }
0x57: {  	_ =	shalt  }
0x58: {  	_ =	shalt  }
0x59: {  	_ =	shalt  }
0x5a: {  	_ =	shalt  }
0x5b: {  	_ =	shalt  }
0x5c: {  	_ =	shalt  }
0x5d: {  	_ =	shalt  }
0x5e: {  	_ =	shalt  }
0x5f: {  	_ =	shalt  }
0x60: {  	_ =	shalt  }
0x61: {  	_ =	shalt  }
0x62: {  	_ =	shalt  }
0x63: {  	_ =	shalt  }
0x64: {  	_ =	shalt  }
0x65: {  	_ =	shalt  }
0x66: {  	_ =	shalt  }
0x67: {  	_ =	shalt  }
0x68: {  	_ =	shalt  }
0x69: {  	_ =	shalt  }
0x6a: {  	_ =	shalt  }
0x6b: {  	_ =	shalt  }
0x6c: {  	_ =	shalt  }
0x6d: {  	_ =	shalt  }
0x6e: {  	_ =	shalt  }
0x6f: {  	_ =	shalt  }
0x70: {  	_ =	shalt  }
0x71: {  	_ =	shalt  }
0x72: {  	_ =	shalt  }
0x73: {  	_ =	shalt  }
0x74: {  	_ =	shalt  }
0x75: {  	_ =	shalt  }
0x76: {  	_ =	shalt  }
0x77: {  	_ =	shalt  }
0x78: {  	_ =	shalt  }
0x79: {  	_ =	shalt  }
0x7a: {  	_ =	shalt  }
0x7b: {  	_ =	shalt  }
0x7c: {  	_ =	shalt  }
0x7d: {  	_ =	shalt  }
0x7e: {  	_ =	shalt  }
0x7f: {  	_ =	shalt  }
0x80: {  	_ =	shalt  }
0x81: {  	_ =	shalt  }
0x82: {  	_ =	shalt  }
0x83: {  	_ =	shalt  }
0x84: {  	_ =	shalt  }
0x85: {  	_ =	shalt  }
0x86: {  	_ =	shalt  }
0x87: {  	_ =	shalt  }
.Lfunc_end0:
.L_simem_size_0:
called_computation_lowered:
.L_overlay_start_0:
0x88: {  	s2 =	sld [smem:$0x3FD9]  }
0x89: {  	s3 =	sld [smem:$0x3FFE];
	_ =	sdelay $0x1  }
0x8a: {  	s1 =	srdreg.scid  }
0x8b: {  	s0 =	sand.u32 $0x1, s1  }
0x8c: {  	s17 =	sshll.u32 s0, $0xA;
	s2 =	sadd.s32 s3, s2  }
0x8d: {  	s2 =	sadd.s32 s2, s17  }
0x8e: {  	[smem:$0x3FC4] =	sst s2  }
0x8f: {  	_ = 	snop  }
0x90: {  	s2 =	sld [smem:$0x3FD0];
	(tm) =	ssettm $0x1  }
0x91: {  	s18 =	sld [smem:$0x3FFB];
	_ =	sdelay $0x3  }
0x92: {  	_ =	strace s18  }
0x93: {  	s3 =	sld [smem:$0x3FFC];
	_ =	sdelay $0x3  }
0x94: {  	_ =	strace s3  }
0x95: {  	s3 =	sld [smem:$0x3FFD];
	_ =	sdelay $0x3  }
0x96: {  	_ =	strace s3  }
0x97: {  	_ =	strace $0x8FFFFFFF  }
0x98: {  	s19 =	sld [smem:$0x3FDB];
	_ =	sdelay $0x1  }
0x99: {  	s4 =	simm.s32 $_scs_section_size  }
0x9a: {  	s5 =	simm.s32 $_size__tile_overlayer_lowered;
	s6 =	simm.s32 $_tile_overlayer_lowered  }
0x9b: {  	s22 =	simm.s32 $0x1BFF;
	s21 =	sshll.u32 s6, $0x1;
	s3 =	sadd.s32 s4, s19  }
0x9c: {  	s7 =	simm.s32 $0x0;
	s20 =	sshll.u32 s5, $0x1;
	s5 =	sadd.s32 s21, s3  }
0x9d: {  	[timem:s7], [sflag:s22] =	dma.local [hbm:s5], s20  }
0x9e: {  	_ =	swait.ge [sflag:s22], s20  }
0x9f: {  	s4 =	ssub.s32 $0x0, s20;
	[sflag:s22] =	ssyncset.done $0x0  }
0xa0: {  	[sflag:s22] =	ssyncadd.s32 s4;
	_ =	sdelay $0x1  }
0xa1: {  	s23 =	simm.s32 $0x1B8B  }
0xa2: {  	_ =	swait.ge [sflag:s23], $0x1  }
0xa3: {  	[sflag:s23] =	ssyncset.done $0x0  }
0xa4: {  	s25 =	simm.s32 $0x1B8E;
	s24 =	sld [smem:$0x3FFE];
	[sflag:s23] =	ssyncadd.s32 $0xFFFFFFFF  }
0xa5: {  	s26 =	simm.s32 $execute0_lowered;
	[smem:$0x3FD2] =	sst s25  }
0xa6: {  	s5 =	sshll.u32 s26, $0x1;
	_ =	strace $0x80000046;
	[dreg:$0x1] =	wrdreg $0xFFFFFFFF  }
0xa7: {  	s28 =	simm.s32 $_size_execute0_lowered;
	s3 =	sadd.s32 s3, s5;
	[dreg:$0x0] =	wrdreg $0x0  }
0xa8: {  	s5 =	sshll.u32 s28, $0x1;
	[dreg:$0x2] =	wrdreg s3  }
0xa9: {  	[dreg:$0x3] =	wrdreg s5  }
0xaa: {  	[dreg:$0x4] =	wrdreg $0xC0  }
0xab: {  	_ =	task [dreg:s7], $0x5FFFF  }
0xac: {  	[dreg:$0x1] =	wrdreg $0xFFFFFFFF  }
0xad: {  	[dreg:$0x0] =	wrdreg $0x60  }
0xae: {  	[dreg:$0x2] =	wrdreg s2  }
0xaf: {  	[dreg:$0x3] =	wrdreg s24  }
0xb0: {  	[dreg:$0x4] =	wrdreg $0x43000  }
0xb1: {  	[dreg:$0x5] =	wrdreg $0x9  }
0xb2: {  	_ =	task.clear_ibuf [dreg:s7], $0x6FFFF;
	_ =	strace $0x90000046  }
0xb3: {  	s29 =	simm.s32 $0x9;
	_ =	strace $0x80000048  }
0xb4: {  	_ =	swait.ge [sflag:s29], $0x1  }
0xb5: {  	[sflag:s29] =	ssyncadd.s32 $0xFFFFFFFF  }
0xb6: {  	_ =	strace $0x90000048  }
0xb7: {  	_ =	sfence  }
0xb8: {  	s30 =	sld [smem:$0x0];
	_ =	sdelay $0x2  }
0xb9: {  	s31 =	sshll.u32 s1, $0xD;
	s1 =	sshrl.u32 s1, $0x2  }
0xba: {  	s3 =	sand.u32 $0x4000, s31;
	s1 =	sadd.s32 s1, s30  }
0xbb: {  	s0 =	sor.u32 s3, s0;
	s1 =	sshll.u32 s1, $0x11  }
0xbc: {  	s0 =	sor.u32 s1, s0  }
0xbd: {  	s0 =	sadd.s32 $0x8F2B, s0  }
0xbe: {  	[sflag:s0] =	ssyncadd.remote.s32 $0x1  }
0xbf: {  	_ =	sfence.sel $0xFFFF  }
0xc0: {  	[dreg:$0x0] =	wrdreg $0xFFFFFFFF;
	(pc) =	sbr.abs _section_cstart, $3  }
0xc1: {  	[dreg:$0x1] =	wrdreg $0xFFFFFFFF  }
0xc2: {  	_ =	task.clear_ibuf [dreg:s7], $0x2FFFF;
	_ =	strace $0x9FFFFFFF  }
0xc3: {  	(tm) =	ssettm $0x7FFFFFFF  }
tec
execute0_lowered:
.L_overlay_start_1:
0x0: {  	(tag) =	ssettag $0x1  }
0x1: {  	s3 =	rddreg [dreg:$0x0]  }
0x2: {  	s4 =	rddreg [dreg:$0x1]  }
0x3: {  	s1 =	rddreg [dreg:$0x2]  }
0x4: {  	s5 =	srdreg.scid;
	s0 =	rddreg [dreg:$0x3];
	s2 =	simm.s32 $0x0  }
0x5: {  	s18 =	stileid.u32;
	s10 =	simm.s32 $0x4000;
	s11 =	simm.s32 $0x80  }
0x6: {  	s12 =	simm.s32 $0x100;
	s13 =	simm.s32 $0x180;
	s14 =	simm.s32 $0x200  }
0x7: {  	s15 =	simm.s32 $0x280;
	s16 =	simm.s32 $0x300;
	s17 =	simm.s32 $0x380  }
0x8: {  	s20 =	simm.s32 $0x0;
	s5 =	sand.u32 $0x1, s5;
	[smem:$0x7FF] =	sst s2  }
0x9: {  	s7 =	smul.u32 $0xA00, s18;
	s9 =	sshll.u32 s18, $0xC;
	p0 =	sne.s32 s18, $0x0  }
0xa: {  	s18 =	simm.s32 $0x1;
	s6 =	sshll.u32 s5, $0x4;
	_ =	strace $0x80000047  }
0xb: {  	s30 =	ssub.s32 $0x2, s5;
	s5 =	sshll.u32 s5, $0xB;
	s19 =	sshrl.u32 @!p0 s1, $0x3  }
0xc: {  	s6 =	sadd.s32 s6, s4;
	s8 =	sshrl.u32 s30, $0x1;
	s3 =	sadd.s32 s3, s5  }
0xd: {  	s31 =	sshrl.u32 s7, $0x2;
	s7 =	simm.s32 $0x2;
	s8 =	ssub.s32 s30, s8  }
0xe: {  	s3 =	sadd.s32 s9, s3;
	s4 =	sadd.s32 s31, s1;
	s5 =	sadd.s32 $0x1A00, s6  }
0xf: {  	v0 =	vimm.f32 $1.000000000e+00;
	v1 =	vimm.f32 $0.0e+00;
	s9 =	simm.s32 $0x50;
	s6 =	smax.u32 s8, $0x1;
	s8 =	simm.s32 $0x4080  }
.LBB2_1:
0x10: {  	[tilespmem:s2], [sflag:$0x2] =	stream.linear.gather [hbm4b:s3+s2], $0x3E80, $0x38;
	[tilespmem:$0x4580] =	vst v63  }
0x11: {  	_ =	swait.ge [sflag:s7], $0x3E80  }
0x12: {  	[sflag:s7] =	ssyncset.done $0x0  }
0x13: {  	[sflag:s7] =	ssyncadd.s32 $0xFFFFC180  }
0x14: {  	[tilespmem:$0x4000] =	vst v0  }
0x15: {  	[tilespmem:$0x4010] =	vst v0  }
0x16: {  	[tilespmem:$0x4020] =	vst v0  }
0x17: {  	[tilespmem:$0x4030] =	vst v0  }
0x18: {  	[tilespmem:$0x4040] =	vst v0  }
0x19: {  	[tilespmem:$0x4080] =	vst v1  }
0x1a: {  	[tilespmem:$0x4090] =	vst v1  }
0x1b: {  	[tilespmem:$0x40A0] =	vst v1  }
0x1c: {  	[tilespmem:$0x40B0] =	vst v1  }
0x1d: {  	[tilespmem:$0x40C0] =	vst v1  }
0x1e: {  	[tilespmem:$0x40D0] =	vst v1  }
0x1f: {  	[tilespmem:$0x40E0] =	vst v1  }
0x20: {  	[tilespmem:$0x40F0] =	vst v1  }
0x21: {  	[tilespmem:$0x4100] =	vst v1  }
0x22: {  	[tilespmem:$0x4110] =	vst v1  }
0x23: {  	[tilespmem:$0x4120] =	vst v1  }
0x24: {  	[tilespmem:$0x4130] =	vst v1  }
0x25: {  	[tilespmem:$0x4140] =	vst v1  }
0x26: {  	[tilespmem:$0x4150] =	vst v1  }
0x27: {  	[tilespmem:$0x4160] =	vst v1  }
0x28: {  	[tilespmem:$0x4170] =	vst v1  }
0x29: {  	[tilespmem:$0x4180] =	vst v1  }
0x2a: {  	[tilespmem:$0x4190] =	vst v1  }
0x2b: {  	[tilespmem:$0x41A0] =	vst v1  }
0x2c: {  	[tilespmem:$0x41B0] =	vst v1  }
0x2d: {  	[tilespmem:$0x41C0] =	vst v1  }
0x2e: {  	[tilespmem:$0x41D0] =	vst v1  }
0x2f: {  	[tilespmem:$0x41E0] =	vst v1  }
0x30: {  	[tilespmem:$0x41F0] =	vst v1  }
0x31: {  	[tilespmem:$0x4200] =	vst v1  }
0x32: {  	[tilespmem:$0x4210] =	vst v1  }
0x33: {  	[tilespmem:$0x4220] =	vst v1  }
0x34: {  	[tilespmem:$0x4230] =	vst v1  }
0x35: {  	[tilespmem:$0x4240] =	vst v1  }
0x36: {  	[tilespmem:$0x4250] =	vst v1  }
0x37: {  	[tilespmem:$0x4260] =	vst v1  }
0x38: {  	[tilespmem:$0x4270] =	vst v1  }
0x39: {  	[tilespmem:$0x4280] =	vst v1  }
0x3a: {  	[tilespmem:$0x4290] =	vst v1  }
0x3b: {  	[tilespmem:$0x42A0] =	vst v1  }
0x3c: {  	[tilespmem:$0x42B0] =	vst v1  }
0x3d: {  	[tilespmem:$0x42C0] =	vst v1  }
0x3e: {  	[tilespmem:$0x42D0] =	vst v1  }
0x3f: {  	[tilespmem:$0x42E0] =	vst v1  }
0x40: {  	[tilespmem:$0x42F0] =	vst v1  }
0x41: {  	[spmem:s4] =	stream.linear.scatter [tilespmem:s8], [sflag:$0x2], $0x280, $0x38;
	[tilespmem:$0x4580] =	vst v63  }
0x42: {  	_ =	swait.ge [sflag:s7], $0x280  }
0x43: {  	[sflag:s7] =	ssyncset.done $0x0  }
0x44: {  	[sflag:s7] =	ssyncadd.s32 $0xFFFFFD80  }
0x45: {  	[bflag:$0x0] =	sbarrier.arrive $0xFFFF  }
0x46: {  	[spmem:s1] =	stream.indirect.scatter.add.f32 [tilespmem:s10], [sflag:$0x1], $0x1, s2, s9, $0xb8;
	[tilespmem:$0x4580] =	vst v63  }
0x47: {  	_ = 	snop  }
0x48: {  	[spmem:s1] =	stream.indirect.scatter.add.f32 [tilespmem:s10], [sflag:$0x1], $0x1, s11, s9, $0xb8;
	[tilespmem:$0x4580] =	vst v63  }
0x49: {  	_ = 	snop  }
0x4a: {  	[spmem:s1] =	stream.indirect.scatter.add.f32 [tilespmem:s10], [sflag:$0x1], $0x1, s12, s9, $0xb8;
	[tilespmem:$0x4580] =	vst v63  }
0x4b: {  	_ = 	snop  }
0x4c: {  	[spmem:s1] =	stream.indirect.scatter.add.f32 [tilespmem:s10], [sflag:$0x1], $0x1, s13, s9, $0xb8;
	[tilespmem:$0x4580] =	vst v63  }
0x4d: {  	_ = 	snop  }
0x4e: {  	[spmem:s1] =	stream.indirect.scatter.add.f32 [tilespmem:s10], [sflag:$0x1], $0x1, s14, s9, $0xb8;
	[tilespmem:$0x4580] =	vst v63  }
0x4f: {  	_ = 	snop  }
0x50: {  	[spmem:s1] =	stream.indirect.scatter.add.f32 [tilespmem:s10], [sflag:$0x1], $0x1, s15, s9, $0xb8;
	[tilespmem:$0x4580] =	vst v63  }
0x51: {  	_ = 	snop  }
0x52: {  	[spmem:s1] =	stream.indirect.scatter.add.f32 [tilespmem:s10], [sflag:$0x1], $0x1, s16, s9, $0xb8;
	[tilespmem:$0x4580] =	vst v63  }
0x53: {  	_ = 	snop  }
0x54: {  	[spmem:s1] =	stream.indirect.scatter.add.f32 [tilespmem:s10], [sflag:$0x1], $0x1, s17, s9, $0xb8;
	[tilespmem:$0x4580] =	vst v63  }
0x55: {  	_ =	swait.ge [sflag:s18], $0x50  }
0x56: {  	[sflag:s18] =	ssyncset.done $0x0  }
0x57: {  	s21 =	simm.s32 $0x1200;
	s22 =	simm.s32 $0x400;
	[sflag:s18] =	ssyncadd.s32 $0xFFFFFFB0  }
.LBB2_2:
0x58: {  	[spmem:s1] =	stream.indirect.scatter.add.f32 [tilespmem:s10], [sflag:$0x1], $0x1, s22, s9, $0xb8;
	[tilespmem:$0x4580] =	vst v63  }
0x59: {  	s22 =	smov.u32 s21;
	p1 =	sne.s32 s21, $0xF800  }
.Ltmp0:
0x5a: {  	s21 =	sadd.s32 $0x200, s21;
	(pc) =	sbr.rel @p1 .LBB2_2-.Ltmp0, $4  }
0x5b: {  	_ = 	snop  }
0x5c: {  	_ =	swait.ge [sflag:s18], $0x50  }
0x5d: {  	[sflag:s18] =	ssyncset.done $0x0  }
0x5e: {  	s22 =	sshra.s32 s22, $0x2;
	[sflag:s18] =	ssyncadd.s32 $0xFFFFFFB0  }
0x5f: {  	[spmem:s1] =	stream.indirect.scatter.add.f32 [tilespmem:s10], [sflag:$0x1], $0x1, s22, s9, $0xb8;
	[tilespmem:$0x4580] =	vst v63  }
0x60: {  	_ =	swait.ge [sflag:s18], $0x50  }
0x61: {  	[sflag:s18] =	ssyncset.done $0x0  }
0x62: {  	[sflag:s18] =	ssyncadd.s32 $0xFFFFFFB0  }
0x63: {  	_ =	swait.ge [sflag:s18], $0x50  }
0x64: {  	[sflag:s18] =	ssyncset.done $0x0  }
0x65: {  	[sflag:s18] =	ssyncadd.s32 $0xFFFFFFB0  }
0x66: {  	_ =	swait.ge [sflag:s18], $0x50  }
0x67: {  	[sflag:s18] =	ssyncset.done $0x0  }
0x68: {  	[sflag:s18] =	ssyncadd.s32 $0xFFFFFFB0  }
0x69: {  	_ =	swait.ge [sflag:s18], $0x50  }
0x6a: {  	[sflag:s18] =	ssyncset.done $0x0  }
0x6b: {  	[sflag:s18] =	ssyncadd.s32 $0xFFFFFFB0  }
0x6c: {  	_ =	swait.ge [sflag:s18], $0x50  }
0x6d: {  	[sflag:s18] =	ssyncset.done $0x0  }
0x6e: {  	[sflag:s18] =	ssyncadd.s32 $0xFFFFFFB0  }
0x6f: {  	_ =	swait.ge [sflag:s18], $0x50  }
0x70: {  	[sflag:s18] =	ssyncset.done $0x0  }
0x71: {  	[sflag:s18] =	ssyncadd.s32 $0xFFFFFFB0  }
0x72: {  	_ =	swait.ge [sflag:s18], $0x50  }
0x73: {  	[sflag:s18] =	ssyncset.done $0x0  }
0x74: {  	[sflag:s18] =	ssyncadd.s32 $0xFFFFFFB0  }
0x75: {  	_ =	swait.ge [sflag:s18], $0x50  }
0x76: {  	s21 =	simm.s32 @!p0 $0x1;
	s22 =	simm.s32 @!p0 $0x20;
	[sflag:s18] =	ssyncset.done $0x0  }
0x77: {  	s23 =	simm.s32 @!p0 $0x10;
	s20 =	sadd.s32 $0x1, s20;
	[sflag:s18] =	ssyncadd.s32 $0xFFFFFFB0  }
0x78: {  	s24 =	simm.s32 @!p0 $0x1C02;
	p1 =	sne.s32 s20, s6;
	[bflag:$0x0] =	sbarrier.arrive $0xFFFF  }
0x79: {  	[hbm:s5@s22], [sflag:s24] =	dma.strided @!p0 [spmem:s19@s23], $0x500, s21, $0x10   }
.Ltmp1:
0x7a: {  	_ = 	snop;
	(pc) =	sbr.rel @p1 .LBB2_1-.Ltmp1, $4  }
0x7b: {  	s21 =	simm.s32 @!p0 $0x2  }
0x7c: {  	_ =	swait.ge @!p0 [sflag:s21], $0x500  }
0x7d: {  	[sflag:s21] =	ssyncset.done @!p0 $0x0  }
0x7e: {  	[sflag:s21] =	ssyncadd.s32 @!p0 $0xFFFFFB00  }
0x7f: {  	_ =	sfence.sel $0x180000  }
0x80: {  	[bflag:$0x0] =	sbarrier.arrive $0xFFFF  }
0x81: {  	_ =	strace $0x90000047  }
0x82: {  	s0 =	sadd.s32 @!p0 $0x100000, s0;
	[bflag:$0x2] =	sbarrier.arrive $0xFFFF  }
0x83: {  	[sflag:s0] =	ssyncadd.tile.s32 @!p0 $0x1;
	_ =	shalt  }
.Lfunc_end2:
_tile_overlayer_lowered:
.L_overlay_start_2:
0x84: {  	(tag) =	ssettag $0x2  }
0x85: {  	s0 =	rddreg [dreg:$0x0];
	s2 =	stileid.u32  }
0x86: {  	s1 =	rddreg [dreg:$0x1];
	p0 =	sne.s32 s2, $0x0  }
0x87: {  	s3 =	rddreg [dreg:$0x2];
	[bflag:$0x3] =	sbarrier.arrive $0xFFFF;
	s2 =	simm.s32 @!p0 $0x1C02  }
0x88: {  	[timem:s3], [sflag:s2] =	dma.local @!p0 [hbm:s0], s1  }
0x89: {  	s0 =	simm.s32 @!p0 $0x2  }
0x8a: {  	_ =	swait.ge @!p0 [sflag:s0], s1  }
0x8b: {  	s1 =	ssub.s32 @!p0 $0x0, s1;
	[sflag:s0] =	ssyncset.done @!p0 $0x0  }
0x8c: {  	[sflag:s0] =	ssyncadd.s32 @!p0 s1  }
0x8d: {  	[bflag:$0x3] =	sbarrier.arrive $0xFFFF  }
0x8e: {  	_ =	shalt  }

// kernel: kernel.9.cloned.1.call-start
scs
__scs_entry_jumppad:
0x0: {  	(pc) =	sbr.rel $0x88, $3  }
0x1: {  	(tag) =	ssettag $0x0;
	lr =	simm.s32 $0x1  }
0x2: {  	[smem:$0x3F9D] =	sst lr;
	_ =	strace $0xD0000000  }
0x3: {  	_ = 	snop  }
0x4: {  	_ = 	snop  }
0x5: {  	_ = 	snop  }
0x6: {  	_ = 	snop  }
0x7: {  	_ = 	snop  }
__scs_overlays_trampoline_lowered:
0x8: {  	[smem:$0x3FAC] =	sst s0  }
0x9: {  	[smem:$0x3FAD] =	sst s1  }
0xa: {  	[smem:$0x3FAE] =	sst s2  }
0xb: {  	[smem:$0x3FAF] =	sst s3  }
0xc: {  	[smem:$0x3FB0] =	sst s4  }
0xd: {  	[smem:$0x3FB1] =	sst s5  }
0xe: {  	[smem:$0x3FB2] =	sst s6  }
0xf: {  	[smem:$0x3FB3] =	sst s7  }
0x10: {  	[smem:$0x3FB4] =	sst s8  }
0x11: {  	[smem:$0x3FB5] =	sst s9;
	s0 =	simm.s32 @!p0 $0x0  }
0x12: {  	s1 =	sld [smem:$0x3F9B];
	s0 =	simm.s32 @p0 $0x1  }
0x13: {  	[smem:$0x3FB6] =	sst s0;
	s0 =	simm.s32 @!p1 $0x0  }
0x14: {  	s2 =	sld [smem:$0x3F9A];
	s0 =	simm.s32 @p1 $0x1  }
0x15: {  	[smem:$0x3FB7] =	sst s0;
	s0 =	simm.s32 @!p2 $0x0  }
0x16: {  	s3 =	sld [smem:$0x3FDB];
	s0 =	simm.s32 @p2 $0x1  }
0x17: {  	s4 =	simm.s32 $0x1BF5;
	[smem:$0x3FB9] =	sst s0  }
0x18: {  	s0 =	sld [smem:$0x3F9C];
	_ =	swait.ge [sflag:s4], $0x0  }
0x19: {  	s7 =	sld [smem:$0x3F9D]  }
0x1a: {  	s8 =	sadd.s32 $0xFFFFE003, lr  }
0x1b: {  	s9 =	sadd.s32 $0xFFFFFEF7, lr;
	s5 =	simm.s32 $0xFFFFFFFF;
	p2 =	slt.u32 s8, $0xFFFFF086  }
0x1c: {  	p1 =	slt.u32 s9, $0xF7A;
	s5 =	simm.s32 @!p2 $0x0  }
0x1d: {  	s5 =	simm.s32 @p1 $0x1;
	p0 =	seq.s32 s7, s2  }
0x1e: {  	s7 =	smul.u32 @!p0 $0xF7A, s2;
	p2 =	seq.s32 @!p0 s5, $0x0  }
0x1f: {  	s9 =	smul.u32 $0xF7A, s1;
	s8 =	simm.s32 @!p0 $0x1BF5;
	p2 =	por !p2, p0  }
0x20: {  	[sflag:s8] =	ssyncset.s32 @!p0 $0xFFFFF086;
	s6 =	sadd.s32 @!p0 s3, s7;
	s7 =	simm.s32 @!p0 $0x108  }
0x21: {  	s3 =	sadd.s32 s3, s9;
	s6 =	sadd.s32 @!p0 $0x88, s6;
	s7 =	simm.s32 @p2 $0x1082  }
0x22: {  	[simem:s7], [sflag:s8] =	dma.local @!p0 [hbm:s6], $0xF7A  }
0x23: {  	s9 =	sor.u32 $0xD0000000, s2;
	s6 =	simm.s32 $0x108;
	_ =	swait.ge @!p0 [sflag:s8], $0x0  }
0x24: {  	s3 =	sadd.s32 $0x88, s3;
	s6 =	simm.s32 @!p1 $0x1082;
	[sflag:s4] =	ssyncset.s32 $0xFFFFF086  }
0x25: {  	[simem:s6], [sflag:s4] =	dma.local [hbm:s3], $0xF7A  }
0x26: {  	[smem:$0x3F9D] =	sst s1;
	(tag) =	ssettag s2;
	_ =	strace s9  }
0x27: {  	s1 =	sld [smem:$0x3FAD]  }
0x28: {  	s2 =	sld [smem:$0x3FAE]  }
0x29: {  	s4 =	sld [smem:$0x3FB0]  }
0x2a: {  	p0 =	seq.s32 s5, $0x0;
	s5 =	sld [smem:$0x3FB1]  }
0x2b: {  	s6 =	sld [smem:$0x3FB2]  }
0x2c: {  	s7 =	sld [smem:$0x3FB3]  }
0x2d: {  	s3 =	simm.s32 $0x108;
	s8 =	sld [smem:$0x3FB4]  }
0x2e: {  	s3 =	simm.s32 @!p0 $0x1082;
	s9 =	sld [smem:$0x3FB5]  }
0x2f: {  	lr =	sadd.s32 s0, s3;
	s0 =	sld [smem:$0x3FAC]  }
0x30: {  	s3 =	sld [smem:$0x3FAF]  }
0x31: {  	[smem:$0x3FB8] =	sst s10  }
0x32: {  	s10 =	sld [smem:$0x3FB6];
	_ =	sdelay $0x3  }
0x33: {  	p0 =	seq.s32 s10, $0x1;
	s10 =	sld [smem:$0x3FB8];
	_ =	sdelay $0x3  }
0x34: {  	[smem:$0x3FB8] =	sst s10  }
0x35: {  	s10 =	sld [smem:$0x3FB7];
	_ =	sdelay $0x3  }
0x36: {  	p1 =	seq.s32 s10, $0x1;
	s10 =	sld [smem:$0x3FB8];
	_ =	sdelay $0x3  }
0x37: {  	[smem:$0x3FB8] =	sst s10  }
0x38: {  	s10 =	sld [smem:$0x3FB9]  }
0x39: {  	_ = 	snop;
	(pc) =	sbr.ind lr, $3  }
0x3a: {  	_ = 	snop  }
0x3b: {  	_ = 	snop  }
0x3c: {  	p2 =	seq.s32 s10, $0x1;
	s10 =	sld [smem:$0x3FB8]  }
0x3d: {  	_ =	shalt  }
0x3e: {  	_ =	shalt  }
0x3f: {  	_ =	shalt  }
0x40: {  	_ =	shalt  }
0x41: {  	_ =	shalt  }
0x42: {  	_ =	shalt  }
0x43: {  	_ =	shalt  }
0x44: {  	_ =	shalt  }
0x45: {  	_ =	shalt  }
0x46: {  	_ =	shalt  }
0x47: {  	_ =	shalt  }
0x48: {  	_ =	shalt  }
0x49: {  	_ =	shalt  }
0x4a: {  	_ =	shalt  }
0x4b: {  	_ =	shalt  }
0x4c: {  	_ =	shalt  }
0x4d: {  	_ =	shalt  }
0x4e: {  	_ =	shalt  }
0x4f: {  	_ =	shalt  }
0x50: {  	_ =	shalt  }
0x51: {  	_ =	shalt  }
0x52: {  	_ =	shalt  }
0x53: {  	_ =	shalt  }
0x54: {  	_ =	shalt  }
0x55: {  	_ =	shalt  }
0x56: {  	_ =	shalt  }
0x57: {  	_ =	shalt  }
0x58: {  	_ =	shalt  }
0x59: {  	_ =	shalt  }
0x5a: {  	_ =	shalt  }
0x5b: {  	_ =	shalt  }
0x5c: {  	_ =	shalt  }
0x5d: {  	_ =	shalt  }
0x5e: {  	_ =	shalt  }
0x5f: {  	_ =	shalt  }
0x60: {  	_ =	shalt  }
0x61: {  	_ =	shalt  }
0x62: {  	_ =	shalt  }
0x63: {  	_ =	shalt  }
0x64: {  	_ =	shalt  }
0x65: {  	_ =	shalt  }
0x66: {  	_ =	shalt  }
0x67: {  	_ =	shalt  }
0x68: {  	_ =	shalt  }
0x69: {  	_ =	shalt  }
0x6a: {  	_ =	shalt  }
0x6b: {  	_ =	shalt  }
0x6c: {  	_ =	shalt  }
0x6d: {  	_ =	shalt  }
0x6e: {  	_ =	shalt  }
0x6f: {  	_ =	shalt  }
0x70: {  	_ =	shalt  }
0x71: {  	_ =	shalt  }
0x72: {  	_ =	shalt  }
0x73: {  	_ =	shalt  }
0x74: {  	_ =	shalt  }
0x75: {  	_ =	shalt  }
0x76: {  	_ =	shalt  }
0x77: {  	_ =	shalt  }
0x78: {  	_ =	shalt  }
0x79: {  	_ =	shalt  }
0x7a: {  	_ =	shalt  }
0x7b: {  	_ =	shalt  }
0x7c: {  	_ =	shalt  }
0x7d: {  	_ =	shalt  }
0x7e: {  	_ =	shalt  }
0x7f: {  	_ =	shalt  }
0x80: {  	_ =	shalt  }
0x81: {  	_ =	shalt  }
0x82: {  	_ =	shalt  }
0x83: {  	_ =	shalt  }
0x84: {  	_ =	shalt  }
0x85: {  	_ =	shalt  }
0x86: {  	_ =	shalt  }
0x87: {  	_ =	shalt  }
.Lfunc_end0:
.L_simem_size_0:
called_computation.1_lowered:
.L_overlay_start_0:
0x88: {  	s2 =	sld [smem:$0x3FD9]  }
0x89: {  	s3 =	sld [smem:$0x3FFE];
	_ =	sdelay $0x1  }
0x8a: {  	s1 =	srdreg.scid  }
0x8b: {  	s0 =	sand.u32 $0x1, s1  }
0x8c: {  	s17 =	sshll.u32 s0, $0xA;
	s2 =	sadd.s32 s3, s2  }
0x8d: {  	s2 =	sadd.s32 s2, s17  }
0x8e: {  	[smem:$0x3FC4] =	sst s2  }
0x8f: {  	_ = 	snop  }
0x90: {  	s2 =	sld [smem:$0x3FD0];
	(tm) =	ssettm $0x1  }
0x91: {  	s18 =	sld [smem:$0x3FFB];
	_ =	sdelay $0x3  }
0x92: {  	_ =	strace s18  }
0x93: {  	s3 =	sld [smem:$0x3FFC];
	_ =	sdelay $0x3  }
0x94: {  	_ =	strace s3  }
0x95: {  	s3 =	sld [smem:$0x3FFD];
	_ =	sdelay $0x3  }
0x96: {  	_ =	strace s3  }
0x97: {  	_ =	strace $0x8FFFFFFF  }
0x98: {  	s19 =	sld [smem:$0x3FDB];
	_ =	sdelay $0x1  }
0x99: {  	s4 =	simm.s32 $_scs_section_size  }
0x9a: {  	s5 =	simm.s32 $_size__tile_overlayer_lowered;
	s6 =	simm.s32 $_tile_overlayer_lowered  }
0x9b: {  	s22 =	simm.s32 $0x1BFF;
	s21 =	sshll.u32 s6, $0x1;
	s3 =	sadd.s32 s4, s19  }
0x9c: {  	s7 =	simm.s32 $0x0;
	s20 =	sshll.u32 s5, $0x1;
	s5 =	sadd.s32 s21, s3  }
0x9d: {  	[timem:s7], [sflag:s22] =	dma.local [hbm:s5], s20  }
0x9e: {  	_ =	swait.ge [sflag:s22], s20  }
0x9f: {  	s4 =	ssub.s32 $0x0, s20;
	[sflag:s22] =	ssyncset.done $0x0  }
0xa0: {  	[sflag:s22] =	ssyncadd.s32 s4;
	_ =	sdelay $0x1  }
0xa1: {  	s23 =	simm.s32 $0x1B8B  }
0xa2: {  	_ =	swait.ge [sflag:s23], $0x1  }
0xa3: {  	[sflag:s23] =	ssyncset.done $0x0  }
0xa4: {  	s25 =	simm.s32 $0x1B8E;
	s24 =	sld [smem:$0x3FFE];
	[sflag:s23] =	ssyncadd.s32 $0xFFFFFFFF  }
0xa5: {  	s26 =	simm.s32 $execute0_lowered;
	[smem:$0x3FD2] =	sst s25  }
0xa6: {  	s5 =	sshll.u32 s26, $0x1;
	_ =	strace $0x80000049;
	[dreg:$0x1] =	wrdreg $0xFFFFFFFF  }
0xa7: {  	s28 =	simm.s32 $_size_execute0_lowered;
	s3 =	sadd.s32 s3, s5;
	[dreg:$0x0] =	wrdreg $0x0  }
0xa8: {  	s5 =	sshll.u32 s28, $0x1;
	[dreg:$0x2] =	wrdreg s3  }
0xa9: {  	[dreg:$0x3] =	wrdreg s5  }
0xaa: {  	[dreg:$0x4] =	wrdreg $0xC0  }
0xab: {  	_ =	task [dreg:s7], $0x5FFFF  }
0xac: {  	[dreg:$0x1] =	wrdreg $0xFFFFFFFF  }
0xad: {  	[dreg:$0x0] =	wrdreg $0x60  }
0xae: {  	[dreg:$0x2] =	wrdreg s2  }
0xaf: {  	[dreg:$0x3] =	wrdreg s24  }
0xb0: {  	[dreg:$0x4] =	wrdreg $0xA0000  }
0xb1: {  	[dreg:$0x5] =	wrdreg $0x9  }
0xb2: {  	_ =	task.clear_ibuf [dreg:s7], $0x6FFFF;
	_ =	strace $0x90000049  }
0xb3: {  	s29 =	simm.s32 $0x9;
	_ =	strace $0x8000004B  }
0xb4: {  	_ =	swait.ge [sflag:s29], $0x1  }
0xb5: {  	[sflag:s29] =	ssyncadd.s32 $0xFFFFFFFF  }
0xb6: {  	_ =	strace $0x9000004B  }
0xb7: {  	_ =	sfence  }
0xb8: {  	s30 =	sld [smem:$0x0];
	_ =	sdelay $0x2  }
0xb9: {  	s31 =	sshll.u32 s1, $0xD;
	s1 =	sshrl.u32 s1, $0x2  }
0xba: {  	s3 =	sand.u32 $0x4000, s31;
	s1 =	sadd.s32 s1, s30  }
0xbb: {  	s0 =	sor.u32 s3, s0;
	s1 =	sshll.u32 s1, $0x11  }
0xbc: {  	s0 =	sor.u32 s1, s0  }
0xbd: {  	s0 =	sadd.s32 $0x8F2B, s0  }
0xbe: {  	[sflag:s0] =	ssyncadd.remote.s32 $0x1  }
0xbf: {  	_ =	sfence.sel $0xFFFF  }
0xc0: {  	[dreg:$0x0] =	wrdreg $0xFFFFFFFF;
	(pc) =	sbr.abs _section_cstart, $3  }
0xc1: {  	[dreg:$0x1] =	wrdreg $0xFFFFFFFF  }
0xc2: {  	_ =	task.clear_ibuf [dreg:s7], $0x2FFFF;
	_ =	strace $0x9FFFFFFF  }
0xc3: {  	(tm) =	ssettm $0x7FFFFFFF  }
tec
execute0_lowered:
.L_overlay_start_1:
0x0: {  	(tag) =	ssettag $0x1  }
0x1: {  	s2 =	rddreg [dreg:$0x0];
	s18 =	stileid.u32  }
0x2: {  	s0 =	srdreg.scid;
	s1 =	rddreg [dreg:$0x1]  }
0x3: {  	s3 =	rddreg [dreg:$0x2];
	s23 =	simm.s32 $0x0;
	s4 =	sand.u32 $0x1, s0  }
0x4: {  	s31 =	sshll.u32 s18, $0x1;
	[smem:$0x7FF] =	sst s23;
	s6 =	sadd.s32 $0xC400, s1  }
0x5: {  	s9 =	smul.u32 $0x2780, s18;
	s13 =	sadd.s32 $0x25080, s2;
	[dreg:$0x1d] =	wrdreg s4  }
0x6: {  	s25 =	sadd.s32 $0x3B480, s1;
	_ =	strace $0x8000004A;
	[dreg:$0x9] =	wrdreg s13  }
0x7: {  	s0 =	sor.u32 s4, s31;
	s31 =	sadd.s32 $0x62680, s1;
	[dreg:$0x11] =	wrdreg s25  }
0x8: {  	s12 =	sadd.s32 s2, s9;
	s22 =	sadd.s32 s9, s1;
	[dreg:$0x13] =	wrdreg s31  }
0x9: {  	s5 =	smul.u32 $0x500, s0;
	[dreg:$0x8] =	wrdreg s12;
	s24 =	sadd.s32 $0x16400, s22  }
0xa: {  	s7 =	sadd.s32 $0x2400, s1;
	s26 =	sadd.s32 $0x3D600, s22;
	[dreg:$0x10] =	wrdreg s24  }
0xb: {  	s0 =	smul.u32 $0x2800, s0;
	s8 =	sadd.s32 s6, s5;
	[dreg:$0x12] =	wrdreg s26  }
0xc: {  	s5 =	sadd.s32 s7, s5;
	[dreg:$0x4] =	wrdreg s8  }
0xd: {  	s0 =	sshrl.u32 s0, $0x3;
	[dreg:$0x5] =	wrdreg s5  }
0xe: {  	s4 =	sadd.s32 $0x100, s0;
	s28 =	rddreg [dreg:$0x4]  }
0xf: {  	s10 =	sadd.s32 s6, s4;
	s29 =	rddreg [dreg:$0x5]  }
0x10: {  	s14 =	sadd.s32 $0x200, s0;
	s11 =	sadd.s32 s7, s4;
	[dreg:$0x6] =	wrdreg s10  }
0x11: {  	s15 =	sadd.s32 s6, s14;
	[dreg:$0x7] =	wrdreg s11  }
0x12: {  	s17 =	sadd.s32 $0x300, s0;
	s16 =	sadd.s32 s7, s14;
	[dreg:$0xa] =	wrdreg s15  }
0x13: {  	s19 =	sadd.s32 s6, s17;
	[dreg:$0xb] =	wrdreg s16  }
0x14: {  	s0 =	sadd.s32 $0x400, s0;
	s20 =	sadd.s32 s7, s17;
	[dreg:$0xc] =	wrdreg s19  }
0x15: {  	s21 =	sadd.s32 s6, s0;
	[dreg:$0xd] =	wrdreg s20  }
0x16: {  	s0 =	sadd.s32 s7, s0;
	[dreg:$0xe] =	wrdreg s21  }
0x17: {  	[tilespmem:s23], [sflag:$0x3] =	stream.linear.gather [hbm4b:s28+s23], $0x800, $0x38;
	[tilespmem:$0x1D880] =	vst v63  }
0x18: {  	s6 =	simm.s32 $0x1000;
	[dreg:$0xf] =	wrdreg s0  }
0x19: {  	[tilespmem:s6], [sflag:$0x3] =	stream.linear.gather [hbm4b:s29+s23], $0x800, $0x38;
	[tilespmem:$0x1D880] =	vst v63  }
0x1a: {  	s1 =	simm.s32 $0x800;
	s30 =	rddreg [dreg:$0x6]  }
0x1b: {  	[tilespmem:s1], [sflag:$0x4] =	stream.linear.gather [hbm4b:s30+s23], $0x800, $0x38;
	[tilespmem:$0x1D880] =	vst v63  }
0x1c: {  	s5 =	simm.s32 $0x1800;
	s8 =	simm.s32 $0x3;
	s4 =	rddreg [dreg:$0x7]  }
0x1d: {  	[tilespmem:s5], [sflag:$0x4] =	stream.linear.gather [hbm4b:s4+s23], $0x800, $0x38;
	[tilespmem:$0x1D880] =	vst v63  }
0x1e: {  	p0 =	seq.s32 s18, $0xF;
	s9 =	simm.s32 $0x7D;
	_ =	swait.ge [sflag:s8], $0x800  }
0x1f: {  	s12 =	simm.s32 $0x6000;
	s24 =	sadd.s32 $0x128400, s3;
	[sflag:s8] =	ssyncset.done $0x0  }
0x20: {  	s13 =	sshrl.u32 @p0 s24, $0x3;
	s7 =	smul.u32 $0x4F000, s18;
	[sflag:s8] =	ssyncadd.s32 $0xFFFFF800  }
0x21: {  	s14 =	simm.s32 @p0 $0x1FC5;
	s10 =	simm.s32 $0x2000;
	_ =	swait.ge [sflag:s8], $0x800  }
0x22: {  	s11 =	simm.s32 $0x80;
	s16 =	simm.s32 @p0 $0x5;
	[sflag:s8] =	ssyncset.done $0x0  }
0x23: {  	s0 =	sshrl.u32 s7, $0x2;
	[dreg:$0x14] =	wrdreg s13;
	[sflag:s8] =	ssyncadd.s32 $0xFFFFF800  }
0x24: {  	[tilespmem:s10], [sflag:$0x1] =	stream.indirect.gather [hbm4b:s2+s9], $0x80, s23, s9, $0xb8;
	[tilespmem:$0x1D880] =	vst v63  }
0x25: {  	s5 =	sadd.s32 s0, s3;
	s0 =	sshll.u32 @!p0 s18, $0x6;
	s1 =	rddreg [dreg:$0x9]  }
0x26: {  	[tilespmem:s12], [sflag:$0x2] =	stream.indirect.gather [hbm4b:s2+s9], $0x80, s11, s9, $0xb8;
	[tilespmem:$0x1D880] =	vst v63  }
0x27: {  	[spmem:s13], [sflag:s14] =	dma.local @p0 [hbm:s1], $0x2080  }
0x28: {  	s0 =	sor.u32 @!p0 $0x1C05, s0;
	_ =	swait.ge @p0 [sflag:s16], $0x2080;
	[dreg:$0x1e] =	wrdreg s5  }
0x29: {  	s13 =	sshrl.u32 @!p0 s5, $0x3;
	[dreg:$0x15] =	wrdreg s0  }
0x2a: {  	[dreg:$0x16] =	wrdreg s13;
	[sflag:s16] =	ssyncset.done @p0 $0x0  }
0x2b: {  	s14 =	simm.s32 @!p0 $0x5;
	s1 =	rddreg [dreg:$0x8];
	[sflag:s16] =	ssyncadd.s32 @p0 $0xFFFFDF80  }
0x2c: {  	[spmem:s13], [sflag:s0] =	dma.local @!p0 [hbm:s1], $0x2780  }
0x2d: {  	_ =	swait.ge @!p0 [sflag:s14], $0x2780  }
0x2e: {  	[sflag:s14] =	ssyncset.done @!p0 $0x0  }
0x2f: {  	[sflag:s14] =	ssyncadd.s32 @!p0 $0xFFFFD880  }
0x30: {  	s19 =	simm.s32 $0x1;
	[bflag:$0x0] =	sbarrier.arrive $0xFFFF  }
0x31: {  	_ =	swait.ge [sflag:s19], $0x3E80  }
0x32: {  	[sflag:s19] =	ssyncset.done $0x0  }
0x33: {  	s20 =	simm.s32 $0x5;
	[sflag:s19] =	ssyncadd.s32 $0xFFFFC180  }
0x34: {  	[spmem:s3] =	stream.indirect.scatter.add.f32 [tilespmem:s10], [sflag:$0x5], $0x80, s6, s9, $0xb8;
	[tilespmem:$0x1D880] =	vst v63  }
0x35: {  	_ =	swait.ge [sflag:s20], $0x3E80  }
0x36: {  	[sflag:s20] =	ssyncset.done $0x0  }
0x37: {  	s22 =	simm.s32 $0x2;
	s13 =	simm.s32 $0x100;
	[sflag:s20] =	ssyncadd.s32 $0xFFFFC180  }
0x38: {  	[tilespmem:s10], [sflag:$0x1] =	stream.indirect.gather [hbm4b:s2+s9], $0x80, s13, s9, $0xb8;
	[tilespmem:$0x1D880] =	vst v63  }
0x39: {  	_ =	swait.ge [sflag:s22], $0x3E80  }
0x3a: {  	[sflag:s22] =	ssyncset.done $0x0  }
0x3b: {  	s14 =	simm.s32 $0x1080;
	[sflag:s22] =	ssyncadd.s32 $0xFFFFC180  }
0x3c: {  	[spmem:s3] =	stream.indirect.scatter.add.f32 [tilespmem:s12], [sflag:$0x5], $0x80, s14, s9, $0xb8;
	[tilespmem:$0x1D880] =	vst v63  }
0x3d: {  	_ =	swait.ge [sflag:s20], $0x3E80  }
0x3e: {  	[sflag:s20] =	ssyncset.done $0x0  }
0x3f: {  	s15 =	simm.s32 $0x180;
	[sflag:s20] =	ssyncadd.s32 $0xFFFFC180  }
0x40: {  	[tilespmem:s12], [sflag:$0x2] =	stream.indirect.gather [hbm4b:s2+s9], $0x80, s15, s9, $0xb8;
	[tilespmem:$0x1D880] =	vst v63  }
0x41: {  	_ =	swait.ge [sflag:s19], $0x3E80  }
0x42: {  	[sflag:s19] =	ssyncset.done $0x0  }
0x43: {  	s16 =	simm.s32 $0x1100;
	[sflag:s19] =	ssyncadd.s32 $0xFFFFC180  }
0x44: {  	[spmem:s3] =	stream.indirect.scatter.add.f32 [tilespmem:s10], [sflag:$0x5], $0x80, s16, s9, $0xb8;
	[tilespmem:$0x1D880] =	vst v63  }
0x45: {  	_ =	swait.ge [sflag:s20], $0x3E80  }
0x46: {  	[sflag:s20] =	ssyncset.done $0x0  }
0x47: {  	s17 =	simm.s32 $0x200;
	[sflag:s20] =	ssyncadd.s32 $0xFFFFC180  }
0x48: {  	[tilespmem:s10], [sflag:$0x1] =	stream.indirect.gather [hbm4b:s2+s9], $0x80, s17, s9, $0xb8;
	[tilespmem:$0x1D880] =	vst v63  }
0x49: {  	_ =	swait.ge [sflag:s22], $0x3E80  }
0x4a: {  	[sflag:s22] =	ssyncset.done $0x0  }
0x4b: {  	s21 =	simm.s32 $0x1180;
	[sflag:s22] =	ssyncadd.s32 $0xFFFFC180  }
0x4c: {  	[spmem:s3] =	stream.indirect.scatter.add.f32 [tilespmem:s12], [sflag:$0x5], $0x80, s21, s9, $0xb8;
	[tilespmem:$0x1D880] =	vst v63  }
0x4d: {  	_ =	swait.ge [sflag:s20], $0x3E80  }
0x4e: {  	[sflag:s20] =	ssyncset.done $0x0  }
0x4f: {  	s25 =	simm.s32 $0x280;
	[sflag:s20] =	ssyncadd.s32 $0xFFFFC180  }
0x50: {  	[tilespmem:s12], [sflag:$0x2] =	stream.indirect.gather [hbm4b:s2+s9], $0x80, s25, s9, $0xb8;
	[tilespmem:$0x1D880] =	vst v63  }
0x51: {  	_ =	swait.ge [sflag:s19], $0x3E80  }
0x52: {  	[sflag:s19] =	ssyncset.done $0x0  }
0x53: {  	s26 =	simm.s32 $0x1200;
	[sflag:s19] =	ssyncadd.s32 $0xFFFFC180  }
0x54: {  	[spmem:s3] =	stream.indirect.scatter.add.f32 [tilespmem:s10], [sflag:$0x5], $0x80, s26, s9, $0xb8;
	[tilespmem:$0x1D880] =	vst v63  }
0x55: {  	_ =	swait.ge [sflag:s20], $0x3E80  }
0x56: {  	[sflag:s20] =	ssyncset.done $0x0  }
0x57: {  	s28 =	simm.s32 $0x300;
	[sflag:s20] =	ssyncadd.s32 $0xFFFFC180  }
0x58: {  	[tilespmem:s10], [sflag:$0x1] =	stream.indirect.gather [hbm4b:s2+s9], $0x80, s28, s9, $0xb8;
	[tilespmem:$0x1D880] =	vst v63  }
0x59: {  	_ =	swait.ge [sflag:s22], $0x3E80  }
0x5a: {  	[sflag:s22] =	ssyncset.done $0x0  }
0x5b: {  	s29 =	simm.s32 $0x1280;
	[sflag:s22] =	ssyncadd.s32 $0xFFFFC180  }
0x5c: {  	[spmem:s3] =	stream.indirect.scatter.add.f32 [tilespmem:s12], [sflag:$0x5], $0x80, s29, s9, $0xb8;
	[tilespmem:$0x1D880] =	vst v63  }
0x5d: {  	_ =	swait.ge [sflag:s20], $0x3E80  }
0x5e: {  	[sflag:s20] =	ssyncset.done $0x0  }
0x5f: {  	s30 =	simm.s32 $0x380;
	[sflag:s20] =	ssyncadd.s32 $0xFFFFC180  }
0x60: {  	[tilespmem:s12], [sflag:$0x2] =	stream.indirect.gather [hbm4b:s2+s9], $0x80, s30, s9, $0xb8;
	[tilespmem:$0x1D880] =	vst v63  }
0x61: {  	_ =	swait.ge [sflag:s19], $0x3E80  }
0x62: {  	[sflag:s19] =	ssyncset.done $0x0  }
0x63: {  	s31 =	simm.s32 $0x1300;
	[sflag:s19] =	ssyncadd.s32 $0xFFFFC180  }
0x64: {  	[spmem:s3] =	stream.indirect.scatter.add.f32 [tilespmem:s10], [sflag:$0x5], $0x80, s31, s9, $0xb8;
	[tilespmem:$0x1D880] =	vst v63  }
0x65: {  	_ =	swait.ge [sflag:s20], $0x3E80  }
0x66: {  	[sflag:s20] =	ssyncset.done $0x0  }
0x67: {  	s1 =	simm.s32 $0x400;
	[sflag:s20] =	ssyncadd.s32 $0xFFFFC180  }
0x68: {  	[tilespmem:s10], [sflag:$0x1] =	stream.indirect.gather [hbm4b:s2+s9], $0x80, s1, s9, $0xb8;
	[tilespmem:$0x1D880] =	vst v63  }
0x69: {  	_ =	swait.ge [sflag:s22], $0x3E80  }
0x6a: {  	[sflag:s22] =	ssyncset.done $0x0  }
0x6b: {  	s4 =	simm.s32 $0x1380;
	[sflag:s22] =	ssyncadd.s32 $0xFFFFC180  }
0x6c: {  	[spmem:s3] =	stream.indirect.scatter.add.f32 [tilespmem:s12], [sflag:$0x5], $0x80, s4, s9, $0xb8;
	[tilespmem:$0x1D880] =	vst v63  }
0x6d: {  	_ =	swait.ge [sflag:s20], $0x3E80  }
0x6e: {  	[sflag:s20] =	ssyncset.done $0x0  }
0x6f: {  	s5 =	simm.s32 $0x480;
	[sflag:s20] =	ssyncadd.s32 $0xFFFFC180  }
0x70: {  	[tilespmem:s12], [sflag:$0x2] =	stream.indirect.gather [hbm4b:s2+s9], $0x80, s5, s9, $0xb8;
	[tilespmem:$0x1D880] =	vst v63  }
0x71: {  	_ =	swait.ge [sflag:s19], $0x3E80  }
0x72: {  	[sflag:s19] =	ssyncset.done $0x0  }
0x73: {  	s7 =	simm.s32 $0x1400;
	[sflag:s19] =	ssyncadd.s32 $0xFFFFC180  }
0x74: {  	[spmem:s3] =	stream.indirect.scatter.add.f32 [tilespmem:s10], [sflag:$0x5], $0x80, s7, s9, $0xb8;
	[tilespmem:$0x1D880] =	vst v63  }
0x75: {  	_ =	swait.ge [sflag:s20], $0x3E80  }
0x76: {  	[sflag:s20] =	ssyncset.done $0x0  }
0x77: {  	s11 =	simm.s32 $0x500;
	[sflag:s20] =	ssyncadd.s32 $0xFFFFC180  }
0x78: {  	[tilespmem:s10], [sflag:$0x1] =	stream.indirect.gather [hbm4b:s2+s9], $0x80, s11, s9, $0xb8;
	[tilespmem:$0x1D880] =	vst v63  }
0x79: {  	_ =	swait.ge [sflag:s22], $0x3E80  }
0x7a: {  	[sflag:s22] =	ssyncset.done $0x0  }
0x7b: {  	s13 =	simm.s32 $0x1480;
	[sflag:s22] =	ssyncadd.s32 $0xFFFFC180  }
0x7c: {  	[spmem:s3] =	stream.indirect.scatter.add.f32 [tilespmem:s12], [sflag:$0x5], $0x80, s13, s9, $0xb8;
	[tilespmem:$0x1D880] =	vst v63  }
0x7d: {  	_ =	swait.ge [sflag:s20], $0x3E80  }
0x7e: {  	[sflag:s20] =	ssyncset.done $0x0  }
0x7f: {  	s14 =	simm.s32 $0x580;
	[sflag:s20] =	ssyncadd.s32 $0xFFFFC180  }
0x80: {  	[tilespmem:s12], [sflag:$0x2] =	stream.indirect.gather [hbm4b:s2+s9], $0x80, s14, s9, $0xb8;
	[tilespmem:$0x1D880] =	vst v63  }
0x81: {  	_ =	swait.ge [sflag:s19], $0x3E80  }
0x82: {  	[sflag:s19] =	ssyncset.done $0x0  }
0x83: {  	s15 =	simm.s32 $0x1500;
	[sflag:s19] =	ssyncadd.s32 $0xFFFFC180  }
0x84: {  	[spmem:s3] =	stream.indirect.scatter.add.f32 [tilespmem:s10], [sflag:$0x5], $0x80, s15, s9, $0xb8;
	[tilespmem:$0x1D880] =	vst v63  }
0x85: {  	_ =	swait.ge [sflag:s20], $0x3E80  }
0x86: {  	[sflag:s20] =	ssyncset.done $0x0  }
0x87: {  	s16 =	simm.s32 $0x600;
	[sflag:s20] =	ssyncadd.s32 $0xFFFFC180  }
0x88: {  	[tilespmem:s10], [sflag:$0x1] =	stream.indirect.gather [hbm4b:s2+s9], $0x80, s16, s9, $0xb8;
	[tilespmem:$0x1D880] =	vst v63  }
0x89: {  	_ =	swait.ge [sflag:s22], $0x3E80  }
0x8a: {  	[sflag:s22] =	ssyncset.done $0x0  }
0x8b: {  	s17 =	simm.s32 $0x1580;
	[sflag:s22] =	ssyncadd.s32 $0xFFFFC180  }
0x8c: {  	[spmem:s3] =	stream.indirect.scatter.add.f32 [tilespmem:s12], [sflag:$0x5], $0x80, s17, s9, $0xb8;
	[tilespmem:$0x1D880] =	vst v63  }
0x8d: {  	_ =	swait.ge [sflag:s20], $0x3E80  }
0x8e: {  	[sflag:s20] =	ssyncset.done $0x0  }
0x8f: {  	s21 =	simm.s32 $0x680;
	[sflag:s20] =	ssyncadd.s32 $0xFFFFC180  }
0x90: {  	[tilespmem:s12], [sflag:$0x2] =	stream.indirect.gather [hbm4b:s2+s9], $0x80, s21, s9, $0xb8;
	[tilespmem:$0x1D880] =	vst v63  }
0x91: {  	_ =	swait.ge [sflag:s19], $0x3E80  }
0x92: {  	[sflag:s19] =	ssyncset.done $0x0  }
0x93: {  	s25 =	simm.s32 $0x1600;
	[sflag:s19] =	ssyncadd.s32 $0xFFFFC180  }
0x94: {  	[spmem:s3] =	stream.indirect.scatter.add.f32 [tilespmem:s10], [sflag:$0x5], $0x80, s25, s9, $0xb8;
	[tilespmem:$0x1D880] =	vst v63  }
0x95: {  	_ =	swait.ge [sflag:s20], $0x3E80  }
0x96: {  	[sflag:s20] =	ssyncset.done $0x0  }
0x97: {  	s26 =	simm.s32 $0x700;
	[sflag:s20] =	ssyncadd.s32 $0xFFFFC180  }
0x98: {  	[tilespmem:s10], [sflag:$0x1] =	stream.indirect.gather [hbm4b:s2+s9], $0x80, s26, s9, $0xb8;
	[tilespmem:$0x1D880] =	vst v63  }
0x99: {  	_ =	swait.ge [sflag:s22], $0x3E80  }
0x9a: {  	[sflag:s22] =	ssyncset.done $0x0  }
0x9b: {  	s28 =	simm.s32 $0x1680;
	[sflag:s22] =	ssyncadd.s32 $0xFFFFC180  }
0x9c: {  	[spmem:s3] =	stream.indirect.scatter.add.f32 [tilespmem:s12], [sflag:$0x5], $0x80, s28, s9, $0xb8;
	[tilespmem:$0x1D880] =	vst v63  }
0x9d: {  	_ =	swait.ge [sflag:s20], $0x3E80  }
0x9e: {  	[sflag:s20] =	ssyncset.done $0x0  }
0x9f: {  	s29 =	simm.s32 $0x780;
	[sflag:s20] =	ssyncadd.s32 $0xFFFFC180  }
0xa0: {  	[tilespmem:s12], [sflag:$0x2] =	stream.indirect.gather [hbm4b:s2+s9], $0x80, s29, s9, $0xb8;
	[tilespmem:$0x1D880] =	vst v63  }
0xa1: {  	_ =	swait.ge [sflag:s19], $0x3E80  }
0xa2: {  	[sflag:s19] =	ssyncset.done $0x0  }
0xa3: {  	s30 =	simm.s32 $0x1700;
	[sflag:s19] =	ssyncadd.s32 $0xFFFFC180  }
0xa4: {  	[spmem:s3] =	stream.indirect.scatter.add.f32 [tilespmem:s10], [sflag:$0x5], $0x80, s30, s9, $0xb8;
	[tilespmem:$0x1D880] =	vst v63  }
0xa5: {  	_ =	swait.ge [sflag:s20], $0x3E80  }
0xa6: {  	[sflag:s20] =	ssyncset.done $0x0  }
0xa7: {  	s0 =	simm.s32 $0x4;
	[sflag:s20] =	ssyncadd.s32 $0xFFFFC180  }
0xa8: {  	_ =	swait.ge [sflag:s0], $0x800  }
0xa9: {  	[sflag:s0] =	ssyncset.done $0x0  }
0xaa: {  	[sflag:s0] =	ssyncadd.s32 $0xFFFFF800  }
0xab: {  	_ =	swait.ge [sflag:s0], $0x800  }
0xac: {  	[sflag:s0] =	ssyncset.done $0x0  }
0xad: {  	s4 =	simm.s32 $0x800;
	[sflag:s0] =	ssyncadd.s32 $0xFFFFF800  }
0xae: {  	[tilespmem:s10], [sflag:$0x1] =	stream.indirect.gather [hbm4b:s2+s9], $0x80, s4, s9, $0xb8;
	[tilespmem:$0x1D880] =	vst v63  }
0xaf: {  	_ =	swait.ge [sflag:s22], $0x3E80  }
0xb0: {  	[sflag:s22] =	ssyncset.done $0x0  }
0xb1: {  	s31 =	simm.s32 $0x1780;
	[sflag:s22] =	ssyncadd.s32 $0xFFFFC180  }
0xb2: {  	[spmem:s3] =	stream.indirect.scatter.add.f32 [tilespmem:s12], [sflag:$0x5], $0x80, s31, s9, $0xb8;
	[tilespmem:$0x1D880] =	vst v63  }
0xb3: {  	_ =	swait.ge [sflag:s20], $0x3E80  }
0xb4: {  	[sflag:s20] =	ssyncset.done $0x0  }
0xb5: {  	s5 =	simm.s32 $0x880;
	[sflag:s20] =	ssyncadd.s32 $0xFFFFC180  }
0xb6: {  	[tilespmem:s12], [sflag:$0x2] =	stream.indirect.gather [hbm4b:s2+s9], $0x80, s5, s9, $0xb8;
	[tilespmem:$0x1D880] =	vst v63  }
0xb7: {  	s7 =	rddreg [dreg:$0xa]  }
0xb8: {  	[tilespmem:s23], [sflag:$0x3] =	stream.linear.gather [hbm4b:s7+s23], $0x800, $0x38;
	[tilespmem:$0x1D880] =	vst v63  }
0xb9: {  	s11 =	rddreg [dreg:$0xb]  }
0xba: {  	[tilespmem:s6], [sflag:$0x3] =	stream.linear.gather [hbm4b:s11+s23], $0x800, $0x38;
	[tilespmem:$0x1D880] =	vst v63  }
0xbb: {  	_ =	swait.ge [sflag:s19], $0x3E80  }
0xbc: {  	[sflag:s19] =	ssyncset.done $0x0  }
0xbd: {  	s1 =	simm.s32 $0x1800;
	[sflag:s19] =	ssyncadd.s32 $0xFFFFC180  }
0xbe: {  	[spmem:s3] =	stream.indirect.scatter.add.f32 [tilespmem:s10], [sflag:$0x5], $0x80, s1, s9, $0xb8;
	[tilespmem:$0x1D880] =	vst v63  }
0xbf: {  	_ =	swait.ge [sflag:s20], $0x3E80  }
0xc0: {  	[sflag:s20] =	ssyncset.done $0x0  }
0xc1: {  	s13 =	simm.s32 $0x900;
	[sflag:s20] =	ssyncadd.s32 $0xFFFFC180  }
0xc2: {  	[tilespmem:s10], [sflag:$0x1] =	stream.indirect.gather [hbm4b:s2+s9], $0x80, s13, s9, $0xb8;
	[tilespmem:$0x1D880] =	vst v63  }
0xc3: {  	_ =	swait.ge [sflag:s22], $0x3E80  }
0xc4: {  	[sflag:s22] =	ssyncset.done $0x0  }
0xc5: {  	s14 =	simm.s32 $0x1880;
	[sflag:s22] =	ssyncadd.s32 $0xFFFFC180  }
0xc6: {  	[spmem:s3] =	stream.indirect.scatter.add.f32 [tilespmem:s12], [sflag:$0x5], $0x80, s14, s9, $0xb8;
	[tilespmem:$0x1D880] =	vst v63  }
0xc7: {  	_ =	swait.ge [sflag:s20], $0x3E80  }
0xc8: {  	[sflag:s20] =	ssyncset.done $0x0  }
0xc9: {  	s15 =	simm.s32 $0x980;
	[sflag:s20] =	ssyncadd.s32 $0xFFFFC180  }
0xca: {  	[tilespmem:s12], [sflag:$0x2] =	stream.indirect.gather [hbm4b:s2+s9], $0x80, s15, s9, $0xb8;
	[tilespmem:$0x1D880] =	vst v63  }
0xcb: {  	_ =	swait.ge [sflag:s19], $0x3E80  }
0xcc: {  	[sflag:s19] =	ssyncset.done $0x0  }
0xcd: {  	s16 =	simm.s32 $0x1900;
	[sflag:s19] =	ssyncadd.s32 $0xFFFFC180  }
0xce: {  	[spmem:s3] =	stream.indirect.scatter.add.f32 [tilespmem:s10], [sflag:$0x5], $0x80, s16, s9, $0xb8;
	[tilespmem:$0x1D880] =	vst v63  }
0xcf: {  	_ =	swait.ge [sflag:s20], $0x3E80  }
0xd0: {  	[sflag:s20] =	ssyncset.done $0x0  }
0xd1: {  	s17 =	simm.s32 $0xA00;
	[sflag:s20] =	ssyncadd.s32 $0xFFFFC180  }
0xd2: {  	[tilespmem:s10], [sflag:$0x1] =	stream.indirect.gather [hbm4b:s2+s9], $0x80, s17, s9, $0xb8;
	[tilespmem:$0x1D880] =	vst v63  }
0xd3: {  	_ =	swait.ge [sflag:s22], $0x3E80  }
0xd4: {  	[sflag:s22] =	ssyncset.done $0x0  }
0xd5: {  	s21 =	simm.s32 $0x1980;
	[sflag:s22] =	ssyncadd.s32 $0xFFFFC180  }
0xd6: {  	[spmem:s3] =	stream.indirect.scatter.add.f32 [tilespmem:s12], [sflag:$0x5], $0x80, s21, s9, $0xb8;
	[tilespmem:$0x1D880] =	vst v63  }
0xd7: {  	_ =	swait.ge [sflag:s20], $0x3E80  }
0xd8: {  	[sflag:s20] =	ssyncset.done $0x0  }
0xd9: {  	s25 =	simm.s32 $0xA80;
	[sflag:s20] =	ssyncadd.s32 $0xFFFFC180  }
0xda: {  	[tilespmem:s12], [sflag:$0x2] =	stream.indirect.gather [hbm4b:s2+s9], $0x80, s25, s9, $0xb8;
	[tilespmem:$0x1D880] =	vst v63  }
0xdb: {  	_ =	swait.ge [sflag:s19], $0x3E80  }
0xdc: {  	[sflag:s19] =	ssyncset.done $0x0  }
0xdd: {  	s26 =	simm.s32 $0x1A00;
	[sflag:s19] =	ssyncadd.s32 $0xFFFFC180  }
0xde: {  	[spmem:s3] =	stream.indirect.scatter.add.f32 [tilespmem:s10], [sflag:$0x5], $0x80, s26, s9, $0xb8;
	[tilespmem:$0x1D880] =	vst v63  }
0xdf: {  	_ =	swait.ge [sflag:s20], $0x3E80  }
0xe0: {  	[sflag:s20] =	ssyncset.done $0x0  }
0xe1: {  	s28 =	simm.s32 $0xB00;
	[sflag:s20] =	ssyncadd.s32 $0xFFFFC180  }
0xe2: {  	[tilespmem:s10], [sflag:$0x1] =	stream.indirect.gather [hbm4b:s2+s9], $0x80, s28, s9, $0xb8;
	[tilespmem:$0x1D880] =	vst v63  }
0xe3: {  	_ =	swait.ge [sflag:s22], $0x3E80  }
0xe4: {  	[sflag:s22] =	ssyncset.done $0x0  }
0xe5: {  	s29 =	simm.s32 $0x1A80;
	[sflag:s22] =	ssyncadd.s32 $0xFFFFC180  }
0xe6: {  	[spmem:s3] =	stream.indirect.scatter.add.f32 [tilespmem:s12], [sflag:$0x5], $0x80, s29, s9, $0xb8;
	[tilespmem:$0x1D880] =	vst v63  }
0xe7: {  	_ =	swait.ge [sflag:s20], $0x3E80  }
0xe8: {  	[sflag:s20] =	ssyncset.done $0x0  }
0xe9: {  	s30 =	simm.s32 $0xB80;
	[sflag:s20] =	ssyncadd.s32 $0xFFFFC180  }
0xea: {  	[tilespmem:s12], [sflag:$0x2] =	stream.indirect.gather [hbm4b:s2+s9], $0x80, s30, s9, $0xb8;
	[tilespmem:$0x1D880] =	vst v63  }
0xeb: {  	_ =	swait.ge [sflag:s19], $0x3E80  }
0xec: {  	[sflag:s19] =	ssyncset.done $0x0  }
0xed: {  	s31 =	simm.s32 $0x1B00;
	[sflag:s19] =	ssyncadd.s32 $0xFFFFC180  }
0xee: {  	[spmem:s3] =	stream.indirect.scatter.add.f32 [tilespmem:s10], [sflag:$0x5], $0x80, s31, s9, $0xb8;
	[tilespmem:$0x1D880] =	vst v63  }
0xef: {  	_ =	swait.ge [sflag:s20], $0x3E80  }
0xf0: {  	[sflag:s20] =	ssyncset.done $0x0  }
0xf1: {  	s7 =	simm.s32 $0xC00;
	[sflag:s20] =	ssyncadd.s32 $0xFFFFC180  }
0xf2: {  	[tilespmem:s10], [sflag:$0x1] =	stream.indirect.gather [hbm4b:s2+s9], $0x80, s7, s9, $0xb8;
	[tilespmem:$0x1D880] =	vst v63  }
0xf3: {  	_ =	swait.ge [sflag:s22], $0x3E80  }
0xf4: {  	[sflag:s22] =	ssyncset.done $0x0  }
0xf5: {  	s11 =	simm.s32 $0x1B80;
	[sflag:s22] =	ssyncadd.s32 $0xFFFFC180  }
0xf6: {  	[spmem:s3] =	stream.indirect.scatter.add.f32 [tilespmem:s12], [sflag:$0x5], $0x80, s11, s9, $0xb8;
	[tilespmem:$0x1D880] =	vst v63  }
0xf7: {  	_ =	swait.ge [sflag:s20], $0x3E80  }
0xf8: {  	[sflag:s20] =	ssyncset.done $0x0  }
0xf9: {  	s13 =	simm.s32 $0xC80;
	[sflag:s20] =	ssyncadd.s32 $0xFFFFC180  }
0xfa: {  	[tilespmem:s12], [sflag:$0x2] =	stream.indirect.gather [hbm4b:s2+s9], $0x80, s13, s9, $0xb8;
	[tilespmem:$0x1D880] =	vst v63  }
0xfb: {  	_ =	swait.ge [sflag:s19], $0x3E80  }
0xfc: {  	[sflag:s19] =	ssyncset.done $0x0  }
0xfd: {  	s14 =	simm.s32 $0x1C00;
	[sflag:s19] =	ssyncadd.s32 $0xFFFFC180  }
0xfe: {  	[spmem:s3] =	stream.indirect.scatter.add.f32 [tilespmem:s10], [sflag:$0x5], $0x80, s14, s9, $0xb8;
	[tilespmem:$0x1D880] =	vst v63  }
0xff: {  	_ =	swait.ge [sflag:s20], $0x3E80  }
0x100: {  	[sflag:s20] =	ssyncset.done $0x0  }
0x101: {  	s15 =	simm.s32 $0xD00;
	[sflag:s20] =	ssyncadd.s32 $0xFFFFC180  }
0x102: {  	[tilespmem:s10], [sflag:$0x1] =	stream.indirect.gather [hbm4b:s2+s9], $0x80, s15, s9, $0xb8;
	[tilespmem:$0x1D880] =	vst v63  }
0x103: {  	_ =	swait.ge [sflag:s22], $0x3E80  }
0x104: {  	[sflag:s22] =	ssyncset.done $0x0  }
0x105: {  	s31 =	simm.s32 $0x1C80;
	[sflag:s22] =	ssyncadd.s32 $0xFFFFC180  }
0x106: {  	[spmem:s3] =	stream.indirect.scatter.add.f32 [tilespmem:s12], [sflag:$0x5], $0x80, s31, s9, $0xb8;
	[tilespmem:$0x1D880] =	vst v63  }
0x107: {  	_ =	swait.ge [sflag:s20], $0x3E80  }
0x108: {  	[sflag:s20] =	ssyncset.done $0x0  }
0x109: {  	s30 =	simm.s32 $0xD80;
	[sflag:s20] =	ssyncadd.s32 $0xFFFFC180  }
0x10a: {  	[tilespmem:s12], [sflag:$0x2] =	stream.indirect.gather [hbm4b:s2+s9], $0x80, s30, s9, $0xb8;
	[tilespmem:$0x1D880] =	vst v63  }
0x10b: {  	_ =	swait.ge [sflag:s19], $0x3E80  }
0x10c: {  	[sflag:s19] =	ssyncset.done $0x0  }
0x10d: {  	s29 =	simm.s32 $0x1D00;
	[sflag:s19] =	ssyncadd.s32 $0xFFFFC180  }
0x10e: {  	[spmem:s3] =	stream.indirect.scatter.add.f32 [tilespmem:s10], [sflag:$0x5], $0x80, s29, s9, $0xb8;
	[tilespmem:$0x1D880] =	vst v63  }
0x10f: {  	_ =	swait.ge [sflag:s20], $0x3E80  }
0x110: {  	[sflag:s20] =	ssyncset.done $0x0  }
0x111: {  	s28 =	simm.s32 $0xE00;
	[sflag:s20] =	ssyncadd.s32 $0xFFFFC180  }
0x112: {  	[tilespmem:s10], [sflag:$0x1] =	stream.indirect.gather [hbm4b:s2+s9], $0x80, s28, s9, $0xb8;
	[tilespmem:$0x1D880] =	vst v63  }
0x113: {  	_ =	swait.ge [sflag:s22], $0x3E80  }
0x114: {  	[sflag:s22] =	ssyncset.done $0x0  }
0x115: {  	s26 =	simm.s32 $0x1D80;
	[sflag:s22] =	ssyncadd.s32 $0xFFFFC180  }
0x116: {  	[spmem:s3] =	stream.indirect.scatter.add.f32 [tilespmem:s12], [sflag:$0x5], $0x80, s26, s9, $0xb8;
	[tilespmem:$0x1D880] =	vst v63  }
0x117: {  	_ =	swait.ge [sflag:s20], $0x3E80  }
0x118: {  	[sflag:s20] =	ssyncset.done $0x0  }
0x119: {  	s25 =	simm.s32 $0xE80;
	[sflag:s20] =	ssyncadd.s32 $0xFFFFC180  }
0x11a: {  	[tilespmem:s12], [sflag:$0x2] =	stream.indirect.gather [hbm4b:s2+s9], $0x80, s25, s9, $0xb8;
	[tilespmem:$0x1D880] =	vst v63  }
0x11b: {  	_ =	swait.ge [sflag:s19], $0x3E80  }
0x11c: {  	[sflag:s19] =	ssyncset.done $0x0  }
0x11d: {  	s21 =	simm.s32 $0x1E00;
	[sflag:s19] =	ssyncadd.s32 $0xFFFFC180  }
0x11e: {  	[spmem:s3] =	stream.indirect.scatter.add.f32 [tilespmem:s10], [sflag:$0x5], $0x80, s21, s9, $0xb8;
	[tilespmem:$0x1D880] =	vst v63  }
0x11f: {  	_ =	swait.ge [sflag:s20], $0x3E80  }
0x120: {  	[sflag:s20] =	ssyncset.done $0x0  }
0x121: {  	s17 =	simm.s32 $0xF00;
	[sflag:s20] =	ssyncadd.s32 $0xFFFFC180  }
0x122: {  	[tilespmem:s10], [sflag:$0x1] =	stream.indirect.gather [hbm4b:s2+s9], $0x80, s17, s9, $0xb8;
	[tilespmem:$0x1D880] =	vst v63  }
0x123: {  	_ =	swait.ge [sflag:s22], $0x3E80  }
0x124: {  	[sflag:s22] =	ssyncset.done $0x0  }
0x125: {  	s15 =	simm.s32 $0x1E80;
	[sflag:s22] =	ssyncadd.s32 $0xFFFFC180  }
0x126: {  	[spmem:s3] =	stream.indirect.scatter.add.f32 [tilespmem:s12], [sflag:$0x5], $0x80, s15, s9, $0xb8;
	[tilespmem:$0x1D880] =	vst v63  }
0x127: {  	_ =	swait.ge [sflag:s20], $0x3E80  }
0x128: {  	[sflag:s20] =	ssyncset.done $0x0  }
0x129: {  	s14 =	simm.s32 $0xF80;
	[sflag:s20] =	ssyncadd.s32 $0xFFFFC180  }
0x12a: {  	[tilespmem:s12], [sflag:$0x2] =	stream.indirect.gather [hbm4b:s2+s9], $0x80, s14, s9, $0xb8;
	[tilespmem:$0x1D880] =	vst v63  }
0x12b: {  	_ =	swait.ge [sflag:s19], $0x3E80  }
0x12c: {  	[sflag:s19] =	ssyncset.done $0x0  }
0x12d: {  	s11 =	simm.s32 $0x1F00;
	[sflag:s19] =	ssyncadd.s32 $0xFFFFC180  }
0x12e: {  	[spmem:s3] =	stream.indirect.scatter.add.f32 [tilespmem:s10], [sflag:$0x5], $0x80, s11, s9, $0xb8;
	[tilespmem:$0x1D880] =	vst v63  }
0x12f: {  	_ =	swait.ge [sflag:s20], $0x3E80  }
0x130: {  	[sflag:s20] =	ssyncset.done $0x0  }
0x131: {  	[sflag:s20] =	ssyncadd.s32 $0xFFFFC180  }
0x132: {  	_ =	swait.ge [sflag:s8], $0x800  }
0x133: {  	[sflag:s8] =	ssyncset.done $0x0  }
0x134: {  	[sflag:s8] =	ssyncadd.s32 $0xFFFFF800  }
0x135: {  	_ =	swait.ge [sflag:s8], $0x800  }
0x136: {  	[sflag:s8] =	ssyncset.done $0x0  }
0x137: {  	[sflag:s8] =	ssyncadd.s32 $0xFFFFF800  }
0x138: {  	[tilespmem:s10], [sflag:$0x1] =	stream.indirect.gather [hbm4b:s2+s9], $0x80, s23, s9, $0xb8;
	[tilespmem:$0x1D880] =	vst v63  }
0x139: {  	_ =	swait.ge [sflag:s22], $0x3E80  }
0x13a: {  	[sflag:s22] =	ssyncset.done $0x0  }
0x13b: {  	s7 =	simm.s32 $0x1F80;
	[sflag:s22] =	ssyncadd.s32 $0xFFFFC180  }
0x13c: {  	[spmem:s3] =	stream.indirect.scatter.add.f32 [tilespmem:s12], [sflag:$0x5], $0x80, s7, s9, $0xb8;
	[tilespmem:$0x1D880] =	vst v63  }
0x13d: {  	_ =	swait.ge [sflag:s20], $0x3E80  }
0x13e: {  	[sflag:s20] =	ssyncset.done $0x0  }
0x13f: {  	s5 =	simm.s32 $0x80;
	[sflag:s20] =	ssyncadd.s32 $0xFFFFC180  }
0x140: {  	[tilespmem:s12], [sflag:$0x2] =	stream.indirect.gather [hbm4b:s2+s9], $0x80, s5, s9, $0xb8;
	[tilespmem:$0x1D880] =	vst v63  }
0x141: {  	s13 =	rddreg [dreg:$0xc]  }
0x142: {  	[tilespmem:s4], [sflag:$0x4] =	stream.linear.gather [hbm4b:s13+s23], $0x800, $0x38;
	[tilespmem:$0x1D880] =	vst v63  }
0x143: {  	s16 =	rddreg [dreg:$0xd]  }
0x144: {  	[tilespmem:s1], [sflag:$0x4] =	stream.linear.gather [hbm4b:s16+s23], $0x800, $0x38;
	[tilespmem:$0x1D880] =	vst v63  }
0x145: {  	_ =	swait.ge [sflag:s19], $0x3E80  }
0x146: {  	[sflag:s19] =	ssyncset.done $0x0  }
0x147: {  	[sflag:s19] =	ssyncadd.s32 $0xFFFFC180  }
0x148: {  	[spmem:s3] =	stream.indirect.scatter.add.f32 [tilespmem:s10], [sflag:$0x5], $0x80, s6, s9, $0xb8;
	[tilespmem:$0x1D880] =	vst v63  }
0x149: {  	_ =	swait.ge [sflag:s20], $0x3E80  }
0x14a: {  	[sflag:s20] =	ssyncset.done $0x0  }
0x14b: {  	s16 =	simm.s32 $0x100;
	[sflag:s20] =	ssyncadd.s32 $0xFFFFC180  }
0x14c: {  	[tilespmem:s10], [sflag:$0x1] =	stream.indirect.gather [hbm4b:s2+s9], $0x80, s16, s9, $0xb8;
	[tilespmem:$0x1D880] =	vst v63  }
0x14d: {  	_ =	swait.ge [sflag:s22], $0x3E80  }
0x14e: {  	[sflag:s22] =	ssyncset.done $0x0  }
0x14f: {  	s16 =	simm.s32 $0x1080;
	[sflag:s22] =	ssyncadd.s32 $0xFFFFC180  }
0x150: {  	[spmem:s3] =	stream.indirect.scatter.add.f32 [tilespmem:s12], [sflag:$0x5], $0x80, s16, s9, $0xb8;
	[tilespmem:$0x1D880] =	vst v63  }
0x151: {  	_ =	swait.ge [sflag:s20], $0x3E80  }
0x152: {  	[sflag:s20] =	ssyncset.done $0x0  }
0x153: {  	s16 =	simm.s32 $0x180;
	[sflag:s20] =	ssyncadd.s32 $0xFFFFC180  }
0x154: {  	[tilespmem:s12], [sflag:$0x2] =	stream.indirect.gather [hbm4b:s2+s9], $0x80, s16, s9, $0xb8;
	[tilespmem:$0x1D880] =	vst v63  }
0x155: {  	_ =	swait.ge [sflag:s19], $0x3E80  }
0x156: {  	[sflag:s19] =	ssyncset.done $0x0  }
0x157: {  	s16 =	simm.s32 $0x1100;
	[sflag:s19] =	ssyncadd.s32 $0xFFFFC180  }
0x158: {  	[spmem:s3] =	stream.indirect.scatter.add.f32 [tilespmem:s10], [sflag:$0x5], $0x80, s16, s9, $0xb8;
	[tilespmem:$0x1D880] =	vst v63  }
0x159: {  	_ =	swait.ge [sflag:s20], $0x3E80  }
0x15a: {  	[sflag:s20] =	ssyncset.done $0x0  }
0x15b: {  	s16 =	simm.s32 $0x200;
	[sflag:s20] =	ssyncadd.s32 $0xFFFFC180  }
0x15c: {  	[tilespmem:s10], [sflag:$0x1] =	stream.indirect.gather [hbm4b:s2+s9], $0x80, s16, s9, $0xb8;
	[tilespmem:$0x1D880] =	vst v63  }
0x15d: {  	_ =	swait.ge [sflag:s22], $0x3E80  }
0x15e: {  	[sflag:s22] =	ssyncset.done $0x0  }
0x15f: {  	s16 =	simm.s32 $0x1180;
	[sflag:s22] =	ssyncadd.s32 $0xFFFFC180  }
0x160: {  	[spmem:s3] =	stream.indirect.scatter.add.f32 [tilespmem:s12], [sflag:$0x5], $0x80, s16, s9, $0xb8;
	[tilespmem:$0x1D880] =	vst v63  }
0x161: {  	_ =	swait.ge [sflag:s20], $0x3E80  }
0x162: {  	[sflag:s20] =	ssyncset.done $0x0  }
0x163: {  	s16 =	simm.s32 $0x280;
	[sflag:s20] =	ssyncadd.s32 $0xFFFFC180  }
0x164: {  	[tilespmem:s12], [sflag:$0x2] =	stream.indirect.gather [hbm4b:s2+s9], $0x80, s16, s9, $0xb8;
	[tilespmem:$0x1D880] =	vst v63  }
0x165: {  	_ =	swait.ge [sflag:s19], $0x3E80  }
0x166: {  	[sflag:s19] =	ssyncset.done $0x0  }
0x167: {  	s16 =	simm.s32 $0x1200;
	[sflag:s19] =	ssyncadd.s32 $0xFFFFC180  }
0x168: {  	[spmem:s3] =	stream.indirect.scatter.add.f32 [tilespmem:s10], [sflag:$0x5], $0x80, s16, s9, $0xb8;
	[tilespmem:$0x1D880] =	vst v63  }
0x169: {  	_ =	swait.ge [sflag:s20], $0x3E80  }
0x16a: {  	[sflag:s20] =	ssyncset.done $0x0  }
0x16b: {  	s16 =	simm.s32 $0x300;
	[sflag:s20] =	ssyncadd.s32 $0xFFFFC180  }
0x16c: {  	[tilespmem:s10], [sflag:$0x1] =	stream.indirect.gather [hbm4b:s2+s9], $0x80, s16, s9, $0xb8;
	[tilespmem:$0x1D880] =	vst v63  }
0x16d: {  	_ =	swait.ge [sflag:s22], $0x3E80  }
0x16e: {  	[sflag:s22] =	ssyncset.done $0x0  }
0x16f: {  	s16 =	simm.s32 $0x1280;
	[sflag:s22] =	ssyncadd.s32 $0xFFFFC180  }
0x170: {  	[spmem:s3] =	stream.indirect.scatter.add.f32 [tilespmem:s12], [sflag:$0x5], $0x80, s16, s9, $0xb8;
	[tilespmem:$0x1D880] =	vst v63  }
0x171: {  	_ =	swait.ge [sflag:s20], $0x3E80  }
0x172: {  	[sflag:s20] =	ssyncset.done $0x0  }
0x173: {  	s16 =	simm.s32 $0x380;
	[sflag:s20] =	ssyncadd.s32 $0xFFFFC180  }
0x174: {  	[tilespmem:s12], [sflag:$0x2] =	stream.indirect.gather [hbm4b:s2+s9], $0x80, s16, s9, $0xb8;
	[tilespmem:$0x1D880] =	vst v63  }
0x175: {  	_ =	swait.ge [sflag:s19], $0x3E80  }
0x176: {  	[sflag:s19] =	ssyncset.done $0x0  }
0x177: {  	s16 =	simm.s32 $0x1300;
	[sflag:s19] =	ssyncadd.s32 $0xFFFFC180  }
0x178: {  	[spmem:s3] =	stream.indirect.scatter.add.f32 [tilespmem:s10], [sflag:$0x5], $0x80, s16, s9, $0xb8;
	[tilespmem:$0x1D880] =	vst v63  }
0x179: {  	_ =	swait.ge [sflag:s20], $0x3E80  }
0x17a: {  	[sflag:s20] =	ssyncset.done $0x0  }
0x17b: {  	s16 =	simm.s32 $0x400;
	[sflag:s20] =	ssyncadd.s32 $0xFFFFC180  }
0x17c: {  	[tilespmem:s10], [sflag:$0x1] =	stream.indirect.gather [hbm4b:s2+s9], $0x80, s16, s9, $0xb8;
	[tilespmem:$0x1D880] =	vst v63  }
0x17d: {  	_ =	swait.ge [sflag:s22], $0x3E80  }
0x17e: {  	[sflag:s22] =	ssyncset.done $0x0  }
0x17f: {  	s16 =	simm.s32 $0x1380;
	[sflag:s22] =	ssyncadd.s32 $0xFFFFC180  }
0x180: {  	[spmem:s3] =	stream.indirect.scatter.add.f32 [tilespmem:s12], [sflag:$0x5], $0x80, s16, s9, $0xb8;
	[tilespmem:$0x1D880] =	vst v63  }
0x181: {  	_ =	swait.ge [sflag:s20], $0x3E80  }
0x182: {  	[sflag:s20] =	ssyncset.done $0x0  }
0x183: {  	s16 =	simm.s32 $0x480;
	[sflag:s20] =	ssyncadd.s32 $0xFFFFC180  }
0x184: {  	[tilespmem:s12], [sflag:$0x2] =	stream.indirect.gather [hbm4b:s2+s9], $0x80, s16, s9, $0xb8;
	[tilespmem:$0x1D880] =	vst v63  }
0x185: {  	_ =	swait.ge [sflag:s19], $0x3E80  }
0x186: {  	[sflag:s19] =	ssyncset.done $0x0  }
0x187: {  	s16 =	simm.s32 $0x1400;
	[sflag:s19] =	ssyncadd.s32 $0xFFFFC180  }
0x188: {  	[spmem:s3] =	stream.indirect.scatter.add.f32 [tilespmem:s10], [sflag:$0x5], $0x80, s16, s9, $0xb8;
	[tilespmem:$0x1D880] =	vst v63  }
0x189: {  	_ =	swait.ge [sflag:s20], $0x3E80  }
0x18a: {  	[sflag:s20] =	ssyncset.done $0x0  }
0x18b: {  	s16 =	simm.s32 $0x500;
	[sflag:s20] =	ssyncadd.s32 $0xFFFFC180  }
0x18c: {  	[tilespmem:s10], [sflag:$0x1] =	stream.indirect.gather [hbm4b:s2+s9], $0x80, s16, s9, $0xb8;
	[tilespmem:$0x1D880] =	vst v63  }
0x18d: {  	_ =	swait.ge [sflag:s22], $0x3E80  }
0x18e: {  	[sflag:s22] =	ssyncset.done $0x0  }
0x18f: {  	s16 =	simm.s32 $0x1480;
	[sflag:s22] =	ssyncadd.s32 $0xFFFFC180  }
0x190: {  	[spmem:s3] =	stream.indirect.scatter.add.f32 [tilespmem:s12], [sflag:$0x5], $0x80, s16, s9, $0xb8;
	[tilespmem:$0x1D880] =	vst v63  }
0x191: {  	_ =	swait.ge [sflag:s20], $0x3E80  }
0x192: {  	[sflag:s20] =	ssyncset.done $0x0  }
0x193: {  	s16 =	simm.s32 $0x580;
	[sflag:s20] =	ssyncadd.s32 $0xFFFFC180  }
0x194: {  	[tilespmem:s12], [sflag:$0x2] =	stream.indirect.gather [hbm4b:s2+s9], $0x80, s16, s9, $0xb8;
	[tilespmem:$0x1D880] =	vst v63  }
0x195: {  	_ =	swait.ge [sflag:s19], $0x3E80  }
0x196: {  	[sflag:s19] =	ssyncset.done $0x0  }
0x197: {  	s16 =	simm.s32 $0x1500;
	[sflag:s19] =	ssyncadd.s32 $0xFFFFC180  }
0x198: {  	[spmem:s3] =	stream.indirect.scatter.add.f32 [tilespmem:s10], [sflag:$0x5], $0x80, s16, s9, $0xb8;
	[tilespmem:$0x1D880] =	vst v63  }
0x199: {  	_ =	swait.ge [sflag:s20], $0x3E80  }
0x19a: {  	[sflag:s20] =	ssyncset.done $0x0  }
0x19b: {  	s16 =	simm.s32 $0x600;
	[sflag:s20] =	ssyncadd.s32 $0xFFFFC180  }
0x19c: {  	[tilespmem:s10], [sflag:$0x1] =	stream.indirect.gather [hbm4b:s2+s9], $0x80, s16, s9, $0xb8;
	[tilespmem:$0x1D880] =	vst v63  }
0x19d: {  	_ =	swait.ge [sflag:s22], $0x3E80  }
0x19e: {  	[sflag:s22] =	ssyncset.done $0x0  }
0x19f: {  	s16 =	simm.s32 $0x1580;
	[sflag:s22] =	ssyncadd.s32 $0xFFFFC180  }
0x1a0: {  	[spmem:s3] =	stream.indirect.scatter.add.f32 [tilespmem:s12], [sflag:$0x5], $0x80, s16, s9, $0xb8;
	[tilespmem:$0x1D880] =	vst v63  }
0x1a1: {  	_ =	swait.ge [sflag:s20], $0x3E80  }
0x1a2: {  	[sflag:s20] =	ssyncset.done $0x0  }
0x1a3: {  	s16 =	simm.s32 $0x680;
	[sflag:s20] =	ssyncadd.s32 $0xFFFFC180  }
0x1a4: {  	[tilespmem:s12], [sflag:$0x2] =	stream.indirect.gather [hbm4b:s2+s9], $0x80, s16, s9, $0xb8;
	[tilespmem:$0x1D880] =	vst v63  }
0x1a5: {  	_ =	swait.ge [sflag:s19], $0x3E80  }
0x1a6: {  	[sflag:s19] =	ssyncset.done $0x0  }
0x1a7: {  	s16 =	simm.s32 $0x1600;
	[sflag:s19] =	ssyncadd.s32 $0xFFFFC180  }
0x1a8: {  	[spmem:s3] =	stream.indirect.scatter.add.f32 [tilespmem:s10], [sflag:$0x5], $0x80, s16, s9, $0xb8;
	[tilespmem:$0x1D880] =	vst v63  }
0x1a9: {  	_ =	swait.ge [sflag:s20], $0x3E80  }
0x1aa: {  	[sflag:s20] =	ssyncset.done $0x0  }
0x1ab: {  	s16 =	simm.s32 $0x700;
	[sflag:s20] =	ssyncadd.s32 $0xFFFFC180  }
0x1ac: {  	[tilespmem:s10], [sflag:$0x1] =	stream.indirect.gather [hbm4b:s2+s9], $0x80, s16, s9, $0xb8;
	[tilespmem:$0x1D880] =	vst v63  }
0x1ad: {  	_ =	swait.ge [sflag:s22], $0x3E80  }
0x1ae: {  	[sflag:s22] =	ssyncset.done $0x0  }
0x1af: {  	s16 =	simm.s32 $0x1680;
	[sflag:s22] =	ssyncadd.s32 $0xFFFFC180  }
0x1b0: {  	[spmem:s3] =	stream.indirect.scatter.add.f32 [tilespmem:s12], [sflag:$0x5], $0x80, s16, s9, $0xb8;
	[tilespmem:$0x1D880] =	vst v63  }
0x1b1: {  	_ =	swait.ge [sflag:s20], $0x3E80  }
0x1b2: {  	[sflag:s20] =	ssyncset.done $0x0  }
0x1b3: {  	s16 =	simm.s32 $0x780;
	[sflag:s20] =	ssyncadd.s32 $0xFFFFC180  }
0x1b4: {  	[tilespmem:s12], [sflag:$0x2] =	stream.indirect.gather [hbm4b:s2+s9], $0x80, s16, s9, $0xb8;
	[tilespmem:$0x1D880] =	vst v63  }
0x1b5: {  	_ =	swait.ge [sflag:s19], $0x3E80  }
0x1b6: {  	[sflag:s19] =	ssyncset.done $0x0  }
0x1b7: {  	s16 =	simm.s32 $0x1700;
	[sflag:s19] =	ssyncadd.s32 $0xFFFFC180  }
0x1b8: {  	[spmem:s3] =	stream.indirect.scatter.add.f32 [tilespmem:s10], [sflag:$0x5], $0x80, s16, s9, $0xb8;
	[tilespmem:$0x1D880] =	vst v63  }
0x1b9: {  	_ =	swait.ge [sflag:s20], $0x3E80  }
0x1ba: {  	[sflag:s20] =	ssyncset.done $0x0  }
0x1bb: {  	[sflag:s20] =	ssyncadd.s32 $0xFFFFC180  }
0x1bc: {  	_ =	swait.ge [sflag:s0], $0x800  }
0x1bd: {  	[sflag:s0] =	ssyncset.done $0x0  }
0x1be: {  	[sflag:s0] =	ssyncadd.s32 $0xFFFFF800  }
0x1bf: {  	_ =	swait.ge [sflag:s0], $0x800  }
0x1c0: {  	[sflag:s0] =	ssyncset.done $0x0  }
0x1c1: {  	s4 =	simm.s32 $0x800;
	[sflag:s0] =	ssyncadd.s32 $0xFFFFF800  }
0x1c2: {  	[tilespmem:s10], [sflag:$0x1] =	stream.indirect.gather [hbm4b:s2+s9], $0x80, s4, s9, $0xb8;
	[tilespmem:$0x1D880] =	vst v63  }
0x1c3: {  	_ =	swait.ge [sflag:s22], $0x3E80  }
0x1c4: {  	[sflag:s22] =	ssyncset.done $0x0  }
0x1c5: {  	s4 =	simm.s32 $0x1780;
	[sflag:s22] =	ssyncadd.s32 $0xFFFFC180  }
0x1c6: {  	[spmem:s3] =	stream.indirect.scatter.add.f32 [tilespmem:s12], [sflag:$0x5], $0x80, s4, s9, $0xb8;
	[tilespmem:$0x1D880] =	vst v63  }
0x1c7: {  	_ =	swait.ge [sflag:s20], $0x3E80  }
0x1c8: {  	[sflag:s20] =	ssyncset.done $0x0  }
0x1c9: {  	s16 =	simm.s32 $0x880;
	[sflag:s20] =	ssyncadd.s32 $0xFFFFC180  }
0x1ca: {  	[tilespmem:s12], [sflag:$0x2] =	stream.indirect.gather [hbm4b:s2+s9], $0x80, s16, s9, $0xb8;
	[tilespmem:$0x1D880] =	vst v63  }
0x1cb: {  	s13 =	rddreg [dreg:$0xe]  }
0x1cc: {  	[tilespmem:s23], [sflag:$0x3] =	stream.linear.gather [hbm4b:s13+s23], $0x800, $0x38;
	[tilespmem:$0x1D880] =	vst v63  }
0x1cd: {  	s4 =	rddreg [dreg:$0xf]  }
0x1ce: {  	[tilespmem:s6], [sflag:$0x3] =	stream.linear.gather [hbm4b:s4+s23], $0x800, $0x38;
	[tilespmem:$0x1D880] =	vst v63  }
0x1cf: {  	_ =	swait.ge [sflag:s19], $0x3E80  }
0x1d0: {  	[sflag:s19] =	ssyncset.done $0x0  }
0x1d1: {  	s1 =	simm.s32 $0x1800;
	[sflag:s19] =	ssyncadd.s32 $0xFFFFC180  }
0x1d2: {  	[spmem:s3] =	stream.indirect.scatter.add.f32 [tilespmem:s10], [sflag:$0x5], $0x80, s1, s9, $0xb8;
	[tilespmem:$0x1D880] =	vst v63  }
0x1d3: {  	_ =	swait.ge [sflag:s20], $0x3E80  }
0x1d4: {  	[sflag:s20] =	ssyncset.done $0x0  }
0x1d5: {  	s16 =	simm.s32 $0x900;
	[sflag:s20] =	ssyncadd.s32 $0xFFFFC180  }
0x1d6: {  	[tilespmem:s10], [sflag:$0x1] =	stream.indirect.gather [hbm4b:s2+s9], $0x80, s16, s9, $0xb8;
	[tilespmem:$0x1D880] =	vst v63  }
0x1d7: {  	_ =	swait.ge [sflag:s22], $0x3E80  }
0x1d8: {  	[sflag:s22] =	ssyncset.done $0x0  }
0x1d9: {  	s4 =	simm.s32 $0x1880;
	[sflag:s22] =	ssyncadd.s32 $0xFFFFC180  }
0x1da: {  	[spmem:s3] =	stream.indirect.scatter.add.f32 [tilespmem:s12], [sflag:$0x5], $0x80, s4, s9, $0xb8;
	[tilespmem:$0x1D880] =	vst v63  }
0x1db: {  	_ =	swait.ge [sflag:s20], $0x3E80  }
0x1dc: {  	[sflag:s20] =	ssyncset.done $0x0  }
0x1dd: {  	s13 =	simm.s32 $0x980;
	[sflag:s20] =	ssyncadd.s32 $0xFFFFC180  }
0x1de: {  	[tilespmem:s12], [sflag:$0x2] =	stream.indirect.gather [hbm4b:s2+s9], $0x80, s13, s9, $0xb8;
	[tilespmem:$0x1D880] =	vst v63  }
0x1df: {  	_ =	swait.ge [sflag:s19], $0x3E80  }
0x1e0: {  	[sflag:s19] =	ssyncset.done $0x0  }
0x1e1: {  	s16 =	simm.s32 $0x1900;
	[sflag:s19] =	ssyncadd.s32 $0xFFFFC180  }
0x1e2: {  	[spmem:s3] =	stream.indirect.scatter.add.f32 [tilespmem:s10], [sflag:$0x5], $0x80, s16, s9, $0xb8;
	[tilespmem:$0x1D880] =	vst v63  }
0x1e3: {  	_ =	swait.ge [sflag:s20], $0x3E80  }
0x1e4: {  	[sflag:s20] =	ssyncset.done $0x0  }
0x1e5: {  	s4 =	simm.s32 $0xA00;
	[sflag:s20] =	ssyncadd.s32 $0xFFFFC180  }
0x1e6: {  	[tilespmem:s10], [sflag:$0x1] =	stream.indirect.gather [hbm4b:s2+s9], $0x80, s4, s9, $0xb8;
	[tilespmem:$0x1D880] =	vst v63  }
0x1e7: {  	_ =	swait.ge [sflag:s22], $0x3E80  }
0x1e8: {  	[sflag:s22] =	ssyncset.done $0x0  }
0x1e9: {  	s13 =	simm.s32 $0x1980;
	[sflag:s22] =	ssyncadd.s32 $0xFFFFC180  }
0x1ea: {  	[spmem:s3] =	stream.indirect.scatter.add.f32 [tilespmem:s12], [sflag:$0x5], $0x80, s13, s9, $0xb8;
	[tilespmem:$0x1D880] =	vst v63  }
0x1eb: {  	_ =	swait.ge [sflag:s20], $0x3E80  }
0x1ec: {  	[sflag:s20] =	ssyncset.done $0x0  }
0x1ed: {  	s16 =	simm.s32 $0xA80;
	[sflag:s20] =	ssyncadd.s32 $0xFFFFC180  }
0x1ee: {  	[tilespmem:s12], [sflag:$0x2] =	stream.indirect.gather [hbm4b:s2+s9], $0x80, s16, s9, $0xb8;
	[tilespmem:$0x1D880] =	vst v63  }
0x1ef: {  	_ =	swait.ge [sflag:s19], $0x3E80  }
0x1f0: {  	[sflag:s19] =	ssyncset.done $0x0  }
0x1f1: {  	s4 =	simm.s32 $0x1A00;
	[sflag:s19] =	ssyncadd.s32 $0xFFFFC180  }
0x1f2: {  	[spmem:s3] =	stream.indirect.scatter.add.f32 [tilespmem:s10], [sflag:$0x5], $0x80, s4, s9, $0xb8;
	[tilespmem:$0x1D880] =	vst v63  }
0x1f3: {  	_ =	swait.ge [sflag:s20], $0x3E80  }
0x1f4: {  	[sflag:s20] =	ssyncset.done $0x0  }
0x1f5: {  	s13 =	simm.s32 $0xB00;
	[sflag:s20] =	ssyncadd.s32 $0xFFFFC180  }
0x1f6: {  	[tilespmem:s10], [sflag:$0x1] =	stream.indirect.gather [hbm4b:s2+s9], $0x80, s13, s9, $0xb8;
	[tilespmem:$0x1D880] =	vst v63  }
0x1f7: {  	_ =	swait.ge [sflag:s22], $0x3E80  }
0x1f8: {  	[sflag:s22] =	ssyncset.done $0x0  }
0x1f9: {  	s16 =	simm.s32 $0x1A80;
	[sflag:s22] =	ssyncadd.s32 $0xFFFFC180  }
0x1fa: {  	[spmem:s3] =	stream.indirect.scatter.add.f32 [tilespmem:s12], [sflag:$0x5], $0x80, s16, s9, $0xb8;
	[tilespmem:$0x1D880] =	vst v63  }
0x1fb: {  	_ =	swait.ge [sflag:s20], $0x3E80  }
0x1fc: {  	[sflag:s20] =	ssyncset.done $0x0  }
0x1fd: {  	s4 =	simm.s32 $0xB80;
	[sflag:s20] =	ssyncadd.s32 $0xFFFFC180  }
0x1fe: {  	[tilespmem:s12], [sflag:$0x2] =	stream.indirect.gather [hbm4b:s2+s9], $0x80, s4, s9, $0xb8;
	[tilespmem:$0x1D880] =	vst v63  }
0x1ff: {  	_ =	swait.ge [sflag:s19], $0x3E80  }
0x200: {  	[sflag:s19] =	ssyncset.done $0x0  }
0x201: {  	s13 =	simm.s32 $0x1B00;
	[sflag:s19] =	ssyncadd.s32 $0xFFFFC180  }
0x202: {  	[spmem:s3] =	stream.indirect.scatter.add.f32 [tilespmem:s10], [sflag:$0x5], $0x80, s13, s9, $0xb8;
	[tilespmem:$0x1D880] =	vst v63  }
0x203: {  	_ =	swait.ge [sflag:s20], $0x3E80  }
0x204: {  	[sflag:s20] =	ssyncset.done $0x0  }
0x205: {  	s16 =	simm.s32 $0xC00;
	[sflag:s20] =	ssyncadd.s32 $0xFFFFC180  }
0x206: {  	[tilespmem:s10], [sflag:$0x1] =	stream.indirect.gather [hbm4b:s2+s9], $0x80, s16, s9, $0xb8;
	[tilespmem:$0x1D880] =	vst v63  }
0x207: {  	_ =	swait.ge [sflag:s22], $0x3E80  }
0x208: {  	[sflag:s22] =	ssyncset.done $0x0  }
0x209: {  	s4 =	simm.s32 $0x1B80;
	[sflag:s22] =	ssyncadd.s32 $0xFFFFC180  }
0x20a: {  	[spmem:s3] =	stream.indirect.scatter.add.f32 [tilespmem:s12], [sflag:$0x5], $0x80, s4, s9, $0xb8;
	[tilespmem:$0x1D880] =	vst v63  }
0x20b: {  	_ =	swait.ge [sflag:s20], $0x3E80  }
0x20c: {  	[sflag:s20] =	ssyncset.done $0x0  }
0x20d: {  	s13 =	simm.s32 $0xC80;
	[sflag:s20] =	ssyncadd.s32 $0xFFFFC180  }
0x20e: {  	[tilespmem:s12], [sflag:$0x2] =	stream.indirect.gather [hbm4b:s2+s9], $0x80, s13, s9, $0xb8;
	[tilespmem:$0x1D880] =	vst v63  }
0x20f: {  	_ =	swait.ge [sflag:s19], $0x3E80  }
0x210: {  	[sflag:s19] =	ssyncset.done $0x0  }
0x211: {  	s16 =	simm.s32 $0x1C00;
	[sflag:s19] =	ssyncadd.s32 $0xFFFFC180  }
0x212: {  	[spmem:s3] =	stream.indirect.scatter.add.f32 [tilespmem:s10], [sflag:$0x5], $0x80, s16, s9, $0xb8;
	[tilespmem:$0x1D880] =	vst v63  }
0x213: {  	_ =	swait.ge [sflag:s20], $0x3E80  }
0x214: {  	[sflag:s20] =	ssyncset.done $0x0  }
0x215: {  	s4 =	simm.s32 $0xD00;
	[sflag:s20] =	ssyncadd.s32 $0xFFFFC180  }
0x216: {  	[tilespmem:s10], [sflag:$0x1] =	stream.indirect.gather [hbm4b:s2+s9], $0x80, s4, s9, $0xb8;
	[tilespmem:$0x1D880] =	vst v63  }
0x217: {  	_ =	swait.ge [sflag:s22], $0x3E80  }
0x218: {  	[sflag:s22] =	ssyncset.done $0x0  }
0x219: {  	[sflag:s22] =	ssyncadd.s32 $0xFFFFC180  }
0x21a: {  	[spmem:s3] =	stream.indirect.scatter.add.f32 [tilespmem:s12], [sflag:$0x5], $0x80, s31, s9, $0xb8;
	[tilespmem:$0x1D880] =	vst v63  }
0x21b: {  	_ =	swait.ge [sflag:s20], $0x3E80  }
0x21c: {  	[sflag:s20] =	ssyncset.done $0x0  }
0x21d: {  	[sflag:s20] =	ssyncadd.s32 $0xFFFFC180  }
0x21e: {  	[tilespmem:s12], [sflag:$0x2] =	stream.indirect.gather [hbm4b:s2+s9], $0x80, s30, s9, $0xb8;
	[tilespmem:$0x1D880] =	vst v63  }
0x21f: {  	_ =	swait.ge [sflag:s19], $0x3E80  }
0x220: {  	[sflag:s19] =	ssyncset.done $0x0  }
0x221: {  	[sflag:s19] =	ssyncadd.s32 $0xFFFFC180  }
0x222: {  	[spmem:s3] =	stream.indirect.scatter.add.f32 [tilespmem:s10], [sflag:$0x5], $0x80, s29, s9, $0xb8;
	[tilespmem:$0x1D880] =	vst v63  }
0x223: {  	_ =	swait.ge [sflag:s20], $0x3E80  }
0x224: {  	[sflag:s20] =	ssyncset.done $0x0  }
0x225: {  	[sflag:s20] =	ssyncadd.s32 $0xFFFFC180  }
0x226: {  	[tilespmem:s10], [sflag:$0x1] =	stream.indirect.gather [hbm4b:s2+s9], $0x80, s28, s9, $0xb8;
	[tilespmem:$0x1D880] =	vst v63  }
0x227: {  	_ =	swait.ge [sflag:s22], $0x3E80  }
0x228: {  	[sflag:s22] =	ssyncset.done $0x0  }
0x229: {  	[sflag:s22] =	ssyncadd.s32 $0xFFFFC180  }
0x22a: {  	[spmem:s3] =	stream.indirect.scatter.add.f32 [tilespmem:s12], [sflag:$0x5], $0x80, s26, s9, $0xb8;
	[tilespmem:$0x1D880] =	vst v63  }
0x22b: {  	_ =	swait.ge [sflag:s20], $0x3E80  }
0x22c: {  	[sflag:s20] =	ssyncset.done $0x0  }
0x22d: {  	[sflag:s20] =	ssyncadd.s32 $0xFFFFC180  }
0x22e: {  	[tilespmem:s12], [sflag:$0x2] =	stream.indirect.gather [hbm4b:s2+s9], $0x80, s25, s9, $0xb8;
	[tilespmem:$0x1D880] =	vst v63  }
0x22f: {  	_ =	swait.ge [sflag:s19], $0x3E80  }
0x230: {  	[sflag:s19] =	ssyncset.done $0x0  }
0x231: {  	[sflag:s19] =	ssyncadd.s32 $0xFFFFC180  }
0x232: {  	[spmem:s3] =	stream.indirect.scatter.add.f32 [tilespmem:s10], [sflag:$0x5], $0x80, s21, s9, $0xb8;
	[tilespmem:$0x1D880] =	vst v63  }
0x233: {  	_ =	swait.ge [sflag:s20], $0x3E80  }
0x234: {  	[sflag:s20] =	ssyncset.done $0x0  }
0x235: {  	[sflag:s20] =	ssyncadd.s32 $0xFFFFC180  }
0x236: {  	[tilespmem:s10], [sflag:$0x1] =	stream.indirect.gather [hbm4b:s2+s9], $0x80, s17, s9, $0xb8;
	[tilespmem:$0x1D880] =	vst v63  }
0x237: {  	_ =	swait.ge [sflag:s22], $0x3E80  }
0x238: {  	[sflag:s22] =	ssyncset.done $0x0  }
0x239: {  	[sflag:s22] =	ssyncadd.s32 $0xFFFFC180  }
0x23a: {  	[spmem:s3] =	stream.indirect.scatter.add.f32 [tilespmem:s12], [sflag:$0x5], $0x80, s15, s9, $0xb8;
	[tilespmem:$0x1D880] =	vst v63  }
0x23b: {  	_ =	swait.ge [sflag:s20], $0x3E80  }
0x23c: {  	[sflag:s20] =	ssyncset.done $0x0  }
0x23d: {  	[sflag:s20] =	ssyncadd.s32 $0xFFFFC180  }
0x23e: {  	[tilespmem:s12], [sflag:$0x2] =	stream.indirect.gather [hbm4b:s2+s9], $0x80, s14, s9, $0xb8;
	[tilespmem:$0x1D880] =	vst v63  }
0x23f: {  	_ =	swait.ge [sflag:s19], $0x3E80  }
0x240: {  	[sflag:s19] =	ssyncset.done $0x0  }
0x241: {  	[sflag:s19] =	ssyncadd.s32 $0xFFFFC180  }
0x242: {  	[spmem:s3] =	stream.indirect.scatter.add.f32 [tilespmem:s10], [sflag:$0x5], $0x80, s11, s9, $0xb8;
	[tilespmem:$0x1D880] =	vst v63  }
0x243: {  	_ =	swait.ge [sflag:s20], $0x3E80  }
0x244: {  	[sflag:s20] =	ssyncset.done $0x0  }
0x245: {  	[sflag:s20] =	ssyncadd.s32 $0xFFFFC180  }
0x246: {  	_ =	swait.ge [sflag:s8], $0x800  }
0x247: {  	[sflag:s8] =	ssyncset.done $0x0  }
0x248: {  	[sflag:s8] =	ssyncadd.s32 $0xFFFFF800  }
0x249: {  	_ =	swait.ge [sflag:s8], $0x800  }
0x24a: {  	[sflag:s8] =	ssyncset.done $0x0  }
0x24b: {  	[sflag:s8] =	ssyncadd.s32 $0xFFFFF800  }
0x24c: {  	[tilespmem:s10], [sflag:$0x1] =	stream.indirect.gather [hbm4b:s2+s9], $0x80, s23, s9, $0xb8;
	[tilespmem:$0x1D880] =	vst v63  }
0x24d: {  	_ =	swait.ge [sflag:s22], $0x3E80  }
0x24e: {  	[sflag:s22] =	ssyncset.done $0x0  }
0x24f: {  	[sflag:s22] =	ssyncadd.s32 $0xFFFFC180  }
0x250: {  	[spmem:s3] =	stream.indirect.scatter.add.f32 [tilespmem:s12], [sflag:$0x5], $0x80, s7, s9, $0xb8;
	[tilespmem:$0x1D880] =	vst v63  }
0x251: {  	_ =	swait.ge [sflag:s20], $0x3E80  }
0x252: {  	[sflag:s20] =	ssyncset.done $0x0  }
0x253: {  	[sflag:s20] =	ssyncadd.s32 $0xFFFFC180  }
0x254: {  	[tilespmem:s12], [sflag:$0x2] =	stream.indirect.gather [hbm4b:s2+s9], $0x80, s5, s9, $0xb8;
	[tilespmem:$0x1D880] =	vst v63  }
0x255: {  	_ =	swait.ge [sflag:s19], $0x3E80  }
0x256: {  	[sflag:s19] =	ssyncset.done $0x0  }
0x257: {  	[sflag:s19] =	ssyncadd.s32 $0xFFFFC180  }
0x258: {  	[spmem:s3] =	stream.indirect.scatter.add.f32 [tilespmem:s10], [sflag:$0x5], $0x80, s6, s9, $0xb8;
	[tilespmem:$0x1D880] =	vst v63  }
0x259: {  	_ =	swait.ge [sflag:s20], $0x3E80  }
0x25a: {  	[sflag:s20] =	ssyncset.done $0x0  }
0x25b: {  	s6 =	simm.s32 $0x100;
	[sflag:s20] =	ssyncadd.s32 $0xFFFFC180  }
0x25c: {  	[tilespmem:s10], [sflag:$0x1] =	stream.indirect.gather [hbm4b:s2+s9], $0x80, s6, s9, $0xb8;
	[tilespmem:$0x1D880] =	vst v63  }
0x25d: {  	_ =	swait.ge [sflag:s22], $0x3E80  }
0x25e: {  	[sflag:s22] =	ssyncset.done $0x0  }
0x25f: {  	s7 =	simm.s32 $0x1080;
	[sflag:s22] =	ssyncadd.s32 $0xFFFFC180  }
0x260: {  	[spmem:s3] =	stream.indirect.scatter.add.f32 [tilespmem:s12], [sflag:$0x5], $0x80, s7, s9, $0xb8;
	[tilespmem:$0x1D880] =	vst v63  }
0x261: {  	_ =	swait.ge [sflag:s20], $0x3E80  }
0x262: {  	[sflag:s20] =	ssyncset.done $0x0  }
0x263: {  	s11 =	simm.s32 $0x180;
	[sflag:s20] =	ssyncadd.s32 $0xFFFFC180  }
0x264: {  	[tilespmem:s12], [sflag:$0x2] =	stream.indirect.gather [hbm4b:s2+s9], $0x80, s11, s9, $0xb8;
	[tilespmem:$0x1D880] =	vst v63  }
0x265: {  	_ =	swait.ge [sflag:s19], $0x3E80  }
0x266: {  	[sflag:s19] =	ssyncset.done $0x0  }
0x267: {  	s13 =	simm.s32 $0x1100;
	[sflag:s19] =	ssyncadd.s32 $0xFFFFC180  }
0x268: {  	[spmem:s3] =	stream.indirect.scatter.add.f32 [tilespmem:s10], [sflag:$0x5], $0x80, s13, s9, $0xb8;
	[tilespmem:$0x1D880] =	vst v63  }
0x269: {  	_ =	swait.ge [sflag:s20], $0x3E80  }
0x26a: {  	[sflag:s20] =	ssyncset.done $0x0  }
0x26b: {  	s14 =	simm.s32 $0x200;
	[sflag:s20] =	ssyncadd.s32 $0xFFFFC180  }
0x26c: {  	[tilespmem:s10], [sflag:$0x1] =	stream.indirect.gather [hbm4b:s2+s9], $0x80, s14, s9, $0xb8;
	[tilespmem:$0x1D880] =	vst v63  }
0x26d: {  	_ =	swait.ge [sflag:s22], $0x3E80  }
0x26e: {  	[sflag:s22] =	ssyncset.done $0x0  }
0x26f: {  	s15 =	simm.s32 $0x1180;
	[sflag:s22] =	ssyncadd.s32 $0xFFFFC180  }
0x270: {  	[spmem:s3] =	stream.indirect.scatter.add.f32 [tilespmem:s12], [sflag:$0x5], $0x80, s15, s9, $0xb8;
	[tilespmem:$0x1D880] =	vst v63  }
0x271: {  	_ =	swait.ge [sflag:s20], $0x3E80  }
0x272: {  	[sflag:s20] =	ssyncset.done $0x0  }
0x273: {  	s16 =	simm.s32 $0x280;
	[sflag:s20] =	ssyncadd.s32 $0xFFFFC180  }
0x274: {  	[tilespmem:s12], [sflag:$0x2] =	stream.indirect.gather [hbm4b:s2+s9], $0x80, s16, s9, $0xb8;
	[tilespmem:$0x1D880] =	vst v63  }
0x275: {  	_ =	swait.ge [sflag:s19], $0x3E80  }
0x276: {  	[sflag:s19] =	ssyncset.done $0x0  }
0x277: {  	s17 =	simm.s32 $0x1200;
	[sflag:s19] =	ssyncadd.s32 $0xFFFFC180  }
0x278: {  	[spmem:s3] =	stream.indirect.scatter.add.f32 [tilespmem:s10], [sflag:$0x5], $0x80, s17, s9, $0xb8;
	[tilespmem:$0x1D880] =	vst v63  }
0x279: {  	_ =	swait.ge [sflag:s20], $0x3E80  }
0x27a: {  	[sflag:s20] =	ssyncset.done $0x0  }
0x27b: {  	s21 =	simm.s32 $0x300;
	[sflag:s20] =	ssyncadd.s32 $0xFFFFC180  }
0x27c: {  	[tilespmem:s10], [sflag:$0x1] =	stream.indirect.gather [hbm4b:s2+s9], $0x80, s21, s9, $0xb8;
	[tilespmem:$0x1D880] =	vst v63  }
0x27d: {  	_ =	swait.ge [sflag:s22], $0x3E80  }
0x27e: {  	[sflag:s22] =	ssyncset.done $0x0  }
0x27f: {  	s25 =	simm.s32 $0x1280;
	[sflag:s22] =	ssyncadd.s32 $0xFFFFC180  }
0x280: {  	[spmem:s3] =	stream.indirect.scatter.add.f32 [tilespmem:s12], [sflag:$0x5], $0x80, s25, s9, $0xb8;
	[tilespmem:$0x1D880] =	vst v63  }
0x281: {  	_ =	swait.ge [sflag:s20], $0x3E80  }
0x282: {  	[sflag:s20] =	ssyncset.done $0x0  }
0x283: {  	s26 =	simm.s32 $0x380;
	[sflag:s20] =	ssyncadd.s32 $0xFFFFC180  }
0x284: {  	[tilespmem:s12], [sflag:$0x2] =	stream.indirect.gather [hbm4b:s2+s9], $0x80, s26, s9, $0xb8;
	[tilespmem:$0x1D880] =	vst v63  }
0x285: {  	_ =	swait.ge [sflag:s19], $0x3E80  }
0x286: {  	[sflag:s19] =	ssyncset.done $0x0  }
0x287: {  	s28 =	simm.s32 $0x1300;
	[sflag:s19] =	ssyncadd.s32 $0xFFFFC180  }
0x288: {  	[spmem:s3] =	stream.indirect.scatter.add.f32 [tilespmem:s10], [sflag:$0x5], $0x80, s28, s9, $0xb8;
	[tilespmem:$0x1D880] =	vst v63  }
0x289: {  	_ =	swait.ge [sflag:s20], $0x3E80  }
0x28a: {  	[sflag:s20] =	ssyncset.done $0x0  }
0x28b: {  	s29 =	simm.s32 $0x400;
	[sflag:s20] =	ssyncadd.s32 $0xFFFFC180  }
0x28c: {  	[tilespmem:s10], [sflag:$0x1] =	stream.indirect.gather [hbm4b:s2+s9], $0x80, s29, s9, $0xb8;
	[tilespmem:$0x1D880] =	vst v63  }
0x28d: {  	_ =	swait.ge [sflag:s22], $0x3E80  }
0x28e: {  	[sflag:s22] =	ssyncset.done $0x0  }
0x28f: {  	s30 =	simm.s32 $0x1380;
	[sflag:s22] =	ssyncadd.s32 $0xFFFFC180  }
0x290: {  	[spmem:s3] =	stream.indirect.scatter.add.f32 [tilespmem:s12], [sflag:$0x5], $0x80, s30, s9, $0xb8;
	[tilespmem:$0x1D880] =	vst v63  }
0x291: {  	_ =	swait.ge [sflag:s20], $0x3E80  }
0x292: {  	[sflag:s20] =	ssyncset.done $0x0  }
0x293: {  	s31 =	simm.s32 $0x480;
	[sflag:s20] =	ssyncadd.s32 $0xFFFFC180  }
0x294: {  	[tilespmem:s12], [sflag:$0x2] =	stream.indirect.gather [hbm4b:s2+s9], $0x80, s31, s9, $0xb8;
	[tilespmem:$0x1D880] =	vst v63  }
0x295: {  	_ =	swait.ge [sflag:s19], $0x3E80  }
0x296: {  	[sflag:s19] =	ssyncset.done $0x0  }
0x297: {  	s4 =	simm.s32 $0x1400;
	[sflag:s19] =	ssyncadd.s32 $0xFFFFC180  }
0x298: {  	[spmem:s3] =	stream.indirect.scatter.add.f32 [tilespmem:s10], [sflag:$0x5], $0x80, s4, s9, $0xb8;
	[tilespmem:$0x1D880] =	vst v63  }
0x299: {  	_ =	swait.ge [sflag:s20], $0x3E80  }
0x29a: {  	[sflag:s20] =	ssyncset.done $0x0  }
0x29b: {  	s5 =	simm.s32 $0x500;
	[sflag:s20] =	ssyncadd.s32 $0xFFFFC180  }
0x29c: {  	[tilespmem:s10], [sflag:$0x1] =	stream.indirect.gather [hbm4b:s2+s9], $0x80, s5, s9, $0xb8;
	[tilespmem:$0x1D880] =	vst v63  }
0x29d: {  	_ =	swait.ge [sflag:s22], $0x3E80  }
0x29e: {  	[sflag:s22] =	ssyncset.done $0x0  }
0x29f: {  	s6 =	simm.s32 $0x1480;
	[sflag:s22] =	ssyncadd.s32 $0xFFFFC180  }
0x2a0: {  	[spmem:s3] =	stream.indirect.scatter.add.f32 [tilespmem:s12], [sflag:$0x5], $0x80, s6, s9, $0xb8;
	[tilespmem:$0x1D880] =	vst v63  }
0x2a1: {  	_ =	swait.ge [sflag:s20], $0x3E80  }
0x2a2: {  	[sflag:s20] =	ssyncset.done $0x0  }
0x2a3: {  	s7 =	simm.s32 $0x580;
	[sflag:s20] =	ssyncadd.s32 $0xFFFFC180  }
0x2a4: {  	[tilespmem:s12], [sflag:$0x2] =	stream.indirect.gather [hbm4b:s2+s9], $0x80, s7, s9, $0xb8;
	[tilespmem:$0x1D880] =	vst v63  }
0x2a5: {  	_ =	swait.ge [sflag:s19], $0x3E80  }
0x2a6: {  	[sflag:s19] =	ssyncset.done $0x0  }
0x2a7: {  	s11 =	simm.s32 $0x1500;
	[sflag:s19] =	ssyncadd.s32 $0xFFFFC180  }
0x2a8: {  	[spmem:s3] =	stream.indirect.scatter.add.f32 [tilespmem:s10], [sflag:$0x5], $0x80, s11, s9, $0xb8;
	[tilespmem:$0x1D880] =	vst v63  }
0x2a9: {  	_ =	swait.ge [sflag:s20], $0x3E80  }
0x2aa: {  	[sflag:s20] =	ssyncset.done $0x0  }
0x2ab: {  	s13 =	simm.s32 $0x600;
	[sflag:s20] =	ssyncadd.s32 $0xFFFFC180  }
0x2ac: {  	[tilespmem:s10], [sflag:$0x1] =	stream.indirect.gather [hbm4b:s2+s9], $0x80, s13, s9, $0xb8;
	[tilespmem:$0x1D880] =	vst v63  }
0x2ad: {  	_ =	swait.ge [sflag:s22], $0x3E80  }
0x2ae: {  	[sflag:s22] =	ssyncset.done $0x0  }
0x2af: {  	s14 =	simm.s32 $0x1580;
	[sflag:s22] =	ssyncadd.s32 $0xFFFFC180  }
0x2b0: {  	[spmem:s3] =	stream.indirect.scatter.add.f32 [tilespmem:s12], [sflag:$0x5], $0x80, s14, s9, $0xb8;
	[tilespmem:$0x1D880] =	vst v63  }
0x2b1: {  	_ =	swait.ge [sflag:s20], $0x3E80  }
0x2b2: {  	[sflag:s20] =	ssyncset.done $0x0  }
0x2b3: {  	s15 =	simm.s32 $0x680;
	[sflag:s20] =	ssyncadd.s32 $0xFFFFC180  }
0x2b4: {  	[tilespmem:s12], [sflag:$0x2] =	stream.indirect.gather [hbm4b:s2+s9], $0x80, s15, s9, $0xb8;
	[tilespmem:$0x1D880] =	vst v63  }
0x2b5: {  	_ =	swait.ge [sflag:s19], $0x3E80  }
0x2b6: {  	[sflag:s19] =	ssyncset.done $0x0  }
0x2b7: {  	s16 =	simm.s32 $0x1600;
	[sflag:s19] =	ssyncadd.s32 $0xFFFFC180  }
0x2b8: {  	[spmem:s3] =	stream.indirect.scatter.add.f32 [tilespmem:s10], [sflag:$0x5], $0x80, s16, s9, $0xb8;
	[tilespmem:$0x1D880] =	vst v63  }
0x2b9: {  	_ =	swait.ge [sflag:s20], $0x3E80  }
0x2ba: {  	[sflag:s20] =	ssyncset.done $0x0  }
0x2bb: {  	s17 =	simm.s32 $0x700;
	[sflag:s20] =	ssyncadd.s32 $0xFFFFC180  }
0x2bc: {  	[tilespmem:s10], [sflag:$0x1] =	stream.indirect.gather [hbm4b:s2+s9], $0x80, s17, s9, $0xb8;
	[tilespmem:$0x1D880] =	vst v63  }
0x2bd: {  	_ =	swait.ge [sflag:s22], $0x3E80  }
0x2be: {  	[sflag:s22] =	ssyncset.done $0x0  }
0x2bf: {  	s21 =	simm.s32 $0x1680;
	[sflag:s22] =	ssyncadd.s32 $0xFFFFC180  }
0x2c0: {  	[spmem:s3] =	stream.indirect.scatter.add.f32 [tilespmem:s12], [sflag:$0x5], $0x80, s21, s9, $0xb8;
	[tilespmem:$0x1D880] =	vst v63  }
0x2c1: {  	_ =	swait.ge [sflag:s20], $0x3E80  }
0x2c2: {  	[sflag:s20] =	ssyncset.done $0x0  }
0x2c3: {  	s25 =	simm.s32 $0x780;
	[sflag:s20] =	ssyncadd.s32 $0xFFFFC180  }
0x2c4: {  	[tilespmem:s12], [sflag:$0x2] =	stream.indirect.gather [hbm4b:s2+s9], $0x80, s25, s9, $0xb8;
	[tilespmem:$0x1D880] =	vst v63  }
0x2c5: {  	_ =	swait.ge [sflag:s19], $0x3E80  }
0x2c6: {  	[sflag:s19] =	ssyncset.done $0x0  }
0x2c7: {  	s26 =	simm.s32 $0x1700;
	[sflag:s19] =	ssyncadd.s32 $0xFFFFC180  }
0x2c8: {  	[spmem:s3] =	stream.indirect.scatter.add.f32 [tilespmem:s10], [sflag:$0x5], $0x80, s26, s9, $0xb8;
	[tilespmem:$0x1D880] =	vst v63  }
0x2c9: {  	_ =	swait.ge [sflag:s20], $0x3E80  }
0x2ca: {  	[sflag:s20] =	ssyncset.done $0x0  }
0x2cb: {  	[sflag:s20] =	ssyncadd.s32 $0xFFFFC180  }
0x2cc: {  	_ =	swait.ge [sflag:s22], $0x3E80  }
0x2cd: {  	[sflag:s22] =	ssyncset.done $0x0  }
0x2ce: {  	s28 =	simm.s32 $0x1780;
	[sflag:s22] =	ssyncadd.s32 $0xFFFFC180  }
0x2cf: {  	[spmem:s3] =	stream.indirect.scatter.add.f32 [tilespmem:s12], [sflag:$0x5], $0x80, s28, s9, $0xb8;
	[tilespmem:$0x1D880] =	vst v63  }
0x2d0: {  	_ =	swait.ge [sflag:s20], $0x3E80  }
0x2d1: {  	s29 =	rddreg [dreg:$0x1d]  }
0x2d2: {  	[sflag:s20] =	ssyncset.done $0x0;
	p4 =	seq.s32 s29, $0x1  }
0x2d3: {  	[sflag:s20] =	ssyncadd.s32 $0xFFFFC180;
	p2 =	seq.s32 @p4 s18, $0xF  }
0x2d4: {  	[bflag:$0x0] =	sbarrier.arrive $0xFFFF;
	p1 =	por !p2, !p4  }
0x2d5: {  	s13 =	rddreg [dreg:$0x13];
	s1 =	sshrl.u32 @!p1 s24, $0x3  }
0x2d6: {  	s4 =	simm.s32 @!p1 $0x1FC5;
	[dreg:$0x17] =	wrdreg s1  }
0x2d7: {  	[hbm:s13], [sflag:s4] =	dma.local @!p1 [spmem:s1], $0x2080  }
0x2d8: {  	s1 =	simm.s32 @!p1 $0x5  }
0x2d9: {  	p2 =	por p2, !p4;
	_ =	swait.ge @!p1 [sflag:s1], $0x2080  }
0x2da: {  	s17 =	sshll.u32 @!p2 s18, $0x6;
	s16 =	rddreg [dreg:$0x12];
	[sflag:s1] =	ssyncset.done @!p1 $0x0  }
0x2db: {  	s6 =	rddreg [dreg:$0x1e];
	[sflag:s1] =	ssyncadd.s32 @!p1 $0xFFFFDF80;
	s1 =	sor.u32 @!p2 $0x1C05, s17  }
0x2dc: {  	s4 =	sshrl.u32 @!p2 s6, $0x3;
	[dreg:$0x18] =	wrdreg s1  }
0x2dd: {  	[dreg:$0x19] =	wrdreg s4  }
0x2de: {  	[hbm:s16], [sflag:s1] =	dma.local @!p2 [spmem:s4], $0x2780  }
0x2df: {  	s1 =	simm.s32 @!p2 $0x5  }
0x2e0: {  	p5 =	seq.s32 @!p4 s18, $0xF;
	_ =	swait.ge @!p2 [sflag:s1], $0x2780  }
0x2e1: {  	p3 =	por !p5, p4;
	[sflag:s1] =	ssyncset.done @!p2 $0x0  }
0x2e2: {  	s17 =	rddreg [dreg:$0x11];
	[sflag:s1] =	ssyncadd.s32 @!p2 $0xFFFFD880;
	s1 =	sshrl.u32 @!p3 s24, $0x3  }
0x2e3: {  	s30 =	ssub.s32 $0x2, s29;
	s4 =	simm.s32 @!p3 $0x1FC5;
	[dreg:$0x1a] =	wrdreg s1  }
0x2e4: {  	[hbm:s17], [sflag:s4] =	dma.local @!p3 [spmem:s1], $0x2080  }
0x2e5: {  	s31 =	sshrl.u32 s30, $0x1;
	p4 =	por p5, p4;
	s1 =	simm.s32 @!p3 $0x5  }
0x2e6: {  	s11 =	ssub.s32 s30, s31;
	s15 =	sshll.u32 @!p4 s18, $0x6;
	_ =	swait.ge @!p3 [sflag:s1], $0x2080  }
0x2e7: {  	s11 =	smax.u32 s11, $0x1;
	s4 =	sshrl.u32 @!p4 s6, $0x3;
	[sflag:s1] =	ssyncset.done @!p3 $0x0  }
0x2e8: {  	[sflag:s1] =	ssyncadd.s32 @!p3 $0xFFFFDF80;
	s1 =	sor.u32 @!p4 $0x1C05, s15;
	s15 =	sadd.s32 $0xFFFFFFFF, s11  }
0x2e9: {  	[dreg:$0x1c] =	wrdreg s4;
	p5 =	sne.s32 s15, $0x0  }
.Ltmp0:
0x2ea: {  	s5 =	rddreg [dreg:$0x10];
	(pc) =	sbr.rel @!p5 .LBB2_3-.Ltmp0, $4  }
0x2eb: {  	[dreg:$0x1b] =	wrdreg s1  }
0x2ec: {  	[hbm:s5], [sflag:s1] =	dma.local @!p4 [spmem:s4], $0x2780  }
0x2ed: {  	s1 =	simm.s32 @!p4 $0x5  }
0x2ee: {  	_ =	swait.ge @!p4 [sflag:s1], $0x2780  }
0x2ef: {  	s11 =	simm.s32 $0x980;
	s14 =	simm.s32 $0x1900  }
0x2f0: {  	s16 =	simm.s32 $0xA00;
	s17 =	simm.s32 $0x1980;
	s25 =	simm.s32 $0x1A00  }
0x2f1: {  	s26 =	simm.s32 $0xB00;
	s28 =	simm.s32 $0x1A80;
	s29 =	simm.s32 $0xB80  }
0x2f2: {  	s30 =	simm.s32 $0x1B00;
	s31 =	simm.s32 $0xC00;
	s5 =	simm.s32 $0x80  }
.LBB2_2:
0x2f3: {  	[sflag:s1] =	ssyncset.done @!p4 $0x0  }
0x2f4: {  	s18 =	rddreg [dreg:$0x4];
	[sflag:s1] =	ssyncadd.s32 @!p4 $0xFFFFD880  }
0x2f5: {  	[tilespmem:s23], [sflag:$0x3] =	stream.linear.gather [hbm4b:s18+s23], $0x800, $0x38;
	[tilespmem:$0x1D880] =	vst v63  }
0x2f6: {  	s21 =	rddreg [dreg:$0x5];
	s4 =	simm.s32 $0x1000  }
0x2f7: {  	[tilespmem:s4], [sflag:$0x3] =	stream.linear.gather [hbm4b:s21+s23], $0x800, $0x38;
	[tilespmem:$0x1D880] =	vst v63  }
0x2f8: {  	s24 =	rddreg [dreg:$0x6];
	s7 =	simm.s32 $0x800  }
0x2f9: {  	[tilespmem:s7], [sflag:$0x4] =	stream.linear.gather [hbm4b:s24+s23], $0x800, $0x38;
	[tilespmem:$0x1D880] =	vst v63  }
0x2fa: {  	s13 =	simm.s32 $0x1800;
	s1 =	rddreg [dreg:$0x7]  }
0x2fb: {  	[tilespmem:s13], [sflag:$0x4] =	stream.linear.gather [hbm4b:s1+s23], $0x800, $0x38;
	[tilespmem:$0x1D880] =	vst v63  }
0x2fc: {  	_ =	swait.ge [sflag:s8], $0x800  }
0x2fd: {  	[sflag:s8] =	ssyncset.done $0x0  }
0x2fe: {  	[sflag:s8] =	ssyncadd.s32 $0xFFFFF800  }
0x2ff: {  	_ =	swait.ge [sflag:s8], $0x800  }
0x300: {  	[sflag:s8] =	ssyncset.done $0x0  }
0x301: {  	s18 =	rddreg [dreg:$0x9];
	[sflag:s8] =	ssyncadd.s32 $0xFFFFF800  }
0x302: {  	[tilespmem:s10], [sflag:$0x1] =	stream.indirect.gather [hbm4b:s2+s9], $0x80, s23, s9, $0xb8;
	[tilespmem:$0x1D880] =	vst v63  }
0x303: {  	s6 =	simm.s32 $0x80;
	s24 =	simm.s32 @p0 $0x1FC5;
	s21 =	rddreg [dreg:$0x14]  }
0x304: {  	[tilespmem:s12], [sflag:$0x2] =	stream.indirect.gather [hbm4b:s2+s9], $0x80, s6, s9, $0xb8;
	[tilespmem:$0x1D880] =	vst v63  }
0x305: {  	[spmem:s21], [sflag:s24] =	dma.local @p0 [hbm:s18], $0x2080  }
0x306: {  	s21 =	simm.s32 @p0 $0x5  }
0x307: {  	_ =	swait.ge @p0 [sflag:s21], $0x2080  }
0x308: {  	s18 =	rddreg [dreg:$0x8]  }
0x309: {  	[sflag:s21] =	ssyncset.done @p0 $0x0;
	s24 =	rddreg [dreg:$0x16]  }
0x30a: {  	[sflag:s21] =	ssyncadd.s32 @p0 $0xFFFFDF80;
	s21 =	rddreg [dreg:$0x15]  }
0x30b: {  	[spmem:s24], [sflag:s21] =	dma.local @!p0 [hbm:s18], $0x2780  }
0x30c: {  	s18 =	simm.s32 @!p0 $0x5  }
0x30d: {  	_ =	swait.ge @!p0 [sflag:s18], $0x2780  }
0x30e: {  	[sflag:s18] =	ssyncset.done @!p0 $0x0  }
0x30f: {  	[sflag:s18] =	ssyncadd.s32 @!p0 $0xFFFFD880  }
0x310: {  	[bflag:$0x0] =	sbarrier.arrive $0xFFFF  }
0x311: {  	_ =	swait.ge [sflag:s19], $0x3E80  }
0x312: {  	[sflag:s19] =	ssyncset.done $0x0  }
0x313: {  	[sflag:s19] =	ssyncadd.s32 $0xFFFFC180  }
0x314: {  	[spmem:s3] =	stream.indirect.scatter.add.f32 [tilespmem:s10], [sflag:$0x5], $0x80, s4, s9, $0xb8;
	[tilespmem:$0x1D880] =	vst v63  }
0x315: {  	_ =	swait.ge [sflag:s20], $0x3E80  }
0x316: {  	[sflag:s20] =	ssyncset.done $0x0  }
0x317: {  	s18 =	simm.s32 $0x100;
	[sflag:s20] =	ssyncadd.s32 $0xFFFFC180  }
0x318: {  	[tilespmem:s10], [sflag:$0x1] =	stream.indirect.gather [hbm4b:s2+s9], $0x80, s18, s9, $0xb8;
	[tilespmem:$0x1D880] =	vst v63  }
0x319: {  	_ =	swait.ge [sflag:s22], $0x3E80  }
0x31a: {  	[sflag:s22] =	ssyncset.done $0x0  }
0x31b: {  	s21 =	simm.s32 $0x1080;
	[sflag:s22] =	ssyncadd.s32 $0xFFFFC180  }
0x31c: {  	[spmem:s3] =	stream.indirect.scatter.add.f32 [tilespmem:s12], [sflag:$0x5], $0x80, s21, s9, $0xb8;
	[tilespmem:$0x1D880] =	vst v63  }
0x31d: {  	_ =	swait.ge [sflag:s20], $0x3E80  }
0x31e: {  	[sflag:s20] =	ssyncset.done $0x0  }
0x31f: {  	s24 =	simm.s32 $0x180;
	[sflag:s20] =	ssyncadd.s32 $0xFFFFC180  }
0x320: {  	[tilespmem:s12], [sflag:$0x2] =	stream.indirect.gather [hbm4b:s2+s9], $0x80, s24, s9, $0xb8;
	[tilespmem:$0x1D880] =	vst v63  }
0x321: {  	_ =	swait.ge [sflag:s19], $0x3E80  }
0x322: {  	[sflag:s19] =	ssyncset.done $0x0  }
0x323: {  	s6 =	simm.s32 $0x1100;
	[sflag:s19] =	ssyncadd.s32 $0xFFFFC180  }
0x324: {  	[spmem:s3] =	stream.indirect.scatter.add.f32 [tilespmem:s10], [sflag:$0x5], $0x80, s6, s9, $0xb8;
	[tilespmem:$0x1D880] =	vst v63  }
0x325: {  	_ =	swait.ge [sflag:s20], $0x3E80  }
0x326: {  	[sflag:s20] =	ssyncset.done $0x0  }
0x327: {  	s18 =	simm.s32 $0x200;
	[sflag:s20] =	ssyncadd.s32 $0xFFFFC180  }
0x328: {  	[tilespmem:s10], [sflag:$0x1] =	stream.indirect.gather [hbm4b:s2+s9], $0x80, s18, s9, $0xb8;
	[tilespmem:$0x1D880] =	vst v63  }
0x329: {  	_ =	swait.ge [sflag:s22], $0x3E80  }
0x32a: {  	[sflag:s22] =	ssyncset.done $0x0  }
0x32b: {  	s21 =	simm.s32 $0x1180;
	[sflag:s22] =	ssyncadd.s32 $0xFFFFC180  }
0x32c: {  	[spmem:s3] =	stream.indirect.scatter.add.f32 [tilespmem:s12], [sflag:$0x5], $0x80, s21, s9, $0xb8;
	[tilespmem:$0x1D880] =	vst v63  }
0x32d: {  	_ =	swait.ge [sflag:s20], $0x3E80  }
0x32e: {  	[sflag:s20] =	ssyncset.done $0x0  }
0x32f: {  	s24 =	simm.s32 $0x280;
	[sflag:s20] =	ssyncadd.s32 $0xFFFFC180  }
0x330: {  	[tilespmem:s12], [sflag:$0x2] =	stream.indirect.gather [hbm4b:s2+s9], $0x80, s24, s9, $0xb8;
	[tilespmem:$0x1D880] =	vst v63  }
0x331: {  	_ =	swait.ge [sflag:s19], $0x3E80  }
0x332: {  	[sflag:s19] =	ssyncset.done $0x0  }
0x333: {  	s6 =	simm.s32 $0x1200;
	[sflag:s19] =	ssyncadd.s32 $0xFFFFC180  }
0x334: {  	[spmem:s3] =	stream.indirect.scatter.add.f32 [tilespmem:s10], [sflag:$0x5], $0x80, s6, s9, $0xb8;
	[tilespmem:$0x1D880] =	vst v63  }
0x335: {  	_ =	swait.ge [sflag:s20], $0x3E80  }
0x336: {  	[sflag:s20] =	ssyncset.done $0x0  }
0x337: {  	s18 =	simm.s32 $0x300;
	[sflag:s20] =	ssyncadd.s32 $0xFFFFC180  }
0x338: {  	[tilespmem:s10], [sflag:$0x1] =	stream.indirect.gather [hbm4b:s2+s9], $0x80, s18, s9, $0xb8;
	[tilespmem:$0x1D880] =	vst v63  }
0x339: {  	_ =	swait.ge [sflag:s22], $0x3E80  }
0x33a: {  	[sflag:s22] =	ssyncset.done $0x0  }
0x33b: {  	s21 =	simm.s32 $0x1280;
	[sflag:s22] =	ssyncadd.s32 $0xFFFFC180  }
0x33c: {  	[spmem:s3] =	stream.indirect.scatter.add.f32 [tilespmem:s12], [sflag:$0x5], $0x80, s21, s9, $0xb8;
	[tilespmem:$0x1D880] =	vst v63  }
0x33d: {  	_ =	swait.ge [sflag:s20], $0x3E80  }
0x33e: {  	[sflag:s20] =	ssyncset.done $0x0  }
0x33f: {  	s24 =	simm.s32 $0x380;
	[sflag:s20] =	ssyncadd.s32 $0xFFFFC180  }
0x340: {  	[tilespmem:s12], [sflag:$0x2] =	stream.indirect.gather [hbm4b:s2+s9], $0x80, s24, s9, $0xb8;
	[tilespmem:$0x1D880] =	vst v63  }
0x341: {  	_ =	swait.ge [sflag:s19], $0x3E80  }
0x342: {  	[sflag:s19] =	ssyncset.done $0x0  }
0x343: {  	s6 =	simm.s32 $0x1300;
	[sflag:s19] =	ssyncadd.s32 $0xFFFFC180  }
0x344: {  	[spmem:s3] =	stream.indirect.scatter.add.f32 [tilespmem:s10], [sflag:$0x5], $0x80, s6, s9, $0xb8;
	[tilespmem:$0x1D880] =	vst v63  }
0x345: {  	_ =	swait.ge [sflag:s20], $0x3E80  }
0x346: {  	[sflag:s20] =	ssyncset.done $0x0  }
0x347: {  	s18 =	simm.s32 $0x400;
	[sflag:s20] =	ssyncadd.s32 $0xFFFFC180  }
0x348: {  	[tilespmem:s10], [sflag:$0x1] =	stream.indirect.gather [hbm4b:s2+s9], $0x80, s18, s9, $0xb8;
	[tilespmem:$0x1D880] =	vst v63  }
0x349: {  	_ =	swait.ge [sflag:s22], $0x3E80  }
0x34a: {  	[sflag:s22] =	ssyncset.done $0x0  }
0x34b: {  	s21 =	simm.s32 $0x1380;
	[sflag:s22] =	ssyncadd.s32 $0xFFFFC180  }
0x34c: {  	[spmem:s3] =	stream.indirect.scatter.add.f32 [tilespmem:s12], [sflag:$0x5], $0x80, s21, s9, $0xb8;
	[tilespmem:$0x1D880] =	vst v63  }
0x34d: {  	_ =	swait.ge [sflag:s20], $0x3E80  }
0x34e: {  	[sflag:s20] =	ssyncset.done $0x0  }
0x34f: {  	s24 =	simm.s32 $0x480;
	[sflag:s20] =	ssyncadd.s32 $0xFFFFC180  }
0x350: {  	[tilespmem:s12], [sflag:$0x2] =	stream.indirect.gather [hbm4b:s2+s9], $0x80, s24, s9, $0xb8;
	[tilespmem:$0x1D880] =	vst v63  }
0x351: {  	_ =	swait.ge [sflag:s19], $0x3E80  }
0x352: {  	[sflag:s19] =	ssyncset.done $0x0  }
0x353: {  	s6 =	simm.s32 $0x1400;
	[sflag:s19] =	ssyncadd.s32 $0xFFFFC180  }
0x354: {  	[spmem:s3] =	stream.indirect.scatter.add.f32 [tilespmem:s10], [sflag:$0x5], $0x80, s6, s9, $0xb8;
	[tilespmem:$0x1D880] =	vst v63  }
0x355: {  	_ =	swait.ge [sflag:s20], $0x3E80  }
0x356: {  	[sflag:s20] =	ssyncset.done $0x0  }
0x357: {  	s18 =	simm.s32 $0x500;
	[sflag:s20] =	ssyncadd.s32 $0xFFFFC180  }
0x358: {  	[tilespmem:s10], [sflag:$0x1] =	stream.indirect.gather [hbm4b:s2+s9], $0x80, s18, s9, $0xb8;
	[tilespmem:$0x1D880] =	vst v63  }
0x359: {  	_ =	swait.ge [sflag:s22], $0x3E80  }
0x35a: {  	[sflag:s22] =	ssyncset.done $0x0  }
0x35b: {  	s21 =	simm.s32 $0x1480;
	[sflag:s22] =	ssyncadd.s32 $0xFFFFC180  }
0x35c: {  	[spmem:s3] =	stream.indirect.scatter.add.f32 [tilespmem:s12], [sflag:$0x5], $0x80, s21, s9, $0xb8;
	[tilespmem:$0x1D880] =	vst v63  }
0x35d: {  	_ =	swait.ge [sflag:s20], $0x3E80  }
0x35e: {  	[sflag:s20] =	ssyncset.done $0x0  }
0x35f: {  	s24 =	simm.s32 $0x580;
	[sflag:s20] =	ssyncadd.s32 $0xFFFFC180  }
0x360: {  	[tilespmem:s12], [sflag:$0x2] =	stream.indirect.gather [hbm4b:s2+s9], $0x80, s24, s9, $0xb8;
	[tilespmem:$0x1D880] =	vst v63  }
0x361: {  	_ =	swait.ge [sflag:s19], $0x3E80  }
0x362: {  	[sflag:s19] =	ssyncset.done $0x0  }
0x363: {  	s6 =	simm.s32 $0x1500;
	[sflag:s19] =	ssyncadd.s32 $0xFFFFC180  }
0x364: {  	[spmem:s3] =	stream.indirect.scatter.add.f32 [tilespmem:s10], [sflag:$0x5], $0x80, s6, s9, $0xb8;
	[tilespmem:$0x1D880] =	vst v63  }
0x365: {  	_ =	swait.ge [sflag:s20], $0x3E80  }
0x366: {  	[sflag:s20] =	ssyncset.done $0x0  }
0x367: {  	s18 =	simm.s32 $0x600;
	[sflag:s20] =	ssyncadd.s32 $0xFFFFC180  }
0x368: {  	[tilespmem:s10], [sflag:$0x1] =	stream.indirect.gather [hbm4b:s2+s9], $0x80, s18, s9, $0xb8;
	[tilespmem:$0x1D880] =	vst v63  }
0x369: {  	_ =	swait.ge [sflag:s22], $0x3E80  }
0x36a: {  	[sflag:s22] =	ssyncset.done $0x0  }
0x36b: {  	s21 =	simm.s32 $0x1580;
	[sflag:s22] =	ssyncadd.s32 $0xFFFFC180  }
0x36c: {  	[spmem:s3] =	stream.indirect.scatter.add.f32 [tilespmem:s12], [sflag:$0x5], $0x80, s21, s9, $0xb8;
	[tilespmem:$0x1D880] =	vst v63  }
0x36d: {  	_ =	swait.ge [sflag:s20], $0x3E80  }
0x36e: {  	[sflag:s20] =	ssyncset.done $0x0  }
0x36f: {  	s24 =	simm.s32 $0x680;
	[sflag:s20] =	ssyncadd.s32 $0xFFFFC180  }
0x370: {  	[tilespmem:s12], [sflag:$0x2] =	stream.indirect.gather [hbm4b:s2+s9], $0x80, s24, s9, $0xb8;
	[tilespmem:$0x1D880] =	vst v63  }
0x371: {  	_ =	swait.ge [sflag:s19], $0x3E80  }
0x372: {  	[sflag:s19] =	ssyncset.done $0x0  }
0x373: {  	s6 =	simm.s32 $0x1600;
	[sflag:s19] =	ssyncadd.s32 $0xFFFFC180  }
0x374: {  	[spmem:s3] =	stream.indirect.scatter.add.f32 [tilespmem:s10], [sflag:$0x5], $0x80, s6, s9, $0xb8;
	[tilespmem:$0x1D880] =	vst v63  }
0x375: {  	_ =	swait.ge [sflag:s20], $0x3E80  }
0x376: {  	[sflag:s20] =	ssyncset.done $0x0  }
0x377: {  	s18 =	simm.s32 $0x700;
	[sflag:s20] =	ssyncadd.s32 $0xFFFFC180  }
0x378: {  	[tilespmem:s10], [sflag:$0x1] =	stream.indirect.gather [hbm4b:s2+s9], $0x80, s18, s9, $0xb8;
	[tilespmem:$0x1D880] =	vst v63  }
0x379: {  	_ =	swait.ge [sflag:s22], $0x3E80  }
0x37a: {  	[sflag:s22] =	ssyncset.done $0x0  }
0x37b: {  	s21 =	simm.s32 $0x1680;
	[sflag:s22] =	ssyncadd.s32 $0xFFFFC180  }
0x37c: {  	[spmem:s3] =	stream.indirect.scatter.add.f32 [tilespmem:s12], [sflag:$0x5], $0x80, s21, s9, $0xb8;
	[tilespmem:$0x1D880] =	vst v63  }
0x37d: {  	_ =	swait.ge [sflag:s20], $0x3E80  }
0x37e: {  	[sflag:s20] =	ssyncset.done $0x0  }
0x37f: {  	s24 =	simm.s32 $0x780;
	[sflag:s20] =	ssyncadd.s32 $0xFFFFC180  }
0x380: {  	[tilespmem:s12], [sflag:$0x2] =	stream.indirect.gather [hbm4b:s2+s9], $0x80, s24, s9, $0xb8;
	[tilespmem:$0x1D880] =	vst v63  }
0x381: {  	_ =	swait.ge [sflag:s19], $0x3E80  }
0x382: {  	[sflag:s19] =	ssyncset.done $0x0  }
0x383: {  	s6 =	simm.s32 $0x1700;
	[sflag:s19] =	ssyncadd.s32 $0xFFFFC180  }
0x384: {  	[spmem:s3] =	stream.indirect.scatter.add.f32 [tilespmem:s10], [sflag:$0x5], $0x80, s6, s9, $0xb8;
	[tilespmem:$0x1D880] =	vst v63  }
0x385: {  	_ =	swait.ge [sflag:s20], $0x3E80  }
0x386: {  	[sflag:s20] =	ssyncset.done $0x0  }
0x387: {  	[sflag:s20] =	ssyncadd.s32 $0xFFFFC180  }
0x388: {  	_ =	swait.ge [sflag:s0], $0x800  }
0x389: {  	[sflag:s0] =	ssyncset.done $0x0  }
0x38a: {  	[sflag:s0] =	ssyncadd.s32 $0xFFFFF800  }
0x38b: {  	_ =	swait.ge [sflag:s0], $0x800  }
0x38c: {  	[sflag:s0] =	ssyncset.done $0x0  }
0x38d: {  	[sflag:s0] =	ssyncadd.s32 $0xFFFFF800  }
0x38e: {  	[tilespmem:s10], [sflag:$0x1] =	stream.indirect.gather [hbm4b:s2+s9], $0x80, s7, s9, $0xb8;
	[tilespmem:$0x1D880] =	vst v63  }
0x38f: {  	_ =	swait.ge [sflag:s22], $0x3E80  }
0x390: {  	[sflag:s22] =	ssyncset.done $0x0  }
0x391: {  	s18 =	simm.s32 $0x1780;
	[sflag:s22] =	ssyncadd.s32 $0xFFFFC180  }
0x392: {  	[spmem:s3] =	stream.indirect.scatter.add.f32 [tilespmem:s12], [sflag:$0x5], $0x80, s18, s9, $0xb8;
	[tilespmem:$0x1D880] =	vst v63  }
0x393: {  	_ =	swait.ge [sflag:s20], $0x3E80  }
0x394: {  	[sflag:s20] =	ssyncset.done $0x0  }
0x395: {  	s24 =	simm.s32 $0x880;
	[sflag:s20] =	ssyncadd.s32 $0xFFFFC180  }
0x396: {  	[tilespmem:s12], [sflag:$0x2] =	stream.indirect.gather [hbm4b:s2+s9], $0x80, s24, s9, $0xb8;
	[tilespmem:$0x1D880] =	vst v63  }
0x397: {  	s21 =	rddreg [dreg:$0xa]  }
0x398: {  	[tilespmem:s23], [sflag:$0x3] =	stream.linear.gather [hbm4b:s21+s23], $0x800, $0x38;
	[tilespmem:$0x1D880] =	vst v63  }
0x399: {  	s6 =	rddreg [dreg:$0xb]  }
0x39a: {  	[tilespmem:s4], [sflag:$0x3] =	stream.linear.gather [hbm4b:s6+s23], $0x800, $0x38;
	[tilespmem:$0x1D880] =	vst v63  }
0x39b: {  	_ =	swait.ge [sflag:s19], $0x3E80  }
0x39c: {  	[sflag:s19] =	ssyncset.done $0x0  }
0x39d: {  	[sflag:s19] =	ssyncadd.s32 $0xFFFFC180  }
0x39e: {  	[spmem:s3] =	stream.indirect.scatter.add.f32 [tilespmem:s10], [sflag:$0x5], $0x80, s13, s9, $0xb8;
	[tilespmem:$0x1D880] =	vst v63  }
0x39f: {  	_ =	swait.ge [sflag:s20], $0x3E80  }
0x3a0: {  	[sflag:s20] =	ssyncset.done $0x0  }
0x3a1: {  	s18 =	simm.s32 $0x900;
	[sflag:s20] =	ssyncadd.s32 $0xFFFFC180  }
0x3a2: {  	[tilespmem:s10], [sflag:$0x1] =	stream.indirect.gather [hbm4b:s2+s9], $0x80, s18, s9, $0xb8;
	[tilespmem:$0x1D880] =	vst v63  }
0x3a3: {  	_ =	swait.ge [sflag:s22], $0x3E80  }
0x3a4: {  	[sflag:s22] =	ssyncset.done $0x0  }
0x3a5: {  	s6 =	simm.s32 $0x1880;
	[sflag:s22] =	ssyncadd.s32 $0xFFFFC180  }
0x3a6: {  	[spmem:s3] =	stream.indirect.scatter.add.f32 [tilespmem:s12], [sflag:$0x5], $0x80, s6, s9, $0xb8;
	[tilespmem:$0x1D880] =	vst v63  }
0x3a7: {  	_ =	swait.ge [sflag:s20], $0x3E80  }
0x3a8: {  	[sflag:s20] =	ssyncset.done $0x0  }
0x3a9: {  	[sflag:s20] =	ssyncadd.s32 $0xFFFFC180  }
0x3aa: {  	[tilespmem:s12], [sflag:$0x2] =	stream.indirect.gather [hbm4b:s2+s9], $0x80, s11, s9, $0xb8;
	[tilespmem:$0x1D880] =	vst v63  }
0x3ab: {  	_ =	swait.ge [sflag:s19], $0x3E80  }
0x3ac: {  	[sflag:s19] =	ssyncset.done $0x0  }
0x3ad: {  	[sflag:s19] =	ssyncadd.s32 $0xFFFFC180  }
0x3ae: {  	[spmem:s3] =	stream.indirect.scatter.add.f32 [tilespmem:s10], [sflag:$0x5], $0x80, s14, s9, $0xb8;
	[tilespmem:$0x1D880] =	vst v63  }
0x3af: {  	_ =	swait.ge [sflag:s20], $0x3E80  }
0x3b0: {  	[sflag:s20] =	ssyncset.done $0x0  }
0x3b1: {  	[sflag:s20] =	ssyncadd.s32 $0xFFFFC180  }
0x3b2: {  	[tilespmem:s10], [sflag:$0x1] =	stream.indirect.gather [hbm4b:s2+s9], $0x80, s16, s9, $0xb8;
	[tilespmem:$0x1D880] =	vst v63  }
0x3b3: {  	_ =	swait.ge [sflag:s22], $0x3E80  }
0x3b4: {  	[sflag:s22] =	ssyncset.done $0x0  }
0x3b5: {  	[sflag:s22] =	ssyncadd.s32 $0xFFFFC180  }
0x3b6: {  	[spmem:s3] =	stream.indirect.scatter.add.f32 [tilespmem:s12], [sflag:$0x5], $0x80, s17, s9, $0xb8;
	[tilespmem:$0x1D880] =	vst v63  }
0x3b7: {  	_ =	swait.ge [sflag:s20], $0x3E80  }
0x3b8: {  	[sflag:s20] =	ssyncset.done $0x0  }
0x3b9: {  	s24 =	simm.s32 $0xA80;
	[sflag:s20] =	ssyncadd.s32 $0xFFFFC180  }
0x3ba: {  	[tilespmem:s12], [sflag:$0x2] =	stream.indirect.gather [hbm4b:s2+s9], $0x80, s24, s9, $0xb8;
	[tilespmem:$0x1D880] =	vst v63  }
0x3bb: {  	_ =	swait.ge [sflag:s19], $0x3E80  }
0x3bc: {  	[sflag:s19] =	ssyncset.done $0x0  }
0x3bd: {  	[sflag:s19] =	ssyncadd.s32 $0xFFFFC180  }
0x3be: {  	[spmem:s3] =	stream.indirect.scatter.add.f32 [tilespmem:s10], [sflag:$0x5], $0x80, s25, s9, $0xb8;
	[tilespmem:$0x1D880] =	vst v63  }
0x3bf: {  	_ =	swait.ge [sflag:s20], $0x3E80  }
0x3c0: {  	[sflag:s20] =	ssyncset.done $0x0  }
0x3c1: {  	[sflag:s20] =	ssyncadd.s32 $0xFFFFC180  }
0x3c2: {  	[tilespmem:s10], [sflag:$0x1] =	stream.indirect.gather [hbm4b:s2+s9], $0x80, s26, s9, $0xb8;
	[tilespmem:$0x1D880] =	vst v63  }
0x3c3: {  	_ =	swait.ge [sflag:s22], $0x3E80  }
0x3c4: {  	[sflag:s22] =	ssyncset.done $0x0  }
0x3c5: {  	[sflag:s22] =	ssyncadd.s32 $0xFFFFC180  }
0x3c6: {  	[spmem:s3] =	stream.indirect.scatter.add.f32 [tilespmem:s12], [sflag:$0x5], $0x80, s28, s9, $0xb8;
	[tilespmem:$0x1D880] =	vst v63  }
0x3c7: {  	_ =	swait.ge [sflag:s20], $0x3E80  }
0x3c8: {  	[sflag:s20] =	ssyncset.done $0x0  }
0x3c9: {  	[sflag:s20] =	ssyncadd.s32 $0xFFFFC180  }
0x3ca: {  	[tilespmem:s12], [sflag:$0x2] =	stream.indirect.gather [hbm4b:s2+s9], $0x80, s29, s9, $0xb8;
	[tilespmem:$0x1D880] =	vst v63  }
0x3cb: {  	_ =	swait.ge [sflag:s19], $0x3E80  }
0x3cc: {  	[sflag:s19] =	ssyncset.done $0x0  }
0x3cd: {  	[sflag:s19] =	ssyncadd.s32 $0xFFFFC180  }
0x3ce: {  	[spmem:s3] =	stream.indirect.scatter.add.f32 [tilespmem:s10], [sflag:$0x5], $0x80, s30, s9, $0xb8;
	[tilespmem:$0x1D880] =	vst v63  }
0x3cf: {  	_ =	swait.ge [sflag:s20], $0x3E80  }
0x3d0: {  	[sflag:s20] =	ssyncset.done $0x0  }
0x3d1: {  	[sflag:s20] =	ssyncadd.s32 $0xFFFFC180  }
0x3d2: {  	[tilespmem:s10], [sflag:$0x1] =	stream.indirect.gather [hbm4b:s2+s9], $0x80, s31, s9, $0xb8;
	[tilespmem:$0x1D880] =	vst v63  }
0x3d3: {  	_ =	swait.ge [sflag:s22], $0x3E80  }
0x3d4: {  	[sflag:s22] =	ssyncset.done $0x0  }
0x3d5: {  	s21 =	simm.s32 $0x1B80;
	[sflag:s22] =	ssyncadd.s32 $0xFFFFC180  }
0x3d6: {  	[spmem:s3] =	stream.indirect.scatter.add.f32 [tilespmem:s12], [sflag:$0x5], $0x80, s21, s9, $0xb8;
	[tilespmem:$0x1D880] =	vst v63  }
0x3d7: {  	_ =	swait.ge [sflag:s20], $0x3E80  }
0x3d8: {  	[sflag:s20] =	ssyncset.done $0x0  }
0x3d9: {  	s18 =	simm.s32 $0xC80;
	[sflag:s20] =	ssyncadd.s32 $0xFFFFC180  }
0x3da: {  	[tilespmem:s12], [sflag:$0x2] =	stream.indirect.gather [hbm4b:s2+s9], $0x80, s18, s9, $0xb8;
	[tilespmem:$0x1D880] =	vst v63  }
0x3db: {  	_ =	swait.ge [sflag:s19], $0x3E80  }
0x3dc: {  	[sflag:s19] =	ssyncset.done $0x0  }
0x3dd: {  	s21 =	simm.s32 $0x1C00;
	[sflag:s19] =	ssyncadd.s32 $0xFFFFC180  }
0x3de: {  	[spmem:s3] =	stream.indirect.scatter.add.f32 [tilespmem:s10], [sflag:$0x5], $0x80, s21, s9, $0xb8;
	[tilespmem:$0x1D880] =	vst v63  }
0x3df: {  	_ =	swait.ge [sflag:s20], $0x3E80  }
0x3e0: {  	[sflag:s20] =	ssyncset.done $0x0  }
0x3e1: {  	s18 =	simm.s32 $0xD00;
	[sflag:s20] =	ssyncadd.s32 $0xFFFFC180  }
0x3e2: {  	[tilespmem:s10], [sflag:$0x1] =	stream.indirect.gather [hbm4b:s2+s9], $0x80, s18, s9, $0xb8;
	[tilespmem:$0x1D880] =	vst v63  }
0x3e3: {  	_ =	swait.ge [sflag:s22], $0x3E80  }
0x3e4: {  	[sflag:s22] =	ssyncset.done $0x0  }
0x3e5: {  	s21 =	simm.s32 $0x1C80;
	[sflag:s22] =	ssyncadd.s32 $0xFFFFC180  }
0x3e6: {  	[spmem:s3] =	stream.indirect.scatter.add.f32 [tilespmem:s12], [sflag:$0x5], $0x80, s21, s9, $0xb8;
	[tilespmem:$0x1D880] =	vst v63  }
0x3e7: {  	_ =	swait.ge [sflag:s20], $0x3E80  }
0x3e8: {  	[sflag:s20] =	ssyncset.done $0x0  }
0x3e9: {  	s18 =	simm.s32 $0xD80;
	[sflag:s20] =	ssyncadd.s32 $0xFFFFC180  }
0x3ea: {  	[tilespmem:s12], [sflag:$0x2] =	stream.indirect.gather [hbm4b:s2+s9], $0x80, s18, s9, $0xb8;
	[tilespmem:$0x1D880] =	vst v63  }
0x3eb: {  	_ =	swait.ge [sflag:s19], $0x3E80  }
0x3ec: {  	[sflag:s19] =	ssyncset.done $0x0  }
0x3ed: {  	s21 =	simm.s32 $0x1D00;
	[sflag:s19] =	ssyncadd.s32 $0xFFFFC180  }
0x3ee: {  	[spmem:s3] =	stream.indirect.scatter.add.f32 [tilespmem:s10], [sflag:$0x5], $0x80, s21, s9, $0xb8;
	[tilespmem:$0x1D880] =	vst v63  }
0x3ef: {  	_ =	swait.ge [sflag:s20], $0x3E80  }
0x3f0: {  	[sflag:s20] =	ssyncset.done $0x0  }
0x3f1: {  	s18 =	simm.s32 $0xE00;
	[sflag:s20] =	ssyncadd.s32 $0xFFFFC180  }
0x3f2: {  	[tilespmem:s10], [sflag:$0x1] =	stream.indirect.gather [hbm4b:s2+s9], $0x80, s18, s9, $0xb8;
	[tilespmem:$0x1D880] =	vst v63  }
0x3f3: {  	_ =	swait.ge [sflag:s22], $0x3E80  }
0x3f4: {  	[sflag:s22] =	ssyncset.done $0x0  }
0x3f5: {  	s21 =	simm.s32 $0x1D80;
	[sflag:s22] =	ssyncadd.s32 $0xFFFFC180  }
0x3f6: {  	[spmem:s3] =	stream.indirect.scatter.add.f32 [tilespmem:s12], [sflag:$0x5], $0x80, s21, s9, $0xb8;
	[tilespmem:$0x1D880] =	vst v63  }
0x3f7: {  	_ =	swait.ge [sflag:s20], $0x3E80  }
0x3f8: {  	[sflag:s20] =	ssyncset.done $0x0  }
0x3f9: {  	s18 =	simm.s32 $0xE80;
	[sflag:s20] =	ssyncadd.s32 $0xFFFFC180  }
0x3fa: {  	[tilespmem:s12], [sflag:$0x2] =	stream.indirect.gather [hbm4b:s2+s9], $0x80, s18, s9, $0xb8;
	[tilespmem:$0x1D880] =	vst v63  }
0x3fb: {  	_ =	swait.ge [sflag:s19], $0x3E80  }
0x3fc: {  	[sflag:s19] =	ssyncset.done $0x0  }
0x3fd: {  	s21 =	simm.s32 $0x1E00;
	[sflag:s19] =	ssyncadd.s32 $0xFFFFC180  }
0x3fe: {  	[spmem:s3] =	stream.indirect.scatter.add.f32 [tilespmem:s10], [sflag:$0x5], $0x80, s21, s9, $0xb8;
	[tilespmem:$0x1D880] =	vst v63  }
0x3ff: {  	_ =	swait.ge [sflag:s20], $0x3E80  }
0x400: {  	[sflag:s20] =	ssyncset.done $0x0  }
0x401: {  	s18 =	simm.s32 $0xF00;
	[sflag:s20] =	ssyncadd.s32 $0xFFFFC180  }
0x402: {  	[tilespmem:s10], [sflag:$0x1] =	stream.indirect.gather [hbm4b:s2+s9], $0x80, s18, s9, $0xb8;
	[tilespmem:$0x1D880] =	vst v63  }
0x403: {  	_ =	swait.ge [sflag:s22], $0x3E80  }
0x404: {  	[sflag:s22] =	ssyncset.done $0x0  }
0x405: {  	s21 =	simm.s32 $0x1E80;
	[sflag:s22] =	ssyncadd.s32 $0xFFFFC180  }
0x406: {  	[spmem:s3] =	stream.indirect.scatter.add.f32 [tilespmem:s12], [sflag:$0x5], $0x80, s21, s9, $0xb8;
	[tilespmem:$0x1D880] =	vst v63  }
0x407: {  	_ =	swait.ge [sflag:s20], $0x3E80  }
0x408: {  	[sflag:s20] =	ssyncset.done $0x0  }
0x409: {  	s18 =	simm.s32 $0xF80;
	[sflag:s20] =	ssyncadd.s32 $0xFFFFC180  }
0x40a: {  	[tilespmem:s12], [sflag:$0x2] =	stream.indirect.gather [hbm4b:s2+s9], $0x80, s18, s9, $0xb8;
	[tilespmem:$0x1D880] =	vst v63  }
0x40b: {  	_ =	swait.ge [sflag:s19], $0x3E80  }
0x40c: {  	[sflag:s19] =	ssyncset.done $0x0  }
0x40d: {  	s21 =	simm.s32 $0x1F00;
	[sflag:s19] =	ssyncadd.s32 $0xFFFFC180  }
0x40e: {  	[spmem:s3] =	stream.indirect.scatter.add.f32 [tilespmem:s10], [sflag:$0x5], $0x80, s21, s9, $0xb8;
	[tilespmem:$0x1D880] =	vst v63  }
0x40f: {  	_ =	swait.ge [sflag:s20], $0x3E80  }
0x410: {  	[sflag:s20] =	ssyncset.done $0x0  }
0x411: {  	[sflag:s20] =	ssyncadd.s32 $0xFFFFC180  }
0x412: {  	_ =	swait.ge [sflag:s8], $0x800  }
0x413: {  	[sflag:s8] =	ssyncset.done $0x0  }
0x414: {  	[sflag:s8] =	ssyncadd.s32 $0xFFFFF800  }
0x415: {  	_ =	swait.ge [sflag:s8], $0x800  }
0x416: {  	[sflag:s8] =	ssyncset.done $0x0  }
0x417: {  	[sflag:s8] =	ssyncadd.s32 $0xFFFFF800  }
0x418: {  	[tilespmem:s10], [sflag:$0x1] =	stream.indirect.gather [hbm4b:s2+s9], $0x80, s23, s9, $0xb8;
	[tilespmem:$0x1D880] =	vst v63  }
0x419: {  	_ =	swait.ge [sflag:s22], $0x3E80  }
0x41a: {  	[sflag:s22] =	ssyncset.done $0x0  }
0x41b: {  	s18 =	simm.s32 $0x1F80;
	[sflag:s22] =	ssyncadd.s32 $0xFFFFC180  }
0x41c: {  	[spmem:s3] =	stream.indirect.scatter.add.f32 [tilespmem:s12], [sflag:$0x5], $0x80, s18, s9, $0xb8;
	[tilespmem:$0x1D880] =	vst v63  }
0x41d: {  	_ =	swait.ge [sflag:s20], $0x3E80  }
0x41e: {  	[sflag:s20] =	ssyncset.done $0x0  }
0x41f: {  	[sflag:s20] =	ssyncadd.s32 $0xFFFFC180  }
0x420: {  	[tilespmem:s12], [sflag:$0x2] =	stream.indirect.gather [hbm4b:s2+s9], $0x80, s5, s9, $0xb8;
	[tilespmem:$0x1D880] =	vst v63  }
0x421: {  	s21 =	rddreg [dreg:$0xc]  }
0x422: {  	[tilespmem:s7], [sflag:$0x4] =	stream.linear.gather [hbm4b:s21+s23], $0x800, $0x38;
	[tilespmem:$0x1D880] =	vst v63  }
0x423: {  	s1 =	rddreg [dreg:$0xd]  }
0x424: {  	[tilespmem:s13], [sflag:$0x4] =	stream.linear.gather [hbm4b:s1+s23], $0x800, $0x38;
	[tilespmem:$0x1D880] =	vst v63  }
0x425: {  	_ =	swait.ge [sflag:s19], $0x3E80  }
0x426: {  	[sflag:s19] =	ssyncset.done $0x0  }
0x427: {  	[sflag:s19] =	ssyncadd.s32 $0xFFFFC180  }
0x428: {  	[spmem:s3] =	stream.indirect.scatter.add.f32 [tilespmem:s10], [sflag:$0x5], $0x80, s4, s9, $0xb8;
	[tilespmem:$0x1D880] =	vst v63  }
0x429: {  	_ =	swait.ge [sflag:s20], $0x3E80  }
0x42a: {  	[sflag:s20] =	ssyncset.done $0x0  }
0x42b: {  	s1 =	simm.s32 $0x100;
	[sflag:s20] =	ssyncadd.s32 $0xFFFFC180  }
0x42c: {  	[tilespmem:s10], [sflag:$0x1] =	stream.indirect.gather [hbm4b:s2+s9], $0x80, s1, s9, $0xb8;
	[tilespmem:$0x1D880] =	vst v63  }
0x42d: {  	_ =	swait.ge [sflag:s22], $0x3E80  }
0x42e: {  	[sflag:s22] =	ssyncset.done $0x0  }
0x42f: {  	s21 =	simm.s32 $0x1080;
	[sflag:s22] =	ssyncadd.s32 $0xFFFFC180  }
0x430: {  	[spmem:s3] =	stream.indirect.scatter.add.f32 [tilespmem:s12], [sflag:$0x5], $0x80, s21, s9, $0xb8;
	[tilespmem:$0x1D880] =	vst v63  }
0x431: {  	_ =	swait.ge [sflag:s20], $0x3E80  }
0x432: {  	[sflag:s20] =	ssyncset.done $0x0  }
0x433: {  	s21 =	simm.s32 $0x180;
	[sflag:s20] =	ssyncadd.s32 $0xFFFFC180  }
0x434: {  	[tilespmem:s12], [sflag:$0x2] =	stream.indirect.gather [hbm4b:s2+s9], $0x80, s21, s9, $0xb8;
	[tilespmem:$0x1D880] =	vst v63  }
0x435: {  	_ =	swait.ge [sflag:s19], $0x3E80  }
0x436: {  	[sflag:s19] =	ssyncset.done $0x0  }
0x437: {  	s21 =	simm.s32 $0x1100;
	[sflag:s19] =	ssyncadd.s32 $0xFFFFC180  }
0x438: {  	[spmem:s3] =	stream.indirect.scatter.add.f32 [tilespmem:s10], [sflag:$0x5], $0x80, s21, s9, $0xb8;
	[tilespmem:$0x1D880] =	vst v63  }
0x439: {  	_ =	swait.ge [sflag:s20], $0x3E80  }
0x43a: {  	[sflag:s20] =	ssyncset.done $0x0  }
0x43b: {  	s21 =	simm.s32 $0x200;
	[sflag:s20] =	ssyncadd.s32 $0xFFFFC180  }
0x43c: {  	[tilespmem:s10], [sflag:$0x1] =	stream.indirect.gather [hbm4b:s2+s9], $0x80, s21, s9, $0xb8;
	[tilespmem:$0x1D880] =	vst v63  }
0x43d: {  	_ =	swait.ge [sflag:s22], $0x3E80  }
0x43e: {  	[sflag:s22] =	ssyncset.done $0x0  }
0x43f: {  	s21 =	simm.s32 $0x1180;
	[sflag:s22] =	ssyncadd.s32 $0xFFFFC180  }
0x440: {  	[spmem:s3] =	stream.indirect.scatter.add.f32 [tilespmem:s12], [sflag:$0x5], $0x80, s21, s9, $0xb8;
	[tilespmem:$0x1D880] =	vst v63  }
0x441: {  	_ =	swait.ge [sflag:s20], $0x3E80  }
0x442: {  	[sflag:s20] =	ssyncset.done $0x0  }
0x443: {  	s21 =	simm.s32 $0x280;
	[sflag:s20] =	ssyncadd.s32 $0xFFFFC180  }
0x444: {  	[tilespmem:s12], [sflag:$0x2] =	stream.indirect.gather [hbm4b:s2+s9], $0x80, s21, s9, $0xb8;
	[tilespmem:$0x1D880] =	vst v63  }
0x445: {  	_ =	swait.ge [sflag:s19], $0x3E80  }
0x446: {  	[sflag:s19] =	ssyncset.done $0x0  }
0x447: {  	s21 =	simm.s32 $0x1200;
	[sflag:s19] =	ssyncadd.s32 $0xFFFFC180  }
0x448: {  	[spmem:s3] =	stream.indirect.scatter.add.f32 [tilespmem:s10], [sflag:$0x5], $0x80, s21, s9, $0xb8;
	[tilespmem:$0x1D880] =	vst v63  }
0x449: {  	_ =	swait.ge [sflag:s20], $0x3E80  }
0x44a: {  	[sflag:s20] =	ssyncset.done $0x0  }
0x44b: {  	s21 =	simm.s32 $0x300;
	[sflag:s20] =	ssyncadd.s32 $0xFFFFC180  }
0x44c: {  	[tilespmem:s10], [sflag:$0x1] =	stream.indirect.gather [hbm4b:s2+s9], $0x80, s21, s9, $0xb8;
	[tilespmem:$0x1D880] =	vst v63  }
0x44d: {  	_ =	swait.ge [sflag:s22], $0x3E80  }
0x44e: {  	[sflag:s22] =	ssyncset.done $0x0  }
0x44f: {  	s21 =	simm.s32 $0x1280;
	[sflag:s22] =	ssyncadd.s32 $0xFFFFC180  }
0x450: {  	[spmem:s3] =	stream.indirect.scatter.add.f32 [tilespmem:s12], [sflag:$0x5], $0x80, s21, s9, $0xb8;
	[tilespmem:$0x1D880] =	vst v63  }
0x451: {  	_ =	swait.ge [sflag:s20], $0x3E80  }
0x452: {  	[sflag:s20] =	ssyncset.done $0x0  }
0x453: {  	s21 =	simm.s32 $0x380;
	[sflag:s20] =	ssyncadd.s32 $0xFFFFC180  }
0x454: {  	[tilespmem:s12], [sflag:$0x2] =	stream.indirect.gather [hbm4b:s2+s9], $0x80, s21, s9, $0xb8;
	[tilespmem:$0x1D880] =	vst v63  }
0x455: {  	_ =	swait.ge [sflag:s19], $0x3E80  }
0x456: {  	[sflag:s19] =	ssyncset.done $0x0  }
0x457: {  	s21 =	simm.s32 $0x1300;
	[sflag:s19] =	ssyncadd.s32 $0xFFFFC180  }
0x458: {  	[spmem:s3] =	stream.indirect.scatter.add.f32 [tilespmem:s10], [sflag:$0x5], $0x80, s21, s9, $0xb8;
	[tilespmem:$0x1D880] =	vst v63  }
0x459: {  	_ =	swait.ge [sflag:s20], $0x3E80  }
0x45a: {  	[sflag:s20] =	ssyncset.done $0x0  }
0x45b: {  	s21 =	simm.s32 $0x400;
	[sflag:s20] =	ssyncadd.s32 $0xFFFFC180  }
0x45c: {  	[tilespmem:s10], [sflag:$0x1] =	stream.indirect.gather [hbm4b:s2+s9], $0x80, s21, s9, $0xb8;
	[tilespmem:$0x1D880] =	vst v63  }
0x45d: {  	_ =	swait.ge [sflag:s22], $0x3E80  }
0x45e: {  	[sflag:s22] =	ssyncset.done $0x0  }
0x45f: {  	s21 =	simm.s32 $0x1380;
	[sflag:s22] =	ssyncadd.s32 $0xFFFFC180  }
0x460: {  	[spmem:s3] =	stream.indirect.scatter.add.f32 [tilespmem:s12], [sflag:$0x5], $0x80, s21, s9, $0xb8;
	[tilespmem:$0x1D880] =	vst v63  }
0x461: {  	_ =	swait.ge [sflag:s20], $0x3E80  }
0x462: {  	[sflag:s20] =	ssyncset.done $0x0  }
0x463: {  	s21 =	simm.s32 $0x480;
	[sflag:s20] =	ssyncadd.s32 $0xFFFFC180  }
0x464: {  	[tilespmem:s12], [sflag:$0x2] =	stream.indirect.gather [hbm4b:s2+s9], $0x80, s21, s9, $0xb8;
	[tilespmem:$0x1D880] =	vst v63  }
0x465: {  	_ =	swait.ge [sflag:s19], $0x3E80  }
0x466: {  	[sflag:s19] =	ssyncset.done $0x0  }
0x467: {  	s21 =	simm.s32 $0x1400;
	[sflag:s19] =	ssyncadd.s32 $0xFFFFC180  }
0x468: {  	[spmem:s3] =	stream.indirect.scatter.add.f32 [tilespmem:s10], [sflag:$0x5], $0x80, s21, s9, $0xb8;
	[tilespmem:$0x1D880] =	vst v63  }
0x469: {  	_ =	swait.ge [sflag:s20], $0x3E80  }
0x46a: {  	[sflag:s20] =	ssyncset.done $0x0  }
0x46b: {  	s21 =	simm.s32 $0x500;
	[sflag:s20] =	ssyncadd.s32 $0xFFFFC180  }
0x46c: {  	[tilespmem:s10], [sflag:$0x1] =	stream.indirect.gather [hbm4b:s2+s9], $0x80, s21, s9, $0xb8;
	[tilespmem:$0x1D880] =	vst v63  }
0x46d: {  	_ =	swait.ge [sflag:s22], $0x3E80  }
0x46e: {  	[sflag:s22] =	ssyncset.done $0x0  }
0x46f: {  	s21 =	simm.s32 $0x1480;
	[sflag:s22] =	ssyncadd.s32 $0xFFFFC180  }
0x470: {  	[spmem:s3] =	stream.indirect.scatter.add.f32 [tilespmem:s12], [sflag:$0x5], $0x80, s21, s9, $0xb8;
	[tilespmem:$0x1D880] =	vst v63  }
0x471: {  	_ =	swait.ge [sflag:s20], $0x3E80  }
0x472: {  	[sflag:s20] =	ssyncset.done $0x0  }
0x473: {  	s21 =	simm.s32 $0x580;
	[sflag:s20] =	ssyncadd.s32 $0xFFFFC180  }
0x474: {  	[tilespmem:s12], [sflag:$0x2] =	stream.indirect.gather [hbm4b:s2+s9], $0x80, s21, s9, $0xb8;
	[tilespmem:$0x1D880] =	vst v63  }
0x475: {  	_ =	swait.ge [sflag:s19], $0x3E80  }
0x476: {  	[sflag:s19] =	ssyncset.done $0x0  }
0x477: {  	s21 =	simm.s32 $0x1500;
	[sflag:s19] =	ssyncadd.s32 $0xFFFFC180  }
0x478: {  	[spmem:s3] =	stream.indirect.scatter.add.f32 [tilespmem:s10], [sflag:$0x5], $0x80, s21, s9, $0xb8;
	[tilespmem:$0x1D880] =	vst v63  }
0x479: {  	_ =	swait.ge [sflag:s20], $0x3E80  }
0x47a: {  	[sflag:s20] =	ssyncset.done $0x0  }
0x47b: {  	s21 =	simm.s32 $0x600;
	[sflag:s20] =	ssyncadd.s32 $0xFFFFC180  }
0x47c: {  	[tilespmem:s10], [sflag:$0x1] =	stream.indirect.gather [hbm4b:s2+s9], $0x80, s21, s9, $0xb8;
	[tilespmem:$0x1D880] =	vst v63  }
0x47d: {  	_ =	swait.ge [sflag:s22], $0x3E80  }
0x47e: {  	[sflag:s22] =	ssyncset.done $0x0  }
0x47f: {  	s21 =	simm.s32 $0x1580;
	[sflag:s22] =	ssyncadd.s32 $0xFFFFC180  }
0x480: {  	[spmem:s3] =	stream.indirect.scatter.add.f32 [tilespmem:s12], [sflag:$0x5], $0x80, s21, s9, $0xb8;
	[tilespmem:$0x1D880] =	vst v63  }
0x481: {  	_ =	swait.ge [sflag:s20], $0x3E80  }
0x482: {  	[sflag:s20] =	ssyncset.done $0x0  }
0x483: {  	s21 =	simm.s32 $0x680;
	[sflag:s20] =	ssyncadd.s32 $0xFFFFC180  }
0x484: {  	[tilespmem:s12], [sflag:$0x2] =	stream.indirect.gather [hbm4b:s2+s9], $0x80, s21, s9, $0xb8;
	[tilespmem:$0x1D880] =	vst v63  }
0x485: {  	_ =	swait.ge [sflag:s19], $0x3E80  }
0x486: {  	[sflag:s19] =	ssyncset.done $0x0  }
0x487: {  	s21 =	simm.s32 $0x1600;
	[sflag:s19] =	ssyncadd.s32 $0xFFFFC180  }
0x488: {  	[spmem:s3] =	stream.indirect.scatter.add.f32 [tilespmem:s10], [sflag:$0x5], $0x80, s21, s9, $0xb8;
	[tilespmem:$0x1D880] =	vst v63  }
0x489: {  	_ =	swait.ge [sflag:s20], $0x3E80  }
0x48a: {  	[sflag:s20] =	ssyncset.done $0x0  }
0x48b: {  	s21 =	simm.s32 $0x700;
	[sflag:s20] =	ssyncadd.s32 $0xFFFFC180  }
0x48c: {  	[tilespmem:s10], [sflag:$0x1] =	stream.indirect.gather [hbm4b:s2+s9], $0x80, s21, s9, $0xb8;
	[tilespmem:$0x1D880] =	vst v63  }
0x48d: {  	_ =	swait.ge [sflag:s22], $0x3E80  }
0x48e: {  	[sflag:s22] =	ssyncset.done $0x0  }
0x48f: {  	s21 =	simm.s32 $0x1680;
	[sflag:s22] =	ssyncadd.s32 $0xFFFFC180  }
0x490: {  	[spmem:s3] =	stream.indirect.scatter.add.f32 [tilespmem:s12], [sflag:$0x5], $0x80, s21, s9, $0xb8;
	[tilespmem:$0x1D880] =	vst v63  }
0x491: {  	_ =	swait.ge [sflag:s20], $0x3E80  }
0x492: {  	[sflag:s20] =	ssyncset.done $0x0  }
0x493: {  	s21 =	simm.s32 $0x780;
	[sflag:s20] =	ssyncadd.s32 $0xFFFFC180  }
0x494: {  	[tilespmem:s12], [sflag:$0x2] =	stream.indirect.gather [hbm4b:s2+s9], $0x80, s21, s9, $0xb8;
	[tilespmem:$0x1D880] =	vst v63  }
0x495: {  	_ =	swait.ge [sflag:s19], $0x3E80  }
0x496: {  	[sflag:s19] =	ssyncset.done $0x0  }
0x497: {  	s21 =	simm.s32 $0x1700;
	[sflag:s19] =	ssyncadd.s32 $0xFFFFC180  }
0x498: {  	[spmem:s3] =	stream.indirect.scatter.add.f32 [tilespmem:s10], [sflag:$0x5], $0x80, s21, s9, $0xb8;
	[tilespmem:$0x1D880] =	vst v63  }
0x499: {  	_ =	swait.ge [sflag:s20], $0x3E80  }
0x49a: {  	[sflag:s20] =	ssyncset.done $0x0  }
0x49b: {  	[sflag:s20] =	ssyncadd.s32 $0xFFFFC180  }
0x49c: {  	_ =	swait.ge [sflag:s0], $0x800  }
0x49d: {  	[sflag:s0] =	ssyncset.done $0x0  }
0x49e: {  	[sflag:s0] =	ssyncadd.s32 $0xFFFFF800  }
0x49f: {  	_ =	swait.ge [sflag:s0], $0x800  }
0x4a0: {  	[sflag:s0] =	ssyncset.done $0x0  }
0x4a1: {  	[sflag:s0] =	ssyncadd.s32 $0xFFFFF800  }
0x4a2: {  	[tilespmem:s10], [sflag:$0x1] =	stream.indirect.gather [hbm4b:s2+s9], $0x80, s7, s9, $0xb8;
	[tilespmem:$0x1D880] =	vst v63  }
0x4a3: {  	_ =	swait.ge [sflag:s22], $0x3E80  }
0x4a4: {  	[sflag:s22] =	ssyncset.done $0x0  }
0x4a5: {  	s18 =	simm.s32 $0x1780;
	[sflag:s22] =	ssyncadd.s32 $0xFFFFC180  }
0x4a6: {  	[spmem:s3] =	stream.indirect.scatter.add.f32 [tilespmem:s12], [sflag:$0x5], $0x80, s18, s9, $0xb8;
	[tilespmem:$0x1D880] =	vst v63  }
0x4a7: {  	_ =	swait.ge [sflag:s20], $0x3E80  }
0x4a8: {  	[sflag:s20] =	ssyncset.done $0x0  }
0x4a9: {  	s21 =	simm.s32 $0x880;
	[sflag:s20] =	ssyncadd.s32 $0xFFFFC180  }
0x4aa: {  	[tilespmem:s12], [sflag:$0x2] =	stream.indirect.gather [hbm4b:s2+s9], $0x80, s21, s9, $0xb8;
	[tilespmem:$0x1D880] =	vst v63  }
0x4ab: {  	s18 =	rddreg [dreg:$0xe]  }
0x4ac: {  	[tilespmem:s23], [sflag:$0x3] =	stream.linear.gather [hbm4b:s18+s23], $0x800, $0x38;
	[tilespmem:$0x1D880] =	vst v63  }
0x4ad: {  	s21 =	rddreg [dreg:$0xf]  }
0x4ae: {  	[tilespmem:s4], [sflag:$0x3] =	stream.linear.gather [hbm4b:s21+s23], $0x800, $0x38;
	[tilespmem:$0x1D880] =	vst v63  }
0x4af: {  	_ =	swait.ge [sflag:s19], $0x3E80  }
0x4b0: {  	[sflag:s19] =	ssyncset.done $0x0  }
0x4b1: {  	[sflag:s19] =	ssyncadd.s32 $0xFFFFC180  }
0x4b2: {  	[spmem:s3] =	stream.indirect.scatter.add.f32 [tilespmem:s10], [sflag:$0x5], $0x80, s13, s9, $0xb8;
	[tilespmem:$0x1D880] =	vst v63  }
0x4b3: {  	_ =	swait.ge [sflag:s20], $0x3E80  }
0x4b4: {  	[sflag:s20] =	ssyncset.done $0x0  }
0x4b5: {  	s21 =	simm.s32 $0x900;
	[sflag:s20] =	ssyncadd.s32 $0xFFFFC180  }
0x4b6: {  	[tilespmem:s10], [sflag:$0x1] =	stream.indirect.gather [hbm4b:s2+s9], $0x80, s21, s9, $0xb8;
	[tilespmem:$0x1D880] =	vst v63  }
0x4b7: {  	_ =	swait.ge [sflag:s22], $0x3E80  }
0x4b8: {  	[sflag:s22] =	ssyncset.done $0x0  }
0x4b9: {  	[sflag:s22] =	ssyncadd.s32 $0xFFFFC180  }
0x4ba: {  	[spmem:s3] =	stream.indirect.scatter.add.f32 [tilespmem:s12], [sflag:$0x5], $0x80, s6, s9, $0xb8;
	[tilespmem:$0x1D880] =	vst v63  }
0x4bb: {  	_ =	swait.ge [sflag:s20], $0x3E80  }
0x4bc: {  	[sflag:s20] =	ssyncset.done $0x0  }
0x4bd: {  	[sflag:s20] =	ssyncadd.s32 $0xFFFFC180  }
0x4be: {  	[tilespmem:s12], [sflag:$0x2] =	stream.indirect.gather [hbm4b:s2+s9], $0x80, s11, s9, $0xb8;
	[tilespmem:$0x1D880] =	vst v63  }
0x4bf: {  	_ =	swait.ge [sflag:s19], $0x3E80  }
0x4c0: {  	[sflag:s19] =	ssyncset.done $0x0  }
0x4c1: {  	[sflag:s19] =	ssyncadd.s32 $0xFFFFC180  }
0x4c2: {  	[spmem:s3] =	stream.indirect.scatter.add.f32 [tilespmem:s10], [sflag:$0x5], $0x80, s14, s9, $0xb8;
	[tilespmem:$0x1D880] =	vst v63  }
0x4c3: {  	_ =	swait.ge [sflag:s20], $0x3E80  }
0x4c4: {  	[sflag:s20] =	ssyncset.done $0x0  }
0x4c5: {  	[sflag:s20] =	ssyncadd.s32 $0xFFFFC180  }
0x4c6: {  	[tilespmem:s10], [sflag:$0x1] =	stream.indirect.gather [hbm4b:s2+s9], $0x80, s16, s9, $0xb8;
	[tilespmem:$0x1D880] =	vst v63  }
0x4c7: {  	_ =	swait.ge [sflag:s22], $0x3E80  }
0x4c8: {  	[sflag:s22] =	ssyncset.done $0x0  }
0x4c9: {  	[sflag:s22] =	ssyncadd.s32 $0xFFFFC180  }
0x4ca: {  	[spmem:s3] =	stream.indirect.scatter.add.f32 [tilespmem:s12], [sflag:$0x5], $0x80, s17, s9, $0xb8;
	[tilespmem:$0x1D880] =	vst v63  }
0x4cb: {  	_ =	swait.ge [sflag:s20], $0x3E80  }
0x4cc: {  	[sflag:s20] =	ssyncset.done $0x0  }
0x4cd: {  	[sflag:s20] =	ssyncadd.s32 $0xFFFFC180  }
0x4ce: {  	[tilespmem:s12], [sflag:$0x2] =	stream.indirect.gather [hbm4b:s2+s9], $0x80, s24, s9, $0xb8;
	[tilespmem:$0x1D880] =	vst v63  }
0x4cf: {  	_ =	swait.ge [sflag:s19], $0x3E80  }
0x4d0: {  	[sflag:s19] =	ssyncset.done $0x0  }
0x4d1: {  	[sflag:s19] =	ssyncadd.s32 $0xFFFFC180  }
0x4d2: {  	[spmem:s3] =	stream.indirect.scatter.add.f32 [tilespmem:s10], [sflag:$0x5], $0x80, s25, s9, $0xb8;
	[tilespmem:$0x1D880] =	vst v63  }
0x4d3: {  	_ =	swait.ge [sflag:s20], $0x3E80  }
0x4d4: {  	[sflag:s20] =	ssyncset.done $0x0  }
0x4d5: {  	[sflag:s20] =	ssyncadd.s32 $0xFFFFC180  }
0x4d6: {  	[tilespmem:s10], [sflag:$0x1] =	stream.indirect.gather [hbm4b:s2+s9], $0x80, s26, s9, $0xb8;
	[tilespmem:$0x1D880] =	vst v63  }
0x4d7: {  	_ =	swait.ge [sflag:s22], $0x3E80  }
0x4d8: {  	[sflag:s22] =	ssyncset.done $0x0  }
0x4d9: {  	[sflag:s22] =	ssyncadd.s32 $0xFFFFC180  }
0x4da: {  	[spmem:s3] =	stream.indirect.scatter.add.f32 [tilespmem:s12], [sflag:$0x5], $0x80, s28, s9, $0xb8;
	[tilespmem:$0x1D880] =	vst v63  }
0x4db: {  	_ =	swait.ge [sflag:s20], $0x3E80  }
0x4dc: {  	[sflag:s20] =	ssyncset.done $0x0  }
0x4dd: {  	[sflag:s20] =	ssyncadd.s32 $0xFFFFC180  }
0x4de: {  	[tilespmem:s12], [sflag:$0x2] =	stream.indirect.gather [hbm4b:s2+s9], $0x80, s29, s9, $0xb8;
	[tilespmem:$0x1D880] =	vst v63  }
0x4df: {  	_ =	swait.ge [sflag:s19], $0x3E80  }
0x4e0: {  	[sflag:s19] =	ssyncset.done $0x0  }
0x4e1: {  	[sflag:s19] =	ssyncadd.s32 $0xFFFFC180  }
0x4e2: {  	[spmem:s3] =	stream.indirect.scatter.add.f32 [tilespmem:s10], [sflag:$0x5], $0x80, s30, s9, $0xb8;
	[tilespmem:$0x1D880] =	vst v63  }
0x4e3: {  	_ =	swait.ge [sflag:s20], $0x3E80  }
0x4e4: {  	[sflag:s20] =	ssyncset.done $0x0  }
0x4e5: {  	[sflag:s20] =	ssyncadd.s32 $0xFFFFC180  }
0x4e6: {  	[tilespmem:s10], [sflag:$0x1] =	stream.indirect.gather [hbm4b:s2+s9], $0x80, s31, s9, $0xb8;
	[tilespmem:$0x1D880] =	vst v63  }
0x4e7: {  	_ =	swait.ge [sflag:s22], $0x3E80  }
0x4e8: {  	[sflag:s22] =	ssyncset.done $0x0  }
0x4e9: {  	s18 =	simm.s32 $0x1B80;
	[sflag:s22] =	ssyncadd.s32 $0xFFFFC180  }
0x4ea: {  	[spmem:s3] =	stream.indirect.scatter.add.f32 [tilespmem:s12], [sflag:$0x5], $0x80, s18, s9, $0xb8;
	[tilespmem:$0x1D880] =	vst v63  }
0x4eb: {  	_ =	swait.ge [sflag:s20], $0x3E80  }
0x4ec: {  	[sflag:s20] =	ssyncset.done $0x0  }
0x4ed: {  	s21 =	simm.s32 $0xC80;
	[sflag:s20] =	ssyncadd.s32 $0xFFFFC180  }
0x4ee: {  	[tilespmem:s12], [sflag:$0x2] =	stream.indirect.gather [hbm4b:s2+s9], $0x80, s21, s9, $0xb8;
	[tilespmem:$0x1D880] =	vst v63  }
0x4ef: {  	_ =	swait.ge [sflag:s19], $0x3E80  }
0x4f0: {  	[sflag:s19] =	ssyncset.done $0x0  }
0x4f1: {  	s24 =	simm.s32 $0x1C00;
	[sflag:s19] =	ssyncadd.s32 $0xFFFFC180  }
0x4f2: {  	[spmem:s3] =	stream.indirect.scatter.add.f32 [tilespmem:s10], [sflag:$0x5], $0x80, s24, s9, $0xb8;
	[tilespmem:$0x1D880] =	vst v63  }
0x4f3: {  	_ =	swait.ge [sflag:s20], $0x3E80  }
0x4f4: {  	[sflag:s20] =	ssyncset.done $0x0  }
0x4f5: {  	s13 =	simm.s32 $0xD00;
	[sflag:s20] =	ssyncadd.s32 $0xFFFFC180  }
0x4f6: {  	[tilespmem:s10], [sflag:$0x1] =	stream.indirect.gather [hbm4b:s2+s9], $0x80, s13, s9, $0xb8;
	[tilespmem:$0x1D880] =	vst v63  }
0x4f7: {  	_ =	swait.ge [sflag:s22], $0x3E80  }
0x4f8: {  	[sflag:s22] =	ssyncset.done $0x0  }
0x4f9: {  	s18 =	simm.s32 $0x1C80;
	[sflag:s22] =	ssyncadd.s32 $0xFFFFC180  }
0x4fa: {  	[spmem:s3] =	stream.indirect.scatter.add.f32 [tilespmem:s12], [sflag:$0x5], $0x80, s18, s9, $0xb8;
	[tilespmem:$0x1D880] =	vst v63  }
0x4fb: {  	_ =	swait.ge [sflag:s20], $0x3E80  }
0x4fc: {  	[sflag:s20] =	ssyncset.done $0x0  }
0x4fd: {  	s21 =	simm.s32 $0xD80;
	[sflag:s20] =	ssyncadd.s32 $0xFFFFC180  }
0x4fe: {  	[tilespmem:s12], [sflag:$0x2] =	stream.indirect.gather [hbm4b:s2+s9], $0x80, s21, s9, $0xb8;
	[tilespmem:$0x1D880] =	vst v63  }
0x4ff: {  	_ =	swait.ge [sflag:s19], $0x3E80  }
0x500: {  	[sflag:s19] =	ssyncset.done $0x0  }
0x501: {  	s24 =	simm.s32 $0x1D00;
	[sflag:s19] =	ssyncadd.s32 $0xFFFFC180  }
0x502: {  	[spmem:s3] =	stream.indirect.scatter.add.f32 [tilespmem:s10], [sflag:$0x5], $0x80, s24, s9, $0xb8;
	[tilespmem:$0x1D880] =	vst v63  }
0x503: {  	_ =	swait.ge [sflag:s20], $0x3E80  }
0x504: {  	[sflag:s20] =	ssyncset.done $0x0  }
0x505: {  	s13 =	simm.s32 $0xE00;
	[sflag:s20] =	ssyncadd.s32 $0xFFFFC180  }
0x506: {  	[tilespmem:s10], [sflag:$0x1] =	stream.indirect.gather [hbm4b:s2+s9], $0x80, s13, s9, $0xb8;
	[tilespmem:$0x1D880] =	vst v63  }
0x507: {  	_ =	swait.ge [sflag:s22], $0x3E80  }
0x508: {  	[sflag:s22] =	ssyncset.done $0x0  }
0x509: {  	s18 =	simm.s32 $0x1D80;
	[sflag:s22] =	ssyncadd.s32 $0xFFFFC180  }
0x50a: {  	[spmem:s3] =	stream.indirect.scatter.add.f32 [tilespmem:s12], [sflag:$0x5], $0x80, s18, s9, $0xb8;
	[tilespmem:$0x1D880] =	vst v63  }
0x50b: {  	_ =	swait.ge [sflag:s20], $0x3E80  }
0x50c: {  	[sflag:s20] =	ssyncset.done $0x0  }
0x50d: {  	s21 =	simm.s32 $0xE80;
	[sflag:s20] =	ssyncadd.s32 $0xFFFFC180  }
0x50e: {  	[tilespmem:s12], [sflag:$0x2] =	stream.indirect.gather [hbm4b:s2+s9], $0x80, s21, s9, $0xb8;
	[tilespmem:$0x1D880] =	vst v63  }
0x50f: {  	_ =	swait.ge [sflag:s19], $0x3E80  }
0x510: {  	[sflag:s19] =	ssyncset.done $0x0  }
0x511: {  	s24 =	simm.s32 $0x1E00;
	[sflag:s19] =	ssyncadd.s32 $0xFFFFC180  }
0x512: {  	[spmem:s3] =	stream.indirect.scatter.add.f32 [tilespmem:s10], [sflag:$0x5], $0x80, s24, s9, $0xb8;
	[tilespmem:$0x1D880] =	vst v63  }
0x513: {  	_ =	swait.ge [sflag:s20], $0x3E80  }
0x514: {  	[sflag:s20] =	ssyncset.done $0x0  }
0x515: {  	s13 =	simm.s32 $0xF00;
	[sflag:s20] =	ssyncadd.s32 $0xFFFFC180  }
0x516: {  	[tilespmem:s10], [sflag:$0x1] =	stream.indirect.gather [hbm4b:s2+s9], $0x80, s13, s9, $0xb8;
	[tilespmem:$0x1D880] =	vst v63  }
0x517: {  	_ =	swait.ge [sflag:s22], $0x3E80  }
0x518: {  	[sflag:s22] =	ssyncset.done $0x0  }
0x519: {  	s18 =	simm.s32 $0x1E80;
	[sflag:s22] =	ssyncadd.s32 $0xFFFFC180  }
0x51a: {  	[spmem:s3] =	stream.indirect.scatter.add.f32 [tilespmem:s12], [sflag:$0x5], $0x80, s18, s9, $0xb8;
	[tilespmem:$0x1D880] =	vst v63  }
0x51b: {  	_ =	swait.ge [sflag:s20], $0x3E80  }
0x51c: {  	[sflag:s20] =	ssyncset.done $0x0  }
0x51d: {  	s21 =	simm.s32 $0xF80;
	[sflag:s20] =	ssyncadd.s32 $0xFFFFC180  }
0x51e: {  	[tilespmem:s12], [sflag:$0x2] =	stream.indirect.gather [hbm4b:s2+s9], $0x80, s21, s9, $0xb8;
	[tilespmem:$0x1D880] =	vst v63  }
0x51f: {  	_ =	swait.ge [sflag:s19], $0x3E80  }
0x520: {  	[sflag:s19] =	ssyncset.done $0x0  }
0x521: {  	s24 =	simm.s32 $0x1F00;
	[sflag:s19] =	ssyncadd.s32 $0xFFFFC180  }
0x522: {  	[spmem:s3] =	stream.indirect.scatter.add.f32 [tilespmem:s10], [sflag:$0x5], $0x80, s24, s9, $0xb8;
	[tilespmem:$0x1D880] =	vst v63  }
0x523: {  	_ =	swait.ge [sflag:s20], $0x3E80  }
0x524: {  	[sflag:s20] =	ssyncset.done $0x0  }
0x525: {  	[sflag:s20] =	ssyncadd.s32 $0xFFFFC180  }
0x526: {  	_ =	swait.ge [sflag:s8], $0x800  }
0x527: {  	[sflag:s8] =	ssyncset.done $0x0  }
0x528: {  	[sflag:s8] =	ssyncadd.s32 $0xFFFFF800  }
0x529: {  	_ =	swait.ge [sflag:s8], $0x800  }
0x52a: {  	[sflag:s8] =	ssyncset.done $0x0  }
0x52b: {  	[sflag:s8] =	ssyncadd.s32 $0xFFFFF800  }
0x52c: {  	[tilespmem:s10], [sflag:$0x1] =	stream.indirect.gather [hbm4b:s2+s9], $0x80, s23, s9, $0xb8;
	[tilespmem:$0x1D880] =	vst v63  }
0x52d: {  	_ =	swait.ge [sflag:s22], $0x3E80  }
0x52e: {  	[sflag:s22] =	ssyncset.done $0x0  }
0x52f: {  	s13 =	simm.s32 $0x1F80;
	[sflag:s22] =	ssyncadd.s32 $0xFFFFC180  }
0x530: {  	[spmem:s3] =	stream.indirect.scatter.add.f32 [tilespmem:s12], [sflag:$0x5], $0x80, s13, s9, $0xb8;
	[tilespmem:$0x1D880] =	vst v63  }
0x531: {  	_ =	swait.ge [sflag:s20], $0x3E80  }
0x532: {  	[sflag:s20] =	ssyncset.done $0x0  }
0x533: {  	[sflag:s20] =	ssyncadd.s32 $0xFFFFC180  }
0x534: {  	[tilespmem:s12], [sflag:$0x2] =	stream.indirect.gather [hbm4b:s2+s9], $0x80, s5, s9, $0xb8;
	[tilespmem:$0x1D880] =	vst v63  }
0x535: {  	_ =	swait.ge [sflag:s19], $0x3E80  }
0x536: {  	[sflag:s19] =	ssyncset.done $0x0  }
0x537: {  	[sflag:s19] =	ssyncadd.s32 $0xFFFFC180  }
0x538: {  	[spmem:s3] =	stream.indirect.scatter.add.f32 [tilespmem:s10], [sflag:$0x5], $0x80, s4, s9, $0xb8;
	[tilespmem:$0x1D880] =	vst v63  }
0x539: {  	_ =	swait.ge [sflag:s20], $0x3E80  }
0x53a: {  	[sflag:s20] =	ssyncset.done $0x0  }
0x53b: {  	[sflag:s20] =	ssyncadd.s32 $0xFFFFC180  }
0x53c: {  	[tilespmem:s10], [sflag:$0x1] =	stream.indirect.gather [hbm4b:s2+s9], $0x80, s1, s9, $0xb8;
	[tilespmem:$0x1D880] =	vst v63  }
0x53d: {  	_ =	swait.ge [sflag:s22], $0x3E80  }
0x53e: {  	[sflag:s22] =	ssyncset.done $0x0  }
0x53f: {  	s18 =	simm.s32 $0x1080;
	[sflag:s22] =	ssyncadd.s32 $0xFFFFC180  }
0x540: {  	[spmem:s3] =	stream.indirect.scatter.add.f32 [tilespmem:s12], [sflag:$0x5], $0x80, s18, s9, $0xb8;
	[tilespmem:$0x1D880] =	vst v63  }
0x541: {  	_ =	swait.ge [sflag:s20], $0x3E80  }
0x542: {  	[sflag:s20] =	ssyncset.done $0x0  }
0x543: {  	s21 =	simm.s32 $0x180;
	[sflag:s20] =	ssyncadd.s32 $0xFFFFC180  }
0x544: {  	[tilespmem:s12], [sflag:$0x2] =	stream.indirect.gather [hbm4b:s2+s9], $0x80, s21, s9, $0xb8;
	[tilespmem:$0x1D880] =	vst v63  }
0x545: {  	_ =	swait.ge [sflag:s19], $0x3E80  }
0x546: {  	[sflag:s19] =	ssyncset.done $0x0  }
0x547: {  	s24 =	simm.s32 $0x1100;
	[sflag:s19] =	ssyncadd.s32 $0xFFFFC180  }
0x548: {  	[spmem:s3] =	stream.indirect.scatter.add.f32 [tilespmem:s10], [sflag:$0x5], $0x80, s24, s9, $0xb8;
	[tilespmem:$0x1D880] =	vst v63  }
0x549: {  	_ =	swait.ge [sflag:s20], $0x3E80  }
0x54a: {  	[sflag:s20] =	ssyncset.done $0x0  }
0x54b: {  	s4 =	simm.s32 $0x200;
	[sflag:s20] =	ssyncadd.s32 $0xFFFFC180  }
0x54c: {  	[tilespmem:s10], [sflag:$0x1] =	stream.indirect.gather [hbm4b:s2+s9], $0x80, s4, s9, $0xb8;
	[tilespmem:$0x1D880] =	vst v63  }
0x54d: {  	_ =	swait.ge [sflag:s22], $0x3E80  }
0x54e: {  	[sflag:s22] =	ssyncset.done $0x0  }
0x54f: {  	s6 =	simm.s32 $0x1180;
	[sflag:s22] =	ssyncadd.s32 $0xFFFFC180  }
0x550: {  	[spmem:s3] =	stream.indirect.scatter.add.f32 [tilespmem:s12], [sflag:$0x5], $0x80, s6, s9, $0xb8;
	[tilespmem:$0x1D880] =	vst v63  }
0x551: {  	_ =	swait.ge [sflag:s20], $0x3E80  }
0x552: {  	[sflag:s20] =	ssyncset.done $0x0  }
0x553: {  	s13 =	simm.s32 $0x280;
	[sflag:s20] =	ssyncadd.s32 $0xFFFFC180  }
0x554: {  	[tilespmem:s12], [sflag:$0x2] =	stream.indirect.gather [hbm4b:s2+s9], $0x80, s13, s9, $0xb8;
	[tilespmem:$0x1D880] =	vst v63  }
0x555: {  	_ =	swait.ge [sflag:s19], $0x3E80  }
0x556: {  	[sflag:s19] =	ssyncset.done $0x0  }
0x557: {  	s18 =	simm.s32 $0x1200;
	[sflag:s19] =	ssyncadd.s32 $0xFFFFC180  }
0x558: {  	[spmem:s3] =	stream.indirect.scatter.add.f32 [tilespmem:s10], [sflag:$0x5], $0x80, s18, s9, $0xb8;
	[tilespmem:$0x1D880] =	vst v63  }
0x559: {  	_ =	swait.ge [sflag:s20], $0x3E80  }
0x55a: {  	[sflag:s20] =	ssyncset.done $0x0  }
0x55b: {  	s21 =	simm.s32 $0x300;
	[sflag:s20] =	ssyncadd.s32 $0xFFFFC180  }
0x55c: {  	[tilespmem:s10], [sflag:$0x1] =	stream.indirect.gather [hbm4b:s2+s9], $0x80, s21, s9, $0xb8;
	[tilespmem:$0x1D880] =	vst v63  }
0x55d: {  	_ =	swait.ge [sflag:s22], $0x3E80  }
0x55e: {  	[sflag:s22] =	ssyncset.done $0x0  }
0x55f: {  	s24 =	simm.s32 $0x1280;
	[sflag:s22] =	ssyncadd.s32 $0xFFFFC180  }
0x560: {  	[spmem:s3] =	stream.indirect.scatter.add.f32 [tilespmem:s12], [sflag:$0x5], $0x80, s24, s9, $0xb8;
	[tilespmem:$0x1D880] =	vst v63  }
0x561: {  	_ =	swait.ge [sflag:s20], $0x3E80  }
0x562: {  	[sflag:s20] =	ssyncset.done $0x0  }
0x563: {  	s4 =	simm.s32 $0x380;
	[sflag:s20] =	ssyncadd.s32 $0xFFFFC180  }
0x564: {  	[tilespmem:s12], [sflag:$0x2] =	stream.indirect.gather [hbm4b:s2+s9], $0x80, s4, s9, $0xb8;
	[tilespmem:$0x1D880] =	vst v63  }
0x565: {  	_ =	swait.ge [sflag:s19], $0x3E80  }
0x566: {  	[sflag:s19] =	ssyncset.done $0x0  }
0x567: {  	s6 =	simm.s32 $0x1300;
	[sflag:s19] =	ssyncadd.s32 $0xFFFFC180  }
0x568: {  	[spmem:s3] =	stream.indirect.scatter.add.f32 [tilespmem:s10], [sflag:$0x5], $0x80, s6, s9, $0xb8;
	[tilespmem:$0x1D880] =	vst v63  }
0x569: {  	_ =	swait.ge [sflag:s20], $0x3E80  }
0x56a: {  	[sflag:s20] =	ssyncset.done $0x0  }
0x56b: {  	s13 =	simm.s32 $0x400;
	[sflag:s20] =	ssyncadd.s32 $0xFFFFC180  }
0x56c: {  	[tilespmem:s10], [sflag:$0x1] =	stream.indirect.gather [hbm4b:s2+s9], $0x80, s13, s9, $0xb8;
	[tilespmem:$0x1D880] =	vst v63  }
0x56d: {  	_ =	swait.ge [sflag:s22], $0x3E80  }
0x56e: {  	[sflag:s22] =	ssyncset.done $0x0  }
0x56f: {  	s18 =	simm.s32 $0x1380;
	[sflag:s22] =	ssyncadd.s32 $0xFFFFC180  }
0x570: {  	[spmem:s3] =	stream.indirect.scatter.add.f32 [tilespmem:s12], [sflag:$0x5], $0x80, s18, s9, $0xb8;
	[tilespmem:$0x1D880] =	vst v63  }
0x571: {  	_ =	swait.ge [sflag:s20], $0x3E80  }
0x572: {  	[sflag:s20] =	ssyncset.done $0x0  }
0x573: {  	s21 =	simm.s32 $0x480;
	[sflag:s20] =	ssyncadd.s32 $0xFFFFC180  }
0x574: {  	[tilespmem:s12], [sflag:$0x2] =	stream.indirect.gather [hbm4b:s2+s9], $0x80, s21, s9, $0xb8;
	[tilespmem:$0x1D880] =	vst v63  }
0x575: {  	_ =	swait.ge [sflag:s19], $0x3E80  }
0x576: {  	[sflag:s19] =	ssyncset.done $0x0  }
0x577: {  	s24 =	simm.s32 $0x1400;
	[sflag:s19] =	ssyncadd.s32 $0xFFFFC180  }
0x578: {  	[spmem:s3] =	stream.indirect.scatter.add.f32 [tilespmem:s10], [sflag:$0x5], $0x80, s24, s9, $0xb8;
	[tilespmem:$0x1D880] =	vst v63  }
0x579: {  	_ =	swait.ge [sflag:s20], $0x3E80  }
0x57a: {  	[sflag:s20] =	ssyncset.done $0x0  }
0x57b: {  	s4 =	simm.s32 $0x500;
	[sflag:s20] =	ssyncadd.s32 $0xFFFFC180  }
0x57c: {  	[tilespmem:s10], [sflag:$0x1] =	stream.indirect.gather [hbm4b:s2+s9], $0x80, s4, s9, $0xb8;
	[tilespmem:$0x1D880] =	vst v63  }
0x57d: {  	_ =	swait.ge [sflag:s22], $0x3E80  }
0x57e: {  	[sflag:s22] =	ssyncset.done $0x0  }
0x57f: {  	s6 =	simm.s32 $0x1480;
	[sflag:s22] =	ssyncadd.s32 $0xFFFFC180  }
0x580: {  	[spmem:s3] =	stream.indirect.scatter.add.f32 [tilespmem:s12], [sflag:$0x5], $0x80, s6, s9, $0xb8;
	[tilespmem:$0x1D880] =	vst v63  }
0x581: {  	_ =	swait.ge [sflag:s20], $0x3E80  }
0x582: {  	[sflag:s20] =	ssyncset.done $0x0  }
0x583: {  	s13 =	simm.s32 $0x580;
	[sflag:s20] =	ssyncadd.s32 $0xFFFFC180  }
0x584: {  	[tilespmem:s12], [sflag:$0x2] =	stream.indirect.gather [hbm4b:s2+s9], $0x80, s13, s9, $0xb8;
	[tilespmem:$0x1D880] =	vst v63  }
0x585: {  	_ =	swait.ge [sflag:s19], $0x3E80  }
0x586: {  	[sflag:s19] =	ssyncset.done $0x0  }
0x587: {  	s18 =	simm.s32 $0x1500;
	[sflag:s19] =	ssyncadd.s32 $0xFFFFC180  }
0x588: {  	[spmem:s3] =	stream.indirect.scatter.add.f32 [tilespmem:s10], [sflag:$0x5], $0x80, s18, s9, $0xb8;
	[tilespmem:$0x1D880] =	vst v63  }
0x589: {  	_ =	swait.ge [sflag:s20], $0x3E80  }
0x58a: {  	[sflag:s20] =	ssyncset.done $0x0  }
0x58b: {  	s21 =	simm.s32 $0x600;
	[sflag:s20] =	ssyncadd.s32 $0xFFFFC180  }
0x58c: {  	[tilespmem:s10], [sflag:$0x1] =	stream.indirect.gather [hbm4b:s2+s9], $0x80, s21, s9, $0xb8;
	[tilespmem:$0x1D880] =	vst v63  }
0x58d: {  	_ =	swait.ge [sflag:s22], $0x3E80  }
0x58e: {  	[sflag:s22] =	ssyncset.done $0x0  }
0x58f: {  	s24 =	simm.s32 $0x1580;
	[sflag:s22] =	ssyncadd.s32 $0xFFFFC180  }
0x590: {  	[spmem:s3] =	stream.indirect.scatter.add.f32 [tilespmem:s12], [sflag:$0x5], $0x80, s24, s9, $0xb8;
	[tilespmem:$0x1D880] =	vst v63  }
0x591: {  	_ =	swait.ge [sflag:s20], $0x3E80  }
0x592: {  	[sflag:s20] =	ssyncset.done $0x0  }
0x593: {  	s4 =	simm.s32 $0x680;
	[sflag:s20] =	ssyncadd.s32 $0xFFFFC180  }
0x594: {  	[tilespmem:s12], [sflag:$0x2] =	stream.indirect.gather [hbm4b:s2+s9], $0x80, s4, s9, $0xb8;
	[tilespmem:$0x1D880] =	vst v63  }
0x595: {  	_ =	swait.ge [sflag:s19], $0x3E80  }
0x596: {  	[sflag:s19] =	ssyncset.done $0x0  }
0x597: {  	s6 =	simm.s32 $0x1600;
	[sflag:s19] =	ssyncadd.s32 $0xFFFFC180  }
0x598: {  	[spmem:s3] =	stream.indirect.scatter.add.f32 [tilespmem:s10], [sflag:$0x5], $0x80, s6, s9, $0xb8;
	[tilespmem:$0x1D880] =	vst v63  }
0x599: {  	_ =	swait.ge [sflag:s20], $0x3E80  }
0x59a: {  	[sflag:s20] =	ssyncset.done $0x0  }
0x59b: {  	s13 =	simm.s32 $0x700;
	[sflag:s20] =	ssyncadd.s32 $0xFFFFC180  }
0x59c: {  	[tilespmem:s10], [sflag:$0x1] =	stream.indirect.gather [hbm4b:s2+s9], $0x80, s13, s9, $0xb8;
	[tilespmem:$0x1D880] =	vst v63  }
0x59d: {  	_ =	swait.ge [sflag:s22], $0x3E80  }
0x59e: {  	[sflag:s22] =	ssyncset.done $0x0  }
0x59f: {  	s18 =	simm.s32 $0x1680;
	[sflag:s22] =	ssyncadd.s32 $0xFFFFC180  }
0x5a0: {  	[spmem:s3] =	stream.indirect.scatter.add.f32 [tilespmem:s12], [sflag:$0x5], $0x80, s18, s9, $0xb8;
	[tilespmem:$0x1D880] =	vst v63  }
0x5a1: {  	_ =	swait.ge [sflag:s20], $0x3E80  }
0x5a2: {  	[sflag:s20] =	ssyncset.done $0x0  }
0x5a3: {  	s21 =	simm.s32 $0x780;
	[sflag:s20] =	ssyncadd.s32 $0xFFFFC180  }
0x5a4: {  	[tilespmem:s12], [sflag:$0x2] =	stream.indirect.gather [hbm4b:s2+s9], $0x80, s21, s9, $0xb8;
	[tilespmem:$0x1D880] =	vst v63  }
0x5a5: {  	_ =	swait.ge [sflag:s19], $0x3E80  }
0x5a6: {  	[sflag:s19] =	ssyncset.done $0x0  }
0x5a7: {  	s24 =	simm.s32 $0x1700;
	[sflag:s19] =	ssyncadd.s32 $0xFFFFC180  }
0x5a8: {  	[spmem:s3] =	stream.indirect.scatter.add.f32 [tilespmem:s10], [sflag:$0x5], $0x80, s24, s9, $0xb8;
	[tilespmem:$0x1D880] =	vst v63  }
0x5a9: {  	_ =	swait.ge [sflag:s20], $0x3E80  }
0x5aa: {  	[sflag:s20] =	ssyncset.done $0x0  }
0x5ab: {  	[sflag:s20] =	ssyncadd.s32 $0xFFFFC180  }
0x5ac: {  	_ =	swait.ge [sflag:s22], $0x3E80  }
0x5ad: {  	[sflag:s22] =	ssyncset.done $0x0  }
0x5ae: {  	s7 =	simm.s32 $0x1780;
	[sflag:s22] =	ssyncadd.s32 $0xFFFFC180  }
0x5af: {  	[spmem:s3] =	stream.indirect.scatter.add.f32 [tilespmem:s12], [sflag:$0x5], $0x80, s7, s9, $0xb8;
	[tilespmem:$0x1D880] =	vst v63  }
0x5b0: {  	_ =	swait.ge [sflag:s20], $0x3E80  }
0x5b1: {  	[sflag:s20] =	ssyncset.done $0x0  }
0x5b2: {  	[sflag:s20] =	ssyncadd.s32 $0xFFFFC180  }
0x5b3: {  	[bflag:$0x0] =	sbarrier.arrive $0xFFFF  }
0x5b4: {  	s18 =	rddreg [dreg:$0x13]  }
0x5b5: {  	s4 =	simm.s32 @!p1 $0x1FC5;
	s1 =	rddreg [dreg:$0x17]  }
0x5b6: {  	[hbm:s18], [sflag:s4] =	dma.local @!p1 [spmem:s1], $0x2080  }
0x5b7: {  	s1 =	simm.s32 @!p1 $0x5  }
0x5b8: {  	_ =	swait.ge @!p1 [sflag:s1], $0x2080  }
0x5b9: {  	s18 =	rddreg [dreg:$0x12]  }
0x5ba: {  	[sflag:s1] =	ssyncset.done @!p1 $0x0;
	s4 =	rddreg [dreg:$0x19]  }
0x5bb: {  	[sflag:s1] =	ssyncadd.s32 @!p1 $0xFFFFDF80;
	s1 =	rddreg [dreg:$0x18]  }
0x5bc: {  	[hbm:s18], [sflag:s1] =	dma.local @!p2 [spmem:s4], $0x2780  }
0x5bd: {  	s1 =	simm.s32 @!p2 $0x5  }
0x5be: {  	_ =	swait.ge @!p2 [sflag:s1], $0x2780  }
0x5bf: {  	[sflag:s1] =	ssyncset.done @!p2 $0x0;
	s18 =	rddreg [dreg:$0x11]  }
0x5c0: {  	s4 =	simm.s32 @!p3 $0x1FC5;
	[sflag:s1] =	ssyncadd.s32 @!p2 $0xFFFFD880;
	s1 =	rddreg [dreg:$0x1a]  }
0x5c1: {  	[hbm:s18], [sflag:s4] =	dma.local @!p3 [spmem:s1], $0x2080  }
0x5c2: {  	s1 =	simm.s32 @!p3 $0x5  }
0x5c3: {  	s15 =	sadd.s32 $0xFFFFFFFF, s15;
	_ =	swait.ge @!p3 [sflag:s1], $0x2080  }
0x5c4: {  	p5 =	sne.s32 s15, $0x0;
	s18 =	rddreg [dreg:$0x10]  }
.Ltmp1:
0x5c5: {  	[sflag:s1] =	ssyncset.done @!p3 $0x0;
	s4 =	rddreg [dreg:$0x1c];
	(pc) =	sbr.rel @p5 .LBB2_2-.Ltmp1, $4  }
0x5c6: {  	[sflag:s1] =	ssyncadd.s32 @!p3 $0xFFFFDF80;
	s1 =	rddreg [dreg:$0x1b]  }
0x5c7: {  	[hbm:s18], [sflag:s1] =	dma.local @!p4 [spmem:s4], $0x2780  }
0x5c8: {  	s1 =	simm.s32 @!p4 $0x5  }
0x5c9: {  	_ =	swait.ge @!p4 [sflag:s1], $0x2780  }
.LBB2_3:
0x5ca: {  	[sflag:s1] =	ssyncset.done @!p4 $0x0  }
0x5cb: {  	[sflag:s1] =	ssyncadd.s32 @!p4 $0xFFFFD880  }
0x5cc: {  	_ =	sfence.sel $0x180000  }
0x5cd: {  	[bflag:$0x0] =	sbarrier.arrive $0xFFFF  }
0x5ce: {  	_ =	strace $0x9000004A  }
0x5cf: {  	s0 =	stileid.u32;
	[bflag:$0x2] =	sbarrier.arrive $0xFFFF  }
0x5d0: {  	p0 =	sne.s32 s0, $0x0;
	s0 =	rddreg [dreg:$0x3]  }
0x5d1: {  	s0 =	sadd.s32 @!p0 $0x100000, s0  }
0x5d2: {  	[sflag:s0] =	ssyncadd.tile.s32 @!p0 $0x1;
	_ =	shalt  }
.Lfunc_end2:
_tile_overlayer_lowered:
.L_overlay_start_2:
0x5d3: {  	(tag) =	ssettag $0x2  }
0x5d4: {  	s0 =	rddreg [dreg:$0x0];
	s2 =	stileid.u32  }
0x5d5: {  	s1 =	rddreg [dreg:$0x1];
	p0 =	sne.s32 s2, $0x0  }
0x5d6: {  	s3 =	rddreg [dreg:$0x2];
	[bflag:$0x3] =	sbarrier.arrive $0xFFFF;
	s2 =	simm.s32 @!p0 $0x1C05  }
0x5d7: {  	[timem:s3], [sflag:s2] =	dma.local @!p0 [hbm:s0], s1  }
0x5d8: {  	s0 =	simm.s32 @!p0 $0x5  }
0x5d9: {  	_ =	swait.ge @!p0 [sflag:s0], s1  }
0x5da: {  	s1 =	ssub.s32 @!p0 $0x0, s1;
	[sflag:s0] =	ssyncset.done @!p0 $0x0  }
0x5db: {  	[sflag:s0] =	ssyncadd.s32 @!p0 s1  }
0x5dc: {  	[bflag:$0x3] =	sbarrier.arrive $0xFFFF  }
0x5dd: {  	_ =	shalt  }

</sc_bundles>
